<compile_context>
chip_gen: v7x
topology: tpu7x:2x2x1
jax: 0.10.2.dev20260603
libtpu: 0.0.44.dev20260713+nightly
codegen_flags: <defaults>
</compile_context>

<pallas_src>
import functools

import jax
import jax.numpy as jnp
from jax import lax
from jax.experimental import pallas as pl
from jax.experimental.pallas import tpu as pltpu
from jax.experimental.pallas import tpu_sc as plsc

NC = 2
NS = 16
L = 16
NW = NC * NS
LANES = 128
HALF = 512
RING = 5
SEG = 256


def _sweep_kernel(n_tokens, hidden, vocab):
    n_per_w = n_tokens // NW
    n_half = n_per_w // HALF
    hq = hidden // L
    max_col = ((vocab + LANES - 1) // LANES) * LANES - SEG
    mesh = plsc.VectorSubcoreMesh(
        core_axis_name="c", subcore_axis_name="s",
        num_cores=NC, num_subcores=NS,
    )

    @functools.partial(
        pl.kernel,
        out_type=jax.ShapeDtypeStruct((n_tokens * hidden,), jnp.float32),
        mesh=mesh,
        compiler_params=pltpu.CompilerParams(use_tc_tiling_on_sc=True,
                                             needs_layout_passes=False,
                                             skip_device_barrier=True),
        scratch_types=[
            pltpu.VMEM((HALF + L,), jnp.int32),
            pltpu.VMEM((HALF + 2 * L,), jnp.int32),
            pltpu.VMEM((RING, hidden, SEG), jnp.float32),
            pltpu.VMEM((HALF * hidden,), jnp.float32),
            pltpu.SemaphoreType.DMA((RING,)),
            pltpu.SemaphoreType.DMA,
        ],
    )
    def body(ids_hbm, table_hbm, out_hbm, ids_s, runs_v, ring_v, r_v, gsem,
             osem):
        wid = lax.axis_index("s") * NC + lax.axis_index("c")
        base = wid * n_per_w
        lane = lax.iota(jnp.int32, L)
        m0 = lane == 0

        def sread(ref, i):
            return ref[pl.ds(i, L)][0]

        def swrite(ref, i, val):
            plsc.store_scatter(ref, [jnp.broadcast_to(i, (L,))],
                               jnp.broadcast_to(val, (L,)), mask=m0)

        def seg_col(j):
            return jnp.minimum(j * SEG, max_col)

        def slab_src(j):
            col = pl.multiple_of(seg_col(j), LANES)
            return table_hbm.at[:, pl.ds(col, SEG)]

        def out_dst(half):
            return out_hbm.at[pl.ds((base + half * HALF) * hidden,
                                    HALF * hidden)]

        for half in range(n_half):
            hbase = base + half * HALF
            pltpu.sync_copy(ids_hbm.at[pl.ds(hbase, HALF)],
                            ids_s.at[pl.ds(0, HALF)])
            ids_s[pl.ds(HALF, L)] = jnp.full((L,), 2 * vocab, jnp.int32)

            def rle(k, carry):
                nruns, run_start, jk = carry
                jk1 = sread(ids_s, k + 1) // SEG
                swrite(runs_v, nruns, jk * 2048 + run_start)
                isend = (jk1 != jk).astype(jnp.int32)
                return (nruns + isend,
                        isend * (k + 1) + (1 - isend) * run_start,
                        jk1)

            j_first = sread(ids_s, 0) // SEG
            nruns, _, _ = lax.fori_loop(
                0, HALF, rle, (jnp.int32(0), jnp.int32(0), j_first))
            for i in range(RING):
                swrite(runs_v, nruns + i, jnp.int32(HALF))
            if half > 0:
                pltpu.make_async_copy(r_v, out_dst(half - 1), osem).wait()

            def prime(d, carry):
                jd = sread(runs_v, d) // 2048
                pltpu.async_copy(slab_src(jd), ring_v.at[d], gsem.at[d])
                return carry
            lax.fori_loop(0, RING - 1, prime, 0)

            def run_iter(d, carry):
                slot = lax.rem(d, RING)
                rv = runs_v[pl.ds(d, L)]
                rd = rv[0]
                rn = rv[1]
                j = rd // 2048
                k1 = rd - j * 2048
                k2 = rn - (rn // 2048) * 2048
                fslot = lax.rem(d + RING - 1, RING)
                jf = sread(runs_v, d + RING - 1) // 2048
                pltpu.async_copy(slab_src(jf), ring_v.at[fslot],
                                 gsem.at[fslot])
                pltpu.make_async_copy(slab_src(j), ring_v.at[slot],
                                      gsem.at[slot]).wait()

                col = seg_col(j)

                def extract(kk, carry2):
                    c = sread(ids_s, kk) - col
                    cb = jnp.broadcast_to(c, (L,))
                    for q in range(hq):
                        vals = plsc.load_gather(
                            ring_v.at[slot], [lane + q * L, cb])
                        r_v[pl.ds(kk * hidden + q * L, L)] = vals
                    return carry2

                lax.fori_loop(k1, k2, extract, 0)
                return carry

            lax.fori_loop(0, nruns, run_iter, jnp.int32(0))

            def post_drain(i, carry):
                sl = lax.rem(nruns + i, RING)
                pltpu.make_async_copy(slab_src(jnp.int32(0)),
                                      ring_v.at[sl], gsem.at[sl]).wait()
                return carry
            lax.fori_loop(0, RING - 1, post_drain, 0)

            pltpu.async_copy(r_v, out_dst(half), osem)
        pltpu.make_async_copy(r_v, out_dst(n_half - 1), osem).wait()

    return body


def _unpermute_kernel(n_tokens, seq, hidden, chunk):
    n_per_w = n_tokens // NW
    n_chunks = n_per_w // chunk
    mesh = plsc.VectorSubcoreMesh(
        core_axis_name="c", subcore_axis_name="s",
        num_cores=NC, num_subcores=NS,
    )

    @functools.partial(
        pl.kernel,
        out_type=jax.ShapeDtypeStruct((n_tokens, hidden), jnp.float32),
        mesh=mesh,
        compiler_params=pltpu.CompilerParams(use_tc_tiling_on_sc=False,
                                             skip_device_barrier=True),
        scratch_types=[
            pltpu.VMEM((n_chunks, chunk), jnp.int32),
            pltpu.VMEM((n_chunks, chunk), jnp.int32),
            pltpu.VMEM((2, chunk, hidden), jnp.float32),
            pltpu.VMEM((2, chunk, hidden), jnp.float32),
            pltpu.SemaphoreType.DMA((2,)),
            pltpu.SemaphoreType.DMA((2,)),
            pltpu.SemaphoreType.DMA((2,)),
        ],
    )
    def body(res_hbm, order_hbm, pos_hbm, out_hbm, o_v, s_v, rows_v, pos_v,
             rsem, psem, osem):
        wid = lax.axis_index("s") * NC + lax.axis_index("c")
        base = wid * n_per_w

        def res_src(c):
            return res_hbm.at[pl.ds(base + c * chunk, chunk)]

        def prep_a(c):
            pltpu.sync_copy(order_hbm.at[pl.ds(base + c * chunk, chunk)],
                            o_v.at[c])

            def mod_seq(i, carry):
                sl = pl.ds(i * L, L)
                s_v[c, sl] = lax.rem(o_v[c, sl], seq)
                return carry
            lax.fori_loop(0, chunk // L, mod_seq, 0)

        def prep_b(c):
            p = c % 2
            if c >= 2:
                pltpu.make_async_copy(rows_v.at[p],
                                      out_hbm.at[o_v.at[c - 2]],
                                      osem.at[p]).wait()
            pltpu.async_copy(res_src(c), rows_v.at[p], rsem.at[p])
            pltpu.async_copy(pos_hbm.at[s_v.at[c]], pos_v.at[p], psem.at[p])

        def consume(c):
            p = c % 2
            pltpu.make_async_copy(res_src(c), rows_v.at[p],
                                  rsem.at[p]).wait()
            pltpu.make_async_copy(pos_hbm.at[s_v.at[c]], pos_v.at[p],
                                  psem.at[p]).wait()

            def add_row(r, carry):
                for q in range(hidden // L):
                    sl = pl.ds(q * L, L)
                    rows_v[p, r, sl] = rows_v[p, r, sl] + pos_v[p, r, sl]
                return carry
            lax.fori_loop(0, chunk, add_row, 0)
            pltpu.async_copy(rows_v.at[p], out_hbm.at[o_v.at[c]], osem.at[p])

        prep_a(0)
        prep_b(0)
        for c in range(1, n_chunks):
            prep_a(c)
            prep_b(c)
            consume(c - 1)
        consume(n_chunks - 1)
        for c in range(n_chunks - 2, n_chunks):
            pltpu.make_async_copy(rows_v.at[c % 2], out_hbm.at[o_v.at[c]],
                                  osem.at[c % 2]).wait()

    return body


def kernel(token_ids, table, pos_emb):
    b, s = token_ids.shape
    v, h = table.shape
    n = b * s
    ids_flat = token_ids.reshape(n).astype(jnp.int32)
    iota = lax.iota(jnp.int32, n)
    sorted_ids, order = lax.sort((ids_flat, iota), num_keys=1)
    res_flat = _sweep_kernel(n, h, v)(sorted_ids, table.T)
    out = _unpermute_kernel(n, s, h, chunk=256)(
        res_flat.reshape(n, h), order, pos_emb)
    return out.reshape(b, s, h)

# --- scband reference (transcript-rebuilt; emitter-appended) ---
"""Pipeline reference for scband-generic-embedder-68049461838581 (READ-ONLY COPY).

The authoritative reference and input builder live on the scoring server;
editing this copy changes nothing except your own understanding.
"""

import jax, jax.numpy as jnp
import numpy as np

VOCAB = 1000000
HIDDEN = 64
BATCH = 4
SEQ = 8192


def setup_inputs(seed: int = 0) -> dict:
    key = jax.random.key(seed)
    k1, k2, k3 = jax.random.split(key, 3)
    token_ids = jax.random.randint(k1, (BATCH, SEQ), 0, VOCAB)
    # learned parameters sized per init_kwargs
    table = jax.random.normal(k2, (VOCAB, HIDDEN), dtype=jnp.float32) * 0.02
    pos_emb = jax.random.normal(k3, (SEQ, HIDDEN), dtype=jnp.float32) * 0.02
    return {"token_ids": token_ids, "table": table, "pos_emb": pos_emb}


def reference(token_ids, table, pos_emb):
    # x = self.token_embedder(token_ids)
    x = jnp.take(table, token_ids, axis=0)  # [B, S, H]
    # x = self.positional_encodings(x) -- learned absolute positional embeddings added
    S = token_ids.shape[1]
    x = x + pos_emb[None, :S, :]
    # dropout p=0.0 (identity); module does not apply dropout in forward anyway
    return x

if __name__ == "__main__":
    import jax
    _d = setup_inputs()
    print(jax.jit(kernel)(*tuple(_d.values())))

</pallas_src>

<mosaic_0001>
#map = affine_map<(d0, d1) -> (0)>
#map1 = affine_map<(d0, d1) -> (0, 0)>
module attributes {stable_mosaic.version = 14 : i64} {
  func.func @body(%arg0: i32, %arg1: i32, %arg2: memref<32768xi32, #tpu.memory_space<hbm>>, %arg3: memref<64x1000000xf32, #tpu.memory_space<hbm>>, %arg4: memref<2097152xf32, #tpu.memory_space<hbm>>, %arg5: memref<528xi32, #tpu.memory_space<vmem>>, %arg6: memref<544xi32, #tpu.memory_space<vmem>>, %arg7: memref<5x64x256xf32, #tpu.memory_space<vmem>>, %arg8: memref<32768xf32, #tpu.memory_space<vmem>>, %arg9: memref<5x!tpu.dma_semaphore, #tpu.memory_space<semaphore_mem>>, %arg10: memref<!tpu.dma_semaphore, #tpu.memory_space<semaphore_mem>>) attributes {dimension_semantics = [#tpu.dimension_semantics<core_parallel>, #tpu.dimension_semantics<subcore_parallel>], iteration_bounds = array<i64: 2, 16>, scalar_prefetch = 0 : i64, scratch_operands = 6 : i64, tpu.core_type = #tpu.core_type<sc_vector_subcore>, window_params = [{transform_indices = #map}, {transform_indices = #map1}, {transform_indices = #map}]} {
    %mul3A = arith.constant 2 : i32
    %mul3A_0 = arith.muli %arg1, %mul3A : i32
    %add3A = arith.addi %mul3A_0, %arg0 : i32
    %mul3A_1 = arith.constant 1024 : i32
    %mul3A_2 = arith.muli %add3A, %mul3A_1 : i32
    %iota3A = tpu.iota {dimensions = array<i32: 0>} : vector<16xi32>
    %eq3A = arith.constant 0 : i32
    %eq3A_3 = vector.broadcast %eq3A : i32 to vector<16xi32>
    %eq3A_4 = arith.cmpi eq, %iota3A, %eq3A_3 : vector<16xi32>
    %add3A_5 = arith.constant 0 : i32
    %add3A_6 = arith.addi %mul3A_2, %add3A_5 : i32
    "tpu.region"() ({
      %run_scoped3A = tpu.sem_alloc : memref<!tpu.dma_semaphore, #tpu.memory_space<semaphore_mem>>
      %dma_start3A_190 = arith.constant 0 : i32
      %dma_start3A_191 = tpu.memref_slice %arg5[%dma_start3A_190] : memref<528xi32, #tpu.memory_space<vmem>> -> memref<512xi32, #tpu.memory_space<vmem>>
      %dma_start3A_192 = tpu.memref_slice %arg2[%add3A_6] : memref<32768xi32, #tpu.memory_space<hbm>> -> memref<512xi32, #tpu.memory_space<hbm>>
      %dma_start3A_193 = arith.constant 0 : i32
      %dma_start3A_194 = tpu.memref_slice %arg5[%dma_start3A_193] : memref<528xi32, #tpu.memory_space<vmem>> -> memref<512xi32, #tpu.memory_space<vmem>>
      %dma_start3A_195 = tpu.memref_slice %arg2[%add3A_6] : memref<32768xi32, #tpu.memory_space<hbm>> -> memref<512xi32, #tpu.memory_space<hbm>>
      tpu.enqueue_dma source(%dma_start3A_195 : memref<512xi32, #tpu.memory_space<hbm>>) target(%dma_start3A_194 : memref<512xi32, #tpu.memory_space<vmem>>) target_semaphore(%run_scoped3A : memref<!tpu.dma_semaphore, #tpu.memory_space<semaphore_mem>>)
      %dma_wait3A_196 = arith.constant 0 : i32
      %dma_wait3A_197 = tpu.memref_slice %arg5[%dma_wait3A_196] : memref<528xi32, #tpu.memory_space<vmem>> -> memref<512xi32, #tpu.memory_space<vmem>>
      %dma_wait3A_198 = tpu.memref_slice %arg2[%add3A_6] : memref<32768xi32, #tpu.memory_space<hbm>> -> memref<512xi32, #tpu.memory_space<hbm>>
      %dma_wait3A_199 = arith.constant 0 : i32
      %dma_wait3A_200 = tpu.memref_slice %arg5[%dma_wait3A_199] : memref<528xi32, #tpu.memory_space<vmem>> -> memref<512xi32, #tpu.memory_space<vmem>>
      %dma_wait3A_201 = tpu.memref_slice %arg2[%add3A_6] : memref<32768xi32, #tpu.memory_space<hbm>> -> memref<512xi32, #tpu.memory_space<hbm>>
      tpu.wait_dma2 semaphore(%run_scoped3A : memref<!tpu.dma_semaphore, #tpu.memory_space<semaphore_mem>>) src(%dma_wait3A_201 : memref<512xi32, #tpu.memory_space<hbm>>) dst(%dma_wait3A_200 : memref<512xi32, #tpu.memory_space<vmem>>)
      tpu.yield
    }) : () -> ()
    %broadcast_in_dim3A = arith.constant 2000000 : i32
    %broadcast_in_dim3A_7 = vector.broadcast %broadcast_in_dim3A : i32 to vector<16xi32>
    %swap3A = arith.constant 512 : index
    %swap3A_8 = tpu.vector_load %arg5[%swap3A] {strides = array<i32>} : memref<528xi32, #tpu.memory_space<vmem>>, vector<16xi32>,
    tpu.vector_store %arg5[%swap3A], %broadcast_in_dim3A_7 {strides = array<i32>} : memref<528xi32, #tpu.memory_space<vmem>>, vector<16xi32>,
    %get3A = arith.constant 0 : index
    %get3A_9 = tpu.vector_load %arg5[%get3A] {strides = array<i32>} : memref<528xi32, #tpu.memory_space<vmem>>, vector<16xi32>,
    %slice3A = vector.extract_strided_slice %get3A_9 {offsets = [0], sizes = [1], strides = [1]} : vector<16xi32> to vector<1xi32>
    %squeeze3A = vector.extract %slice3A[0] : i32 from vector<1xi32>
    %jit3A = arith.constant 256 : i32
    %div3A = arith.divsi %squeeze3A, %jit3A : i32
    %sign3A = arith.constant 0 : i32
    %sign3A_10 = arith.cmpi sgt, %squeeze3A, %sign3A : i32
    %sign3A_11 = arith.extui %sign3A_10 : i1 to i32
    %sign3A_12 = arith.constant 0 : i32
    %sign3A_13 = arith.cmpi slt, %squeeze3A, %sign3A_12 : i32
    %sign3A_14 = arith.extui %sign3A_13 : i1 to i32
    %sign3A_15 = arith.subi %sign3A_11, %sign3A_14 : i32
    %sign3A_16 = arith.constant 0 : i32
    %sign3A_17 = arith.cmpi sgt, %jit3A, %sign3A_16 : i32
    %sign3A_18 = arith.extui %sign3A_17 : i1 to i32
    %sign3A_19 = arith.constant 0 : i32
    %sign3A_20 = arith.cmpi slt, %jit3A, %sign3A_19 : i32
    %sign3A_21 = arith.extui %sign3A_20 : i1 to i32
    %sign3A_22 = arith.subi %sign3A_18, %sign3A_21 : i32
    %ne3A = arith.cmpi ne, %sign3A_15, %sign3A_22 : i32
    %rem3A = arith.remsi %squeeze3A, %jit3A : i32
    %ne3A_23 = arith.constant 0 : i32
    %ne3A_24 = arith.cmpi ne, %rem3A, %ne3A_23 : i32
    %and3A = arith.andi %ne3A, %ne3A_24 : i1
    %sub3A = arith.constant 1 : i32
    %sub3A_25 = arith.subi %div3A, %sub3A : i32
    %select_n3A = arith.select %and3A, %sub3A_25, %div3A : i32
    %scan3A = arith.constant 0 : i32
    %scan3A_26 = arith.constant 0 : i32
    %scan3A_27 = arith.constant 0 : i32
    %scan3A_28 = arith.constant 512 : i32
    %scan3A_29 = arith.addi %scan3A_27, %scan3A_28 : i32
    %scan3A_30 = arith.constant 1 : i32
    %scan3A_31:3 = scf.for %scan3A_190 = %scan3A_27 to %scan3A_29 step %scan3A_30 iter_args(%scan3A_191 = %scan3A, %scan3A_192 = %scan3A_26, %scan3A_193 = %select_n3A) -> (i32, i32, i32)  : i32 {
      %add3A_194 = arith.constant 1 : i32
      %add3A_195 = arith.addi %scan3A_190, %add3A_194 : i32
      %get3A_196 = arith.index_cast %add3A_195 : i32 to index
      %get3A_197 = tpu.vector_load %arg5[%get3A_196] {strides = array<i32>} : memref<528xi32, #tpu.memory_space<vmem>>, vector<16xi32>,
      %slice3A_198 = vector.extract_strided_slice %get3A_197 {offsets = [0], sizes = [1], strides = [1]} : vector<16xi32> to vector<1xi32>
      %squeeze3A_199 = vector.extract %slice3A_198[0] : i32 from vector<1xi32>
      %jit3A_200 = arith.constant 256 : i32
      %div3A_201 = arith.divsi %squeeze3A_199, %jit3A_200 : i32
      %sign3A_202 = arith.constant 0 : i32
      %sign3A_203 = arith.cmpi sgt, %squeeze3A_199, %sign3A_202 : i32
      %sign3A_204 = arith.extui %sign3A_203 : i1 to i32
      %sign3A_205 = arith.constant 0 : i32
      %sign3A_206 = arith.cmpi slt, %squeeze3A_199, %sign3A_205 : i32
      %sign3A_207 = arith.extui %sign3A_206 : i1 to i32
      %sign3A_208 = arith.subi %sign3A_204, %sign3A_207 : i32
      %sign3A_209 = arith.constant 0 : i32
      %sign3A_210 = arith.cmpi sgt, %jit3A_200, %sign3A_209 : i32
      %sign3A_211 = arith.extui %sign3A_210 : i1 to i32
      %sign3A_212 = arith.constant 0 : i32
      %sign3A_213 = arith.cmpi slt, %jit3A_200, %sign3A_212 : i32
      %sign3A_214 = arith.extui %sign3A_213 : i1 to i32
      %sign3A_215 = arith.subi %sign3A_211, %sign3A_214 : i32
      %ne3A_216 = arith.cmpi ne, %sign3A_208, %sign3A_215 : i32
      %rem3A_217 = arith.remsi %squeeze3A_199, %jit3A_200 : i32
      %ne3A_218 = arith.constant 0 : i32
      %ne3A_219 = arith.cmpi ne, %rem3A_217, %ne3A_218 : i32
      %and3A_220 = arith.andi %ne3A_216, %ne3A_219 : i1
      %sub3A_221 = arith.constant 1 : i32
      %sub3A_222 = arith.subi %div3A_201, %sub3A_221 : i32
      %select_n3A_223 = arith.select %and3A_220, %sub3A_222, %div3A_201 : i32
      %mul3A_224 = arith.constant 2048 : i32
      %mul3A_225 = arith.muli %scan3A_193, %mul3A_224 : i32
      %add3A_226 = arith.addi %mul3A_225, %scan3A_192 : i32
      %broadcast_in_dim3A_227 = vector.broadcast %scan3A_191 : i32 to vector<16xi32>
      %broadcast_in_dim3A_228 = vector.broadcast %add3A_226 : i32 to vector<16xi32>
      tpu.vector_store_idx %arg6[%broadcast_in_dim3A_227], %broadcast_in_dim3A_228 masked %eq3A_4 : memref<544xi32, #tpu.memory_space<vmem>>[vector<16xi32>], vector<16xi32>, vector<16xi1>
      %ne3A_229 = arith.cmpi ne, %select_n3A_223, %scan3A_193 : i32
      %convert_element_type3A = arith.extui %ne3A_229 : i1 to i32
      %add3A_230 = arith.addi %scan3A_191, %convert_element_type3A : i32
      %add3A_231 = arith.constant 1 : i32
      %add3A_232 = arith.addi %scan3A_190, %add3A_231 : i32
      %mul3A_233 = arith.muli %convert_element_type3A, %add3A_232 : i32
      %sub3A_234 = arith.constant 1 : i32
      %sub3A_235 = arith.subi %sub3A_234, %convert_element_type3A : i32
      %mul3A_236 = arith.muli %sub3A_235, %scan3A_192 : i32
      %add3A_237 = arith.addi %mul3A_233, %mul3A_236 : i32
      scf.yield %add3A_230, %add3A_237, %select_n3A_223 : i32, i32, i32
    }
    %scan3A_32 = arith.constant 512 : i32
    %add3A_33 = arith.constant 0 : i32
    %add3A_34 = arith.addi %scan3A_31#0, %add3A_33 : i32
    %broadcast_in_dim3A_35 = vector.broadcast %add3A_34 : i32 to vector<16xi32>
    %broadcast_in_dim3A_36 = arith.constant 512 : i32
    %broadcast_in_dim3A_37 = vector.broadcast %broadcast_in_dim3A_36 : i32 to vector<16xi32>
    tpu.vector_store_idx %arg6[%broadcast_in_dim3A_35], %broadcast_in_dim3A_37 masked %eq3A_4 : memref<544xi32, #tpu.memory_space<vmem>>[vector<16xi32>], vector<16xi32>, vector<16xi1>
    %add3A_38 = arith.constant 1 : i32
    %add3A_39 = arith.addi %scan3A_31#0, %add3A_38 : i32
    %broadcast_in_dim3A_40 = vector.broadcast %add3A_39 : i32 to vector<16xi32>
    %broadcast_in_dim3A_41 = arith.constant 512 : i32
    %broadcast_in_dim3A_42 = vector.broadcast %broadcast_in_dim3A_41 : i32 to vector<16xi32>
    tpu.vector_store_idx %arg6[%broadcast_in_dim3A_40], %broadcast_in_dim3A_42 masked %eq3A_4 : memref<544xi32, #tpu.memory_space<vmem>>[vector<16xi32>], vector<16xi32>, vector<16xi1>
    %add3A_43 = arith.constant 2 : i32
    %add3A_44 = arith.addi %scan3A_31#0, %add3A_43 : i32
    %broadcast_in_dim3A_45 = vector.broadcast %add3A_44 : i32 to vector<16xi32>
    %broadcast_in_dim3A_46 = arith.constant 512 : i32
    %broadcast_in_dim3A_47 = vector.broadcast %broadcast_in_dim3A_46 : i32 to vector<16xi32>
    tpu.vector_store_idx %arg6[%broadcast_in_dim3A_45], %broadcast_in_dim3A_47 masked %eq3A_4 : memref<544xi32, #tpu.memory_space<vmem>>[vector<16xi32>], vector<16xi32>, vector<16xi1>
    %add3A_48 = arith.constant 3 : i32
    %add3A_49 = arith.addi %scan3A_31#0, %add3A_48 : i32
    %broadcast_in_dim3A_50 = vector.broadcast %add3A_49 : i32 to vector<16xi32>
    %broadcast_in_dim3A_51 = arith.constant 512 : i32
    %broadcast_in_dim3A_52 = vector.broadcast %broadcast_in_dim3A_51 : i32 to vector<16xi32>
    tpu.vector_store_idx %arg6[%broadcast_in_dim3A_50], %broadcast_in_dim3A_52 masked %eq3A_4 : memref<544xi32, #tpu.memory_space<vmem>>[vector<16xi32>], vector<16xi32>, vector<16xi1>
    %add3A_53 = arith.constant 4 : i32
    %add3A_54 = arith.addi %scan3A_31#0, %add3A_53 : i32
    %broadcast_in_dim3A_55 = vector.broadcast %add3A_54 : i32 to vector<16xi32>
    %broadcast_in_dim3A_56 = arith.constant 512 : i32
    %broadcast_in_dim3A_57 = vector.broadcast %broadcast_in_dim3A_56 : i32 to vector<16xi32>
    tpu.vector_store_idx %arg6[%broadcast_in_dim3A_55], %broadcast_in_dim3A_57 masked %eq3A_4 : memref<544xi32, #tpu.memory_space<vmem>>[vector<16xi32>], vector<16xi32>, vector<16xi1>
    %scan3A_58 = arith.constant 0 : i32
    %scan3A_59 = arith.constant 0 : i32
    %scan3A_60 = arith.constant 4 : i32
    %scan3A_61 = arith.addi %scan3A_59, %scan3A_60 : i32
    %scan3A_62 = arith.constant 1 : i32
    scf.for %scan3A_190 = %scan3A_59 to %scan3A_61 step %scan3A_62  : i32 {
      %get3A_191 = arith.index_cast %scan3A_190 : i32 to index
      %get3A_192 = tpu.vector_load %arg6[%get3A_191] {strides = array<i32>} : memref<544xi32, #tpu.memory_space<vmem>>, vector<16xi32>,
      %slice3A_193 = vector.extract_strided_slice %get3A_192 {offsets = [0], sizes = [1], strides = [1]} : vector<16xi32> to vector<1xi32>
      %squeeze3A_194 = vector.extract %slice3A_193[0] : i32 from vector<1xi32>
      %jit3A_195 = arith.constant 2048 : i32
      %div3A_196 = arith.divsi %squeeze3A_194, %jit3A_195 : i32
      %sign3A_197 = arith.constant 0 : i32
      %sign3A_198 = arith.cmpi sgt, %squeeze3A_194, %sign3A_197 : i32
      %sign3A_199 = arith.extui %sign3A_198 : i1 to i32
      %sign3A_200 = arith.constant 0 : i32
      %sign3A_201 = arith.cmpi slt, %squeeze3A_194, %sign3A_200 : i32
      %sign3A_202 = arith.extui %sign3A_201 : i1 to i32
      %sign3A_203 = arith.subi %sign3A_199, %sign3A_202 : i32
      %sign3A_204 = arith.constant 0 : i32
      %sign3A_205 = arith.cmpi sgt, %jit3A_195, %sign3A_204 : i32
      %sign3A_206 = arith.extui %sign3A_205 : i1 to i32
      %sign3A_207 = arith.constant 0 : i32
      %sign3A_208 = arith.cmpi slt, %jit3A_195, %sign3A_207 : i32
      %sign3A_209 = arith.extui %sign3A_208 : i1 to i32
      %sign3A_210 = arith.subi %sign3A_206, %sign3A_209 : i32
      %ne3A_211 = arith.cmpi ne, %sign3A_203, %sign3A_210 : i32
      %rem3A_212 = arith.remsi %squeeze3A_194, %jit3A_195 : i32
      %ne3A_213 = arith.constant 0 : i32
      %ne3A_214 = arith.cmpi ne, %rem3A_212, %ne3A_213 : i32
      %and3A_215 = arith.andi %ne3A_211, %ne3A_214 : i1
      %sub3A_216 = arith.constant 1 : i32
      %sub3A_217 = arith.subi %div3A_196, %sub3A_216 : i32
      %select_n3A_218 = arith.select %and3A_215, %sub3A_217, %div3A_196 : i32
      %mul3A_219 = arith.constant 256 : i32
      %mul3A_220 = arith.muli %select_n3A_218, %mul3A_219 : i32
      %min3A = arith.constant 999808 : i32
      %min3A_221 = arith.minsi %mul3A_220, %min3A : i32
      %multiple_of3A = tpu.assume_multiple %min3A_221, 128 : i32
      %dma_start3A_222 = arith.constant 0 : i32
      %dma_start3A_223 = arith.constant 0 : i32
      %dma_start3A_224 = tpu.memref_slice %arg7[%scan3A_190, %dma_start3A_222, %dma_start3A_223] : memref<5x64x256xf32, #tpu.memory_space<vmem>> -> memref<1x64x256xf32, #tpu.memory_space<vmem>>
      %dma_start3A_225 = tpu.memref_squeeze %dma_start3A_224 : memref<1x64x256xf32, #tpu.memory_space<vmem>> -> memref<64x256xf32, #tpu.memory_space<vmem>>
      %dma_start3A_226 = arith.constant 0 : i32
      %dma_start3A_227 = tpu.memref_slice %arg3[%dma_start3A_226, %multiple_of3A] : memref<64x1000000xf32, #tpu.memory_space<hbm>> -> memref<64x256xf32, #tpu.memory_space<hbm>>
      %dma_start3A_228 = tpu.memref_slice %arg9[%scan3A_190] : memref<5x!tpu.dma_semaphore, #tpu.memory_space<semaphore_mem>> -> memref<1x!tpu.dma_semaphore, #tpu.memory_space<semaphore_mem>>
      %dma_start3A_229 = tpu.memref_squeeze %dma_start3A_228 : memref<1x!tpu.dma_semaphore, #tpu.memory_space<semaphore_mem>> -> memref<!tpu.dma_semaphore, #tpu.memory_space<semaphore_mem>>
      %dma_start3A_230 = arith.constant 0 : i32
      %dma_start3A_231 = arith.constant 0 : i32
      %dma_start3A_232 = tpu.memref_slice %arg7[%scan3A_190, %dma_start3A_230, %dma_start3A_231] : memref<5x64x256xf32, #tpu.memory_space<vmem>> -> memref<1x64x256xf32, #tpu.memory_space<vmem>>
      %dma_start3A_233 = tpu.memref_squeeze %dma_start3A_232 : memref<1x64x256xf32, #tpu.memory_space<vmem>> -> memref<64x256xf32, #tpu.memory_space<vmem>>
      %dma_start3A_234 = arith.constant 0 : i32
      %dma_start3A_235 = tpu.memref_slice %arg3[%dma_start3A_234, %multiple_of3A] : memref<64x1000000xf32, #tpu.memory_space<hbm>> -> memref<64x256xf32, #tpu.memory_space<hbm>>
      tpu.enqueue_dma source(%dma_start3A_235 : memref<64x256xf32, #tpu.memory_space<hbm>>) target(%dma_start3A_233 : memref<64x256xf32, #tpu.memory_space<vmem>>) target_semaphore(%dma_start3A_229 : memref<!tpu.dma_semaphore, #tpu.memory_space<semaphore_mem>>)
    }
    %scan3A_63 = arith.constant 4 : i32
    %while3A = arith.constant 0 : i32
    %while3A_64 = arith.constant 0 : i32
    %while3A_65 = arith.subi %scan3A_31#0, %while3A_64 : i32
    %while3A_66 = arith.addi %while3A_64, %while3A_65 : i32
    %while3A_67 = arith.constant 1 : i32
    %while3A_68 = arith.divsi %while3A_65, %while3A_67 : i32
    %while3A_69 = arith.muli %while3A_68, %while3A_67 : i32
    %while3A_70 = arith.addi %while3A_64, %while3A_69 : i32
    %while3A_71 = arith.constant 1 : i32
    scf.for %while3A_190 = %while3A_64 to %while3A_70 step %while3A_71  : i32 {
      %rem3A_191 = arith.constant 5 : i32
      %rem3A_192 = arith.remsi %while3A_190, %rem3A_191 : i32
      %get3A_193 = arith.index_cast %while3A_190 : i32 to index
      %get3A_194 = tpu.vector_load %arg6[%get3A_193] {strides = array<i32>} : memref<544xi32, #tpu.memory_space<vmem>>, vector<16xi32>,
      %slice3A_195 = vector.extract_strided_slice %get3A_194 {offsets = [0], sizes = [1], strides = [1]} : vector<16xi32> to vector<1xi32>
      %squeeze3A_196 = vector.extract %slice3A_195[0] : i32 from vector<1xi32>
      %slice3A_197 = vector.extract_strided_slice %get3A_194 {offsets = [1], sizes = [1], strides = [1]} : vector<16xi32> to vector<1xi32>
      %squeeze3A_198 = vector.extract %slice3A_197[0] : i32 from vector<1xi32>
      %jit3A_199 = arith.constant 2048 : i32
      %div3A_200 = arith.divsi %squeeze3A_196, %jit3A_199 : i32
      %sign3A_201 = arith.constant 0 : i32
      %sign3A_202 = arith.cmpi sgt, %squeeze3A_196, %sign3A_201 : i32
      %sign3A_203 = arith.extui %sign3A_202 : i1 to i32
      %sign3A_204 = arith.constant 0 : i32
      %sign3A_205 = arith.cmpi slt, %squeeze3A_196, %sign3A_204 : i32
      %sign3A_206 = arith.extui %sign3A_205 : i1 to i32
      %sign3A_207 = arith.subi %sign3A_203, %sign3A_206 : i32
      %sign3A_208 = arith.constant 0 : i32
      %sign3A_209 = arith.cmpi sgt, %jit3A_199, %sign3A_208 : i32
      %sign3A_210 = arith.extui %sign3A_209 : i1 to i32
      %sign3A_211 = arith.constant 0 : i32
      %sign3A_212 = arith.cmpi slt, %jit3A_199, %sign3A_211 : i32
      %sign3A_213 = arith.extui %sign3A_212 : i1 to i32
      %sign3A_214 = arith.subi %sign3A_210, %sign3A_213 : i32
      %ne3A_215 = arith.cmpi ne, %sign3A_207, %sign3A_214 : i32
      %rem3A_216 = arith.remsi %squeeze3A_196, %jit3A_199 : i32
      %ne3A_217 = arith.constant 0 : i32
      %ne3A_218 = arith.cmpi ne, %rem3A_216, %ne3A_217 : i32
      %and3A_219 = arith.andi %ne3A_215, %ne3A_218 : i1
      %sub3A_220 = arith.constant 1 : i32
      %sub3A_221 = arith.subi %div3A_200, %sub3A_220 : i32
      %select_n3A_222 = arith.select %and3A_219, %sub3A_221, %div3A_200 : i32
      %mul3A_223 = arith.constant 2048 : i32
      %mul3A_224 = arith.muli %select_n3A_222, %mul3A_223 : i32
      %sub3A_225 = arith.subi %squeeze3A_196, %mul3A_224 : i32
      %jit3A_226 = arith.constant 2048 : i32
      %div3A_227 = arith.divsi %squeeze3A_198, %jit3A_226 : i32
      %sign3A_228 = arith.constant 0 : i32
      %sign3A_229 = arith.cmpi sgt, %squeeze3A_198, %sign3A_228 : i32
      %sign3A_230 = arith.extui %sign3A_229 : i1 to i32
      %sign3A_231 = arith.constant 0 : i32
      %sign3A_232 = arith.cmpi slt, %squeeze3A_198, %sign3A_231 : i32
      %sign3A_233 = arith.extui %sign3A_232 : i1 to i32
      %sign3A_234 = arith.subi %sign3A_230, %sign3A_233 : i32
      %sign3A_235 = arith.constant 0 : i32
      %sign3A_236 = arith.cmpi sgt, %jit3A_226, %sign3A_235 : i32
      %sign3A_237 = arith.extui %sign3A_236 : i1 to i32
      %sign3A_238 = arith.constant 0 : i32
      %sign3A_239 = arith.cmpi slt, %jit3A_226, %sign3A_238 : i32
      %sign3A_240 = arith.extui %sign3A_239 : i1 to i32
      %sign3A_241 = arith.subi %sign3A_237, %sign3A_240 : i32
      %ne3A_242 = arith.cmpi ne, %sign3A_234, %sign3A_241 : i32
      %rem3A_243 = arith.remsi %squeeze3A_198, %jit3A_226 : i32
      %ne3A_244 = arith.constant 0 : i32
      %ne3A_245 = arith.cmpi ne, %rem3A_243, %ne3A_244 : i32
      %and3A_246 = arith.andi %ne3A_242, %ne3A_245 : i1
      %sub3A_247 = arith.constant 1 : i32
      %sub3A_248 = arith.subi %div3A_227, %sub3A_247 : i32
      %select_n3A_249 = arith.select %and3A_246, %sub3A_248, %div3A_227 : i32
      %mul3A_250 = arith.constant 2048 : i32
      %mul3A_251 = arith.muli %select_n3A_249, %mul3A_250 : i32
      %sub3A_252 = arith.subi %squeeze3A_198, %mul3A_251 : i32
      %add3A_253 = arith.constant 5 : i32
      %add3A_254 = arith.addi %while3A_190, %add3A_253 : i32
      %sub3A_255 = arith.constant 1 : i32
      %sub3A_256 = arith.subi %add3A_254, %sub3A_255 : i32
      %rem3A_257 = arith.constant 5 : i32
      %rem3A_258 = arith.remsi %sub3A_256, %rem3A_257 : i32
      %add3A_259 = arith.constant 5 : i32
      %add3A_260 = arith.addi %while3A_190, %add3A_259 : i32
      %sub3A_261 = arith.constant 1 : i32
      %sub3A_262 = arith.subi %add3A_260, %sub3A_261 : i32
      %get3A_263 = arith.index_cast %sub3A_262 : i32 to index
      %get3A_264 = tpu.vector_load %arg6[%get3A_263] {strides = array<i32>} : memref<544xi32, #tpu.memory_space<vmem>>, vector<16xi32>,
      %slice3A_265 = vector.extract_strided_slice %get3A_264 {offsets = [0], sizes = [1], strides = [1]} : vector<16xi32> to vector<1xi32>
      %squeeze3A_266 = vector.extract %slice3A_265[0] : i32 from vector<1xi32>
      %jit3A_267 = arith.constant 2048 : i32
      %div3A_268 = arith.divsi %squeeze3A_266, %jit3A_267 : i32
      %sign3A_269 = arith.constant 0 : i32
      %sign3A_270 = arith.cmpi sgt, %squeeze3A_266, %sign3A_269 : i32
      %sign3A_271 = arith.extui %sign3A_270 : i1 to i32
      %sign3A_272 = arith.constant 0 : i32
      %sign3A_273 = arith.cmpi slt, %squeeze3A_266, %sign3A_272 : i32
      %sign3A_274 = arith.extui %sign3A_273 : i1 to i32
      %sign3A_275 = arith.subi %sign3A_271, %sign3A_274 : i32
      %sign3A_276 = arith.constant 0 : i32
      %sign3A_277 = arith.cmpi sgt, %jit3A_267, %sign3A_276 : i32
      %sign3A_278 = arith.extui %sign3A_277 : i1 to i32
      %sign3A_279 = arith.constant 0 : i32
      %sign3A_280 = arith.cmpi slt, %jit3A_267, %sign3A_279 : i32
      %sign3A_281 = arith.extui %sign3A_280 : i1 to i32
      %sign3A_282 = arith.subi %sign3A_278, %sign3A_281 : i32
      %ne3A_283 = arith.cmpi ne, %sign3A_275, %sign3A_282 : i32
      %rem3A_284 = arith.remsi %squeeze3A_266, %jit3A_267 : i32
      %ne3A_285 = arith.constant 0 : i32
      %ne3A_286 = arith.cmpi ne, %rem3A_284, %ne3A_285 : i32
      %and3A_287 = arith.andi %ne3A_283, %ne3A_286 : i1
      %sub3A_288 = arith.constant 1 : i32
      %sub3A_289 = arith.subi %div3A_268, %sub3A_288 : i32
      %select_n3A_290 = arith.select %and3A_287, %sub3A_289, %div3A_268 : i32
      %mul3A_291 = arith.constant 256 : i32
      %mul3A_292 = arith.muli %select_n3A_290, %mul3A_291 : i32
      %min3A = arith.constant 999808 : i32
      %min3A_293 = arith.minsi %mul3A_292, %min3A : i32
      %multiple_of3A = tpu.assume_multiple %min3A_293, 128 : i32
      %dma_start3A_294 = arith.constant 0 : i32
      %dma_start3A_295 = arith.constant 0 : i32
      %dma_start3A_296 = tpu.memref_slice %arg7[%rem3A_258, %dma_start3A_294, %dma_start3A_295] : memref<5x64x256xf32, #tpu.memory_space<vmem>> -> memref<1x64x256xf32, #tpu.memory_space<vmem>>
      %dma_start3A_297 = tpu.memref_squeeze %dma_start3A_296 : memref<1x64x256xf32, #tpu.memory_space<vmem>> -> memref<64x256xf32, #tpu.memory_space<vmem>>
      %dma_start3A_298 = arith.constant 0 : i32
      %dma_start3A_299 = tpu.memref_slice %arg3[%dma_start3A_298, %multiple_of3A] : memref<64x1000000xf32, #tpu.memory_space<hbm>> -> memref<64x256xf32, #tpu.memory_space<hbm>>
      %dma_start3A_300 = tpu.memref_slice %arg9[%rem3A_258] : memref<5x!tpu.dma_semaphore, #tpu.memory_space<semaphore_mem>> -> memref<1x!tpu.dma_semaphore, #tpu.memory_space<semaphore_mem>>
      %dma_start3A_301 = tpu.memref_squeeze %dma_start3A_300 : memref<1x!tpu.dma_semaphore, #tpu.memory_space<semaphore_mem>> -> memref<!tpu.dma_semaphore, #tpu.memory_space<semaphore_mem>>
      %dma_start3A_302 = arith.constant 0 : i32
      %dma_start3A_303 = arith.constant 0 : i32
      %dma_start3A_304 = tpu.memref_slice %arg7[%rem3A_258, %dma_start3A_302, %dma_start3A_303] : memref<5x64x256xf32, #tpu.memory_space<vmem>> -> memref<1x64x256xf32, #tpu.memory_space<vmem>>
      %dma_start3A_305 = tpu.memref_squeeze %dma_start3A_304 : memref<1x64x256xf32, #tpu.memory_space<vmem>> -> memref<64x256xf32, #tpu.memory_space<vmem>>
      %dma_start3A_306 = arith.constant 0 : i32
      %dma_start3A_307 = tpu.memref_slice %arg3[%dma_start3A_306, %multiple_of3A] : memref<64x1000000xf32, #tpu.memory_space<hbm>> -> memref<64x256xf32, #tpu.memory_space<hbm>>
      tpu.enqueue_dma source(%dma_start3A_307 : memref<64x256xf32, #tpu.memory_space<hbm>>) target(%dma_start3A_305 : memref<64x256xf32, #tpu.memory_space<vmem>>) target_semaphore(%dma_start3A_301 : memref<!tpu.dma_semaphore, #tpu.memory_space<semaphore_mem>>)
      %mul3A_308 = arith.constant 256 : i32
      %mul3A_309 = arith.muli %select_n3A_222, %mul3A_308 : i32
      %min3A_310 = arith.constant 999808 : i32
      %min3A_311 = arith.minsi %mul3A_309, %min3A_310 : i32
      %multiple_of3A_312 = tpu.assume_multiple %min3A_311, 128 : i32
      %dma_wait3A_313 = arith.constant 0 : i32
      %dma_wait3A_314 = arith.constant 0 : i32
      %dma_wait3A_315 = tpu.memref_slice %arg7[%rem3A_192, %dma_wait3A_313, %dma_wait3A_314] : memref<5x64x256xf32, #tpu.memory_space<vmem>> -> memref<1x64x256xf32, #tpu.memory_space<vmem>>
      %dma_wait3A_316 = tpu.memref_squeeze %dma_wait3A_315 : memref<1x64x256xf32, #tpu.memory_space<vmem>> -> memref<64x256xf32, #tpu.memory_space<vmem>>
      %dma_wait3A_317 = arith.constant 0 : i32
      %dma_wait3A_318 = tpu.memref_slice %arg3[%dma_wait3A_317, %multiple_of3A_312] : memref<64x1000000xf32, #tpu.memory_space<hbm>> -> memref<64x256xf32, #tpu.memory_space<hbm>>
      %dma_wait3A_319 = tpu.memref_slice %arg9[%rem3A_192] : memref<5x!tpu.dma_semaphore, #tpu.memory_space<semaphore_mem>> -> memref<1x!tpu.dma_semaphore, #tpu.memory_space<semaphore_mem>>
      %dma_wait3A_320 = tpu.memref_squeeze %dma_wait3A_319 : memref<1x!tpu.dma_semaphore, #tpu.memory_space<semaphore_mem>> -> memref<!tpu.dma_semaphore, #tpu.memory_space<semaphore_mem>>
      %dma_wait3A_321 = arith.constant 0 : i32
      %dma_wait3A_322 = arith.constant 0 : i32
      %dma_wait3A_323 = tpu.memref_slice %arg7[%rem3A_192, %dma_wait3A_321, %dma_wait3A_322] : memref<5x64x256xf32, #tpu.memory_space<vmem>> -> memref<1x64x256xf32, #tpu.memory_space<vmem>>
      %dma_wait3A_324 = tpu.memref_squeeze %dma_wait3A_323 : memref<1x64x256xf32, #tpu.memory_space<vmem>> -> memref<64x256xf32, #tpu.memory_space<vmem>>
      %dma_wait3A_325 = arith.constant 0 : i32
      %dma_wait3A_326 = tpu.memref_slice %arg3[%dma_wait3A_325, %multiple_of3A_312] : memref<64x1000000xf32, #tpu.memory_space<hbm>> -> memref<64x256xf32, #tpu.memory_space<hbm>>
      tpu.wait_dma2 semaphore(%dma_wait3A_320 : memref<!tpu.dma_semaphore, #tpu.memory_space<semaphore_mem>>) src(%dma_wait3A_326 : memref<64x256xf32, #tpu.memory_space<hbm>>) dst(%dma_wait3A_324 : memref<64x256xf32, #tpu.memory_space<vmem>>)
      %mul3A_327 = arith.constant 256 : i32
      %mul3A_328 = arith.muli %select_n3A_222, %mul3A_327 : i32
      %min3A_329 = arith.constant 999808 : i32
      %min3A_330 = arith.minsi %mul3A_328, %min3A_329 : i32
      %while3A_331 = arith.constant 0 : i32
      %while3A_332 = arith.subi %sub3A_252, %sub3A_225 : i32
      %while3A_333 = arith.addi %sub3A_225, %while3A_332 : i32
      %while3A_334 = arith.constant 1 : i32
      %while3A_335 = arith.divsi %while3A_332, %while3A_334 : i32
      %while3A_336 = arith.muli %while3A_335, %while3A_334 : i32
      %while3A_337 = arith.addi %sub3A_225, %while3A_336 : i32
      %while3A_338 = arith.constant 1 : i32
      scf.for %while3A_340 = %sub3A_225 to %while3A_337 step %while3A_338  : i32 {
        %get3A_341 = arith.index_cast %while3A_340 : i32 to index
        %get3A_342 = tpu.vector_load %arg5[%get3A_341] {strides = array<i32>} : memref<528xi32, #tpu.memory_space<vmem>>, vector<16xi32>,
        %slice3A_343 = vector.extract_strided_slice %get3A_342 {offsets = [0], sizes = [1], strides = [1]} : vector<16xi32> to vector<1xi32>
        %squeeze3A_344 = vector.extract %slice3A_343[0] : i32 from vector<1xi32>
        %sub3A_345 = arith.subi %squeeze3A_344, %min3A_330 : i32
        %broadcast_in_dim3A_346 = vector.broadcast %sub3A_345 : i32 to vector<16xi32>
        %add3A_347 = arith.constant 0 : i32
        %add3A_348 = vector.broadcast %add3A_347 : i32 to vector<16xi32>
        %add3A_349 = arith.addi %iota3A, %add3A_348 : vector<16xi32>
        %gather3A = arith.constant 0 : i32
        %gather3A_350 = arith.constant 0 : i32
        %gather3A_351 = tpu.memref_slice %arg7[%rem3A_192, %gather3A, %gather3A_350] : memref<5x64x256xf32, #tpu.memory_space<vmem>> -> memref<1x64x256xf32, #tpu.memory_space<vmem>>
        %gather3A_352 = tpu.memref_squeeze %gather3A_351 : memref<1x64x256xf32, #tpu.memory_space<vmem>> -> memref<64x256xf32, #tpu.memory_space<vmem>>
        %gather3A_353 = tpu.vector_load_idx %gather3A_352[%add3A_349, %broadcast_in_dim3A_346] : memref<64x256xf32, #tpu.memory_space<vmem>>[vector<16xi32>, vector<16xi32>], vector<16xf32>,
        %mul3A_354 = arith.constant 64 : i32
        %mul3A_355 = arith.muli %while3A_340, %mul3A_354 : i32
        %add3A_356 = arith.constant 0 : i32
        %add3A_357 = arith.addi %mul3A_355, %add3A_356 : i32
        %swap3A_358 = arith.index_cast %add3A_357 : i32 to index
        %swap3A_359 = tpu.vector_load %arg8[%swap3A_358] {strides = array<i32>} : memref<32768xf32, #tpu.memory_space<vmem>>, vector<16xf32>,
        tpu.vector_store %arg8[%swap3A_358], %gather3A_353 {strides = array<i32>} : memref<32768xf32, #tpu.memory_space<vmem>>, vector<16xf32>,
        %add3A_360 = arith.constant 16 : i32
        %add3A_361 = vector.broadcast %add3A_360 : i32 to vector<16xi32>
        %add3A_362 = arith.addi %iota3A, %add3A_361 : vector<16xi32>
        %gather3A_363 = arith.constant 0 : i32
        %gather3A_364 = arith.constant 0 : i32
        %gather3A_365 = tpu.memref_slice %arg7[%rem3A_192, %gather3A_363, %gather3A_364] : memref<5x64x256xf32, #tpu.memory_space<vmem>> -> memref<1x64x256xf32, #tpu.memory_space<vmem>>
        %gather3A_366 = tpu.memref_squeeze %gather3A_365 : memref<1x64x256xf32, #tpu.memory_space<vmem>> -> memref<64x256xf32, #tpu.memory_space<vmem>>
        %gather3A_367 = tpu.vector_load_idx %gather3A_366[%add3A_362, %broadcast_in_dim3A_346] : memref<64x256xf32, #tpu.memory_space<vmem>>[vector<16xi32>, vector<16xi32>], vector<16xf32>,
        %mul3A_368 = arith.constant 64 : i32
        %mul3A_369 = arith.muli %while3A_340, %mul3A_368 : i32
        %add3A_370 = arith.constant 16 : i32
        %add3A_371 = arith.addi %mul3A_369, %add3A_370 : i32
        %swap3A_372 = arith.index_cast %add3A_371 : i32 to index
        %swap3A_373 = tpu.vector_load %arg8[%swap3A_372] {strides = array<i32>} : memref<32768xf32, #tpu.memory_space<vmem>>, vector<16xf32>,
        tpu.vector_store %arg8[%swap3A_372], %gather3A_367 {strides = array<i32>} : memref<32768xf32, #tpu.memory_space<vmem>>, vector<16xf32>,
        %add3A_374 = arith.constant 32 : i32
        %add3A_375 = vector.broadcast %add3A_374 : i32 to vector<16xi32>
        %add3A_376 = arith.addi %iota3A, %add3A_375 : vector<16xi32>
        %gather3A_377 = arith.constant 0 : i32
        %gather3A_378 = arith.constant 0 : i32
        %gather3A_379 = tpu.memref_slice %arg7[%rem3A_192, %gather3A_377, %gather3A_378] : memref<5x64x256xf32, #tpu.memory_space<vmem>> -> memref<1x64x256xf32, #tpu.memory_space<vmem>>
        %gather3A_380 = tpu.memref_squeeze %gather3A_379 : memref<1x64x256xf32, #tpu.memory_space<vmem>> -> memref<64x256xf32, #tpu.memory_space<vmem>>
        %gather3A_381 = tpu.vector_load_idx %gather3A_380[%add3A_376, %broadcast_in_dim3A_346] : memref<64x256xf32, #tpu.memory_space<vmem>>[vector<16xi32>, vector<16xi32>], vector<16xf32>,
        %mul3A_382 = arith.constant 64 : i32
        %mul3A_383 = arith.muli %while3A_340, %mul3A_382 : i32
        %add3A_384 = arith.constant 32 : i32
        %add3A_385 = arith.addi %mul3A_383, %add3A_384 : i32
        %swap3A_386 = arith.index_cast %add3A_385 : i32 to index
        %swap3A_387 = tpu.vector_load %arg8[%swap3A_386] {strides = array<i32>} : memref<32768xf32, #tpu.memory_space<vmem>>, vector<16xf32>,
        tpu.vector_store %arg8[%swap3A_386], %gather3A_381 {strides = array<i32>} : memref<32768xf32, #tpu.memory_space<vmem>>, vector<16xf32>,
        %add3A_388 = arith.constant 48 : i32
        %add3A_389 = vector.broadcast %add3A_388 : i32 to vector<16xi32>
        %add3A_390 = arith.addi %iota3A, %add3A_389 : vector<16xi32>
        %gather3A_391 = arith.constant 0 : i32
        %gather3A_392 = arith.constant 0 : i32
        %gather3A_393 = tpu.memref_slice %arg7[%rem3A_192, %gather3A_391, %gather3A_392] : memref<5x64x256xf32, #tpu.memory_space<vmem>> -> memref<1x64x256xf32, #tpu.memory_space<vmem>>
        %gather3A_394 = tpu.memref_squeeze %gather3A_393 : memref<1x64x256xf32, #tpu.memory_space<vmem>> -> memref<64x256xf32, #tpu.memory_space<vmem>>
        %gather3A_395 = tpu.vector_load_idx %gather3A_394[%add3A_390, %broadcast_in_dim3A_346] : memref<64x256xf32, #tpu.memory_space<vmem>>[vector<16xi32>, vector<16xi32>], vector<16xf32>,
        %mul3A_396 = arith.constant 64 : i32
        %mul3A_397 = arith.muli %while3A_340, %mul3A_396 : i32
        %add3A_398 = arith.constant 48 : i32
        %add3A_399 = arith.addi %mul3A_397, %add3A_398 : i32
        %swap3A_400 = arith.index_cast %add3A_399 : i32 to index
        %swap3A_401 = tpu.vector_load %arg8[%swap3A_400] {strides = array<i32>} : memref<32768xf32, #tpu.memory_space<vmem>>, vector<16xf32>,
        tpu.vector_store %arg8[%swap3A_400], %gather3A_395 {strides = array<i32>} : memref<32768xf32, #tpu.memory_space<vmem>>, vector<16xf32>,
      }
      %while3A_339 = arith.constant 1 : i32
      scf.for %while3A_340 = %while3A_337 to %while3A_333 step %while3A_339  : i32 {
        %get3A_341 = arith.index_cast %while3A_340 : i32 to index
        %get3A_342 = tpu.vector_load %arg5[%get3A_341] {strides = array<i32>} : memref<528xi32, #tpu.memory_space<vmem>>, vector<16xi32>,
        %slice3A_343 = vector.extract_strided_slice %get3A_342 {offsets = [0], sizes = [1], strides = [1]} : vector<16xi32> to vector<1xi32>
        %squeeze3A_344 = vector.extract %slice3A_343[0] : i32 from vector<1xi32>
        %sub3A_345 = arith.subi %squeeze3A_344, %min3A_330 : i32
        %broadcast_in_dim3A_346 = vector.broadcast %sub3A_345 : i32 to vector<16xi32>
        %add3A_347 = arith.constant 0 : i32
        %add3A_348 = vector.broadcast %add3A_347 : i32 to vector<16xi32>
        %add3A_349 = arith.addi %iota3A, %add3A_348 : vector<16xi32>
        %gather3A = arith.constant 0 : i32
        %gather3A_350 = arith.constant 0 : i32
        %gather3A_351 = tpu.memref_slice %arg7[%rem3A_192, %gather3A, %gather3A_350] : memref<5x64x256xf32, #tpu.memory_space<vmem>> -> memref<1x64x256xf32, #tpu.memory_space<vmem>>
        %gather3A_352 = tpu.memref_squeeze %gather3A_351 : memref<1x64x256xf32, #tpu.memory_space<vmem>> -> memref<64x256xf32, #tpu.memory_space<vmem>>
        %gather3A_353 = tpu.vector_load_idx %gather3A_352[%add3A_349, %broadcast_in_dim3A_346] : memref<64x256xf32, #tpu.memory_space<vmem>>[vector<16xi32>, vector<16xi32>], vector<16xf32>,
        %mul3A_354 = arith.constant 64 : i32
        %mul3A_355 = arith.muli %while3A_340, %mul3A_354 : i32
        %add3A_356 = arith.constant 0 : i32
        %add3A_357 = arith.addi %mul3A_355, %add3A_356 : i32
        %swap3A_358 = arith.index_cast %add3A_357 : i32 to index
        %swap3A_359 = tpu.vector_load %arg8[%swap3A_358] {strides = array<i32>} : memref<32768xf32, #tpu.memory_space<vmem>>, vector<16xf32>,
        tpu.vector_store %arg8[%swap3A_358], %gather3A_353 {strides = array<i32>} : memref<32768xf32, #tpu.memory_space<vmem>>, vector<16xf32>,
        %add3A_360 = arith.constant 16 : i32
        %add3A_361 = vector.broadcast %add3A_360 : i32 to vector<16xi32>
        %add3A_362 = arith.addi %iota3A, %add3A_361 : vector<16xi32>
        %gather3A_363 = arith.constant 0 : i32
        %gather3A_364 = arith.constant 0 : i32
        %gather3A_365 = tpu.memref_slice %arg7[%rem3A_192, %gather3A_363, %gather3A_364] : memref<5x64x256xf32, #tpu.memory_space<vmem>> -> memref<1x64x256xf32, #tpu.memory_space<vmem>>
        %gather3A_366 = tpu.memref_squeeze %gather3A_365 : memref<1x64x256xf32, #tpu.memory_space<vmem>> -> memref<64x256xf32, #tpu.memory_space<vmem>>
        %gather3A_367 = tpu.vector_load_idx %gather3A_366[%add3A_362, %broadcast_in_dim3A_346] : memref<64x256xf32, #tpu.memory_space<vmem>>[vector<16xi32>, vector<16xi32>], vector<16xf32>,
        %mul3A_368 = arith.constant 64 : i32
        %mul3A_369 = arith.muli %while3A_340, %mul3A_368 : i32
        %add3A_370 = arith.constant 16 : i32
        %add3A_371 = arith.addi %mul3A_369, %add3A_370 : i32
        %swap3A_372 = arith.index_cast %add3A_371 : i32 to index
        %swap3A_373 = tpu.vector_load %arg8[%swap3A_372] {strides = array<i32>} : memref<32768xf32, #tpu.memory_space<vmem>>, vector<16xf32>,
        tpu.vector_store %arg8[%swap3A_372], %gather3A_367 {strides = array<i32>} : memref<32768xf32, #tpu.memory_space<vmem>>, vector<16xf32>,
        %add3A_374 = arith.constant 32 : i32
        %add3A_375 = vector.broadcast %add3A_374 : i32 to vector<16xi32>
        %add3A_376 = arith.addi %iota3A, %add3A_375 : vector<16xi32>
        %gather3A_377 = arith.constant 0 : i32
        %gather3A_378 = arith.constant 0 : i32
        %gather3A_379 = tpu.memref_slice %arg7[%rem3A_192, %gather3A_377, %gather3A_378] : memref<5x64x256xf32, #tpu.memory_space<vmem>> -> memref<1x64x256xf32, #tpu.memory_space<vmem>>
        %gather3A_380 = tpu.memref_squeeze %gather3A_379 : memref<1x64x256xf32, #tpu.memory_space<vmem>> -> memref<64x256xf32, #tpu.memory_space<vmem>>
        %gather3A_381 = tpu.vector_load_idx %gather3A_380[%add3A_376, %broadcast_in_dim3A_346] : memref<64x256xf32, #tpu.memory_space<vmem>>[vector<16xi32>, vector<16xi32>], vector<16xf32>,
        %mul3A_382 = arith.constant 64 : i32
        %mul3A_383 = arith.muli %while3A_340, %mul3A_382 : i32
        %add3A_384 = arith.constant 32 : i32
        %add3A_385 = arith.addi %mul3A_383, %add3A_384 : i32
        %swap3A_386 = arith.index_cast %add3A_385 : i32 to index
        %swap3A_387 = tpu.vector_load %arg8[%swap3A_386] {strides = array<i32>} : memref<32768xf32, #tpu.memory_space<vmem>>, vector<16xf32>,
        tpu.vector_store %arg8[%swap3A_386], %gather3A_381 {strides = array<i32>} : memref<32768xf32, #tpu.memory_space<vmem>>, vector<16xf32>,
        %add3A_388 = arith.constant 48 : i32
        %add3A_389 = vector.broadcast %add3A_388 : i32 to vector<16xi32>
        %add3A_390 = arith.addi %iota3A, %add3A_389 : vector<16xi32>
        %gather3A_391 = arith.constant 0 : i32
        %gather3A_392 = arith.constant 0 : i32
        %gather3A_393 = tpu.memref_slice %arg7[%rem3A_192, %gather3A_391, %gather3A_392] : memref<5x64x256xf32, #tpu.memory_space<vmem>> -> memref<1x64x256xf32, #tpu.memory_space<vmem>>
        %gather3A_394 = tpu.memref_squeeze %gather3A_393 : memref<1x64x256xf32, #tpu.memory_space<vmem>> -> memref<64x256xf32, #tpu.memory_space<vmem>>
        %gather3A_395 = tpu.vector_load_idx %gather3A_394[%add3A_390, %broadcast_in_dim3A_346] : memref<64x256xf32, #tpu.memory_space<vmem>>[vector<16xi32>, vector<16xi32>], vector<16xf32>,
        %mul3A_396 = arith.constant 64 : i32
        %mul3A_397 = arith.muli %while3A_340, %mul3A_396 : i32
        %add3A_398 = arith.constant 48 : i32
        %add3A_399 = arith.addi %mul3A_397, %add3A_398 : i32
        %swap3A_400 = arith.index_cast %add3A_399 : i32 to index
        %swap3A_401 = tpu.vector_load %arg8[%swap3A_400] {strides = array<i32>} : memref<32768xf32, #tpu.memory_space<vmem>>, vector<16xf32>,
        tpu.vector_store %arg8[%swap3A_400], %gather3A_395 {strides = array<i32>} : memref<32768xf32, #tpu.memory_space<vmem>>, vector<16xf32>,
      }
    }
    %while3A_72 = arith.constant 1 : i32
    scf.for %while3A_190 = %while3A_70 to %while3A_66 step %while3A_72  : i32 {
      %rem3A_191 = arith.constant 5 : i32
      %rem3A_192 = arith.remsi %while3A_190, %rem3A_191 : i32
      %get3A_193 = arith.index_cast %while3A_190 : i32 to index
      %get3A_194 = tpu.vector_load %arg6[%get3A_193] {strides = array<i32>} : memref<544xi32, #tpu.memory_space<vmem>>, vector<16xi32>,
      %slice3A_195 = vector.extract_strided_slice %get3A_194 {offsets = [0], sizes = [1], strides = [1]} : vector<16xi32> to vector<1xi32>
      %squeeze3A_196 = vector.extract %slice3A_195[0] : i32 from vector<1xi32>
      %slice3A_197 = vector.extract_strided_slice %get3A_194 {offsets = [1], sizes = [1], strides = [1]} : vector<16xi32> to vector<1xi32>
      %squeeze3A_198 = vector.extract %slice3A_197[0] : i32 from vector<1xi32>
      %jit3A_199 = arith.constant 2048 : i32
      %div3A_200 = arith.divsi %squeeze3A_196, %jit3A_199 : i32
      %sign3A_201 = arith.constant 0 : i32
      %sign3A_202 = arith.cmpi sgt, %squeeze3A_196, %sign3A_201 : i32
      %sign3A_203 = arith.extui %sign3A_202 : i1 to i32
      %sign3A_204 = arith.constant 0 : i32
      %sign3A_205 = arith.cmpi slt, %squeeze3A_196, %sign3A_204 : i32
      %sign3A_206 = arith.extui %sign3A_205 : i1 to i32
      %sign3A_207 = arith.subi %sign3A_203, %sign3A_206 : i32
      %sign3A_208 = arith.constant 0 : i32
      %sign3A_209 = arith.cmpi sgt, %jit3A_199, %sign3A_208 : i32
      %sign3A_210 = arith.extui %sign3A_209 : i1 to i32
      %sign3A_211 = arith.constant 0 : i32
      %sign3A_212 = arith.cmpi slt, %jit3A_199, %sign3A_211 : i32
      %sign3A_213 = arith.extui %sign3A_212 : i1 to i32
      %sign3A_214 = arith.subi %sign3A_210, %sign3A_213 : i32
      %ne3A_215 = arith.cmpi ne, %sign3A_207, %sign3A_214 : i32
      %rem3A_216 = arith.remsi %squeeze3A_196, %jit3A_199 : i32
      %ne3A_217 = arith.constant 0 : i32
      %ne3A_218 = arith.cmpi ne, %rem3A_216, %ne3A_217 : i32
      %and3A_219 = arith.andi %ne3A_215, %ne3A_218 : i1
      %sub3A_220 = arith.constant 1 : i32
      %sub3A_221 = arith.subi %div3A_200, %sub3A_220 : i32
      %select_n3A_222 = arith.select %and3A_219, %sub3A_221, %div3A_200 : i32
      %mul3A_223 = arith.constant 2048 : i32
      %mul3A_224 = arith.muli %select_n3A_222, %mul3A_223 : i32
      %sub3A_225 = arith.subi %squeeze3A_196, %mul3A_224 : i32
      %jit3A_226 = arith.constant 2048 : i32
      %div3A_227 = arith.divsi %squeeze3A_198, %jit3A_226 : i32
      %sign3A_228 = arith.constant 0 : i32
      %sign3A_229 = arith.cmpi sgt, %squeeze3A_198, %sign3A_228 : i32
      %sign3A_230 = arith.extui %sign3A_229 : i1 to i32
      %sign3A_231 = arith.constant 0 : i32
      %sign3A_232 = arith.cmpi slt, %squeeze3A_198, %sign3A_231 : i32
      %sign3A_233 = arith.extui %sign3A_232 : i1 to i32
      %sign3A_234 = arith.subi %sign3A_230, %sign3A_233 : i32
      %sign3A_235 = arith.constant 0 : i32
      %sign3A_236 = arith.cmpi sgt, %jit3A_226, %sign3A_235 : i32
      %sign3A_237 = arith.extui %sign3A_236 : i1 to i32
      %sign3A_238 = arith.constant 0 : i32
      %sign3A_239 = arith.cmpi slt, %jit3A_226, %sign3A_238 : i32
      %sign3A_240 = arith.extui %sign3A_239 : i1 to i32
      %sign3A_241 = arith.subi %sign3A_237, %sign3A_240 : i32
      %ne3A_242 = arith.cmpi ne, %sign3A_234, %sign3A_241 : i32
      %rem3A_243 = arith.remsi %squeeze3A_198, %jit3A_226 : i32
      %ne3A_244 = arith.constant 0 : i32
      %ne3A_245 = arith.cmpi ne, %rem3A_243, %ne3A_244 : i32
      %and3A_246 = arith.andi %ne3A_242, %ne3A_245 : i1
      %sub3A_247 = arith.constant 1 : i32
      %sub3A_248 = arith.subi %div3A_227, %sub3A_247 : i32
      %select_n3A_249 = arith.select %and3A_246, %sub3A_248, %div3A_227 : i32
      %mul3A_250 = arith.constant 2048 : i32
      %mul3A_251 = arith.muli %select_n3A_249, %mul3A_250 : i32
      %sub3A_252 = arith.subi %squeeze3A_198, %mul3A_251 : i32
      %add3A_253 = arith.constant 5 : i32
      %add3A_254 = arith.addi %while3A_190, %add3A_253 : i32
      %sub3A_255 = arith.constant 1 : i32
      %sub3A_256 = arith.subi %add3A_254, %sub3A_255 : i32
      %rem3A_257 = arith.constant 5 : i32
      %rem3A_258 = arith.remsi %sub3A_256, %rem3A_257 : i32
      %add3A_259 = arith.constant 5 : i32
      %add3A_260 = arith.addi %while3A_190, %add3A_259 : i32
      %sub3A_261 = arith.constant 1 : i32
      %sub3A_262 = arith.subi %add3A_260, %sub3A_261 : i32
      %get3A_263 = arith.index_cast %sub3A_262 : i32 to index
      %get3A_264 = tpu.vector_load %arg6[%get3A_263] {strides = array<i32>} : memref<544xi32, #tpu.memory_space<vmem>>, vector<16xi32>,
      %slice3A_265 = vector.extract_strided_slice %get3A_264 {offsets = [0], sizes = [1], strides = [1]} : vector<16xi32> to vector<1xi32>
      %squeeze3A_266 = vector.extract %slice3A_265[0] : i32 from vector<1xi32>
      %jit3A_267 = arith.constant 2048 : i32
      %div3A_268 = arith.divsi %squeeze3A_266, %jit3A_267 : i32
      %sign3A_269 = arith.constant 0 : i32
      %sign3A_270 = arith.cmpi sgt, %squeeze3A_266, %sign3A_269 : i32
      %sign3A_271 = arith.extui %sign3A_270 : i1 to i32
      %sign3A_272 = arith.constant 0 : i32
      %sign3A_273 = arith.cmpi slt, %squeeze3A_266, %sign3A_272 : i32
      %sign3A_274 = arith.extui %sign3A_273 : i1 to i32
      %sign3A_275 = arith.subi %sign3A_271, %sign3A_274 : i32
      %sign3A_276 = arith.constant 0 : i32
      %sign3A_277 = arith.cmpi sgt, %jit3A_267, %sign3A_276 : i32
      %sign3A_278 = arith.extui %sign3A_277 : i1 to i32
      %sign3A_279 = arith.constant 0 : i32
      %sign3A_280 = arith.cmpi slt, %jit3A_267, %sign3A_279 : i32
      %sign3A_281 = arith.extui %sign3A_280 : i1 to i32
      %sign3A_282 = arith.subi %sign3A_278, %sign3A_281 : i32
      %ne3A_283 = arith.cmpi ne, %sign3A_275, %sign3A_282 : i32
      %rem3A_284 = arith.remsi %squeeze3A_266, %jit3A_267 : i32
      %ne3A_285 = arith.constant 0 : i32
      %ne3A_286 = arith.cmpi ne, %rem3A_284, %ne3A_285 : i32
      %and3A_287 = arith.andi %ne3A_283, %ne3A_286 : i1
      %sub3A_288 = arith.constant 1 : i32
      %sub3A_289 = arith.subi %div3A_268, %sub3A_288 : i32
      %select_n3A_290 = arith.select %and3A_287, %sub3A_289, %div3A_268 : i32
      %mul3A_291 = arith.constant 256 : i32
      %mul3A_292 = arith.muli %select_n3A_290, %mul3A_291 : i32
      %min3A = arith.constant 999808 : i32
      %min3A_293 = arith.minsi %mul3A_292, %min3A : i32
      %multiple_of3A = tpu.assume_multiple %min3A_293, 128 : i32
      %dma_start3A_294 = arith.constant 0 : i32
      %dma_start3A_295 = arith.constant 0 : i32
      %dma_start3A_296 = tpu.memref_slice %arg7[%rem3A_258, %dma_start3A_294, %dma_start3A_295] : memref<5x64x256xf32, #tpu.memory_space<vmem>> -> memref<1x64x256xf32, #tpu.memory_space<vmem>>
      %dma_start3A_297 = tpu.memref_squeeze %dma_start3A_296 : memref<1x64x256xf32, #tpu.memory_space<vmem>> -> memref<64x256xf32, #tpu.memory_space<vmem>>
      %dma_start3A_298 = arith.constant 0 : i32
      %dma_start3A_299 = tpu.memref_slice %arg3[%dma_start3A_298, %multiple_of3A] : memref<64x1000000xf32, #tpu.memory_space<hbm>> -> memref<64x256xf32, #tpu.memory_space<hbm>>
      %dma_start3A_300 = tpu.memref_slice %arg9[%rem3A_258] : memref<5x!tpu.dma_semaphore, #tpu.memory_space<semaphore_mem>> -> memref<1x!tpu.dma_semaphore, #tpu.memory_space<semaphore_mem>>
      %dma_start3A_301 = tpu.memref_squeeze %dma_start3A_300 : memref<1x!tpu.dma_semaphore, #tpu.memory_space<semaphore_mem>> -> memref<!tpu.dma_semaphore, #tpu.memory_space<semaphore_mem>>
      %dma_start3A_302 = arith.constant 0 : i32
      %dma_start3A_303 = arith.constant 0 : i32
      %dma_start3A_304 = tpu.memref_slice %arg7[%rem3A_258, %dma_start3A_302, %dma_start3A_303] : memref<5x64x256xf32, #tpu.memory_space<vmem>> -> memref<1x64x256xf32, #tpu.memory_space<vmem>>
      %dma_start3A_305 = tpu.memref_squeeze %dma_start3A_304 : memref<1x64x256xf32, #tpu.memory_space<vmem>> -> memref<64x256xf32, #tpu.memory_space<vmem>>
      %dma_start3A_306 = arith.constant 0 : i32
      %dma_start3A_307 = tpu.memref_slice %arg3[%dma_start3A_306, %multiple_of3A] : memref<64x1000000xf32, #tpu.memory_space<hbm>> -> memref<64x256xf32, #tpu.memory_space<hbm>>
      tpu.enqueue_dma source(%dma_start3A_307 : memref<64x256xf32, #tpu.memory_space<hbm>>) target(%dma_start3A_305 : memref<64x256xf32, #tpu.memory_space<vmem>>) target_semaphore(%dma_start3A_301 : memref<!tpu.dma_semaphore, #tpu.memory_space<semaphore_mem>>)
      %mul3A_308 = arith.constant 256 : i32
      %mul3A_309 = arith.muli %select_n3A_222, %mul3A_308 : i32
      %min3A_310 = arith.constant 999808 : i32
      %min3A_311 = arith.minsi %mul3A_309, %min3A_310 : i32
      %multiple_of3A_312 = tpu.assume_multiple %min3A_311, 128 : i32
      %dma_wait3A_313 = arith.constant 0 : i32
      %dma_wait3A_314 = arith.constant 0 : i32
      %dma_wait3A_315 = tpu.memref_slice %arg7[%rem3A_192, %dma_wait3A_313, %dma_wait3A_314] : memref<5x64x256xf32, #tpu.memory_space<vmem>> -> memref<1x64x256xf32, #tpu.memory_space<vmem>>
      %dma_wait3A_316 = tpu.memref_squeeze %dma_wait3A_315 : memref<1x64x256xf32, #tpu.memory_space<vmem>> -> memref<64x256xf32, #tpu.memory_space<vmem>>
      %dma_wait3A_317 = arith.constant 0 : i32
      %dma_wait3A_318 = tpu.memref_slice %arg3[%dma_wait3A_317, %multiple_of3A_312] : memref<64x1000000xf32, #tpu.memory_space<hbm>> -> memref<64x256xf32, #tpu.memory_space<hbm>>
      %dma_wait3A_319 = tpu.memref_slice %arg9[%rem3A_192] : memref<5x!tpu.dma_semaphore, #tpu.memory_space<semaphore_mem>> -> memref<1x!tpu.dma_semaphore, #tpu.memory_space<semaphore_mem>>
      %dma_wait3A_320 = tpu.memref_squeeze %dma_wait3A_319 : memref<1x!tpu.dma_semaphore, #tpu.memory_space<semaphore_mem>> -> memref<!tpu.dma_semaphore, #tpu.memory_space<semaphore_mem>>
      %dma_wait3A_321 = arith.constant 0 : i32
      %dma_wait3A_322 = arith.constant 0 : i32
      %dma_wait3A_323 = tpu.memref_slice %arg7[%rem3A_192, %dma_wait3A_321, %dma_wait3A_322] : memref<5x64x256xf32, #tpu.memory_space<vmem>> -> memref<1x64x256xf32, #tpu.memory_space<vmem>>
      %dma_wait3A_324 = tpu.memref_squeeze %dma_wait3A_323 : memref<1x64x256xf32, #tpu.memory_space<vmem>> -> memref<64x256xf32, #tpu.memory_space<vmem>>
      %dma_wait3A_325 = arith.constant 0 : i32
      %dma_wait3A_326 = tpu.memref_slice %arg3[%dma_wait3A_325, %multiple_of3A_312] : memref<64x1000000xf32, #tpu.memory_space<hbm>> -> memref<64x256xf32, #tpu.memory_space<hbm>>
      tpu.wait_dma2 semaphore(%dma_wait3A_320 : memref<!tpu.dma_semaphore, #tpu.memory_space<semaphore_mem>>) src(%dma_wait3A_326 : memref<64x256xf32, #tpu.memory_space<hbm>>) dst(%dma_wait3A_324 : memref<64x256xf32, #tpu.memory_space<vmem>>)
      %mul3A_327 = arith.constant 256 : i32
      %mul3A_328 = arith.muli %select_n3A_222, %mul3A_327 : i32
      %min3A_329 = arith.constant 999808 : i32
      %min3A_330 = arith.minsi %mul3A_328, %min3A_329 : i32
      %while3A_331 = arith.constant 0 : i32
      %while3A_332 = arith.subi %sub3A_252, %sub3A_225 : i32
      %while3A_333 = arith.addi %sub3A_225, %while3A_332 : i32
      %while3A_334 = arith.constant 1 : i32
      %while3A_335 = arith.divsi %while3A_332, %while3A_334 : i32
      %while3A_336 = arith.muli %while3A_335, %while3A_334 : i32
      %while3A_337 = arith.addi %sub3A_225, %while3A_336 : i32
      %while3A_338 = arith.constant 1 : i32
      scf.for %while3A_340 = %sub3A_225 to %while3A_337 step %while3A_338  : i32 {
        %get3A_341 = arith.index_cast %while3A_340 : i32 to index
        %get3A_342 = tpu.vector_load %arg5[%get3A_341] {strides = array<i32>} : memref<528xi32, #tpu.memory_space<vmem>>, vector<16xi32>,
        %slice3A_343 = vector.extract_strided_slice %get3A_342 {offsets = [0], sizes = [1], strides = [1]} : vector<16xi32> to vector<1xi32>
        %squeeze3A_344 = vector.extract %slice3A_343[0] : i32 from vector<1xi32>
        %sub3A_345 = arith.subi %squeeze3A_344, %min3A_330 : i32
        %broadcast_in_dim3A_346 = vector.broadcast %sub3A_345 : i32 to vector<16xi32>
        %add3A_347 = arith.constant 0 : i32
        %add3A_348 = vector.broadcast %add3A_347 : i32 to vector<16xi32>
        %add3A_349 = arith.addi %iota3A, %add3A_348 : vector<16xi32>
        %gather3A = arith.constant 0 : i32
        %gather3A_350 = arith.constant 0 : i32
        %gather3A_351 = tpu.memref_slice %arg7[%rem3A_192, %gather3A, %gather3A_350] : memref<5x64x256xf32, #tpu.memory_space<vmem>> -> memref<1x64x256xf32, #tpu.memory_space<vmem>>
        %gather3A_352 = tpu.memref_squeeze %gather3A_351 : memref<1x64x256xf32, #tpu.memory_space<vmem>> -> memref<64x256xf32, #tpu.memory_space<vmem>>
        %gather3A_353 = tpu.vector_load_idx %gather3A_352[%add3A_349, %broadcast_in_dim3A_346] : memref<64x256xf32, #tpu.memory_space<vmem>>[vector<16xi32>, vector<16xi32>], vector<16xf32>,
        %mul3A_354 = arith.constant 64 : i32
        %mul3A_355 = arith.muli %while3A_340, %mul3A_354 : i32
        %add3A_356 = arith.constant 0 : i32
        %add3A_357 = arith.addi %mul3A_355, %add3A_356 : i32
        %swap3A_358 = arith.index_cast %add3A_357 : i32 to index
        %swap3A_359 = tpu.vector_load %arg8[%swap3A_358] {strides = array<i32>} : memref<32768xf32, #tpu.memory_space<vmem>>, vector<16xf32>,
        tpu.vector_store %arg8[%swap3A_358], %gather3A_353 {strides = array<i32>} : memref<32768xf32, #tpu.memory_space<vmem>>, vector<16xf32>,
        %add3A_360 = arith.constant 16 : i32
        %add3A_361 = vector.broadcast %add3A_360 : i32 to vector<16xi32>
        %add3A_362 = arith.addi %iota3A, %add3A_361 : vector<16xi32>
        %gather3A_363 = arith.constant 0 : i32
        %gather3A_364 = arith.constant 0 : i32
        %gather3A_365 = tpu.memref_slice %arg7[%rem3A_192, %gather3A_363, %gather3A_364] : memref<5x64x256xf32, #tpu.memory_space<vmem>> -> memref<1x64x256xf32, #tpu.memory_space<vmem>>
        %gather3A_366 = tpu.memref_squeeze %gather3A_365 : memref<1x64x256xf32, #tpu.memory_space<vmem>> -> memref<64x256xf32, #tpu.memory_space<vmem>>
        %gather3A_367 = tpu.vector_load_idx %gather3A_366[%add3A_362, %broadcast_in_dim3A_346] : memref<64x256xf32, #tpu.memory_space<vmem>>[vector<16xi32>, vector<16xi32>], vector<16xf32>,
        %mul3A_368 = arith.constant 64 : i32
        %mul3A_369 = arith.muli %while3A_340, %mul3A_368 : i32
        %add3A_370 = arith.constant 16 : i32
        %add3A_371 = arith.addi %mul3A_369, %add3A_370 : i32
        %swap3A_372 = arith.index_cast %add3A_371 : i32 to index
        %swap3A_373 = tpu.vector_load %arg8[%swap3A_372] {strides = array<i32>} : memref<32768xf32, #tpu.memory_space<vmem>>, vector<16xf32>,
        tpu.vector_store %arg8[%swap3A_372], %gather3A_367 {strides = array<i32>} : memref<32768xf32, #tpu.memory_space<vmem>>, vector<16xf32>,
        %add3A_374 = arith.constant 32 : i32
        %add3A_375 = vector.broadcast %add3A_374 : i32 to vector<16xi32>
        %add3A_376 = arith.addi %iota3A, %add3A_375 : vector<16xi32>
        %gather3A_377 = arith.constant 0 : i32
        %gather3A_378 = arith.constant 0 : i32
        %gather3A_379 = tpu.memref_slice %arg7[%rem3A_192, %gather3A_377, %gather3A_378] : memref<5x64x256xf32, #tpu.memory_space<vmem>> -> memref<1x64x256xf32, #tpu.memory_space<vmem>>
        %gather3A_380 = tpu.memref_squeeze %gather3A_379 : memref<1x64x256xf32, #tpu.memory_space<vmem>> -> memref<64x256xf32, #tpu.memory_space<vmem>>
        %gather3A_381 = tpu.vector_load_idx %gather3A_380[%add3A_376, %broadcast_in_dim3A_346] : memref<64x256xf32, #tpu.memory_space<vmem>>[vector<16xi32>, vector<16xi32>], vector<16xf32>,
        %mul3A_382 = arith.constant 64 : i32
        %mul3A_383 = arith.muli %while3A_340, %mul3A_382 : i32
        %add3A_384 = arith.constant 32 : i32
        %add3A_385 = arith.addi %mul3A_383, %add3A_384 : i32
        %swap3A_386 = arith.index_cast %add3A_385 : i32 to index
        %swap3A_387 = tpu.vector_load %arg8[%swap3A_386] {strides = array<i32>} : memref<32768xf32, #tpu.memory_space<vmem>>, vector<16xf32>,
        tpu.vector_store %arg8[%swap3A_386], %gather3A_381 {strides = array<i32>} : memref<32768xf32, #tpu.memory_space<vmem>>, vector<16xf32>,
        %add3A_388 = arith.constant 48 : i32
        %add3A_389 = vector.broadcast %add3A_388 : i32 to vector<16xi32>
        %add3A_390 = arith.addi %iota3A, %add3A_389 : vector<16xi32>
        %gather3A_391 = arith.constant 0 : i32
        %gather3A_392 = arith.constant 0 : i32
        %gather3A_393 = tpu.memref_slice %arg7[%rem3A_192, %gather3A_391, %gather3A_392] : memref<5x64x256xf32, #tpu.memory_space<vmem>> -> memref<1x64x256xf32, #tpu.memory_space<vmem>>
        %gather3A_394 = tpu.memref_squeeze %gather3A_393 : memref<1x64x256xf32, #tpu.memory_space<vmem>> -> memref<64x256xf32, #tpu.memory_space<vmem>>
        %gather3A_395 = tpu.vector_load_idx %gather3A_394[%add3A_390, %broadcast_in_dim3A_346] : memref<64x256xf32, #tpu.memory_space<vmem>>[vector<16xi32>, vector<16xi32>], vector<16xf32>,
        %mul3A_396 = arith.constant 64 : i32
        %mul3A_397 = arith.muli %while3A_340, %mul3A_396 : i32
        %add3A_398 = arith.constant 48 : i32
        %add3A_399 = arith.addi %mul3A_397, %add3A_398 : i32
        %swap3A_400 = arith.index_cast %add3A_399 : i32 to index
        %swap3A_401 = tpu.vector_load %arg8[%swap3A_400] {strides = array<i32>} : memref<32768xf32, #tpu.memory_space<vmem>>, vector<16xf32>,
        tpu.vector_store %arg8[%swap3A_400], %gather3A_395 {strides = array<i32>} : memref<32768xf32, #tpu.memory_space<vmem>>, vector<16xf32>,
      }
      %while3A_339 = arith.constant 1 : i32
      scf.for %while3A_340 = %while3A_337 to %while3A_333 step %while3A_339  : i32 {
        %get3A_341 = arith.index_cast %while3A_340 : i32 to index
        %get3A_342 = tpu.vector_load %arg5[%get3A_341] {strides = array<i32>} : memref<528xi32, #tpu.memory_space<vmem>>, vector<16xi32>,
        %slice3A_343 = vector.extract_strided_slice %get3A_342 {offsets = [0], sizes = [1], strides = [1]} : vector<16xi32> to vector<1xi32>
        %squeeze3A_344 = vector.extract %slice3A_343[0] : i32 from vector<1xi32>
        %sub3A_345 = arith.subi %squeeze3A_344, %min3A_330 : i32
        %broadcast_in_dim3A_346 = vector.broadcast %sub3A_345 : i32 to vector<16xi32>
        %add3A_347 = arith.constant 0 : i32
        %add3A_348 = vector.broadcast %add3A_347 : i32 to vector<16xi32>
        %add3A_349 = arith.addi %iota3A, %add3A_348 : vector<16xi32>
        %gather3A = arith.constant 0 : i32
        %gather3A_350 = arith.constant 0 : i32
        %gather3A_351 = tpu.memref_slice %arg7[%rem3A_192, %gather3A, %gather3A_350] : memref<5x64x256xf32, #tpu.memory_space<vmem>> -> memref<1x64x256xf32, #tpu.memory_space<vmem>>
        %gather3A_352 = tpu.memref_squeeze %gather3A_351 : memref<1x64x256xf32, #tpu.memory_space<vmem>> -> memref<64x256xf32, #tpu.memory_space<vmem>>
        %gather3A_353 = tpu.vector_load_idx %gather3A_352[%add3A_349, %broadcast_in_dim3A_346] : memref<64x256xf32, #tpu.memory_space<vmem>>[vector<16xi32>, vector<16xi32>], vector<16xf32>,
        %mul3A_354 = arith.constant 64 : i32
        %mul3A_355 = arith.muli %while3A_340, %mul3A_354 : i32
        %add3A_356 = arith.constant 0 : i32
        %add3A_357 = arith.addi %mul3A_355, %add3A_356 : i32
        %swap3A_358 = arith.index_cast %add3A_357 : i32 to index
        %swap3A_359 = tpu.vector_load %arg8[%swap3A_358] {strides = array<i32>} : memref<32768xf32, #tpu.memory_space<vmem>>, vector<16xf32>,
        tpu.vector_store %arg8[%swap3A_358], %gather3A_353 {strides = array<i32>} : memref<32768xf32, #tpu.memory_space<vmem>>, vector<16xf32>,
        %add3A_360 = arith.constant 16 : i32
        %add3A_361 = vector.broadcast %add3A_360 : i32 to vector<16xi32>
        %add3A_362 = arith.addi %iota3A, %add3A_361 : vector<16xi32>
        %gather3A_363 = arith.constant 0 : i32
        %gather3A_364 = arith.constant 0 : i32
        %gather3A_365 = tpu.memref_slice %arg7[%rem3A_192, %gather3A_363, %gather3A_364] : memref<5x64x256xf32, #tpu.memory_space<vmem>> -> memref<1x64x256xf32, #tpu.memory_space<vmem>>
        %gather3A_366 = tpu.memref_squeeze %gather3A_365 : memref<1x64x256xf32, #tpu.memory_space<vmem>> -> memref<64x256xf32, #tpu.memory_space<vmem>>
        %gather3A_367 = tpu.vector_load_idx %gather3A_366[%add3A_362, %broadcast_in_dim3A_346] : memref<64x256xf32, #tpu.memory_space<vmem>>[vector<16xi32>, vector<16xi32>], vector<16xf32>,
        %mul3A_368 = arith.constant 64 : i32
        %mul3A_369 = arith.muli %while3A_340, %mul3A_368 : i32
        %add3A_370 = arith.constant 16 : i32
        %add3A_371 = arith.addi %mul3A_369, %add3A_370 : i32
        %swap3A_372 = arith.index_cast %add3A_371 : i32 to index
        %swap3A_373 = tpu.vector_load %arg8[%swap3A_372] {strides = array<i32>} : memref<32768xf32, #tpu.memory_space<vmem>>, vector<16xf32>,
        tpu.vector_store %arg8[%swap3A_372], %gather3A_367 {strides = array<i32>} : memref<32768xf32, #tpu.memory_space<vmem>>, vector<16xf32>,
        %add3A_374 = arith.constant 32 : i32
        %add3A_375 = vector.broadcast %add3A_374 : i32 to vector<16xi32>
        %add3A_376 = arith.addi %iota3A, %add3A_375 : vector<16xi32>
        %gather3A_377 = arith.constant 0 : i32
        %gather3A_378 = arith.constant 0 : i32
        %gather3A_379 = tpu.memref_slice %arg7[%rem3A_192, %gather3A_377, %gather3A_378] : memref<5x64x256xf32, #tpu.memory_space<vmem>> -> memref<1x64x256xf32, #tpu.memory_space<vmem>>
        %gather3A_380 = tpu.memref_squeeze %gather3A_379 : memref<1x64x256xf32, #tpu.memory_space<vmem>> -> memref<64x256xf32, #tpu.memory_space<vmem>>
        %gather3A_381 = tpu.vector_load_idx %gather3A_380[%add3A_376, %broadcast_in_dim3A_346] : memref<64x256xf32, #tpu.memory_space<vmem>>[vector<16xi32>, vector<16xi32>], vector<16xf32>,
        %mul3A_382 = arith.constant 64 : i32
        %mul3A_383 = arith.muli %while3A_340, %mul3A_382 : i32
        %add3A_384 = arith.constant 32 : i32
        %add3A_385 = arith.addi %mul3A_383, %add3A_384 : i32
        %swap3A_386 = arith.index_cast %add3A_385 : i32 to index
        %swap3A_387 = tpu.vector_load %arg8[%swap3A_386] {strides = array<i32>} : memref<32768xf32, #tpu.memory_space<vmem>>, vector<16xf32>,
        tpu.vector_store %arg8[%swap3A_386], %gather3A_381 {strides = array<i32>} : memref<32768xf32, #tpu.memory_space<vmem>>, vector<16xf32>,
        %add3A_388 = arith.constant 48 : i32
        %add3A_389 = vector.broadcast %add3A_388 : i32 to vector<16xi32>
        %add3A_390 = arith.addi %iota3A, %add3A_389 : vector<16xi32>
        %gather3A_391 = arith.constant 0 : i32
        %gather3A_392 = arith.constant 0 : i32
        %gather3A_393 = tpu.memref_slice %arg7[%rem3A_192, %gather3A_391, %gather3A_392] : memref<5x64x256xf32, #tpu.memory_space<vmem>> -> memref<1x64x256xf32, #tpu.memory_space<vmem>>
        %gather3A_394 = tpu.memref_squeeze %gather3A_393 : memref<1x64x256xf32, #tpu.memory_space<vmem>> -> memref<64x256xf32, #tpu.memory_space<vmem>>
        %gather3A_395 = tpu.vector_load_idx %gather3A_394[%add3A_390, %broadcast_in_dim3A_346] : memref<64x256xf32, #tpu.memory_space<vmem>>[vector<16xi32>, vector<16xi32>], vector<16xf32>,
        %mul3A_396 = arith.constant 64 : i32
        %mul3A_397 = arith.muli %while3A_340, %mul3A_396 : i32
        %add3A_398 = arith.constant 48 : i32
        %add3A_399 = arith.addi %mul3A_397, %add3A_398 : i32
        %swap3A_400 = arith.index_cast %add3A_399 : i32 to index
        %swap3A_401 = tpu.vector_load %arg8[%swap3A_400] {strides = array<i32>} : memref<32768xf32, #tpu.memory_space<vmem>>, vector<16xf32>,
        tpu.vector_store %arg8[%swap3A_400], %gather3A_395 {strides = array<i32>} : memref<32768xf32, #tpu.memory_space<vmem>>, vector<16xf32>,
      }
    }
    %scan3A_73 = arith.constant 0 : i32
    %scan3A_74 = arith.constant 0 : i32
    %scan3A_75 = arith.constant 4 : i32
    %scan3A_76 = arith.addi %scan3A_74, %scan3A_75 : i32
    %scan3A_77 = arith.constant 1 : i32
    scf.for %scan3A_190 = %scan3A_74 to %scan3A_76 step %scan3A_77  : i32 {
      %add3A_191 = arith.addi %scan3A_31#0, %scan3A_190 : i32
      %rem3A_192 = arith.constant 5 : i32
      %rem3A_193 = arith.remsi %add3A_191, %rem3A_192 : i32
      %mul3A_194 = arith.constant 0 : i32
      %mul3A_195 = arith.constant 256 : i32
      %mul3A_196 = arith.muli %mul3A_194, %mul3A_195 : i32
      %min3A = arith.constant 999808 : i32
      %min3A_197 = arith.minsi %mul3A_196, %min3A : i32
      %multiple_of3A = tpu.assume_multiple %min3A_197, 128 : i32
      %dma_wait3A_198 = arith.constant 0 : i32
      %dma_wait3A_199 = arith.constant 0 : i32
      %dma_wait3A_200 = tpu.memref_slice %arg7[%rem3A_193, %dma_wait3A_198, %dma_wait3A_199] : memref<5x64x256xf32, #tpu.memory_space<vmem>> -> memref<1x64x256xf32, #tpu.memory_space<vmem>>
      %dma_wait3A_201 = tpu.memref_squeeze %dma_wait3A_200 : memref<1x64x256xf32, #tpu.memory_space<vmem>> -> memref<64x256xf32, #tpu.memory_space<vmem>>
      %dma_wait3A_202 = arith.constant 0 : i32
      %dma_wait3A_203 = tpu.memref_slice %arg3[%dma_wait3A_202, %multiple_of3A] : memref<64x1000000xf32, #tpu.memory_space<hbm>> -> memref<64x256xf32, #tpu.memory_space<hbm>>
      %dma_wait3A_204 = tpu.memref_slice %arg9[%rem3A_193] : memref<5x!tpu.dma_semaphore, #tpu.memory_space<semaphore_mem>> -> memref<1x!tpu.dma_semaphore, #tpu.memory_space<semaphore_mem>>
      %dma_wait3A_205 = tpu.memref_squeeze %dma_wait3A_204 : memref<1x!tpu.dma_semaphore, #tpu.memory_space<semaphore_mem>> -> memref<!tpu.dma_semaphore, #tpu.memory_space<semaphore_mem>>
      %dma_wait3A_206 = arith.constant 0 : i32
      %dma_wait3A_207 = arith.constant 0 : i32
      %dma_wait3A_208 = tpu.memref_slice %arg7[%rem3A_193, %dma_wait3A_206, %dma_wait3A_207] : memref<5x64x256xf32, #tpu.memory_space<vmem>> -> memref<1x64x256xf32, #tpu.memory_space<vmem>>
      %dma_wait3A_209 = tpu.memref_squeeze %dma_wait3A_208 : memref<1x64x256xf32, #tpu.memory_space<vmem>> -> memref<64x256xf32, #tpu.memory_space<vmem>>
      %dma_wait3A_210 = arith.constant 0 : i32
      %dma_wait3A_211 = tpu.memref_slice %arg3[%dma_wait3A_210, %multiple_of3A] : memref<64x1000000xf32, #tpu.memory_space<hbm>> -> memref<64x256xf32, #tpu.memory_space<hbm>>
      tpu.wait_dma2 semaphore(%dma_wait3A_205 : memref<!tpu.dma_semaphore, #tpu.memory_space<semaphore_mem>>) src(%dma_wait3A_211 : memref<64x256xf32, #tpu.memory_space<hbm>>) dst(%dma_wait3A_209 : memref<64x256xf32, #tpu.memory_space<vmem>>)
    }
    %scan3A_78 = arith.constant 4 : i32
    %add3A_79 = arith.constant 0 : i32
    %add3A_80 = arith.addi %mul3A_2, %add3A_79 : i32
    %mul3A_81 = arith.constant 64 : i32
    %mul3A_82 = arith.muli %add3A_80, %mul3A_81 : i32
    %dma_start3A = tpu.memref_slice %arg4[%mul3A_82] : memref<2097152xf32, #tpu.memory_space<hbm>> -> memref<32768xf32, #tpu.memory_space<hbm>>
    %dma_start3A_83 = tpu.memref_slice %arg4[%mul3A_82] : memref<2097152xf32, #tpu.memory_space<hbm>> -> memref<32768xf32, #tpu.memory_space<hbm>>
    tpu.enqueue_dma source(%arg8 : memref<32768xf32, #tpu.memory_space<vmem>>) target(%dma_start3A_83 : memref<32768xf32, #tpu.memory_space<hbm>>) target_semaphore(%arg10 : memref<!tpu.dma_semaphore, #tpu.memory_space<semaphore_mem>>)
    %add3A_84 = arith.constant 512 : i32
    %add3A_85 = arith.addi %mul3A_2, %add3A_84 : i32
    "tpu.region"() ({
      %run_scoped3A = tpu.sem_alloc : memref<!tpu.dma_semaphore, #tpu.memory_space<semaphore_mem>>
      %dma_start3A_190 = arith.constant 0 : i32
      %dma_start3A_191 = tpu.memref_slice %arg5[%dma_start3A_190] : memref<528xi32, #tpu.memory_space<vmem>> -> memref<512xi32, #tpu.memory_space<vmem>>
      %dma_start3A_192 = tpu.memref_slice %arg2[%add3A_85] : memref<32768xi32, #tpu.memory_space<hbm>> -> memref<512xi32, #tpu.memory_space<hbm>>
      %dma_start3A_193 = arith.constant 0 : i32
      %dma_start3A_194 = tpu.memref_slice %arg5[%dma_start3A_193] : memref<528xi32, #tpu.memory_space<vmem>> -> memref<512xi32, #tpu.memory_space<vmem>>
      %dma_start3A_195 = tpu.memref_slice %arg2[%add3A_85] : memref<32768xi32, #tpu.memory_space<hbm>> -> memref<512xi32, #tpu.memory_space<hbm>>
      tpu.enqueue_dma source(%dma_start3A_195 : memref<512xi32, #tpu.memory_space<hbm>>) target(%dma_start3A_194 : memref<512xi32, #tpu.memory_space<vmem>>) target_semaphore(%run_scoped3A : memref<!tpu.dma_semaphore, #tpu.memory_space<semaphore_mem>>)
      %dma_wait3A_196 = arith.constant 0 : i32
      %dma_wait3A_197 = tpu.memref_slice %arg5[%dma_wait3A_196] : memref<528xi32, #tpu.memory_space<vmem>> -> memref<512xi32, #tpu.memory_space<vmem>>
      %dma_wait3A_198 = tpu.memref_slice %arg2[%add3A_85] : memref<32768xi32, #tpu.memory_space<hbm>> -> memref<512xi32, #tpu.memory_space<hbm>>
      %dma_wait3A_199 = arith.constant 0 : i32
      %dma_wait3A_200 = tpu.memref_slice %arg5[%dma_wait3A_199] : memref<528xi32, #tpu.memory_space<vmem>> -> memref<512xi32, #tpu.memory_space<vmem>>
      %dma_wait3A_201 = tpu.memref_slice %arg2[%add3A_85] : memref<32768xi32, #tpu.memory_space<hbm>> -> memref<512xi32, #tpu.memory_space<hbm>>
      tpu.wait_dma2 semaphore(%run_scoped3A : memref<!tpu.dma_semaphore, #tpu.memory_space<semaphore_mem>>) src(%dma_wait3A_201 : memref<512xi32, #tpu.memory_space<hbm>>) dst(%dma_wait3A_200 : memref<512xi32, #tpu.memory_space<vmem>>)
      tpu.yield
    }) : () -> ()
    %broadcast_in_dim3A_86 = arith.constant 2000000 : i32
    %broadcast_in_dim3A_87 = vector.broadcast %broadcast_in_dim3A_86 : i32 to vector<16xi32>
    %swap3A_88 = arith.constant 512 : index
    %swap3A_89 = tpu.vector_load %arg5[%swap3A_88] {strides = array<i32>} : memref<528xi32, #tpu.memory_space<vmem>>, vector<16xi32>,
    tpu.vector_store %arg5[%swap3A_88], %broadcast_in_dim3A_87 {strides = array<i32>} : memref<528xi32, #tpu.memory_space<vmem>>, vector<16xi32>,
    %get3A_90 = arith.constant 0 : index
    %get3A_91 = tpu.vector_load %arg5[%get3A_90] {strides = array<i32>} : memref<528xi32, #tpu.memory_space<vmem>>, vector<16xi32>,
    %slice3A_92 = vector.extract_strided_slice %get3A_91 {offsets = [0], sizes = [1], strides = [1]} : vector<16xi32> to vector<1xi32>
    %squeeze3A_93 = vector.extract %slice3A_92[0] : i32 from vector<1xi32>
    %jit3A_94 = arith.constant 256 : i32
    %div3A_95 = arith.divsi %squeeze3A_93, %jit3A_94 : i32
    %sign3A_96 = arith.constant 0 : i32
    %sign3A_97 = arith.cmpi sgt, %squeeze3A_93, %sign3A_96 : i32
    %sign3A_98 = arith.extui %sign3A_97 : i1 to i32
    %sign3A_99 = arith.constant 0 : i32
    %sign3A_100 = arith.cmpi slt, %squeeze3A_93, %sign3A_99 : i32
    %sign3A_101 = arith.extui %sign3A_100 : i1 to i32
    %sign3A_102 = arith.subi %sign3A_98, %sign3A_101 : i32
    %sign3A_103 = arith.constant 0 : i32
    %sign3A_104 = arith.cmpi sgt, %jit3A_94, %sign3A_103 : i32
    %sign3A_105 = arith.extui %sign3A_104 : i1 to i32
    %sign3A_106 = arith.constant 0 : i32
    %sign3A_107 = arith.cmpi slt, %jit3A_94, %sign3A_106 : i32
    %sign3A_108 = arith.extui %sign3A_107 : i1 to i32
    %sign3A_109 = arith.subi %sign3A_105, %sign3A_108 : i32
    %ne3A_110 = arith.cmpi ne, %sign3A_102, %sign3A_109 : i32
    %rem3A_111 = arith.remsi %squeeze3A_93, %jit3A_94 : i32
    %ne3A_112 = arith.constant 0 : i32
    %ne3A_113 = arith.cmpi ne, %rem3A_111, %ne3A_112 : i32
    %and3A_114 = arith.andi %ne3A_110, %ne3A_113 : i1
    %sub3A_115 = arith.constant 1 : i32
    %sub3A_116 = arith.subi %div3A_95, %sub3A_115 : i32
    %select_n3A_117 = arith.select %and3A_114, %sub3A_116, %div3A_95 : i32
    %scan3A_118 = arith.constant 0 : i32
    %scan3A_119 = arith.constant 0 : i32
    %scan3A_120 = arith.constant 0 : i32
    %scan3A_121 = arith.constant 512 : i32
    %scan3A_122 = arith.addi %scan3A_120, %scan3A_121 : i32
    %scan3A_123 = arith.constant 1 : i32
    %scan3A_124:3 = scf.for %scan3A_190 = %scan3A_120 to %scan3A_122 step %scan3A_123 iter_args(%scan3A_191 = %scan3A_118, %scan3A_192 = %scan3A_119, %scan3A_193 = %select_n3A_117) -> (i32, i32, i32)  : i32 {
      %add3A_194 = arith.constant 1 : i32
      %add3A_195 = arith.addi %scan3A_190, %add3A_194 : i32
      %get3A_196 = arith.index_cast %add3A_195 : i32 to index
      %get3A_197 = tpu.vector_load %arg5[%get3A_196] {strides = array<i32>} : memref<528xi32, #tpu.memory_space<vmem>>, vector<16xi32>,
      %slice3A_198 = vector.extract_strided_slice %get3A_197 {offsets = [0], sizes = [1], strides = [1]} : vector<16xi32> to vector<1xi32>
      %squeeze3A_199 = vector.extract %slice3A_198[0] : i32 from vector<1xi32>
      %jit3A_200 = arith.constant 256 : i32
      %div3A_201 = arith.divsi %squeeze3A_199, %jit3A_200 : i32
      %sign3A_202 = arith.constant 0 : i32
      %sign3A_203 = arith.cmpi sgt, %squeeze3A_199, %sign3A_202 : i32
      %sign3A_204 = arith.extui %sign3A_203 : i1 to i32
      %sign3A_205 = arith.constant 0 : i32
      %sign3A_206 = arith.cmpi slt, %squeeze3A_199, %sign3A_205 : i32
      %sign3A_207 = arith.extui %sign3A_206 : i1 to i32
      %sign3A_208 = arith.subi %sign3A_204, %sign3A_207 : i32
      %sign3A_209 = arith.constant 0 : i32
      %sign3A_210 = arith.cmpi sgt, %jit3A_200, %sign3A_209 : i32
      %sign3A_211 = arith.extui %sign3A_210 : i1 to i32
      %sign3A_212 = arith.constant 0 : i32
      %sign3A_213 = arith.cmpi slt, %jit3A_200, %sign3A_212 : i32
      %sign3A_214 = arith.extui %sign3A_213 : i1 to i32
      %sign3A_215 = arith.subi %sign3A_211, %sign3A_214 : i32
      %ne3A_216 = arith.cmpi ne, %sign3A_208, %sign3A_215 : i32
      %rem3A_217 = arith.remsi %squeeze3A_199, %jit3A_200 : i32
      %ne3A_218 = arith.constant 0 : i32
      %ne3A_219 = arith.cmpi ne, %rem3A_217, %ne3A_218 : i32
      %and3A_220 = arith.andi %ne3A_216, %ne3A_219 : i1
      %sub3A_221 = arith.constant 1 : i32
      %sub3A_222 = arith.subi %div3A_201, %sub3A_221 : i32
      %select_n3A_223 = arith.select %and3A_220, %sub3A_222, %div3A_201 : i32
      %mul3A_224 = arith.constant 2048 : i32
      %mul3A_225 = arith.muli %scan3A_193, %mul3A_224 : i32
      %add3A_226 = arith.addi %mul3A_225, %scan3A_192 : i32
      %broadcast_in_dim3A_227 = vector.broadcast %scan3A_191 : i32 to vector<16xi32>
      %broadcast_in_dim3A_228 = vector.broadcast %add3A_226 : i32 to vector<16xi32>
      tpu.vector_store_idx %arg6[%broadcast_in_dim3A_227], %broadcast_in_dim3A_228 masked %eq3A_4 : memref<544xi32, #tpu.memory_space<vmem>>[vector<16xi32>], vector<16xi32>, vector<16xi1>
      %ne3A_229 = arith.cmpi ne, %select_n3A_223, %scan3A_193 : i32
      %convert_element_type3A = arith.extui %ne3A_229 : i1 to i32
      %add3A_230 = arith.addi %scan3A_191, %convert_element_type3A : i32
      %add3A_231 = arith.constant 1 : i32
      %add3A_232 = arith.addi %scan3A_190, %add3A_231 : i32
      %mul3A_233 = arith.muli %convert_element_type3A, %add3A_232 : i32
      %sub3A_234 = arith.constant 1 : i32
      %sub3A_235 = arith.subi %sub3A_234, %convert_element_type3A : i32
      %mul3A_236 = arith.muli %sub3A_235, %scan3A_192 : i32
      %add3A_237 = arith.addi %mul3A_233, %mul3A_236 : i32
      scf.yield %add3A_230, %add3A_237, %select_n3A_223 : i32, i32, i32
    }
    %scan3A_125 = arith.constant 512 : i32
    %add3A_126 = arith.constant 0 : i32
    %add3A_127 = arith.addi %scan3A_124#0, %add3A_126 : i32
    %broadcast_in_dim3A_128 = vector.broadcast %add3A_127 : i32 to vector<16xi32>
    %broadcast_in_dim3A_129 = arith.constant 512 : i32
    %broadcast_in_dim3A_130 = vector.broadcast %broadcast_in_dim3A_129 : i32 to vector<16xi32>
    tpu.vector_store_idx %arg6[%broadcast_in_dim3A_128], %broadcast_in_dim3A_130 masked %eq3A_4 : memref<544xi32, #tpu.memory_space<vmem>>[vector<16xi32>], vector<16xi32>, vector<16xi1>
    %add3A_131 = arith.constant 1 : i32
    %add3A_132 = arith.addi %scan3A_124#0, %add3A_131 : i32
    %broadcast_in_dim3A_133 = vector.broadcast %add3A_132 : i32 to vector<16xi32>
    %broadcast_in_dim3A_134 = arith.constant 512 : i32
    %broadcast_in_dim3A_135 = vector.broadcast %broadcast_in_dim3A_134 : i32 to vector<16xi32>
    tpu.vector_store_idx %arg6[%broadcast_in_dim3A_133], %broadcast_in_dim3A_135 masked %eq3A_4 : memref<544xi32, #tpu.memory_space<vmem>>[vector<16xi32>], vector<16xi32>, vector<16xi1>
    %add3A_136 = arith.constant 2 : i32
    %add3A_137 = arith.addi %scan3A_124#0, %add3A_136 : i32
    %broadcast_in_dim3A_138 = vector.broadcast %add3A_137 : i32 to vector<16xi32>
    %broadcast_in_dim3A_139 = arith.constant 512 : i32
    %broadcast_in_dim3A_140 = vector.broadcast %broadcast_in_dim3A_139 : i32 to vector<16xi32>
    tpu.vector_store_idx %arg6[%broadcast_in_dim3A_138], %broadcast_in_dim3A_140 masked %eq3A_4 : memref<544xi32, #tpu.memory_space<vmem>>[vector<16xi32>], vector<16xi32>, vector<16xi1>
    %add3A_141 = arith.constant 3 : i32
    %add3A_142 = arith.addi %scan3A_124#0, %add3A_141 : i32
    %broadcast_in_dim3A_143 = vector.broadcast %add3A_142 : i32 to vector<16xi32>
    %broadcast_in_dim3A_144 = arith.constant 512 : i32
    %broadcast_in_dim3A_145 = vector.broadcast %broadcast_in_dim3A_144 : i32 to vector<16xi32>
    tpu.vector_store_idx %arg6[%broadcast_in_dim3A_143], %broadcast_in_dim3A_145 masked %eq3A_4 : memref<544xi32, #tpu.memory_space<vmem>>[vector<16xi32>], vector<16xi32>, vector<16xi1>
    %add3A_146 = arith.constant 4 : i32
    %add3A_147 = arith.addi %scan3A_124#0, %add3A_146 : i32
    %broadcast_in_dim3A_148 = vector.broadcast %add3A_147 : i32 to vector<16xi32>
    %broadcast_in_dim3A_149 = arith.constant 512 : i32
    %broadcast_in_dim3A_150 = vector.broadcast %broadcast_in_dim3A_149 : i32 to vector<16xi32>
    tpu.vector_store_idx %arg6[%broadcast_in_dim3A_148], %broadcast_in_dim3A_150 masked %eq3A_4 : memref<544xi32, #tpu.memory_space<vmem>>[vector<16xi32>], vector<16xi32>, vector<16xi1>
    %add3A_151 = arith.constant 0 : i32
    %add3A_152 = arith.addi %mul3A_2, %add3A_151 : i32
    %mul3A_153 = arith.constant 64 : i32
    %mul3A_154 = arith.muli %add3A_152, %mul3A_153 : i32
    %dma_wait3A = tpu.memref_slice %arg4[%mul3A_154] : memref<2097152xf32, #tpu.memory_space<hbm>> -> memref<32768xf32, #tpu.memory_space<hbm>>
    %dma_wait3A_155 = tpu.memref_slice %arg4[%mul3A_154] : memref<2097152xf32, #tpu.memory_space<hbm>> -> memref<32768xf32, #tpu.memory_space<hbm>>
    tpu.wait_dma2 semaphore(%arg10 : memref<!tpu.dma_semaphore, #tpu.memory_space<semaphore_mem>>) src(%arg8 : memref<32768xf32, #tpu.memory_space<vmem>>) dst(%dma_wait3A_155 : memref<32768xf32, #tpu.memory_space<hbm>>)
    %scan3A_156 = arith.constant 0 : i32
    %scan3A_157 = arith.constant 0 : i32
    %scan3A_158 = arith.constant 4 : i32
    %scan3A_159 = arith.addi %scan3A_157, %scan3A_158 : i32
    %scan3A_160 = arith.constant 1 : i32
    scf.for %scan3A_190 = %scan3A_157 to %scan3A_159 step %scan3A_160  : i32 {
      %get3A_191 = arith.index_cast %scan3A_190 : i32 to index
      %get3A_192 = tpu.vector_load %arg6[%get3A_191] {strides = array<i32>} : memref<544xi32, #tpu.memory_space<vmem>>, vector<16xi32>,
      %slice3A_193 = vector.extract_strided_slice %get3A_192 {offsets = [0], sizes = [1], strides = [1]} : vector<16xi32> to vector<1xi32>
      %squeeze3A_194 = vector.extract %slice3A_193[0] : i32 from vector<1xi32>
      %jit3A_195 = arith.constant 2048 : i32
      %div3A_196 = arith.divsi %squeeze3A_194, %jit3A_195 : i32
      %sign3A_197 = arith.constant 0 : i32
      %sign3A_198 = arith.cmpi sgt, %squeeze3A_194, %sign3A_197 : i32
      %sign3A_199 = arith.extui %sign3A_198 : i1 to i32
      %sign3A_200 = arith.constant 0 : i32
      %sign3A_201 = arith.cmpi slt, %squeeze3A_194, %sign3A_200 : i32
      %sign3A_202 = arith.extui %sign3A_201 : i1 to i32
      %sign3A_203 = arith.subi %sign3A_199, %sign3A_202 : i32
      %sign3A_204 = arith.constant 0 : i32
      %sign3A_205 = arith.cmpi sgt, %jit3A_195, %sign3A_204 : i32
      %sign3A_206 = arith.extui %sign3A_205 : i1 to i32
      %sign3A_207 = arith.constant 0 : i32
      %sign3A_208 = arith.cmpi slt, %jit3A_195, %sign3A_207 : i32
      %sign3A_209 = arith.extui %sign3A_208 : i1 to i32
      %sign3A_210 = arith.subi %sign3A_206, %sign3A_209 : i32
      %ne3A_211 = arith.cmpi ne, %sign3A_203, %sign3A_210 : i32
      %rem3A_212 = arith.remsi %squeeze3A_194, %jit3A_195 : i32
      %ne3A_213 = arith.constant 0 : i32
      %ne3A_214 = arith.cmpi ne, %rem3A_212, %ne3A_213 : i32
      %and3A_215 = arith.andi %ne3A_211, %ne3A_214 : i1
      %sub3A_216 = arith.constant 1 : i32
      %sub3A_217 = arith.subi %div3A_196, %sub3A_216 : i32
      %select_n3A_218 = arith.select %and3A_215, %sub3A_217, %div3A_196 : i32
      %mul3A_219 = arith.constant 256 : i32
      %mul3A_220 = arith.muli %select_n3A_218, %mul3A_219 : i32
      %min3A = arith.constant 999808 : i32
      %min3A_221 = arith.minsi %mul3A_220, %min3A : i32
      %multiple_of3A = tpu.assume_multiple %min3A_221, 128 : i32
      %dma_start3A_222 = arith.constant 0 : i32
      %dma_start3A_223 = arith.constant 0 : i32
      %dma_start3A_224 = tpu.memref_slice %arg7[%scan3A_190, %dma_start3A_222, %dma_start3A_223] : memref<5x64x256xf32, #tpu.memory_space<vmem>> -> memref<1x64x256xf32, #tpu.memory_space<vmem>>
      %dma_start3A_225 = tpu.memref_squeeze %dma_start3A_224 : memref<1x64x256xf32, #tpu.memory_space<vmem>> -> memref<64x256xf32, #tpu.memory_space<vmem>>
      %dma_start3A_226 = arith.constant 0 : i32
      %dma_start3A_227 = tpu.memref_slice %arg3[%dma_start3A_226, %multiple_of3A] : memref<64x1000000xf32, #tpu.memory_space<hbm>> -> memref<64x256xf32, #tpu.memory_space<hbm>>
      %dma_start3A_228 = tpu.memref_slice %arg9[%scan3A_190] : memref<5x!tpu.dma_semaphore, #tpu.memory_space<semaphore_mem>> -> memref<1x!tpu.dma_semaphore, #tpu.memory_space<semaphore_mem>>
      %dma_start3A_229 = tpu.memref_squeeze %dma_start3A_228 : memref<1x!tpu.dma_semaphore, #tpu.memory_space<semaphore_mem>> -> memref<!tpu.dma_semaphore, #tpu.memory_space<semaphore_mem>>
      %dma_start3A_230 = arith.constant 0 : i32
      %dma_start3A_231 = arith.constant 0 : i32
      %dma_start3A_232 = tpu.memref_slice %arg7[%scan3A_190, %dma_start3A_230, %dma_start3A_231] : memref<5x64x256xf32, #tpu.memory_space<vmem>> -> memref<1x64x256xf32, #tpu.memory_space<vmem>>
      %dma_start3A_233 = tpu.memref_squeeze %dma_start3A_232 : memref<1x64x256xf32, #tpu.memory_space<vmem>> -> memref<64x256xf32, #tpu.memory_space<vmem>>
      %dma_start3A_234 = arith.constant 0 : i32
      %dma_start3A_235 = tpu.memref_slice %arg3[%dma_start3A_234, %multiple_of3A] : memref<64x1000000xf32, #tpu.memory_space<hbm>> -> memref<64x256xf32, #tpu.memory_space<hbm>>
      tpu.enqueue_dma source(%dma_start3A_235 : memref<64x256xf32, #tpu.memory_space<hbm>>) target(%dma_start3A_233 : memref<64x256xf32, #tpu.memory_space<vmem>>) target_semaphore(%dma_start3A_229 : memref<!tpu.dma_semaphore, #tpu.memory_space<semaphore_mem>>)
    }
    %scan3A_161 = arith.constant 4 : i32
    %while3A_162 = arith.constant 0 : i32
    %while3A_163 = arith.constant 0 : i32
    %while3A_164 = arith.subi %scan3A_124#0, %while3A_163 : i32
    %while3A_165 = arith.addi %while3A_163, %while3A_164 : i32
    %while3A_166 = arith.constant 1 : i32
    %while3A_167 = arith.divsi %while3A_164, %while3A_166 : i32
    %while3A_168 = arith.muli %while3A_167, %while3A_166 : i32
    %while3A_169 = arith.addi %while3A_163, %while3A_168 : i32
    %while3A_170 = arith.constant 1 : i32
    scf.for %while3A_190 = %while3A_163 to %while3A_169 step %while3A_170  : i32 {
      %rem3A_191 = arith.constant 5 : i32
      %rem3A_192 = arith.remsi %while3A_190, %rem3A_191 : i32
      %get3A_193 = arith.index_cast %while3A_190 : i32 to index
      %get3A_194 = tpu.vector_load %arg6[%get3A_193] {strides = array<i32>} : memref<544xi32, #tpu.memory_space<vmem>>, vector<16xi32>,
      %slice3A_195 = vector.extract_strided_slice %get3A_194 {offsets = [0], sizes = [1], strides = [1]} : vector<16xi32> to vector<1xi32>
      %squeeze3A_196 = vector.extract %slice3A_195[0] : i32 from vector<1xi32>
      %slice3A_197 = vector.extract_strided_slice %get3A_194 {offsets = [1], sizes = [1], strides = [1]} : vector<16xi32> to vector<1xi32>
      %squeeze3A_198 = vector.extract %slice3A_197[0] : i32 from vector<1xi32>
      %jit3A_199 = arith.constant 2048 : i32
      %div3A_200 = arith.divsi %squeeze3A_196, %jit3A_199 : i32
      %sign3A_201 = arith.constant 0 : i32
      %sign3A_202 = arith.cmpi sgt, %squeeze3A_196, %sign3A_201 : i32
      %sign3A_203 = arith.extui %sign3A_202 : i1 to i32
      %sign3A_204 = arith.constant 0 : i32
      %sign3A_205 = arith.cmpi slt, %squeeze3A_196, %sign3A_204 : i32
      %sign3A_206 = arith.extui %sign3A_205 : i1 to i32
      %sign3A_207 = arith.subi %sign3A_203, %sign3A_206 : i32
      %sign3A_208 = arith.constant 0 : i32
      %sign3A_209 = arith.cmpi sgt, %jit3A_199, %sign3A_208 : i32
      %sign3A_210 = arith.extui %sign3A_209 : i1 to i32
      %sign3A_211 = arith.constant 0 : i32
      %sign3A_212 = arith.cmpi slt, %jit3A_199, %sign3A_211 : i32
      %sign3A_213 = arith.extui %sign3A_212 : i1 to i32
      %sign3A_214 = arith.subi %sign3A_210, %sign3A_213 : i32
      %ne3A_215 = arith.cmpi ne, %sign3A_207, %sign3A_214 : i32
      %rem3A_216 = arith.remsi %squeeze3A_196, %jit3A_199 : i32
      %ne3A_217 = arith.constant 0 : i32
      %ne3A_218 = arith.cmpi ne, %rem3A_216, %ne3A_217 : i32
      %and3A_219 = arith.andi %ne3A_215, %ne3A_218 : i1
      %sub3A_220 = arith.constant 1 : i32
      %sub3A_221 = arith.subi %div3A_200, %sub3A_220 : i32
      %select_n3A_222 = arith.select %and3A_219, %sub3A_221, %div3A_200 : i32
      %mul3A_223 = arith.constant 2048 : i32
      %mul3A_224 = arith.muli %select_n3A_222, %mul3A_223 : i32
      %sub3A_225 = arith.subi %squeeze3A_196, %mul3A_224 : i32
      %jit3A_226 = arith.constant 2048 : i32
      %div3A_227 = arith.divsi %squeeze3A_198, %jit3A_226 : i32
      %sign3A_228 = arith.constant 0 : i32
      %sign3A_229 = arith.cmpi sgt, %squeeze3A_198, %sign3A_228 : i32
      %sign3A_230 = arith.extui %sign3A_229 : i1 to i32
      %sign3A_231 = arith.constant 0 : i32
      %sign3A_232 = arith.cmpi slt, %squeeze3A_198, %sign3A_231 : i32
      %sign3A_233 = arith.extui %sign3A_232 : i1 to i32
      %sign3A_234 = arith.subi %sign3A_230, %sign3A_233 : i32
      %sign3A_235 = arith.constant 0 : i32
      %sign3A_236 = arith.cmpi sgt, %jit3A_226, %sign3A_235 : i32
      %sign3A_237 = arith.extui %sign3A_236 : i1 to i32
      %sign3A_238 = arith.constant 0 : i32
      %sign3A_239 = arith.cmpi slt, %jit3A_226, %sign3A_238 : i32
      %sign3A_240 = arith.extui %sign3A_239 : i1 to i32
      %sign3A_241 = arith.subi %sign3A_237, %sign3A_240 : i32
      %ne3A_242 = arith.cmpi ne, %sign3A_234, %sign3A_241 : i32
      %rem3A_243 = arith.remsi %squeeze3A_198, %jit3A_226 : i32
      %ne3A_244 = arith.constant 0 : i32
      %ne3A_245 = arith.cmpi ne, %rem3A_243, %ne3A_244 : i32
      %and3A_246 = arith.andi %ne3A_242, %ne3A_245 : i1
      %sub3A_247 = arith.constant 1 : i32
      %sub3A_248 = arith.subi %div3A_227, %sub3A_247 : i32
      %select_n3A_249 = arith.select %and3A_246, %sub3A_248, %div3A_227 : i32
      %mul3A_250 = arith.constant 2048 : i32
      %mul3A_251 = arith.muli %select_n3A_249, %mul3A_250 : i32
      %sub3A_252 = arith.subi %squeeze3A_198, %mul3A_251 : i32
      %add3A_253 = arith.constant 5 : i32
      %add3A_254 = arith.addi %while3A_190, %add3A_253 : i32
      %sub3A_255 = arith.constant 1 : i32
      %sub3A_256 = arith.subi %add3A_254, %sub3A_255 : i32
      %rem3A_257 = arith.constant 5 : i32
      %rem3A_258 = arith.remsi %sub3A_256, %rem3A_257 : i32
      %add3A_259 = arith.constant 5 : i32
      %add3A_260 = arith.addi %while3A_190, %add3A_259 : i32
      %sub3A_261 = arith.constant 1 : i32
      %sub3A_262 = arith.subi %add3A_260, %sub3A_261 : i32
      %get3A_263 = arith.index_cast %sub3A_262 : i32 to index
      %get3A_264 = tpu.vector_load %arg6[%get3A_263] {strides = array<i32>} : memref<544xi32, #tpu.memory_space<vmem>>, vector<16xi32>,
      %slice3A_265 = vector.extract_strided_slice %get3A_264 {offsets = [0], sizes = [1], strides = [1]} : vector<16xi32> to vector<1xi32>
      %squeeze3A_266 = vector.extract %slice3A_265[0] : i32 from vector<1xi32>
      %jit3A_267 = arith.constant 2048 : i32
      %div3A_268 = arith.divsi %squeeze3A_266, %jit3A_267 : i32
      %sign3A_269 = arith.constant 0 : i32
      %sign3A_270 = arith.cmpi sgt, %squeeze3A_266, %sign3A_269 : i32
      %sign3A_271 = arith.extui %sign3A_270 : i1 to i32
      %sign3A_272 = arith.constant 0 : i32
      %sign3A_273 = arith.cmpi slt, %squeeze3A_266, %sign3A_272 : i32
      %sign3A_274 = arith.extui %sign3A_273 : i1 to i32
      %sign3A_275 = arith.subi %sign3A_271, %sign3A_274 : i32
      %sign3A_276 = arith.constant 0 : i32
      %sign3A_277 = arith.cmpi sgt, %jit3A_267, %sign3A_276 : i32
      %sign3A_278 = arith.extui %sign3A_277 : i1 to i32
      %sign3A_279 = arith.constant 0 : i32
      %sign3A_280 = arith.cmpi slt, %jit3A_267, %sign3A_279 : i32
      %sign3A_281 = arith.extui %sign3A_280 : i1 to i32
      %sign3A_282 = arith.subi %sign3A_278, %sign3A_281 : i32
      %ne3A_283 = arith.cmpi ne, %sign3A_275, %sign3A_282 : i32
      %rem3A_284 = arith.remsi %squeeze3A_266, %jit3A_267 : i32
      %ne3A_285 = arith.constant 0 : i32
      %ne3A_286 = arith.cmpi ne, %rem3A_284, %ne3A_285 : i32
      %and3A_287 = arith.andi %ne3A_283, %ne3A_286 : i1
      %sub3A_288 = arith.constant 1 : i32
      %sub3A_289 = arith.subi %div3A_268, %sub3A_288 : i32
      %select_n3A_290 = arith.select %and3A_287, %sub3A_289, %div3A_268 : i32
      %mul3A_291 = arith.constant 256 : i32
      %mul3A_292 = arith.muli %select_n3A_290, %mul3A_291 : i32
      %min3A = arith.constant 999808 : i32
      %min3A_293 = arith.minsi %mul3A_292, %min3A : i32
      %multiple_of3A = tpu.assume_multiple %min3A_293, 128 : i32
      %dma_start3A_294 = arith.constant 0 : i32
      %dma_start3A_295 = arith.constant 0 : i32
      %dma_start3A_296 = tpu.memref_slice %arg7[%rem3A_258, %dma_start3A_294, %dma_start3A_295] : memref<5x64x256xf32, #tpu.memory_space<vmem>> -> memref<1x64x256xf32, #tpu.memory_space<vmem>>
      %dma_start3A_297 = tpu.memref_squeeze %dma_start3A_296 : memref<1x64x256xf32, #tpu.memory_space<vmem>> -> memref<64x256xf32, #tpu.memory_space<vmem>>
      %dma_start3A_298 = arith.constant 0 : i32
      %dma_start3A_299 = tpu.memref_slice %arg3[%dma_start3A_298, %multiple_of3A] : memref<64x1000000xf32, #tpu.memory_space<hbm>> -> memref<64x256xf32, #tpu.memory_space<hbm>>
      %dma_start3A_300 = tpu.memref_slice %arg9[%rem3A_258] : memref<5x!tpu.dma_semaphore, #tpu.memory_space<semaphore_mem>> -> memref<1x!tpu.dma_semaphore, #tpu.memory_space<semaphore_mem>>
      %dma_start3A_301 = tpu.memref_squeeze %dma_start3A_300 : memref<1x!tpu.dma_semaphore, #tpu.memory_space<semaphore_mem>> -> memref<!tpu.dma_semaphore, #tpu.memory_space<semaphore_mem>>
      %dma_start3A_302 = arith.constant 0 : i32
      %dma_start3A_303 = arith.constant 0 : i32
      %dma_start3A_304 = tpu.memref_slice %arg7[%rem3A_258, %dma_start3A_302, %dma_start3A_303] : memref<5x64x256xf32, #tpu.memory_space<vmem>> -> memref<1x64x256xf32, #tpu.memory_space<vmem>>
      %dma_start3A_305 = tpu.memref_squeeze %dma_start3A_304 : memref<1x64x256xf32, #tpu.memory_space<vmem>> -> memref<64x256xf32, #tpu.memory_space<vmem>>
      %dma_start3A_306 = arith.constant 0 : i32
      %dma_start3A_307 = tpu.memref_slice %arg3[%dma_start3A_306, %multiple_of3A] : memref<64x1000000xf32, #tpu.memory_space<hbm>> -> memref<64x256xf32, #tpu.memory_space<hbm>>
      tpu.enqueue_dma source(%dma_start3A_307 : memref<64x256xf32, #tpu.memory_space<hbm>>) target(%dma_start3A_305 : memref<64x256xf32, #tpu.memory_space<vmem>>) target_semaphore(%dma_start3A_301 : memref<!tpu.dma_semaphore, #tpu.memory_space<semaphore_mem>>)
      %mul3A_308 = arith.constant 256 : i32
      %mul3A_309 = arith.muli %select_n3A_222, %mul3A_308 : i32
      %min3A_310 = arith.constant 999808 : i32
      %min3A_311 = arith.minsi %mul3A_309, %min3A_310 : i32
      %multiple_of3A_312 = tpu.assume_multiple %min3A_311, 128 : i32
      %dma_wait3A_313 = arith.constant 0 : i32
      %dma_wait3A_314 = arith.constant 0 : i32
      %dma_wait3A_315 = tpu.memref_slice %arg7[%rem3A_192, %dma_wait3A_313, %dma_wait3A_314] : memref<5x64x256xf32, #tpu.memory_space<vmem>> -> memref<1x64x256xf32, #tpu.memory_space<vmem>>
      %dma_wait3A_316 = tpu.memref_squeeze %dma_wait3A_315 : memref<1x64x256xf32, #tpu.memory_space<vmem>> -> memref<64x256xf32, #tpu.memory_space<vmem>>
      %dma_wait3A_317 = arith.constant 0 : i32
      %dma_wait3A_318 = tpu.memref_slice %arg3[%dma_wait3A_317, %multiple_of3A_312] : memref<64x1000000xf32, #tpu.memory_space<hbm>> -> memref<64x256xf32, #tpu.memory_space<hbm>>
      %dma_wait3A_319 = tpu.memref_slice %arg9[%rem3A_192] : memref<5x!tpu.dma_semaphore, #tpu.memory_space<semaphore_mem>> -> memref<1x!tpu.dma_semaphore, #tpu.memory_space<semaphore_mem>>
      %dma_wait3A_320 = tpu.memref_squeeze %dma_wait3A_319 : memref<1x!tpu.dma_semaphore, #tpu.memory_space<semaphore_mem>> -> memref<!tpu.dma_semaphore, #tpu.memory_space<semaphore_mem>>
      %dma_wait3A_321 = arith.constant 0 : i32
      %dma_wait3A_322 = arith.constant 0 : i32
      %dma_wait3A_323 = tpu.memref_slice %arg7[%rem3A_192, %dma_wait3A_321, %dma_wait3A_322] : memref<5x64x256xf32, #tpu.memory_space<vmem>> -> memref<1x64x256xf32, #tpu.memory_space<vmem>>
      %dma_wait3A_324 = tpu.memref_squeeze %dma_wait3A_323 : memref<1x64x256xf32, #tpu.memory_space<vmem>> -> memref<64x256xf32, #tpu.memory_space<vmem>>
      %dma_wait3A_325 = arith.constant 0 : i32
      %dma_wait3A_326 = tpu.memref_slice %arg3[%dma_wait3A_325, %multiple_of3A_312] : memref<64x1000000xf32, #tpu.memory_space<hbm>> -> memref<64x256xf32, #tpu.memory_space<hbm>>
      tpu.wait_dma2 semaphore(%dma_wait3A_320 : memref<!tpu.dma_semaphore, #tpu.memory_space<semaphore_mem>>) src(%dma_wait3A_326 : memref<64x256xf32, #tpu.memory_space<hbm>>) dst(%dma_wait3A_324 : memref<64x256xf32, #tpu.memory_space<vmem>>)
      %mul3A_327 = arith.constant 256 : i32
      %mul3A_328 = arith.muli %select_n3A_222, %mul3A_327 : i32
      %min3A_329 = arith.constant 999808 : i32
      %min3A_330 = arith.minsi %mul3A_328, %min3A_329 : i32
      %while3A_331 = arith.constant 0 : i32
      %while3A_332 = arith.subi %sub3A_252, %sub3A_225 : i32
      %while3A_333 = arith.addi %sub3A_225, %while3A_332 : i32
      %while3A_334 = arith.constant 1 : i32
      %while3A_335 = arith.divsi %while3A_332, %while3A_334 : i32
      %while3A_336 = arith.muli %while3A_335, %while3A_334 : i32
      %while3A_337 = arith.addi %sub3A_225, %while3A_336 : i32
      %while3A_338 = arith.constant 1 : i32
      scf.for %while3A_340 = %sub3A_225 to %while3A_337 step %while3A_338  : i32 {
        %get3A_341 = arith.index_cast %while3A_340 : i32 to index
        %get3A_342 = tpu.vector_load %arg5[%get3A_341] {strides = array<i32>} : memref<528xi32, #tpu.memory_space<vmem>>, vector<16xi32>,
        %slice3A_343 = vector.extract_strided_slice %get3A_342 {offsets = [0], sizes = [1], strides = [1]} : vector<16xi32> to vector<1xi32>
        %squeeze3A_344 = vector.extract %slice3A_343[0] : i32 from vector<1xi32>
        %sub3A_345 = arith.subi %squeeze3A_344, %min3A_330 : i32
        %broadcast_in_dim3A_346 = vector.broadcast %sub3A_345 : i32 to vector<16xi32>
        %add3A_347 = arith.constant 0 : i32
        %add3A_348 = vector.broadcast %add3A_347 : i32 to vector<16xi32>
        %add3A_349 = arith.addi %iota3A, %add3A_348 : vector<16xi32>
        %gather3A = arith.constant 0 : i32
        %gather3A_350 = arith.constant 0 : i32
        %gather3A_351 = tpu.memref_slice %arg7[%rem3A_192, %gather3A, %gather3A_350] : memref<5x64x256xf32, #tpu.memory_space<vmem>> -> memref<1x64x256xf32, #tpu.memory_space<vmem>>
        %gather3A_352 = tpu.memref_squeeze %gather3A_351 : memref<1x64x256xf32, #tpu.memory_space<vmem>> -> memref<64x256xf32, #tpu.memory_space<vmem>>
        %gather3A_353 = tpu.vector_load_idx %gather3A_352[%add3A_349, %broadcast_in_dim3A_346] : memref<64x256xf32, #tpu.memory_space<vmem>>[vector<16xi32>, vector<16xi32>], vector<16xf32>,
        %mul3A_354 = arith.constant 64 : i32
        %mul3A_355 = arith.muli %while3A_340, %mul3A_354 : i32
        %add3A_356 = arith.constant 0 : i32
        %add3A_357 = arith.addi %mul3A_355, %add3A_356 : i32
        %swap3A_358 = arith.index_cast %add3A_357 : i32 to index
        %swap3A_359 = tpu.vector_load %arg8[%swap3A_358] {strides = array<i32>} : memref<32768xf32, #tpu.memory_space<vmem>>, vector<16xf32>,
        tpu.vector_store %arg8[%swap3A_358], %gather3A_353 {strides = array<i32>} : memref<32768xf32, #tpu.memory_space<vmem>>, vector<16xf32>,
        %add3A_360 = arith.constant 16 : i32
        %add3A_361 = vector.broadcast %add3A_360 : i32 to vector<16xi32>
        %add3A_362 = arith.addi %iota3A, %add3A_361 : vector<16xi32>
        %gather3A_363 = arith.constant 0 : i32
        %gather3A_364 = arith.constant 0 : i32
        %gather3A_365 = tpu.memref_slice %arg7[%rem3A_192, %gather3A_363, %gather3A_364] : memref<5x64x256xf32, #tpu.memory_space<vmem>> -> memref<1x64x256xf32, #tpu.memory_space<vmem>>
        %gather3A_366 = tpu.memref_squeeze %gather3A_365 : memref<1x64x256xf32, #tpu.memory_space<vmem>> -> memref<64x256xf32, #tpu.memory_space<vmem>>
        %gather3A_367 = tpu.vector_load_idx %gather3A_366[%add3A_362, %broadcast_in_dim3A_346] : memref<64x256xf32, #tpu.memory_space<vmem>>[vector<16xi32>, vector<16xi32>], vector<16xf32>,
        %mul3A_368 = arith.constant 64 : i32
        %mul3A_369 = arith.muli %while3A_340, %mul3A_368 : i32
        %add3A_370 = arith.constant 16 : i32
        %add3A_371 = arith.addi %mul3A_369, %add3A_370 : i32
        %swap3A_372 = arith.index_cast %add3A_371 : i32 to index
        %swap3A_373 = tpu.vector_load %arg8[%swap3A_372] {strides = array<i32>} : memref<32768xf32, #tpu.memory_space<vmem>>, vector<16xf32>,
        tpu.vector_store %arg8[%swap3A_372], %gather3A_367 {strides = array<i32>} : memref<32768xf32, #tpu.memory_space<vmem>>, vector<16xf32>,
        %add3A_374 = arith.constant 32 : i32
        %add3A_375 = vector.broadcast %add3A_374 : i32 to vector<16xi32>
        %add3A_376 = arith.addi %iota3A, %add3A_375 : vector<16xi32>
        %gather3A_377 = arith.constant 0 : i32
        %gather3A_378 = arith.constant 0 : i32
        %gather3A_379 = tpu.memref_slice %arg7[%rem3A_192, %gather3A_377, %gather3A_378] : memref<5x64x256xf32, #tpu.memory_space<vmem>> -> memref<1x64x256xf32, #tpu.memory_space<vmem>>
        %gather3A_380 = tpu.memref_squeeze %gather3A_379 : memref<1x64x256xf32, #tpu.memory_space<vmem>> -> memref<64x256xf32, #tpu.memory_space<vmem>>
        %gather3A_381 = tpu.vector_load_idx %gather3A_380[%add3A_376, %broadcast_in_dim3A_346] : memref<64x256xf32, #tpu.memory_space<vmem>>[vector<16xi32>, vector<16xi32>], vector<16xf32>,
        %mul3A_382 = arith.constant 64 : i32
        %mul3A_383 = arith.muli %while3A_340, %mul3A_382 : i32
        %add3A_384 = arith.constant 32 : i32
        %add3A_385 = arith.addi %mul3A_383, %add3A_384 : i32
        %swap3A_386 = arith.index_cast %add3A_385 : i32 to index
        %swap3A_387 = tpu.vector_load %arg8[%swap3A_386] {strides = array<i32>} : memref<32768xf32, #tpu.memory_space<vmem>>, vector<16xf32>,
        tpu.vector_store %arg8[%swap3A_386], %gather3A_381 {strides = array<i32>} : memref<32768xf32, #tpu.memory_space<vmem>>, vector<16xf32>,
        %add3A_388 = arith.constant 48 : i32
        %add3A_389 = vector.broadcast %add3A_388 : i32 to vector<16xi32>
        %add3A_390 = arith.addi %iota3A, %add3A_389 : vector<16xi32>
        %gather3A_391 = arith.constant 0 : i32
        %gather3A_392 = arith.constant 0 : i32
        %gather3A_393 = tpu.memref_slice %arg7[%rem3A_192, %gather3A_391, %gather3A_392] : memref<5x64x256xf32, #tpu.memory_space<vmem>> -> memref<1x64x256xf32, #tpu.memory_space<vmem>>
        %gather3A_394 = tpu.memref_squeeze %gather3A_393 : memref<1x64x256xf32, #tpu.memory_space<vmem>> -> memref<64x256xf32, #tpu.memory_space<vmem>>
        %gather3A_395 = tpu.vector_load_idx %gather3A_394[%add3A_390, %broadcast_in_dim3A_346] : memref<64x256xf32, #tpu.memory_space<vmem>>[vector<16xi32>, vector<16xi32>], vector<16xf32>,
        %mul3A_396 = arith.constant 64 : i32
        %mul3A_397 = arith.muli %while3A_340, %mul3A_396 : i32
        %add3A_398 = arith.constant 48 : i32
        %add3A_399 = arith.addi %mul3A_397, %add3A_398 : i32
        %swap3A_400 = arith.index_cast %add3A_399 : i32 to index
        %swap3A_401 = tpu.vector_load %arg8[%swap3A_400] {strides = array<i32>} : memref<32768xf32, #tpu.memory_space<vmem>>, vector<16xf32>,
        tpu.vector_store %arg8[%swap3A_400], %gather3A_395 {strides = array<i32>} : memref<32768xf32, #tpu.memory_space<vmem>>, vector<16xf32>,
      }
      %while3A_339 = arith.constant 1 : i32
      scf.for %while3A_340 = %while3A_337 to %while3A_333 step %while3A_339  : i32 {
        %get3A_341 = arith.index_cast %while3A_340 : i32 to index
        %get3A_342 = tpu.vector_load %arg5[%get3A_341] {strides = array<i32>} : memref<528xi32, #tpu.memory_space<vmem>>, vector<16xi32>,
        %slice3A_343 = vector.extract_strided_slice %get3A_342 {offsets = [0], sizes = [1], strides = [1]} : vector<16xi32> to vector<1xi32>
        %squeeze3A_344 = vector.extract %slice3A_343[0] : i32 from vector<1xi32>
        %sub3A_345 = arith.subi %squeeze3A_344, %min3A_330 : i32
        %broadcast_in_dim3A_346 = vector.broadcast %sub3A_345 : i32 to vector<16xi32>
        %add3A_347 = arith.constant 0 : i32
        %add3A_348 = vector.broadcast %add3A_347 : i32 to vector<16xi32>
        %add3A_349 = arith.addi %iota3A, %add3A_348 : vector<16xi32>
        %gather3A = arith.constant 0 : i32
        %gather3A_350 = arith.constant 0 : i32
        %gather3A_351 = tpu.memref_slice %arg7[%rem3A_192, %gather3A, %gather3A_350] : memref<5x64x256xf32, #tpu.memory_space<vmem>> -> memref<1x64x256xf32, #tpu.memory_space<vmem>>
        %gather3A_352 = tpu.memref_squeeze %gather3A_351 : memref<1x64x256xf32, #tpu.memory_space<vmem>> -> memref<64x256xf32, #tpu.memory_space<vmem>>
        %gather3A_353 = tpu.vector_load_idx %gather3A_352[%add3A_349, %broadcast_in_dim3A_346] : memref<64x256xf32, #tpu.memory_space<vmem>>[vector<16xi32>, vector<16xi32>], vector<16xf32>,
        %mul3A_354 = arith.constant 64 : i32
        %mul3A_355 = arith.muli %while3A_340, %mul3A_354 : i32
        %add3A_356 = arith.constant 0 : i32
        %add3A_357 = arith.addi %mul3A_355, %add3A_356 : i32
        %swap3A_358 = arith.index_cast %add3A_357 : i32 to index
        %swap3A_359 = tpu.vector_load %arg8[%swap3A_358] {strides = array<i32>} : memref<32768xf32, #tpu.memory_space<vmem>>, vector<16xf32>,
        tpu.vector_store %arg8[%swap3A_358], %gather3A_353 {strides = array<i32>} : memref<32768xf32, #tpu.memory_space<vmem>>, vector<16xf32>,
        %add3A_360 = arith.constant 16 : i32
        %add3A_361 = vector.broadcast %add3A_360 : i32 to vector<16xi32>
        %add3A_362 = arith.addi %iota3A, %add3A_361 : vector<16xi32>
        %gather3A_363 = arith.constant 0 : i32
        %gather3A_364 = arith.constant 0 : i32
        %gather3A_365 = tpu.memref_slice %arg7[%rem3A_192, %gather3A_363, %gather3A_364] : memref<5x64x256xf32, #tpu.memory_space<vmem>> -> memref<1x64x256xf32, #tpu.memory_space<vmem>>
        %gather3A_366 = tpu.memref_squeeze %gather3A_365 : memref<1x64x256xf32, #tpu.memory_space<vmem>> -> memref<64x256xf32, #tpu.memory_space<vmem>>
        %gather3A_367 = tpu.vector_load_idx %gather3A_366[%add3A_362, %broadcast_in_dim3A_346] : memref<64x256xf32, #tpu.memory_space<vmem>>[vector<16xi32>, vector<16xi32>], vector<16xf32>,
        %mul3A_368 = arith.constant 64 : i32
        %mul3A_369 = arith.muli %while3A_340, %mul3A_368 : i32
        %add3A_370 = arith.constant 16 : i32
        %add3A_371 = arith.addi %mul3A_369, %add3A_370 : i32
        %swap3A_372 = arith.index_cast %add3A_371 : i32 to index
        %swap3A_373 = tpu.vector_load %arg8[%swap3A_372] {strides = array<i32>} : memref<32768xf32, #tpu.memory_space<vmem>>, vector<16xf32>,
        tpu.vector_store %arg8[%swap3A_372], %gather3A_367 {strides = array<i32>} : memref<32768xf32, #tpu.memory_space<vmem>>, vector<16xf32>,
        %add3A_374 = arith.constant 32 : i32
        %add3A_375 = vector.broadcast %add3A_374 : i32 to vector<16xi32>
        %add3A_376 = arith.addi %iota3A, %add3A_375 : vector<16xi32>
        %gather3A_377 = arith.constant 0 : i32
        %gather3A_378 = arith.constant 0 : i32
        %gather3A_379 = tpu.memref_slice %arg7[%rem3A_192, %gather3A_377, %gather3A_378] : memref<5x64x256xf32, #tpu.memory_space<vmem>> -> memref<1x64x256xf32, #tpu.memory_space<vmem>>
        %gather3A_380 = tpu.memref_squeeze %gather3A_379 : memref<1x64x256xf32, #tpu.memory_space<vmem>> -> memref<64x256xf32, #tpu.memory_space<vmem>>
        %gather3A_381 = tpu.vector_load_idx %gather3A_380[%add3A_376, %broadcast_in_dim3A_346] : memref<64x256xf32, #tpu.memory_space<vmem>>[vector<16xi32>, vector<16xi32>], vector<16xf32>,
        %mul3A_382 = arith.constant 64 : i32
        %mul3A_383 = arith.muli %while3A_340, %mul3A_382 : i32
        %add3A_384 = arith.constant 32 : i32
        %add3A_385 = arith.addi %mul3A_383, %add3A_384 : i32
        %swap3A_386 = arith.index_cast %add3A_385 : i32 to index
        %swap3A_387 = tpu.vector_load %arg8[%swap3A_386] {strides = array<i32>} : memref<32768xf32, #tpu.memory_space<vmem>>, vector<16xf32>,
        tpu.vector_store %arg8[%swap3A_386], %gather3A_381 {strides = array<i32>} : memref<32768xf32, #tpu.memory_space<vmem>>, vector<16xf32>,
        %add3A_388 = arith.constant 48 : i32
        %add3A_389 = vector.broadcast %add3A_388 : i32 to vector<16xi32>
        %add3A_390 = arith.addi %iota3A, %add3A_389 : vector<16xi32>
        %gather3A_391 = arith.constant 0 : i32
        %gather3A_392 = arith.constant 0 : i32
        %gather3A_393 = tpu.memref_slice %arg7[%rem3A_192, %gather3A_391, %gather3A_392] : memref<5x64x256xf32, #tpu.memory_space<vmem>> -> memref<1x64x256xf32, #tpu.memory_space<vmem>>
        %gather3A_394 = tpu.memref_squeeze %gather3A_393 : memref<1x64x256xf32, #tpu.memory_space<vmem>> -> memref<64x256xf32, #tpu.memory_space<vmem>>
        %gather3A_395 = tpu.vector_load_idx %gather3A_394[%add3A_390, %broadcast_in_dim3A_346] : memref<64x256xf32, #tpu.memory_space<vmem>>[vector<16xi32>, vector<16xi32>], vector<16xf32>,
        %mul3A_396 = arith.constant 64 : i32
        %mul3A_397 = arith.muli %while3A_340, %mul3A_396 : i32
        %add3A_398 = arith.constant 48 : i32
        %add3A_399 = arith.addi %mul3A_397, %add3A_398 : i32
        %swap3A_400 = arith.index_cast %add3A_399 : i32 to index
        %swap3A_401 = tpu.vector_load %arg8[%swap3A_400] {strides = array<i32>} : memref<32768xf32, #tpu.memory_space<vmem>>, vector<16xf32>,
        tpu.vector_store %arg8[%swap3A_400], %gather3A_395 {strides = array<i32>} : memref<32768xf32, #tpu.memory_space<vmem>>, vector<16xf32>,
      }
    }
    %while3A_171 = arith.constant 1 : i32
    scf.for %while3A_190 = %while3A_169 to %while3A_165 step %while3A_171  : i32 {
      %rem3A_191 = arith.constant 5 : i32
      %rem3A_192 = arith.remsi %while3A_190, %rem3A_191 : i32
      %get3A_193 = arith.index_cast %while3A_190 : i32 to index
      %get3A_194 = tpu.vector_load %arg6[%get3A_193] {strides = array<i32>} : memref<544xi32, #tpu.memory_space<vmem>>, vector<16xi32>,
      %slice3A_195 = vector.extract_strided_slice %get3A_194 {offsets = [0], sizes = [1], strides = [1]} : vector<16xi32> to vector<1xi32>
      %squeeze3A_196 = vector.extract %slice3A_195[0] : i32 from vector<1xi32>
      %slice3A_197 = vector.extract_strided_slice %get3A_194 {offsets = [1], sizes = [1], strides = [1]} : vector<16xi32> to vector<1xi32>
      %squeeze3A_198 = vector.extract %slice3A_197[0] : i32 from vector<1xi32>
      %jit3A_199 = arith.constant 2048 : i32
      %div3A_200 = arith.divsi %squeeze3A_196, %jit3A_199 : i32
      %sign3A_201 = arith.constant 0 : i32
      %sign3A_202 = arith.cmpi sgt, %squeeze3A_196, %sign3A_201 : i32
      %sign3A_203 = arith.extui %sign3A_202 : i1 to i32
      %sign3A_204 = arith.constant 0 : i32
      %sign3A_205 = arith.cmpi slt, %squeeze3A_196, %sign3A_204 : i32
      %sign3A_206 = arith.extui %sign3A_205 : i1 to i32
      %sign3A_207 = arith.subi %sign3A_203, %sign3A_206 : i32
      %sign3A_208 = arith.constant 0 : i32
      %sign3A_209 = arith.cmpi sgt, %jit3A_199, %sign3A_208 : i32
      %sign3A_210 = arith.extui %sign3A_209 : i1 to i32
      %sign3A_211 = arith.constant 0 : i32
      %sign3A_212 = arith.cmpi slt, %jit3A_199, %sign3A_211 : i32
      %sign3A_213 = arith.extui %sign3A_212 : i1 to i32
      %sign3A_214 = arith.subi %sign3A_210, %sign3A_213 : i32
      %ne3A_215 = arith.cmpi ne, %sign3A_207, %sign3A_214 : i32
      %rem3A_216 = arith.remsi %squeeze3A_196, %jit3A_199 : i32
      %ne3A_217 = arith.constant 0 : i32
      %ne3A_218 = arith.cmpi ne, %rem3A_216, %ne3A_217 : i32
      %and3A_219 = arith.andi %ne3A_215, %ne3A_218 : i1
      %sub3A_220 = arith.constant 1 : i32
      %sub3A_221 = arith.subi %div3A_200, %sub3A_220 : i32
      %select_n3A_222 = arith.select %and3A_219, %sub3A_221, %div3A_200 : i32
      %mul3A_223 = arith.constant 2048 : i32
      %mul3A_224 = arith.muli %select_n3A_222, %mul3A_223 : i32
      %sub3A_225 = arith.subi %squeeze3A_196, %mul3A_224 : i32
      %jit3A_226 = arith.constant 2048 : i32
      %div3A_227 = arith.divsi %squeeze3A_198, %jit3A_226 : i32
      %sign3A_228 = arith.constant 0 : i32
      %sign3A_229 = arith.cmpi sgt, %squeeze3A_198, %sign3A_228 : i32
      %sign3A_230 = arith.extui %sign3A_229 : i1 to i32
      %sign3A_231 = arith.constant 0 : i32
      %sign3A_232 = arith.cmpi slt, %squeeze3A_198, %sign3A_231 : i32
      %sign3A_233 = arith.extui %sign3A_232 : i1 to i32
      %sign3A_234 = arith.subi %sign3A_230, %sign3A_233 : i32
      %sign3A_235 = arith.constant 0 : i32
      %sign3A_236 = arith.cmpi sgt, %jit3A_226, %sign3A_235 : i32
      %sign3A_237 = arith.extui %sign3A_236 : i1 to i32
      %sign3A_238 = arith.constant 0 : i32
      %sign3A_239 = arith.cmpi slt, %jit3A_226, %sign3A_238 : i32
      %sign3A_240 = arith.extui %sign3A_239 : i1 to i32
      %sign3A_241 = arith.subi %sign3A_237, %sign3A_240 : i32
      %ne3A_242 = arith.cmpi ne, %sign3A_234, %sign3A_241 : i32
      %rem3A_243 = arith.remsi %squeeze3A_198, %jit3A_226 : i32
      %ne3A_244 = arith.constant 0 : i32
      %ne3A_245 = arith.cmpi ne, %rem3A_243, %ne3A_244 : i32
      %and3A_246 = arith.andi %ne3A_242, %ne3A_245 : i1
      %sub3A_247 = arith.constant 1 : i32
      %sub3A_248 = arith.subi %div3A_227, %sub3A_247 : i32
      %select_n3A_249 = arith.select %and3A_246, %sub3A_248, %div3A_227 : i32
      %mul3A_250 = arith.constant 2048 : i32
      %mul3A_251 = arith.muli %select_n3A_249, %mul3A_250 : i32
      %sub3A_252 = arith.subi %squeeze3A_198, %mul3A_251 : i32
      %add3A_253 = arith.constant 5 : i32
      %add3A_254 = arith.addi %while3A_190, %add3A_253 : i32
      %sub3A_255 = arith.constant 1 : i32
      %sub3A_256 = arith.subi %add3A_254, %sub3A_255 : i32
      %rem3A_257 = arith.constant 5 : i32
      %rem3A_258 = arith.remsi %sub3A_256, %rem3A_257 : i32
      %add3A_259 = arith.constant 5 : i32
      %add3A_260 = arith.addi %while3A_190, %add3A_259 : i32
      %sub3A_261 = arith.constant 1 : i32
      %sub3A_262 = arith.subi %add3A_260, %sub3A_261 : i32
      %get3A_263 = arith.index_cast %sub3A_262 : i32 to index
      %get3A_264 = tpu.vector_load %arg6[%get3A_263] {strides = array<i32>} : memref<544xi32, #tpu.memory_space<vmem>>, vector<16xi32>,
      %slice3A_265 = vector.extract_strided_slice %get3A_264 {offsets = [0], sizes = [1], strides = [1]} : vector<16xi32> to vector<1xi32>
      %squeeze3A_266 = vector.extract %slice3A_265[0] : i32 from vector<1xi32>
      %jit3A_267 = arith.constant 2048 : i32
      %div3A_268 = arith.divsi %squeeze3A_266, %jit3A_267 : i32
      %sign3A_269 = arith.constant 0 : i32
      %sign3A_270 = arith.cmpi sgt, %squeeze3A_266, %sign3A_269 : i32
      %sign3A_271 = arith.extui %sign3A_270 : i1 to i32
      %sign3A_272 = arith.constant 0 : i32
      %sign3A_273 = arith.cmpi slt, %squeeze3A_266, %sign3A_272 : i32
      %sign3A_274 = arith.extui %sign3A_273 : i1 to i32
      %sign3A_275 = arith.subi %sign3A_271, %sign3A_274 : i32
      %sign3A_276 = arith.constant 0 : i32
      %sign3A_277 = arith.cmpi sgt, %jit3A_267, %sign3A_276 : i32
      %sign3A_278 = arith.extui %sign3A_277 : i1 to i32
      %sign3A_279 = arith.constant 0 : i32
      %sign3A_280 = arith.cmpi slt, %jit3A_267, %sign3A_279 : i32
      %sign3A_281 = arith.extui %sign3A_280 : i1 to i32
      %sign3A_282 = arith.subi %sign3A_278, %sign3A_281 : i32
      %ne3A_283 = arith.cmpi ne, %sign3A_275, %sign3A_282 : i32
      %rem3A_284 = arith.remsi %squeeze3A_266, %jit3A_267 : i32
      %ne3A_285 = arith.constant 0 : i32
      %ne3A_286 = arith.cmpi ne, %rem3A_284, %ne3A_285 : i32
      %and3A_287 = arith.andi %ne3A_283, %ne3A_286 : i1
      %sub3A_288 = arith.constant 1 : i32
      %sub3A_289 = arith.subi %div3A_268, %sub3A_288 : i32
      %select_n3A_290 = arith.select %and3A_287, %sub3A_289, %div3A_268 : i32
      %mul3A_291 = arith.constant 256 : i32
      %mul3A_292 = arith.muli %select_n3A_290, %mul3A_291 : i32
      %min3A = arith.constant 999808 : i32
      %min3A_293 = arith.minsi %mul3A_292, %min3A : i32
      %multiple_of3A = tpu.assume_multiple %min3A_293, 128 : i32
      %dma_start3A_294 = arith.constant 0 : i32
      %dma_start3A_295 = arith.constant 0 : i32
      %dma_start3A_296 = tpu.memref_slice %arg7[%rem3A_258, %dma_start3A_294, %dma_start3A_295] : memref<5x64x256xf32, #tpu.memory_space<vmem>> -> memref<1x64x256xf32, #tpu.memory_space<vmem>>
      %dma_start3A_297 = tpu.memref_squeeze %dma_start3A_296 : memref<1x64x256xf32, #tpu.memory_space<vmem>> -> memref<64x256xf32, #tpu.memory_space<vmem>>
      %dma_start3A_298 = arith.constant 0 : i32
      %dma_start3A_299 = tpu.memref_slice %arg3[%dma_start3A_298, %multiple_of3A] : memref<64x1000000xf32, #tpu.memory_space<hbm>> -> memref<64x256xf32, #tpu.memory_space<hbm>>
      %dma_start3A_300 = tpu.memref_slice %arg9[%rem3A_258] : memref<5x!tpu.dma_semaphore, #tpu.memory_space<semaphore_mem>> -> memref<1x!tpu.dma_semaphore, #tpu.memory_space<semaphore_mem>>
      %dma_start3A_301 = tpu.memref_squeeze %dma_start3A_300 : memref<1x!tpu.dma_semaphore, #tpu.memory_space<semaphore_mem>> -> memref<!tpu.dma_semaphore, #tpu.memory_space<semaphore_mem>>
      %dma_start3A_302 = arith.constant 0 : i32
      %dma_start3A_303 = arith.constant 0 : i32
      %dma_start3A_304 = tpu.memref_slice %arg7[%rem3A_258, %dma_start3A_302, %dma_start3A_303] : memref<5x64x256xf32, #tpu.memory_space<vmem>> -> memref<1x64x256xf32, #tpu.memory_space<vmem>>
      %dma_start3A_305 = tpu.memref_squeeze %dma_start3A_304 : memref<1x64x256xf32, #tpu.memory_space<vmem>> -> memref<64x256xf32, #tpu.memory_space<vmem>>
      %dma_start3A_306 = arith.constant 0 : i32
      %dma_start3A_307 = tpu.memref_slice %arg3[%dma_start3A_306, %multiple_of3A] : memref<64x1000000xf32, #tpu.memory_space<hbm>> -> memref<64x256xf32, #tpu.memory_space<hbm>>
      tpu.enqueue_dma source(%dma_start3A_307 : memref<64x256xf32, #tpu.memory_space<hbm>>) target(%dma_start3A_305 : memref<64x256xf32, #tpu.memory_space<vmem>>) target_semaphore(%dma_start3A_301 : memref<!tpu.dma_semaphore, #tpu.memory_space<semaphore_mem>>)
      %mul3A_308 = arith.constant 256 : i32
      %mul3A_309 = arith.muli %select_n3A_222, %mul3A_308 : i32
      %min3A_310 = arith.constant 999808 : i32
      %min3A_311 = arith.minsi %mul3A_309, %min3A_310 : i32
      %multiple_of3A_312 = tpu.assume_multiple %min3A_311, 128 : i32
      %dma_wait3A_313 = arith.constant 0 : i32
      %dma_wait3A_314 = arith.constant 0 : i32
      %dma_wait3A_315 = tpu.memref_slice %arg7[%rem3A_192, %dma_wait3A_313, %dma_wait3A_314] : memref<5x64x256xf32, #tpu.memory_space<vmem>> -> memref<1x64x256xf32, #tpu.memory_space<vmem>>
      %dma_wait3A_316 = tpu.memref_squeeze %dma_wait3A_315 : memref<1x64x256xf32, #tpu.memory_space<vmem>> -> memref<64x256xf32, #tpu.memory_space<vmem>>
      %dma_wait3A_317 = arith.constant 0 : i32
      %dma_wait3A_318 = tpu.memref_slice %arg3[%dma_wait3A_317, %multiple_of3A_312] : memref<64x1000000xf32, #tpu.memory_space<hbm>> -> memref<64x256xf32, #tpu.memory_space<hbm>>
      %dma_wait3A_319 = tpu.memref_slice %arg9[%rem3A_192] : memref<5x!tpu.dma_semaphore, #tpu.memory_space<semaphore_mem>> -> memref<1x!tpu.dma_semaphore, #tpu.memory_space<semaphore_mem>>
      %dma_wait3A_320 = tpu.memref_squeeze %dma_wait3A_319 : memref<1x!tpu.dma_semaphore, #tpu.memory_space<semaphore_mem>> -> memref<!tpu.dma_semaphore, #tpu.memory_space<semaphore_mem>>
      %dma_wait3A_321 = arith.constant 0 : i32
      %dma_wait3A_322 = arith.constant 0 : i32
      %dma_wait3A_323 = tpu.memref_slice %arg7[%rem3A_192, %dma_wait3A_321, %dma_wait3A_322] : memref<5x64x256xf32, #tpu.memory_space<vmem>> -> memref<1x64x256xf32, #tpu.memory_space<vmem>>
      %dma_wait3A_324 = tpu.memref_squeeze %dma_wait3A_323 : memref<1x64x256xf32, #tpu.memory_space<vmem>> -> memref<64x256xf32, #tpu.memory_space<vmem>>
      %dma_wait3A_325 = arith.constant 0 : i32
      %dma_wait3A_326 = tpu.memref_slice %arg3[%dma_wait3A_325, %multiple_of3A_312] : memref<64x1000000xf32, #tpu.memory_space<hbm>> -> memref<64x256xf32, #tpu.memory_space<hbm>>
      tpu.wait_dma2 semaphore(%dma_wait3A_320 : memref<!tpu.dma_semaphore, #tpu.memory_space<semaphore_mem>>) src(%dma_wait3A_326 : memref<64x256xf32, #tpu.memory_space<hbm>>) dst(%dma_wait3A_324 : memref<64x256xf32, #tpu.memory_space<vmem>>)
      %mul3A_327 = arith.constant 256 : i32
      %mul3A_328 = arith.muli %select_n3A_222, %mul3A_327 : i32
      %min3A_329 = arith.constant 999808 : i32
      %min3A_330 = arith.minsi %mul3A_328, %min3A_329 : i32
      %while3A_331 = arith.constant 0 : i32
      %while3A_332 = arith.subi %sub3A_252, %sub3A_225 : i32
      %while3A_333 = arith.addi %sub3A_225, %while3A_332 : i32
      %while3A_334 = arith.constant 1 : i32
      %while3A_335 = arith.divsi %while3A_332, %while3A_334 : i32
      %while3A_336 = arith.muli %while3A_335, %while3A_334 : i32
      %while3A_337 = arith.addi %sub3A_225, %while3A_336 : i32
      %while3A_338 = arith.constant 1 : i32
      scf.for %while3A_340 = %sub3A_225 to %while3A_337 step %while3A_338  : i32 {
        %get3A_341 = arith.index_cast %while3A_340 : i32 to index
        %get3A_342 = tpu.vector_load %arg5[%get3A_341] {strides = array<i32>} : memref<528xi32, #tpu.memory_space<vmem>>, vector<16xi32>,
        %slice3A_343 = vector.extract_strided_slice %get3A_342 {offsets = [0], sizes = [1], strides = [1]} : vector<16xi32> to vector<1xi32>
        %squeeze3A_344 = vector.extract %slice3A_343[0] : i32 from vector<1xi32>
        %sub3A_345 = arith.subi %squeeze3A_344, %min3A_330 : i32
        %broadcast_in_dim3A_346 = vector.broadcast %sub3A_345 : i32 to vector<16xi32>
        %add3A_347 = arith.constant 0 : i32
        %add3A_348 = vector.broadcast %add3A_347 : i32 to vector<16xi32>
        %add3A_349 = arith.addi %iota3A, %add3A_348 : vector<16xi32>
        %gather3A = arith.constant 0 : i32
        %gather3A_350 = arith.constant 0 : i32
        %gather3A_351 = tpu.memref_slice %arg7[%rem3A_192, %gather3A, %gather3A_350] : memref<5x64x256xf32, #tpu.memory_space<vmem>> -> memref<1x64x256xf32, #tpu.memory_space<vmem>>
        %gather3A_352 = tpu.memref_squeeze %gather3A_351 : memref<1x64x256xf32, #tpu.memory_space<vmem>> -> memref<64x256xf32, #tpu.memory_space<vmem>>
        %gather3A_353 = tpu.vector_load_idx %gather3A_352[%add3A_349, %broadcast_in_dim3A_346] : memref<64x256xf32, #tpu.memory_space<vmem>>[vector<16xi32>, vector<16xi32>], vector<16xf32>,
        %mul3A_354 = arith.constant 64 : i32
        %mul3A_355 = arith.muli %while3A_340, %mul3A_354 : i32
        %add3A_356 = arith.constant 0 : i32
        %add3A_357 = arith.addi %mul3A_355, %add3A_356 : i32
        %swap3A_358 = arith.index_cast %add3A_357 : i32 to index
        %swap3A_359 = tpu.vector_load %arg8[%swap3A_358] {strides = array<i32>} : memref<32768xf32, #tpu.memory_space<vmem>>, vector<16xf32>,
        tpu.vector_store %arg8[%swap3A_358], %gather3A_353 {strides = array<i32>} : memref<32768xf32, #tpu.memory_space<vmem>>, vector<16xf32>,
        %add3A_360 = arith.constant 16 : i32
        %add3A_361 = vector.broadcast %add3A_360 : i32 to vector<16xi32>
        %add3A_362 = arith.addi %iota3A, %add3A_361 : vector<16xi32>
        %gather3A_363 = arith.constant 0 : i32
        %gather3A_364 = arith.constant 0 : i32
        %gather3A_365 = tpu.memref_slice %arg7[%rem3A_192, %gather3A_363, %gather3A_364] : memref<5x64x256xf32, #tpu.memory_space<vmem>> -> memref<1x64x256xf32, #tpu.memory_space<vmem>>
        %gather3A_366 = tpu.memref_squeeze %gather3A_365 : memref<1x64x256xf32, #tpu.memory_space<vmem>> -> memref<64x256xf32, #tpu.memory_space<vmem>>
        %gather3A_367 = tpu.vector_load_idx %gather3A_366[%add3A_362, %broadcast_in_dim3A_346] : memref<64x256xf32, #tpu.memory_space<vmem>>[vector<16xi32>, vector<16xi32>], vector<16xf32>,
        %mul3A_368 = arith.constant 64 : i32
        %mul3A_369 = arith.muli %while3A_340, %mul3A_368 : i32
        %add3A_370 = arith.constant 16 : i32
        %add3A_371 = arith.addi %mul3A_369, %add3A_370 : i32
        %swap3A_372 = arith.index_cast %add3A_371 : i32 to index
        %swap3A_373 = tpu.vector_load %arg8[%swap3A_372] {strides = array<i32>} : memref<32768xf32, #tpu.memory_space<vmem>>, vector<16xf32>,
        tpu.vector_store %arg8[%swap3A_372], %gather3A_367 {strides = array<i32>} : memref<32768xf32, #tpu.memory_space<vmem>>, vector<16xf32>,
        %add3A_374 = arith.constant 32 : i32
        %add3A_375 = vector.broadcast %add3A_374 : i32 to vector<16xi32>
        %add3A_376 = arith.addi %iota3A, %add3A_375 : vector<16xi32>
        %gather3A_377 = arith.constant 0 : i32
        %gather3A_378 = arith.constant 0 : i32
        %gather3A_379 = tpu.memref_slice %arg7[%rem3A_192, %gather3A_377, %gather3A_378] : memref<5x64x256xf32, #tpu.memory_space<vmem>> -> memref<1x64x256xf32, #tpu.memory_space<vmem>>
        %gather3A_380 = tpu.memref_squeeze %gather3A_379 : memref<1x64x256xf32, #tpu.memory_space<vmem>> -> memref<64x256xf32, #tpu.memory_space<vmem>>
        %gather3A_381 = tpu.vector_load_idx %gather3A_380[%add3A_376, %broadcast_in_dim3A_346] : memref<64x256xf32, #tpu.memory_space<vmem>>[vector<16xi32>, vector<16xi32>], vector<16xf32>,
        %mul3A_382 = arith.constant 64 : i32
        %mul3A_383 = arith.muli %while3A_340, %mul3A_382 : i32
        %add3A_384 = arith.constant 32 : i32
        %add3A_385 = arith.addi %mul3A_383, %add3A_384 : i32
        %swap3A_386 = arith.index_cast %add3A_385 : i32 to index
        %swap3A_387 = tpu.vector_load %arg8[%swap3A_386] {strides = array<i32>} : memref<32768xf32, #tpu.memory_space<vmem>>, vector<16xf32>,
        tpu.vector_store %arg8[%swap3A_386], %gather3A_381 {strides = array<i32>} : memref<32768xf32, #tpu.memory_space<vmem>>, vector<16xf32>,
        %add3A_388 = arith.constant 48 : i32
        %add3A_389 = vector.broadcast %add3A_388 : i32 to vector<16xi32>
        %add3A_390 = arith.addi %iota3A, %add3A_389 : vector<16xi32>
        %gather3A_391 = arith.constant 0 : i32
        %gather3A_392 = arith.constant 0 : i32
        %gather3A_393 = tpu.memref_slice %arg7[%rem3A_192, %gather3A_391, %gather3A_392] : memref<5x64x256xf32, #tpu.memory_space<vmem>> -> memref<1x64x256xf32, #tpu.memory_space<vmem>>
        %gather3A_394 = tpu.memref_squeeze %gather3A_393 : memref<1x64x256xf32, #tpu.memory_space<vmem>> -> memref<64x256xf32, #tpu.memory_space<vmem>>
        %gather3A_395 = tpu.vector_load_idx %gather3A_394[%add3A_390, %broadcast_in_dim3A_346] : memref<64x256xf32, #tpu.memory_space<vmem>>[vector<16xi32>, vector<16xi32>], vector<16xf32>,
        %mul3A_396 = arith.constant 64 : i32
        %mul3A_397 = arith.muli %while3A_340, %mul3A_396 : i32
        %add3A_398 = arith.constant 48 : i32
        %add3A_399 = arith.addi %mul3A_397, %add3A_398 : i32
        %swap3A_400 = arith.index_cast %add3A_399 : i32 to index
        %swap3A_401 = tpu.vector_load %arg8[%swap3A_400] {strides = array<i32>} : memref<32768xf32, #tpu.memory_space<vmem>>, vector<16xf32>,
        tpu.vector_store %arg8[%swap3A_400], %gather3A_395 {strides = array<i32>} : memref<32768xf32, #tpu.memory_space<vmem>>, vector<16xf32>,
      }
      %while3A_339 = arith.constant 1 : i32
      scf.for %while3A_340 = %while3A_337 to %while3A_333 step %while3A_339  : i32 {
        %get3A_341 = arith.index_cast %while3A_340 : i32 to index
        %get3A_342 = tpu.vector_load %arg5[%get3A_341] {strides = array<i32>} : memref<528xi32, #tpu.memory_space<vmem>>, vector<16xi32>,
        %slice3A_343 = vector.extract_strided_slice %get3A_342 {offsets = [0], sizes = [1], strides = [1]} : vector<16xi32> to vector<1xi32>
        %squeeze3A_344 = vector.extract %slice3A_343[0] : i32 from vector<1xi32>
        %sub3A_345 = arith.subi %squeeze3A_344, %min3A_330 : i32
        %broadcast_in_dim3A_346 = vector.broadcast %sub3A_345 : i32 to vector<16xi32>
        %add3A_347 = arith.constant 0 : i32
        %add3A_348 = vector.broadcast %add3A_347 : i32 to vector<16xi32>
        %add3A_349 = arith.addi %iota3A, %add3A_348 : vector<16xi32>
        %gather3A = arith.constant 0 : i32
        %gather3A_350 = arith.constant 0 : i32
        %gather3A_351 = tpu.memref_slice %arg7[%rem3A_192, %gather3A, %gather3A_350] : memref<5x64x256xf32, #tpu.memory_space<vmem>> -> memref<1x64x256xf32, #tpu.memory_space<vmem>>
        %gather3A_352 = tpu.memref_squeeze %gather3A_351 : memref<1x64x256xf32, #tpu.memory_space<vmem>> -> memref<64x256xf32, #tpu.memory_space<vmem>>
        %gather3A_353 = tpu.vector_load_idx %gather3A_352[%add3A_349, %broadcast_in_dim3A_346] : memref<64x256xf32, #tpu.memory_space<vmem>>[vector<16xi32>, vector<16xi32>], vector<16xf32>,
        %mul3A_354 = arith.constant 64 : i32
        %mul3A_355 = arith.muli %while3A_340, %mul3A_354 : i32
        %add3A_356 = arith.constant 0 : i32
        %add3A_357 = arith.addi %mul3A_355, %add3A_356 : i32
        %swap3A_358 = arith.index_cast %add3A_357 : i32 to index
        %swap3A_359 = tpu.vector_load %arg8[%swap3A_358] {strides = array<i32>} : memref<32768xf32, #tpu.memory_space<vmem>>, vector<16xf32>,
        tpu.vector_store %arg8[%swap3A_358], %gather3A_353 {strides = array<i32>} : memref<32768xf32, #tpu.memory_space<vmem>>, vector<16xf32>,
        %add3A_360 = arith.constant 16 : i32
        %add3A_361 = vector.broadcast %add3A_360 : i32 to vector<16xi32>
        %add3A_362 = arith.addi %iota3A, %add3A_361 : vector<16xi32>
        %gather3A_363 = arith.constant 0 : i32
        %gather3A_364 = arith.constant 0 : i32
        %gather3A_365 = tpu.memref_slice %arg7[%rem3A_192, %gather3A_363, %gather3A_364] : memref<5x64x256xf32, #tpu.memory_space<vmem>> -> memref<1x64x256xf32, #tpu.memory_space<vmem>>
        %gather3A_366 = tpu.memref_squeeze %gather3A_365 : memref<1x64x256xf32, #tpu.memory_space<vmem>> -> memref<64x256xf32, #tpu.memory_space<vmem>>
        %gather3A_367 = tpu.vector_load_idx %gather3A_366[%add3A_362, %broadcast_in_dim3A_346] : memref<64x256xf32, #tpu.memory_space<vmem>>[vector<16xi32>, vector<16xi32>], vector<16xf32>,
        %mul3A_368 = arith.constant 64 : i32
        %mul3A_369 = arith.muli %while3A_340, %mul3A_368 : i32
        %add3A_370 = arith.constant 16 : i32
        %add3A_371 = arith.addi %mul3A_369, %add3A_370 : i32
        %swap3A_372 = arith.index_cast %add3A_371 : i32 to index
        %swap3A_373 = tpu.vector_load %arg8[%swap3A_372] {strides = array<i32>} : memref<32768xf32, #tpu.memory_space<vmem>>, vector<16xf32>,
        tpu.vector_store %arg8[%swap3A_372], %gather3A_367 {strides = array<i32>} : memref<32768xf32, #tpu.memory_space<vmem>>, vector<16xf32>,
        %add3A_374 = arith.constant 32 : i32
        %add3A_375 = vector.broadcast %add3A_374 : i32 to vector<16xi32>
        %add3A_376 = arith.addi %iota3A, %add3A_375 : vector<16xi32>
        %gather3A_377 = arith.constant 0 : i32
        %gather3A_378 = arith.constant 0 : i32
        %gather3A_379 = tpu.memref_slice %arg7[%rem3A_192, %gather3A_377, %gather3A_378] : memref<5x64x256xf32, #tpu.memory_space<vmem>> -> memref<1x64x256xf32, #tpu.memory_space<vmem>>
        %gather3A_380 = tpu.memref_squeeze %gather3A_379 : memref<1x64x256xf32, #tpu.memory_space<vmem>> -> memref<64x256xf32, #tpu.memory_space<vmem>>
        %gather3A_381 = tpu.vector_load_idx %gather3A_380[%add3A_376, %broadcast_in_dim3A_346] : memref<64x256xf32, #tpu.memory_space<vmem>>[vector<16xi32>, vector<16xi32>], vector<16xf32>,
        %mul3A_382 = arith.constant 64 : i32
        %mul3A_383 = arith.muli %while3A_340, %mul3A_382 : i32
        %add3A_384 = arith.constant 32 : i32
        %add3A_385 = arith.addi %mul3A_383, %add3A_384 : i32
        %swap3A_386 = arith.index_cast %add3A_385 : i32 to index
        %swap3A_387 = tpu.vector_load %arg8[%swap3A_386] {strides = array<i32>} : memref<32768xf32, #tpu.memory_space<vmem>>, vector<16xf32>,
        tpu.vector_store %arg8[%swap3A_386], %gather3A_381 {strides = array<i32>} : memref<32768xf32, #tpu.memory_space<vmem>>, vector<16xf32>,
        %add3A_388 = arith.constant 48 : i32
        %add3A_389 = vector.broadcast %add3A_388 : i32 to vector<16xi32>
        %add3A_390 = arith.addi %iota3A, %add3A_389 : vector<16xi32>
        %gather3A_391 = arith.constant 0 : i32
        %gather3A_392 = arith.constant 0 : i32
        %gather3A_393 = tpu.memref_slice %arg7[%rem3A_192, %gather3A_391, %gather3A_392] : memref<5x64x256xf32, #tpu.memory_space<vmem>> -> memref<1x64x256xf32, #tpu.memory_space<vmem>>
        %gather3A_394 = tpu.memref_squeeze %gather3A_393 : memref<1x64x256xf32, #tpu.memory_space<vmem>> -> memref<64x256xf32, #tpu.memory_space<vmem>>
        %gather3A_395 = tpu.vector_load_idx %gather3A_394[%add3A_390, %broadcast_in_dim3A_346] : memref<64x256xf32, #tpu.memory_space<vmem>>[vector<16xi32>, vector<16xi32>], vector<16xf32>,
        %mul3A_396 = arith.constant 64 : i32
        %mul3A_397 = arith.muli %while3A_340, %mul3A_396 : i32
        %add3A_398 = arith.constant 48 : i32
        %add3A_399 = arith.addi %mul3A_397, %add3A_398 : i32
        %swap3A_400 = arith.index_cast %add3A_399 : i32 to index
        %swap3A_401 = tpu.vector_load %arg8[%swap3A_400] {strides = array<i32>} : memref<32768xf32, #tpu.memory_space<vmem>>, vector<16xf32>,
        tpu.vector_store %arg8[%swap3A_400], %gather3A_395 {strides = array<i32>} : memref<32768xf32, #tpu.memory_space<vmem>>, vector<16xf32>,
      }
    }
    %scan3A_172 = arith.constant 0 : i32
    %scan3A_173 = arith.constant 0 : i32
    %scan3A_174 = arith.constant 4 : i32
    %scan3A_175 = arith.addi %scan3A_173, %scan3A_174 : i32
    %scan3A_176 = arith.constant 1 : i32
    scf.for %scan3A_190 = %scan3A_173 to %scan3A_175 step %scan3A_176  : i32 {
      %add3A_191 = arith.addi %scan3A_124#0, %scan3A_190 : i32
      %rem3A_192 = arith.constant 5 : i32
      %rem3A_193 = arith.remsi %add3A_191, %rem3A_192 : i32
      %mul3A_194 = arith.constant 0 : i32
      %mul3A_195 = arith.constant 256 : i32
      %mul3A_196 = arith.muli %mul3A_194, %mul3A_195 : i32
      %min3A = arith.constant 999808 : i32
      %min3A_197 = arith.minsi %mul3A_196, %min3A : i32
      %multiple_of3A = tpu.assume_multiple %min3A_197, 128 : i32
      %dma_wait3A_198 = arith.constant 0 : i32
      %dma_wait3A_199 = arith.constant 0 : i32
      %dma_wait3A_200 = tpu.memref_slice %arg7[%rem3A_193, %dma_wait3A_198, %dma_wait3A_199] : memref<5x64x256xf32, #tpu.memory_space<vmem>> -> memref<1x64x256xf32, #tpu.memory_space<vmem>>
      %dma_wait3A_201 = tpu.memref_squeeze %dma_wait3A_200 : memref<1x64x256xf32, #tpu.memory_space<vmem>> -> memref<64x256xf32, #tpu.memory_space<vmem>>
      %dma_wait3A_202 = arith.constant 0 : i32
      %dma_wait3A_203 = tpu.memref_slice %arg3[%dma_wait3A_202, %multiple_of3A] : memref<64x1000000xf32, #tpu.memory_space<hbm>> -> memref<64x256xf32, #tpu.memory_space<hbm>>
      %dma_wait3A_204 = tpu.memref_slice %arg9[%rem3A_193] : memref<5x!tpu.dma_semaphore, #tpu.memory_space<semaphore_mem>> -> memref<1x!tpu.dma_semaphore, #tpu.memory_space<semaphore_mem>>
      %dma_wait3A_205 = tpu.memref_squeeze %dma_wait3A_204 : memref<1x!tpu.dma_semaphore, #tpu.memory_space<semaphore_mem>> -> memref<!tpu.dma_semaphore, #tpu.memory_space<semaphore_mem>>
      %dma_wait3A_206 = arith.constant 0 : i32
      %dma_wait3A_207 = arith.constant 0 : i32
      %dma_wait3A_208 = tpu.memref_slice %arg7[%rem3A_193, %dma_wait3A_206, %dma_wait3A_207] : memref<5x64x256xf32, #tpu.memory_space<vmem>> -> memref<1x64x256xf32, #tpu.memory_space<vmem>>
      %dma_wait3A_209 = tpu.memref_squeeze %dma_wait3A_208 : memref<1x64x256xf32, #tpu.memory_space<vmem>> -> memref<64x256xf32, #tpu.memory_space<vmem>>
      %dma_wait3A_210 = arith.constant 0 : i32
      %dma_wait3A_211 = tpu.memref_slice %arg3[%dma_wait3A_210, %multiple_of3A] : memref<64x1000000xf32, #tpu.memory_space<hbm>> -> memref<64x256xf32, #tpu.memory_space<hbm>>
      tpu.wait_dma2 semaphore(%dma_wait3A_205 : memref<!tpu.dma_semaphore, #tpu.memory_space<semaphore_mem>>) src(%dma_wait3A_211 : memref<64x256xf32, #tpu.memory_space<hbm>>) dst(%dma_wait3A_209 : memref<64x256xf32, #tpu.memory_space<vmem>>)
    }
    %scan3A_177 = arith.constant 4 : i32
    %add3A_178 = arith.constant 512 : i32
    %add3A_179 = arith.addi %mul3A_2, %add3A_178 : i32
    %mul3A_180 = arith.constant 64 : i32
    %mul3A_181 = arith.muli %add3A_179, %mul3A_180 : i32
    %dma_start3A_182 = tpu.memref_slice %arg4[%mul3A_181] : memref<2097152xf32, #tpu.memory_space<hbm>> -> memref<32768xf32, #tpu.memory_space<hbm>>
    %dma_start3A_183 = tpu.memref_slice %arg4[%mul3A_181] : memref<2097152xf32, #tpu.memory_space<hbm>> -> memref<32768xf32, #tpu.memory_space<hbm>>
    tpu.enqueue_dma source(%arg8 : memref<32768xf32, #tpu.memory_space<vmem>>) target(%dma_start3A_183 : memref<32768xf32, #tpu.memory_space<hbm>>) target_semaphore(%arg10 : memref<!tpu.dma_semaphore, #tpu.memory_space<semaphore_mem>>)
    %add3A_184 = arith.constant 512 : i32
    %add3A_185 = arith.addi %mul3A_2, %add3A_184 : i32
    %mul3A_186 = arith.constant 64 : i32
    %mul3A_187 = arith.muli %add3A_185, %mul3A_186 : i32
    %dma_wait3A_188 = tpu.memref_slice %arg4[%mul3A_187] : memref<2097152xf32, #tpu.memory_space<hbm>> -> memref<32768xf32, #tpu.memory_space<hbm>>
    %dma_wait3A_189 = tpu.memref_slice %arg4[%mul3A_187] : memref<2097152xf32, #tpu.memory_space<hbm>> -> memref<32768xf32, #tpu.memory_space<hbm>>
    tpu.wait_dma2 semaphore(%arg10 : memref<!tpu.dma_semaphore, #tpu.memory_space<semaphore_mem>>) src(%arg8 : memref<32768xf32, #tpu.memory_space<vmem>>) dst(%dma_wait3A_189 : memref<32768xf32, #tpu.memory_space<hbm>>)
    return
  }
}

#map = affine_map<(d0, d1) -> (0, 0)>
#map1 = affine_map<(d0, d1) -> (0)>
module attributes {stable_mosaic.version = 14 : i64} {
  func.func @body(%arg0: i32, %arg1: i32, %arg2: memref<32768x64xf32, #tpu.memory_space<hbm>>, %arg3: memref<32768xi32, #tpu.memory_space<hbm>>, %arg4: memref<8192x64xf32, #tpu.memory_space<hbm>>, %arg5: memref<32768x64xf32, #tpu.memory_space<hbm>>, %arg6: memref<4x256xi32, #tpu.memory_space<vmem>>, %arg7: memref<4x256xi32, #tpu.memory_space<vmem>>, %arg8: memref<2x256x64xf32, #tpu.memory_space<vmem>>, %arg9: memref<2x256x64xf32, #tpu.memory_space<vmem>>, %arg10: memref<2x!tpu.dma_semaphore, #tpu.memory_space<semaphore_mem>>, %arg11: memref<2x!tpu.dma_semaphore, #tpu.memory_space<semaphore_mem>>, %arg12: memref<2x!tpu.dma_semaphore, #tpu.memory_space<semaphore_mem>>) attributes {dimension_semantics = [#tpu.dimension_semantics<core_parallel>, #tpu.dimension_semantics<subcore_parallel>], iteration_bounds = array<i64: 2, 16>, scalar_prefetch = 0 : i64, scratch_operands = 7 : i64, tpu.core_type = #tpu.core_type<sc_vector_subcore>, window_params = [{transform_indices = #map}, {transform_indices = #map1}, {transform_indices = #map}, {transform_indices = #map}]} {
    %mul3A = arith.constant 2 : i32
    %mul3A_0 = arith.muli %arg1, %mul3A : i32
    %add3A = arith.addi %mul3A_0, %arg0 : i32
    %mul3A_1 = arith.constant 1024 : i32
    %mul3A_2 = arith.muli %add3A, %mul3A_1 : i32
    %add3A_3 = arith.constant 0 : i32
    %add3A_4 = arith.addi %mul3A_2, %add3A_3 : i32
    %run_scoped3A = arith.constant 0 : i32
    "tpu.region"() ({
      %run_scoped3A_443 = tpu.sem_alloc : memref<!tpu.dma_semaphore, #tpu.memory_space<semaphore_mem>>
      %dma_start3A_444 = arith.constant 0 : i32
      %dma_start3A_445 = tpu.memref_slice %arg6[%run_scoped3A, %dma_start3A_444] : memref<4x256xi32, #tpu.memory_space<vmem>> -> memref<1x256xi32, #tpu.memory_space<vmem>>
      %dma_start3A_446 = tpu.memref_squeeze %dma_start3A_445 : memref<1x256xi32, #tpu.memory_space<vmem>> -> memref<256xi32, #tpu.memory_space<vmem>>
      %dma_start3A_447 = tpu.memref_slice %arg3[%add3A_4] : memref<32768xi32, #tpu.memory_space<hbm>> -> memref<256xi32, #tpu.memory_space<hbm>>
      %dma_start3A_448 = arith.constant 0 : i32
      %dma_start3A_449 = tpu.memref_slice %arg6[%run_scoped3A, %dma_start3A_448] : memref<4x256xi32, #tpu.memory_space<vmem>> -> memref<1x256xi32, #tpu.memory_space<vmem>>
      %dma_start3A_450 = tpu.memref_squeeze %dma_start3A_449 : memref<1x256xi32, #tpu.memory_space<vmem>> -> memref<256xi32, #tpu.memory_space<vmem>>
      %dma_start3A_451 = tpu.memref_slice %arg3[%add3A_4] : memref<32768xi32, #tpu.memory_space<hbm>> -> memref<256xi32, #tpu.memory_space<hbm>>
      tpu.enqueue_dma source(%dma_start3A_451 : memref<256xi32, #tpu.memory_space<hbm>>) target(%dma_start3A_450 : memref<256xi32, #tpu.memory_space<vmem>>) target_semaphore(%run_scoped3A_443 : memref<!tpu.dma_semaphore, #tpu.memory_space<semaphore_mem>>)
      %dma_wait3A_452 = arith.constant 0 : i32
      %dma_wait3A_453 = tpu.memref_slice %arg6[%run_scoped3A, %dma_wait3A_452] : memref<4x256xi32, #tpu.memory_space<vmem>> -> memref<1x256xi32, #tpu.memory_space<vmem>>
      %dma_wait3A_454 = tpu.memref_squeeze %dma_wait3A_453 : memref<1x256xi32, #tpu.memory_space<vmem>> -> memref<256xi32, #tpu.memory_space<vmem>>
      %dma_wait3A_455 = tpu.memref_slice %arg3[%add3A_4] : memref<32768xi32, #tpu.memory_space<hbm>> -> memref<256xi32, #tpu.memory_space<hbm>>
      %dma_wait3A_456 = arith.constant 0 : i32
      %dma_wait3A_457 = tpu.memref_slice %arg6[%run_scoped3A, %dma_wait3A_456] : memref<4x256xi32, #tpu.memory_space<vmem>> -> memref<1x256xi32, #tpu.memory_space<vmem>>
      %dma_wait3A_458 = tpu.memref_squeeze %dma_wait3A_457 : memref<1x256xi32, #tpu.memory_space<vmem>> -> memref<256xi32, #tpu.memory_space<vmem>>
      %dma_wait3A_459 = tpu.memref_slice %arg3[%add3A_4] : memref<32768xi32, #tpu.memory_space<hbm>> -> memref<256xi32, #tpu.memory_space<hbm>>
      tpu.wait_dma2 semaphore(%run_scoped3A_443 : memref<!tpu.dma_semaphore, #tpu.memory_space<semaphore_mem>>) src(%dma_wait3A_459 : memref<256xi32, #tpu.memory_space<hbm>>) dst(%dma_wait3A_458 : memref<256xi32, #tpu.memory_space<vmem>>)
      tpu.yield
    }) : () -> ()
    %scan3A = arith.constant 0 : i32
    %scan3A_5 = arith.constant 0 : i32
    %scan3A_6 = arith.constant 16 : i32
    %scan3A_7 = arith.addi %scan3A_5, %scan3A_6 : i32
    %scan3A_8 = arith.constant 1 : i32
    scf.for %scan3A_443 = %scan3A_5 to %scan3A_7 step %scan3A_8  : i32 {
      %mul3A_444 = arith.constant 16 : i32
      %mul3A_445 = arith.muli %scan3A_443, %mul3A_444 : i32
      %get3A = arith.constant 0 : i32
      %get3A_446 = arith.index_cast %get3A : i32 to index
      %get3A_447 = arith.index_cast %mul3A_445 : i32 to index
      %get3A_448 = tpu.vector_load %arg6[%get3A_446, %get3A_447] {strides = array<i32>} : memref<4x256xi32, #tpu.memory_space<vmem>>, vector<1x16xi32>,
      %get3A_449 = vector.shape_cast %get3A_448 : vector<1x16xi32> to vector<16xi32>
      %rem3A = arith.constant 8192 : i32
      %rem3A_450 = vector.broadcast %rem3A : i32 to vector<16xi32>
      %rem3A_451 = arith.remsi %get3A_449, %rem3A_450 : vector<16xi32>
      %swap3A = arith.constant 0 : i32
      %swap3A_452 = arith.index_cast %swap3A : i32 to index
      %swap3A_453 = arith.index_cast %mul3A_445 : i32 to index
      %swap3A_454 = tpu.vector_load %arg7[%swap3A_452, %swap3A_453] {strides = array<i32>} : memref<4x256xi32, #tpu.memory_space<vmem>>, vector<1x16xi32>,
      %swap3A_455 = vector.shape_cast %swap3A_454 : vector<1x16xi32> to vector<16xi32>
      %swap3A_456 = vector.shape_cast %rem3A_451 : vector<16xi32> to vector<1x16xi32>
      tpu.vector_store %arg7[%swap3A_452, %swap3A_453], %swap3A_456 {strides = array<i32>} : memref<4x256xi32, #tpu.memory_space<vmem>>, vector<1x16xi32>,
    }
    %scan3A_9 = arith.constant 16 : i32
    %add3A_10 = arith.constant 0 : i32
    %add3A_11 = arith.addi %mul3A_2, %add3A_10 : i32
    %dma_start3A = arith.constant 0 : i32
    %dma_start3A_12 = arith.constant 0 : i32
    %dma_start3A_13 = arith.constant 0 : i32
    %dma_start3A_14 = arith.constant 0 : i32
    %dma_start3A_15 = tpu.memref_slice %arg8[%dma_start3A, %dma_start3A_13, %dma_start3A_14] : memref<2x256x64xf32, #tpu.memory_space<vmem>> -> memref<1x256x64xf32, #tpu.memory_space<vmem>>
    %dma_start3A_16 = tpu.memref_squeeze %dma_start3A_15 : memref<1x256x64xf32, #tpu.memory_space<vmem>> -> memref<256x64xf32, #tpu.memory_space<vmem>>
    %dma_start3A_17 = arith.constant 0 : i32
    %dma_start3A_18 = tpu.memref_slice %arg2[%add3A_11, %dma_start3A_17] : memref<32768x64xf32, #tpu.memory_space<hbm>> -> memref<256x64xf32, #tpu.memory_space<hbm>>
    %dma_start3A_19 = tpu.memref_slice %arg10[%dma_start3A_12] : memref<2x!tpu.dma_semaphore, #tpu.memory_space<semaphore_mem>> -> memref<1x!tpu.dma_semaphore, #tpu.memory_space<semaphore_mem>>
    %dma_start3A_20 = tpu.memref_squeeze %dma_start3A_19 : memref<1x!tpu.dma_semaphore, #tpu.memory_space<semaphore_mem>> -> memref<!tpu.dma_semaphore, #tpu.memory_space<semaphore_mem>>
    %dma_start3A_21 = arith.constant 0 : i32
    %dma_start3A_22 = arith.constant 0 : i32
    %dma_start3A_23 = tpu.memref_slice %arg8[%dma_start3A, %dma_start3A_21, %dma_start3A_22] : memref<2x256x64xf32, #tpu.memory_space<vmem>> -> memref<1x256x64xf32, #tpu.memory_space<vmem>>
    %dma_start3A_24 = tpu.memref_squeeze %dma_start3A_23 : memref<1x256x64xf32, #tpu.memory_space<vmem>> -> memref<256x64xf32, #tpu.memory_space<vmem>>
    %dma_start3A_25 = arith.constant 0 : i32
    %dma_start3A_26 = tpu.memref_slice %arg2[%add3A_11, %dma_start3A_25] : memref<32768x64xf32, #tpu.memory_space<hbm>> -> memref<256x64xf32, #tpu.memory_space<hbm>>
    tpu.enqueue_dma source(%dma_start3A_26 : memref<256x64xf32, #tpu.memory_space<hbm>>) target(%dma_start3A_24 : memref<256x64xf32, #tpu.memory_space<vmem>>) target_semaphore(%dma_start3A_20 : memref<!tpu.dma_semaphore, #tpu.memory_space<semaphore_mem>>)
    %dma_start3A_27 = arith.constant 0 : i32
    %dma_start3A_28 = arith.constant 0 : i32
    %dma_start3A_29 = arith.constant 0 : i32
    %dma_start3A_30 = arith.constant 0 : i32
    %dma_start3A_31 = arith.constant 0 : i32
    %dma_start3A_32 = tpu.memref_slice %arg9[%dma_start3A_28, %dma_start3A_30, %dma_start3A_31] : memref<2x256x64xf32, #tpu.memory_space<vmem>> -> memref<1x256x64xf32, #tpu.memory_space<vmem>>
    %dma_start3A_33 = tpu.memref_squeeze %dma_start3A_32 : memref<1x256x64xf32, #tpu.memory_space<vmem>> -> memref<256x64xf32, #tpu.memory_space<vmem>>
    %dma_start3A_34 = arith.constant 0 : i32
    %dma_start3A_35 = tpu.memref_slice %arg7[%dma_start3A_27, %dma_start3A_34] : memref<4x256xi32, #tpu.memory_space<vmem>> -> memref<1x256xi32, #tpu.memory_space<vmem>>
    %dma_start3A_36 = tpu.memref_squeeze %dma_start3A_35 : memref<1x256xi32, #tpu.memory_space<vmem>> -> memref<256xi32, #tpu.memory_space<vmem>>
    %dma_start3A_37 = arith.constant 0 : i32
    %dma_start3A_38 = arith.constant 0 : i32
    %dma_start3A_39 = tpu.memref_slice %arg4[%dma_start3A_37, %dma_start3A_38] : memref<8192x64xf32, #tpu.memory_space<hbm>> -> memref<8192x64xf32, #tpu.memory_space<hbm>>
    %dma_start3A_40 = tpu.memref_slice %arg11[%dma_start3A_29] : memref<2x!tpu.dma_semaphore, #tpu.memory_space<semaphore_mem>> -> memref<1x!tpu.dma_semaphore, #tpu.memory_space<semaphore_mem>>
    %dma_start3A_41 = tpu.memref_squeeze %dma_start3A_40 : memref<1x!tpu.dma_semaphore, #tpu.memory_space<semaphore_mem>> -> memref<!tpu.dma_semaphore, #tpu.memory_space<semaphore_mem>>
    tpu.enqueue_indirect_dma source(%dma_start3A_39 : memref<8192x64xf32, #tpu.memory_space<hbm>>) target(%dma_start3A_33 : memref<256x64xf32, #tpu.memory_space<vmem>>) offsets(%dma_start3A_36 : memref<256xi32, #tpu.memory_space<vmem>>) semaphore(%dma_start3A_41 : memref<!tpu.dma_semaphore, #tpu.memory_space<semaphore_mem>>)
    %add3A_42 = arith.constant 256 : i32
    %add3A_43 = arith.addi %mul3A_2, %add3A_42 : i32
    %run_scoped3A_44 = arith.constant 1 : i32
    "tpu.region"() ({
      %run_scoped3A_443 = tpu.sem_alloc : memref<!tpu.dma_semaphore, #tpu.memory_space<semaphore_mem>>
      %dma_start3A_444 = arith.constant 0 : i32
      %dma_start3A_445 = tpu.memref_slice %arg6[%run_scoped3A_44, %dma_start3A_444] : memref<4x256xi32, #tpu.memory_space<vmem>> -> memref<1x256xi32, #tpu.memory_space<vmem>>
      %dma_start3A_446 = tpu.memref_squeeze %dma_start3A_445 : memref<1x256xi32, #tpu.memory_space<vmem>> -> memref<256xi32, #tpu.memory_space<vmem>>
      %dma_start3A_447 = tpu.memref_slice %arg3[%add3A_43] : memref<32768xi32, #tpu.memory_space<hbm>> -> memref<256xi32, #tpu.memory_space<hbm>>
      %dma_start3A_448 = arith.constant 0 : i32
      %dma_start3A_449 = tpu.memref_slice %arg6[%run_scoped3A_44, %dma_start3A_448] : memref<4x256xi32, #tpu.memory_space<vmem>> -> memref<1x256xi32, #tpu.memory_space<vmem>>
      %dma_start3A_450 = tpu.memref_squeeze %dma_start3A_449 : memref<1x256xi32, #tpu.memory_space<vmem>> -> memref<256xi32, #tpu.memory_space<vmem>>
      %dma_start3A_451 = tpu.memref_slice %arg3[%add3A_43] : memref<32768xi32, #tpu.memory_space<hbm>> -> memref<256xi32, #tpu.memory_space<hbm>>
      tpu.enqueue_dma source(%dma_start3A_451 : memref<256xi32, #tpu.memory_space<hbm>>) target(%dma_start3A_450 : memref<256xi32, #tpu.memory_space<vmem>>) target_semaphore(%run_scoped3A_443 : memref<!tpu.dma_semaphore, #tpu.memory_space<semaphore_mem>>)
      %dma_wait3A_452 = arith.constant 0 : i32
      %dma_wait3A_453 = tpu.memref_slice %arg6[%run_scoped3A_44, %dma_wait3A_452] : memref<4x256xi32, #tpu.memory_space<vmem>> -> memref<1x256xi32, #tpu.memory_space<vmem>>
      %dma_wait3A_454 = tpu.memref_squeeze %dma_wait3A_453 : memref<1x256xi32, #tpu.memory_space<vmem>> -> memref<256xi32, #tpu.memory_space<vmem>>
      %dma_wait3A_455 = tpu.memref_slice %arg3[%add3A_43] : memref<32768xi32, #tpu.memory_space<hbm>> -> memref<256xi32, #tpu.memory_space<hbm>>
      %dma_wait3A_456 = arith.constant 0 : i32
      %dma_wait3A_457 = tpu.memref_slice %arg6[%run_scoped3A_44, %dma_wait3A_456] : memref<4x256xi32, #tpu.memory_space<vmem>> -> memref<1x256xi32, #tpu.memory_space<vmem>>
      %dma_wait3A_458 = tpu.memref_squeeze %dma_wait3A_457 : memref<1x256xi32, #tpu.memory_space<vmem>> -> memref<256xi32, #tpu.memory_space<vmem>>
      %dma_wait3A_459 = tpu.memref_slice %arg3[%add3A_43] : memref<32768xi32, #tpu.memory_space<hbm>> -> memref<256xi32, #tpu.memory_space<hbm>>
      tpu.wait_dma2 semaphore(%run_scoped3A_443 : memref<!tpu.dma_semaphore, #tpu.memory_space<semaphore_mem>>) src(%dma_wait3A_459 : memref<256xi32, #tpu.memory_space<hbm>>) dst(%dma_wait3A_458 : memref<256xi32, #tpu.memory_space<vmem>>)
      tpu.yield
    }) : () -> ()
    %scan3A_45 = arith.constant 0 : i32
    %scan3A_46 = arith.constant 0 : i32
    %scan3A_47 = arith.constant 16 : i32
    %scan3A_48 = arith.addi %scan3A_46, %scan3A_47 : i32
    %scan3A_49 = arith.constant 1 : i32
    scf.for %scan3A_443 = %scan3A_46 to %scan3A_48 step %scan3A_49  : i32 {
      %mul3A_444 = arith.constant 16 : i32
      %mul3A_445 = arith.muli %scan3A_443, %mul3A_444 : i32
      %get3A = arith.constant 1 : i32
      %get3A_446 = arith.index_cast %get3A : i32 to index
      %get3A_447 = arith.index_cast %mul3A_445 : i32 to index
      %get3A_448 = tpu.vector_load %arg6[%get3A_446, %get3A_447] {strides = array<i32>} : memref<4x256xi32, #tpu.memory_space<vmem>>, vector<1x16xi32>,
      %get3A_449 = vector.shape_cast %get3A_448 : vector<1x16xi32> to vector<16xi32>
      %rem3A = arith.constant 8192 : i32
      %rem3A_450 = vector.broadcast %rem3A : i32 to vector<16xi32>
      %rem3A_451 = arith.remsi %get3A_449, %rem3A_450 : vector<16xi32>
      %swap3A = arith.constant 1 : i32
      %swap3A_452 = arith.index_cast %swap3A : i32 to index
      %swap3A_453 = arith.index_cast %mul3A_445 : i32 to index
      %swap3A_454 = tpu.vector_load %arg7[%swap3A_452, %swap3A_453] {strides = array<i32>} : memref<4x256xi32, #tpu.memory_space<vmem>>, vector<1x16xi32>,
      %swap3A_455 = vector.shape_cast %swap3A_454 : vector<1x16xi32> to vector<16xi32>
      %swap3A_456 = vector.shape_cast %rem3A_451 : vector<16xi32> to vector<1x16xi32>
      tpu.vector_store %arg7[%swap3A_452, %swap3A_453], %swap3A_456 {strides = array<i32>} : memref<4x256xi32, #tpu.memory_space<vmem>>, vector<1x16xi32>,
    }
    %scan3A_50 = arith.constant 16 : i32
    %add3A_51 = arith.constant 256 : i32
    %add3A_52 = arith.addi %mul3A_2, %add3A_51 : i32
    %dma_start3A_53 = arith.constant 1 : i32
    %dma_start3A_54 = arith.constant 1 : i32
    %dma_start3A_55 = arith.constant 0 : i32
    %dma_start3A_56 = arith.constant 0 : i32
    %dma_start3A_57 = tpu.memref_slice %arg8[%dma_start3A_53, %dma_start3A_55, %dma_start3A_56] : memref<2x256x64xf32, #tpu.memory_space<vmem>> -> memref<1x256x64xf32, #tpu.memory_space<vmem>>
    %dma_start3A_58 = tpu.memref_squeeze %dma_start3A_57 : memref<1x256x64xf32, #tpu.memory_space<vmem>> -> memref<256x64xf32, #tpu.memory_space<vmem>>
    %dma_start3A_59 = arith.constant 0 : i32
    %dma_start3A_60 = tpu.memref_slice %arg2[%add3A_52, %dma_start3A_59] : memref<32768x64xf32, #tpu.memory_space<hbm>> -> memref<256x64xf32, #tpu.memory_space<hbm>>
    %dma_start3A_61 = tpu.memref_slice %arg10[%dma_start3A_54] : memref<2x!tpu.dma_semaphore, #tpu.memory_space<semaphore_mem>> -> memref<1x!tpu.dma_semaphore, #tpu.memory_space<semaphore_mem>>
    %dma_start3A_62 = tpu.memref_squeeze %dma_start3A_61 : memref<1x!tpu.dma_semaphore, #tpu.memory_space<semaphore_mem>> -> memref<!tpu.dma_semaphore, #tpu.memory_space<semaphore_mem>>
    %dma_start3A_63 = arith.constant 0 : i32
    %dma_start3A_64 = arith.constant 0 : i32
    %dma_start3A_65 = tpu.memref_slice %arg8[%dma_start3A_53, %dma_start3A_63, %dma_start3A_64] : memref<2x256x64xf32, #tpu.memory_space<vmem>> -> memref<1x256x64xf32, #tpu.memory_space<vmem>>
    %dma_start3A_66 = tpu.memref_squeeze %dma_start3A_65 : memref<1x256x64xf32, #tpu.memory_space<vmem>> -> memref<256x64xf32, #tpu.memory_space<vmem>>
    %dma_start3A_67 = arith.constant 0 : i32
    %dma_start3A_68 = tpu.memref_slice %arg2[%add3A_52, %dma_start3A_67] : memref<32768x64xf32, #tpu.memory_space<hbm>> -> memref<256x64xf32, #tpu.memory_space<hbm>>
    tpu.enqueue_dma source(%dma_start3A_68 : memref<256x64xf32, #tpu.memory_space<hbm>>) target(%dma_start3A_66 : memref<256x64xf32, #tpu.memory_space<vmem>>) target_semaphore(%dma_start3A_62 : memref<!tpu.dma_semaphore, #tpu.memory_space<semaphore_mem>>)
    %dma_start3A_69 = arith.constant 1 : i32
    %dma_start3A_70 = arith.constant 1 : i32
    %dma_start3A_71 = arith.constant 1 : i32
    %dma_start3A_72 = arith.constant 0 : i32
    %dma_start3A_73 = arith.constant 0 : i32
    %dma_start3A_74 = tpu.memref_slice %arg9[%dma_start3A_70, %dma_start3A_72, %dma_start3A_73] : memref<2x256x64xf32, #tpu.memory_space<vmem>> -> memref<1x256x64xf32, #tpu.memory_space<vmem>>
    %dma_start3A_75 = tpu.memref_squeeze %dma_start3A_74 : memref<1x256x64xf32, #tpu.memory_space<vmem>> -> memref<256x64xf32, #tpu.memory_space<vmem>>
    %dma_start3A_76 = arith.constant 0 : i32
    %dma_start3A_77 = tpu.memref_slice %arg7[%dma_start3A_69, %dma_start3A_76] : memref<4x256xi32, #tpu.memory_space<vmem>> -> memref<1x256xi32, #tpu.memory_space<vmem>>
    %dma_start3A_78 = tpu.memref_squeeze %dma_start3A_77 : memref<1x256xi32, #tpu.memory_space<vmem>> -> memref<256xi32, #tpu.memory_space<vmem>>
    %dma_start3A_79 = arith.constant 0 : i32
    %dma_start3A_80 = arith.constant 0 : i32
    %dma_start3A_81 = tpu.memref_slice %arg4[%dma_start3A_79, %dma_start3A_80] : memref<8192x64xf32, #tpu.memory_space<hbm>> -> memref<8192x64xf32, #tpu.memory_space<hbm>>
    %dma_start3A_82 = tpu.memref_slice %arg11[%dma_start3A_71] : memref<2x!tpu.dma_semaphore, #tpu.memory_space<semaphore_mem>> -> memref<1x!tpu.dma_semaphore, #tpu.memory_space<semaphore_mem>>
    %dma_start3A_83 = tpu.memref_squeeze %dma_start3A_82 : memref<1x!tpu.dma_semaphore, #tpu.memory_space<semaphore_mem>> -> memref<!tpu.dma_semaphore, #tpu.memory_space<semaphore_mem>>
    tpu.enqueue_indirect_dma source(%dma_start3A_81 : memref<8192x64xf32, #tpu.memory_space<hbm>>) target(%dma_start3A_75 : memref<256x64xf32, #tpu.memory_space<vmem>>) offsets(%dma_start3A_78 : memref<256xi32, #tpu.memory_space<vmem>>) semaphore(%dma_start3A_83 : memref<!tpu.dma_semaphore, #tpu.memory_space<semaphore_mem>>)
    %add3A_84 = arith.constant 0 : i32
    %add3A_85 = arith.addi %mul3A_2, %add3A_84 : i32
    %dma_wait3A = arith.constant 0 : i32
    %dma_wait3A_86 = arith.constant 0 : i32
    %dma_wait3A_87 = arith.constant 0 : i32
    %dma_wait3A_88 = arith.constant 0 : i32
    %dma_wait3A_89 = tpu.memref_slice %arg8[%dma_wait3A, %dma_wait3A_87, %dma_wait3A_88] : memref<2x256x64xf32, #tpu.memory_space<vmem>> -> memref<1x256x64xf32, #tpu.memory_space<vmem>>
    %dma_wait3A_90 = tpu.memref_squeeze %dma_wait3A_89 : memref<1x256x64xf32, #tpu.memory_space<vmem>> -> memref<256x64xf32, #tpu.memory_space<vmem>>
    %dma_wait3A_91 = arith.constant 0 : i32
    %dma_wait3A_92 = tpu.memref_slice %arg2[%add3A_85, %dma_wait3A_91] : memref<32768x64xf32, #tpu.memory_space<hbm>> -> memref<256x64xf32, #tpu.memory_space<hbm>>
    %dma_wait3A_93 = tpu.memref_slice %arg10[%dma_wait3A_86] : memref<2x!tpu.dma_semaphore, #tpu.memory_space<semaphore_mem>> -> memref<1x!tpu.dma_semaphore, #tpu.memory_space<semaphore_mem>>
    %dma_wait3A_94 = tpu.memref_squeeze %dma_wait3A_93 : memref<1x!tpu.dma_semaphore, #tpu.memory_space<semaphore_mem>> -> memref<!tpu.dma_semaphore, #tpu.memory_space<semaphore_mem>>
    %dma_wait3A_95 = arith.constant 0 : i32
    %dma_wait3A_96 = arith.constant 0 : i32
    %dma_wait3A_97 = tpu.memref_slice %arg8[%dma_wait3A, %dma_wait3A_95, %dma_wait3A_96] : memref<2x256x64xf32, #tpu.memory_space<vmem>> -> memref<1x256x64xf32, #tpu.memory_space<vmem>>
    %dma_wait3A_98 = tpu.memref_squeeze %dma_wait3A_97 : memref<1x256x64xf32, #tpu.memory_space<vmem>> -> memref<256x64xf32, #tpu.memory_space<vmem>>
    %dma_wait3A_99 = arith.constant 0 : i32
    %dma_wait3A_100 = tpu.memref_slice %arg2[%add3A_85, %dma_wait3A_99] : memref<32768x64xf32, #tpu.memory_space<hbm>> -> memref<256x64xf32, #tpu.memory_space<hbm>>
    tpu.wait_dma2 semaphore(%dma_wait3A_94 : memref<!tpu.dma_semaphore, #tpu.memory_space<semaphore_mem>>) src(%dma_wait3A_100 : memref<256x64xf32, #tpu.memory_space<hbm>>) dst(%dma_wait3A_98 : memref<256x64xf32, #tpu.memory_space<vmem>>)
    %dma_wait3A_101 = arith.constant 0 : i32
    %dma_wait3A_102 = arith.constant 0 : i32
    %dma_wait3A_103 = arith.constant 0 : i32
    %dma_wait3A_104 = arith.constant 0 : i32
    %dma_wait3A_105 = arith.constant 0 : i32
    %dma_wait3A_106 = tpu.memref_slice %arg9[%dma_wait3A_102, %dma_wait3A_104, %dma_wait3A_105] : memref<2x256x64xf32, #tpu.memory_space<vmem>> -> memref<1x256x64xf32, #tpu.memory_space<vmem>>
    %dma_wait3A_107 = tpu.memref_squeeze %dma_wait3A_106 : memref<1x256x64xf32, #tpu.memory_space<vmem>> -> memref<256x64xf32, #tpu.memory_space<vmem>>
    %dma_wait3A_108 = arith.constant 0 : i32
    %dma_wait3A_109 = tpu.memref_slice %arg7[%dma_wait3A_101, %dma_wait3A_108] : memref<4x256xi32, #tpu.memory_space<vmem>> -> memref<1x256xi32, #tpu.memory_space<vmem>>
    %dma_wait3A_110 = tpu.memref_squeeze %dma_wait3A_109 : memref<1x256xi32, #tpu.memory_space<vmem>> -> memref<256xi32, #tpu.memory_space<vmem>>
    %dma_wait3A_111 = arith.constant 0 : i32
    %dma_wait3A_112 = arith.constant 0 : i32
    %dma_wait3A_113 = tpu.memref_slice %arg4[%dma_wait3A_111, %dma_wait3A_112] : memref<8192x64xf32, #tpu.memory_space<hbm>> -> memref<8192x64xf32, #tpu.memory_space<hbm>>
    %dma_wait3A_114 = tpu.memref_slice %arg11[%dma_wait3A_103] : memref<2x!tpu.dma_semaphore, #tpu.memory_space<semaphore_mem>> -> memref<1x!tpu.dma_semaphore, #tpu.memory_space<semaphore_mem>>
    %dma_wait3A_115 = tpu.memref_squeeze %dma_wait3A_114 : memref<1x!tpu.dma_semaphore, #tpu.memory_space<semaphore_mem>> -> memref<!tpu.dma_semaphore, #tpu.memory_space<semaphore_mem>>
    tpu.wait_indirect_dma semaphore(%dma_wait3A_115 : memref<!tpu.dma_semaphore, #tpu.memory_space<semaphore_mem>>) src(%dma_wait3A_113 : memref<8192x64xf32, #tpu.memory_space<hbm>>) dst(%dma_wait3A_107 : memref<256x64xf32, #tpu.memory_space<vmem>>)
    %scan3A_116 = arith.constant 0 : i32
    %scan3A_117 = arith.constant 0 : i32
    %scan3A_118 = arith.constant 256 : i32
    %scan3A_119 = arith.addi %scan3A_117, %scan3A_118 : i32
    %scan3A_120 = arith.constant 1 : i32
    scf.for %scan3A_443 = %scan3A_117 to %scan3A_119 step %scan3A_120  : i32 {
      %get3A = arith.constant 0 : i32
      %get3A_444 = arith.index_cast %get3A : i32 to index
      %get3A_445 = arith.index_cast %scan3A_443 : i32 to index
      %get3A_446 = arith.constant 0 : index
      %get3A_447 = tpu.vector_load %arg8[%get3A_444, %get3A_445, %get3A_446] {strides = array<i32>} : memref<2x256x64xf32, #tpu.memory_space<vmem>>, vector<1x1x16xf32>,
      %get3A_448 = vector.shape_cast %get3A_447 : vector<1x1x16xf32> to vector<16xf32>
      %get3A_449 = arith.constant 0 : i32
      %get3A_450 = arith.index_cast %get3A_449 : i32 to index
      %get3A_451 = arith.index_cast %scan3A_443 : i32 to index
      %get3A_452 = arith.constant 0 : index
      %get3A_453 = tpu.vector_load %arg9[%get3A_450, %get3A_451, %get3A_452] {strides = array<i32>} : memref<2x256x64xf32, #tpu.memory_space<vmem>>, vector<1x1x16xf32>,
      %get3A_454 = vector.shape_cast %get3A_453 : vector<1x1x16xf32> to vector<16xf32>
      %add3A_455 = arith.addf %get3A_448, %get3A_454 : vector<16xf32>
      %swap3A = arith.constant 0 : i32
      %swap3A_456 = arith.index_cast %swap3A : i32 to index
      %swap3A_457 = arith.index_cast %scan3A_443 : i32 to index
      %swap3A_458 = arith.constant 0 : index
      %swap3A_459 = tpu.vector_load %arg8[%swap3A_456, %swap3A_457, %swap3A_458] {strides = array<i32>} : memref<2x256x64xf32, #tpu.memory_space<vmem>>, vector<1x1x16xf32>,
      %swap3A_460 = vector.shape_cast %swap3A_459 : vector<1x1x16xf32> to vector<16xf32>
      %swap3A_461 = vector.shape_cast %add3A_455 : vector<16xf32> to vector<1x1x16xf32>
      tpu.vector_store %arg8[%swap3A_456, %swap3A_457, %swap3A_458], %swap3A_461 {strides = array<i32>} : memref<2x256x64xf32, #tpu.memory_space<vmem>>, vector<1x1x16xf32>,
      %get3A_462 = arith.constant 0 : i32
      %get3A_463 = arith.index_cast %get3A_462 : i32 to index
      %get3A_464 = arith.index_cast %scan3A_443 : i32 to index
      %get3A_465 = arith.constant 16 : index
      %get3A_466 = tpu.vector_load %arg8[%get3A_463, %get3A_464, %get3A_465] {strides = array<i32>} : memref<2x256x64xf32, #tpu.memory_space<vmem>>, vector<1x1x16xf32>,
      %get3A_467 = vector.shape_cast %get3A_466 : vector<1x1x16xf32> to vector<16xf32>
      %get3A_468 = arith.constant 0 : i32
      %get3A_469 = arith.index_cast %get3A_468 : i32 to index
      %get3A_470 = arith.index_cast %scan3A_443 : i32 to index
      %get3A_471 = arith.constant 16 : index
      %get3A_472 = tpu.vector_load %arg9[%get3A_469, %get3A_470, %get3A_471] {strides = array<i32>} : memref<2x256x64xf32, #tpu.memory_space<vmem>>, vector<1x1x16xf32>,
      %get3A_473 = vector.shape_cast %get3A_472 : vector<1x1x16xf32> to vector<16xf32>
      %add3A_474 = arith.addf %get3A_467, %get3A_473 : vector<16xf32>
      %swap3A_475 = arith.constant 0 : i32
      %swap3A_476 = arith.index_cast %swap3A_475 : i32 to index
      %swap3A_477 = arith.index_cast %scan3A_443 : i32 to index
      %swap3A_478 = arith.constant 16 : index
      %swap3A_479 = tpu.vector_load %arg8[%swap3A_476, %swap3A_477, %swap3A_478] {strides = array<i32>} : memref<2x256x64xf32, #tpu.memory_space<vmem>>, vector<1x1x16xf32>,
      %swap3A_480 = vector.shape_cast %swap3A_479 : vector<1x1x16xf32> to vector<16xf32>
      %swap3A_481 = vector.shape_cast %add3A_474 : vector<16xf32> to vector<1x1x16xf32>
      tpu.vector_store %arg8[%swap3A_476, %swap3A_477, %swap3A_478], %swap3A_481 {strides = array<i32>} : memref<2x256x64xf32, #tpu.memory_space<vmem>>, vector<1x1x16xf32>,
      %get3A_482 = arith.constant 0 : i32
      %get3A_483 = arith.index_cast %get3A_482 : i32 to index
      %get3A_484 = arith.index_cast %scan3A_443 : i32 to index
      %get3A_485 = arith.constant 32 : index
      %get3A_486 = tpu.vector_load %arg8[%get3A_483, %get3A_484, %get3A_485] {strides = array<i32>} : memref<2x256x64xf32, #tpu.memory_space<vmem>>, vector<1x1x16xf32>,
      %get3A_487 = vector.shape_cast %get3A_486 : vector<1x1x16xf32> to vector<16xf32>
      %get3A_488 = arith.constant 0 : i32
      %get3A_489 = arith.index_cast %get3A_488 : i32 to index
      %get3A_490 = arith.index_cast %scan3A_443 : i32 to index
      %get3A_491 = arith.constant 32 : index
      %get3A_492 = tpu.vector_load %arg9[%get3A_489, %get3A_490, %get3A_491] {strides = array<i32>} : memref<2x256x64xf32, #tpu.memory_space<vmem>>, vector<1x1x16xf32>,
      %get3A_493 = vector.shape_cast %get3A_492 : vector<1x1x16xf32> to vector<16xf32>
      %add3A_494 = arith.addf %get3A_487, %get3A_493 : vector<16xf32>
      %swap3A_495 = arith.constant 0 : i32
      %swap3A_496 = arith.index_cast %swap3A_495 : i32 to index
      %swap3A_497 = arith.index_cast %scan3A_443 : i32 to index
      %swap3A_498 = arith.constant 32 : index
      %swap3A_499 = tpu.vector_load %arg8[%swap3A_496, %swap3A_497, %swap3A_498] {strides = array<i32>} : memref<2x256x64xf32, #tpu.memory_space<vmem>>, vector<1x1x16xf32>,
      %swap3A_500 = vector.shape_cast %swap3A_499 : vector<1x1x16xf32> to vector<16xf32>
      %swap3A_501 = vector.shape_cast %add3A_494 : vector<16xf32> to vector<1x1x16xf32>
      tpu.vector_store %arg8[%swap3A_496, %swap3A_497, %swap3A_498], %swap3A_501 {strides = array<i32>} : memref<2x256x64xf32, #tpu.memory_space<vmem>>, vector<1x1x16xf32>,
      %get3A_502 = arith.constant 0 : i32
      %get3A_503 = arith.index_cast %get3A_502 : i32 to index
      %get3A_504 = arith.index_cast %scan3A_443 : i32 to index
      %get3A_505 = arith.constant 48 : index
      %get3A_506 = tpu.vector_load %arg8[%get3A_503, %get3A_504, %get3A_505] {strides = array<i32>} : memref<2x256x64xf32, #tpu.memory_space<vmem>>, vector<1x1x16xf32>,
      %get3A_507 = vector.shape_cast %get3A_506 : vector<1x1x16xf32> to vector<16xf32>
      %get3A_508 = arith.constant 0 : i32
      %get3A_509 = arith.index_cast %get3A_508 : i32 to index
      %get3A_510 = arith.index_cast %scan3A_443 : i32 to index
      %get3A_511 = arith.constant 48 : index
      %get3A_512 = tpu.vector_load %arg9[%get3A_509, %get3A_510, %get3A_511] {strides = array<i32>} : memref<2x256x64xf32, #tpu.memory_space<vmem>>, vector<1x1x16xf32>,
      %get3A_513 = vector.shape_cast %get3A_512 : vector<1x1x16xf32> to vector<16xf32>
      %add3A_514 = arith.addf %get3A_507, %get3A_513 : vector<16xf32>
      %swap3A_515 = arith.constant 0 : i32
      %swap3A_516 = arith.index_cast %swap3A_515 : i32 to index
      %swap3A_517 = arith.index_cast %scan3A_443 : i32 to index
      %swap3A_518 = arith.constant 48 : index
      %swap3A_519 = tpu.vector_load %arg8[%swap3A_516, %swap3A_517, %swap3A_518] {strides = array<i32>} : memref<2x256x64xf32, #tpu.memory_space<vmem>>, vector<1x1x16xf32>,
      %swap3A_520 = vector.shape_cast %swap3A_519 : vector<1x1x16xf32> to vector<16xf32>
      %swap3A_521 = vector.shape_cast %add3A_514 : vector<16xf32> to vector<1x1x16xf32>
      tpu.vector_store %arg8[%swap3A_516, %swap3A_517, %swap3A_518], %swap3A_521 {strides = array<i32>} : memref<2x256x64xf32, #tpu.memory_space<vmem>>, vector<1x1x16xf32>,
    }
    %scan3A_121 = arith.constant 256 : i32
    %dma_start3A_122 = arith.constant 0 : i32
    %dma_start3A_123 = arith.constant 0 : i32
    %dma_start3A_124 = arith.constant 0 : i32
    %dma_start3A_125 = arith.constant 0 : i32
    %dma_start3A_126 = arith.constant 0 : i32
    %dma_start3A_127 = tpu.memref_slice %arg8[%dma_start3A_122, %dma_start3A_125, %dma_start3A_126] : memref<2x256x64xf32, #tpu.memory_space<vmem>> -> memref<1x256x64xf32, #tpu.memory_space<vmem>>
    %dma_start3A_128 = tpu.memref_squeeze %dma_start3A_127 : memref<1x256x64xf32, #tpu.memory_space<vmem>> -> memref<256x64xf32, #tpu.memory_space<vmem>>
    %dma_start3A_129 = arith.constant 0 : i32
    %dma_start3A_130 = tpu.memref_slice %arg6[%dma_start3A_123, %dma_start3A_129] : memref<4x256xi32, #tpu.memory_space<vmem>> -> memref<1x256xi32, #tpu.memory_space<vmem>>
    %dma_start3A_131 = tpu.memref_squeeze %dma_start3A_130 : memref<1x256xi32, #tpu.memory_space<vmem>> -> memref<256xi32, #tpu.memory_space<vmem>>
    %dma_start3A_132 = arith.constant 0 : i32
    %dma_start3A_133 = arith.constant 0 : i32
    %dma_start3A_134 = tpu.memref_slice %arg5[%dma_start3A_132, %dma_start3A_133] : memref<32768x64xf32, #tpu.memory_space<hbm>> -> memref<32768x64xf32, #tpu.memory_space<hbm>>
    %dma_start3A_135 = tpu.memref_slice %arg12[%dma_start3A_124] : memref<2x!tpu.dma_semaphore, #tpu.memory_space<semaphore_mem>> -> memref<1x!tpu.dma_semaphore, #tpu.memory_space<semaphore_mem>>
    %dma_start3A_136 = tpu.memref_squeeze %dma_start3A_135 : memref<1x!tpu.dma_semaphore, #tpu.memory_space<semaphore_mem>> -> memref<!tpu.dma_semaphore, #tpu.memory_space<semaphore_mem>>
    tpu.enqueue_indirect_dma source(%dma_start3A_128 : memref<256x64xf32, #tpu.memory_space<vmem>>) target(%dma_start3A_134 : memref<32768x64xf32, #tpu.memory_space<hbm>>) offsets(%dma_start3A_131 : memref<256xi32, #tpu.memory_space<vmem>>) semaphore(%dma_start3A_136 : memref<!tpu.dma_semaphore, #tpu.memory_space<semaphore_mem>>)
    %add3A_137 = arith.constant 512 : i32
    %add3A_138 = arith.addi %mul3A_2, %add3A_137 : i32
    %run_scoped3A_139 = arith.constant 2 : i32
    "tpu.region"() ({
      %run_scoped3A_443 = tpu.sem_alloc : memref<!tpu.dma_semaphore, #tpu.memory_space<semaphore_mem>>
      %dma_start3A_444 = arith.constant 0 : i32
      %dma_start3A_445 = tpu.memref_slice %arg6[%run_scoped3A_139, %dma_start3A_444] : memref<4x256xi32, #tpu.memory_space<vmem>> -> memref<1x256xi32, #tpu.memory_space<vmem>>
      %dma_start3A_446 = tpu.memref_squeeze %dma_start3A_445 : memref<1x256xi32, #tpu.memory_space<vmem>> -> memref<256xi32, #tpu.memory_space<vmem>>
      %dma_start3A_447 = tpu.memref_slice %arg3[%add3A_138] : memref<32768xi32, #tpu.memory_space<hbm>> -> memref<256xi32, #tpu.memory_space<hbm>>
      %dma_start3A_448 = arith.constant 0 : i32
      %dma_start3A_449 = tpu.memref_slice %arg6[%run_scoped3A_139, %dma_start3A_448] : memref<4x256xi32, #tpu.memory_space<vmem>> -> memref<1x256xi32, #tpu.memory_space<vmem>>
      %dma_start3A_450 = tpu.memref_squeeze %dma_start3A_449 : memref<1x256xi32, #tpu.memory_space<vmem>> -> memref<256xi32, #tpu.memory_space<vmem>>
      %dma_start3A_451 = tpu.memref_slice %arg3[%add3A_138] : memref<32768xi32, #tpu.memory_space<hbm>> -> memref<256xi32, #tpu.memory_space<hbm>>
      tpu.enqueue_dma source(%dma_start3A_451 : memref<256xi32, #tpu.memory_space<hbm>>) target(%dma_start3A_450 : memref<256xi32, #tpu.memory_space<vmem>>) target_semaphore(%run_scoped3A_443 : memref<!tpu.dma_semaphore, #tpu.memory_space<semaphore_mem>>)
      %dma_wait3A_452 = arith.constant 0 : i32
      %dma_wait3A_453 = tpu.memref_slice %arg6[%run_scoped3A_139, %dma_wait3A_452] : memref<4x256xi32, #tpu.memory_space<vmem>> -> memref<1x256xi32, #tpu.memory_space<vmem>>
      %dma_wait3A_454 = tpu.memref_squeeze %dma_wait3A_453 : memref<1x256xi32, #tpu.memory_space<vmem>> -> memref<256xi32, #tpu.memory_space<vmem>>
      %dma_wait3A_455 = tpu.memref_slice %arg3[%add3A_138] : memref<32768xi32, #tpu.memory_space<hbm>> -> memref<256xi32, #tpu.memory_space<hbm>>
      %dma_wait3A_456 = arith.constant 0 : i32
      %dma_wait3A_457 = tpu.memref_slice %arg6[%run_scoped3A_139, %dma_wait3A_456] : memref<4x256xi32, #tpu.memory_space<vmem>> -> memref<1x256xi32, #tpu.memory_space<vmem>>
      %dma_wait3A_458 = tpu.memref_squeeze %dma_wait3A_457 : memref<1x256xi32, #tpu.memory_space<vmem>> -> memref<256xi32, #tpu.memory_space<vmem>>
      %dma_wait3A_459 = tpu.memref_slice %arg3[%add3A_138] : memref<32768xi32, #tpu.memory_space<hbm>> -> memref<256xi32, #tpu.memory_space<hbm>>
      tpu.wait_dma2 semaphore(%run_scoped3A_443 : memref<!tpu.dma_semaphore, #tpu.memory_space<semaphore_mem>>) src(%dma_wait3A_459 : memref<256xi32, #tpu.memory_space<hbm>>) dst(%dma_wait3A_458 : memref<256xi32, #tpu.memory_space<vmem>>)
      tpu.yield
    }) : () -> ()
    %scan3A_140 = arith.constant 0 : i32
    %scan3A_141 = arith.constant 0 : i32
    %scan3A_142 = arith.constant 16 : i32
    %scan3A_143 = arith.addi %scan3A_141, %scan3A_142 : i32
    %scan3A_144 = arith.constant 1 : i32
    scf.for %scan3A_443 = %scan3A_141 to %scan3A_143 step %scan3A_144  : i32 {
      %mul3A_444 = arith.constant 16 : i32
      %mul3A_445 = arith.muli %scan3A_443, %mul3A_444 : i32
      %get3A = arith.constant 2 : i32
      %get3A_446 = arith.index_cast %get3A : i32 to index
      %get3A_447 = arith.index_cast %mul3A_445 : i32 to index
      %get3A_448 = tpu.vector_load %arg6[%get3A_446, %get3A_447] {strides = array<i32>} : memref<4x256xi32, #tpu.memory_space<vmem>>, vector<1x16xi32>,
      %get3A_449 = vector.shape_cast %get3A_448 : vector<1x16xi32> to vector<16xi32>
      %rem3A = arith.constant 8192 : i32
      %rem3A_450 = vector.broadcast %rem3A : i32 to vector<16xi32>
      %rem3A_451 = arith.remsi %get3A_449, %rem3A_450 : vector<16xi32>
      %swap3A = arith.constant 2 : i32
      %swap3A_452 = arith.index_cast %swap3A : i32 to index
      %swap3A_453 = arith.index_cast %mul3A_445 : i32 to index
      %swap3A_454 = tpu.vector_load %arg7[%swap3A_452, %swap3A_453] {strides = array<i32>} : memref<4x256xi32, #tpu.memory_space<vmem>>, vector<1x16xi32>,
      %swap3A_455 = vector.shape_cast %swap3A_454 : vector<1x16xi32> to vector<16xi32>
      %swap3A_456 = vector.shape_cast %rem3A_451 : vector<16xi32> to vector<1x16xi32>
      tpu.vector_store %arg7[%swap3A_452, %swap3A_453], %swap3A_456 {strides = array<i32>} : memref<4x256xi32, #tpu.memory_space<vmem>>, vector<1x16xi32>,
    }
    %scan3A_145 = arith.constant 16 : i32
    %dma_wait3A_146 = arith.constant 0 : i32
    %dma_wait3A_147 = arith.constant 0 : i32
    %dma_wait3A_148 = arith.constant 0 : i32
    %dma_wait3A_149 = arith.constant 0 : i32
    %dma_wait3A_150 = arith.constant 0 : i32
    %dma_wait3A_151 = tpu.memref_slice %arg8[%dma_wait3A_146, %dma_wait3A_149, %dma_wait3A_150] : memref<2x256x64xf32, #tpu.memory_space<vmem>> -> memref<1x256x64xf32, #tpu.memory_space<vmem>>
    %dma_wait3A_152 = tpu.memref_squeeze %dma_wait3A_151 : memref<1x256x64xf32, #tpu.memory_space<vmem>> -> memref<256x64xf32, #tpu.memory_space<vmem>>
    %dma_wait3A_153 = arith.constant 0 : i32
    %dma_wait3A_154 = tpu.memref_slice %arg6[%dma_wait3A_147, %dma_wait3A_153] : memref<4x256xi32, #tpu.memory_space<vmem>> -> memref<1x256xi32, #tpu.memory_space<vmem>>
    %dma_wait3A_155 = tpu.memref_squeeze %dma_wait3A_154 : memref<1x256xi32, #tpu.memory_space<vmem>> -> memref<256xi32, #tpu.memory_space<vmem>>
    %dma_wait3A_156 = arith.constant 0 : i32
    %dma_wait3A_157 = arith.constant 0 : i32
    %dma_wait3A_158 = tpu.memref_slice %arg5[%dma_wait3A_156, %dma_wait3A_157] : memref<32768x64xf32, #tpu.memory_space<hbm>> -> memref<32768x64xf32, #tpu.memory_space<hbm>>
    %dma_wait3A_159 = tpu.memref_slice %arg12[%dma_wait3A_148] : memref<2x!tpu.dma_semaphore, #tpu.memory_space<semaphore_mem>> -> memref<1x!tpu.dma_semaphore, #tpu.memory_space<semaphore_mem>>
    %dma_wait3A_160 = tpu.memref_squeeze %dma_wait3A_159 : memref<1x!tpu.dma_semaphore, #tpu.memory_space<semaphore_mem>> -> memref<!tpu.dma_semaphore, #tpu.memory_space<semaphore_mem>>
    tpu.wait_indirect_dma semaphore(%dma_wait3A_160 : memref<!tpu.dma_semaphore, #tpu.memory_space<semaphore_mem>>) src(%dma_wait3A_152 : memref<256x64xf32, #tpu.memory_space<vmem>>) dst(%dma_wait3A_158 : memref<32768x64xf32, #tpu.memory_space<hbm>>)
    %add3A_161 = arith.constant 512 : i32
    %add3A_162 = arith.addi %mul3A_2, %add3A_161 : i32
    %dma_start3A_163 = arith.constant 0 : i32
    %dma_start3A_164 = arith.constant 0 : i32
    %dma_start3A_165 = arith.constant 0 : i32
    %dma_start3A_166 = arith.constant 0 : i32
    %dma_start3A_167 = tpu.memref_slice %arg8[%dma_start3A_163, %dma_start3A_165, %dma_start3A_166] : memref<2x256x64xf32, #tpu.memory_space<vmem>> -> memref<1x256x64xf32, #tpu.memory_space<vmem>>
    %dma_start3A_168 = tpu.memref_squeeze %dma_start3A_167 : memref<1x256x64xf32, #tpu.memory_space<vmem>> -> memref<256x64xf32, #tpu.memory_space<vmem>>
    %dma_start3A_169 = arith.constant 0 : i32
    %dma_start3A_170 = tpu.memref_slice %arg2[%add3A_162, %dma_start3A_169] : memref<32768x64xf32, #tpu.memory_space<hbm>> -> memref<256x64xf32, #tpu.memory_space<hbm>>
    %dma_start3A_171 = tpu.memref_slice %arg10[%dma_start3A_164] : memref<2x!tpu.dma_semaphore, #tpu.memory_space<semaphore_mem>> -> memref<1x!tpu.dma_semaphore, #tpu.memory_space<semaphore_mem>>
    %dma_start3A_172 = tpu.memref_squeeze %dma_start3A_171 : memref<1x!tpu.dma_semaphore, #tpu.memory_space<semaphore_mem>> -> memref<!tpu.dma_semaphore, #tpu.memory_space<semaphore_mem>>
    %dma_start3A_173 = arith.constant 0 : i32
    %dma_start3A_174 = arith.constant 0 : i32
    %dma_start3A_175 = tpu.memref_slice %arg8[%dma_start3A_163, %dma_start3A_173, %dma_start3A_174] : memref<2x256x64xf32, #tpu.memory_space<vmem>> -> memref<1x256x64xf32, #tpu.memory_space<vmem>>
    %dma_start3A_176 = tpu.memref_squeeze %dma_start3A_175 : memref<1x256x64xf32, #tpu.memory_space<vmem>> -> memref<256x64xf32, #tpu.memory_space<vmem>>
    %dma_start3A_177 = arith.constant 0 : i32
    %dma_start3A_178 = tpu.memref_slice %arg2[%add3A_162, %dma_start3A_177] : memref<32768x64xf32, #tpu.memory_space<hbm>> -> memref<256x64xf32, #tpu.memory_space<hbm>>
    tpu.enqueue_dma source(%dma_start3A_178 : memref<256x64xf32, #tpu.memory_space<hbm>>) target(%dma_start3A_176 : memref<256x64xf32, #tpu.memory_space<vmem>>) target_semaphore(%dma_start3A_172 : memref<!tpu.dma_semaphore, #tpu.memory_space<semaphore_mem>>)
    %dma_start3A_179 = arith.constant 2 : i32
    %dma_start3A_180 = arith.constant 0 : i32
    %dma_start3A_181 = arith.constant 0 : i32
    %dma_start3A_182 = arith.constant 0 : i32
    %dma_start3A_183 = arith.constant 0 : i32
    %dma_start3A_184 = tpu.memref_slice %arg9[%dma_start3A_180, %dma_start3A_182, %dma_start3A_183] : memref<2x256x64xf32, #tpu.memory_space<vmem>> -> memref<1x256x64xf32, #tpu.memory_space<vmem>>
    %dma_start3A_185 = tpu.memref_squeeze %dma_start3A_184 : memref<1x256x64xf32, #tpu.memory_space<vmem>> -> memref<256x64xf32, #tpu.memory_space<vmem>>
    %dma_start3A_186 = arith.constant 0 : i32
    %dma_start3A_187 = tpu.memref_slice %arg7[%dma_start3A_179, %dma_start3A_186] : memref<4x256xi32, #tpu.memory_space<vmem>> -> memref<1x256xi32, #tpu.memory_space<vmem>>
    %dma_start3A_188 = tpu.memref_squeeze %dma_start3A_187 : memref<1x256xi32, #tpu.memory_space<vmem>> -> memref<256xi32, #tpu.memory_space<vmem>>
    %dma_start3A_189 = arith.constant 0 : i32
    %dma_start3A_190 = arith.constant 0 : i32
    %dma_start3A_191 = tpu.memref_slice %arg4[%dma_start3A_189, %dma_start3A_190] : memref<8192x64xf32, #tpu.memory_space<hbm>> -> memref<8192x64xf32, #tpu.memory_space<hbm>>
    %dma_start3A_192 = tpu.memref_slice %arg11[%dma_start3A_181] : memref<2x!tpu.dma_semaphore, #tpu.memory_space<semaphore_mem>> -> memref<1x!tpu.dma_semaphore, #tpu.memory_space<semaphore_mem>>
    %dma_start3A_193 = tpu.memref_squeeze %dma_start3A_192 : memref<1x!tpu.dma_semaphore, #tpu.memory_space<semaphore_mem>> -> memref<!tpu.dma_semaphore, #tpu.memory_space<semaphore_mem>>
    tpu.enqueue_indirect_dma source(%dma_start3A_191 : memref<8192x64xf32, #tpu.memory_space<hbm>>) target(%dma_start3A_185 : memref<256x64xf32, #tpu.memory_space<vmem>>) offsets(%dma_start3A_188 : memref<256xi32, #tpu.memory_space<vmem>>) semaphore(%dma_start3A_193 : memref<!tpu.dma_semaphore, #tpu.memory_space<semaphore_mem>>)
    %add3A_194 = arith.constant 256 : i32
    %add3A_195 = arith.addi %mul3A_2, %add3A_194 : i32
    %dma_wait3A_196 = arith.constant 1 : i32
    %dma_wait3A_197 = arith.constant 1 : i32
    %dma_wait3A_198 = arith.constant 0 : i32
    %dma_wait3A_199 = arith.constant 0 : i32
    %dma_wait3A_200 = tpu.memref_slice %arg8[%dma_wait3A_196, %dma_wait3A_198, %dma_wait3A_199] : memref<2x256x64xf32, #tpu.memory_space<vmem>> -> memref<1x256x64xf32, #tpu.memory_space<vmem>>
    %dma_wait3A_201 = tpu.memref_squeeze %dma_wait3A_200 : memref<1x256x64xf32, #tpu.memory_space<vmem>> -> memref<256x64xf32, #tpu.memory_space<vmem>>
    %dma_wait3A_202 = arith.constant 0 : i32
    %dma_wait3A_203 = tpu.memref_slice %arg2[%add3A_195, %dma_wait3A_202] : memref<32768x64xf32, #tpu.memory_space<hbm>> -> memref<256x64xf32, #tpu.memory_space<hbm>>
    %dma_wait3A_204 = tpu.memref_slice %arg10[%dma_wait3A_197] : memref<2x!tpu.dma_semaphore, #tpu.memory_space<semaphore_mem>> -> memref<1x!tpu.dma_semaphore, #tpu.memory_space<semaphore_mem>>
    %dma_wait3A_205 = tpu.memref_squeeze %dma_wait3A_204 : memref<1x!tpu.dma_semaphore, #tpu.memory_space<semaphore_mem>> -> memref<!tpu.dma_semaphore, #tpu.memory_space<semaphore_mem>>
    %dma_wait3A_206 = arith.constant 0 : i32
    %dma_wait3A_207 = arith.constant 0 : i32
    %dma_wait3A_208 = tpu.memref_slice %arg8[%dma_wait3A_196, %dma_wait3A_206, %dma_wait3A_207] : memref<2x256x64xf32, #tpu.memory_space<vmem>> -> memref<1x256x64xf32, #tpu.memory_space<vmem>>
    %dma_wait3A_209 = tpu.memref_squeeze %dma_wait3A_208 : memref<1x256x64xf32, #tpu.memory_space<vmem>> -> memref<256x64xf32, #tpu.memory_space<vmem>>
    %dma_wait3A_210 = arith.constant 0 : i32
    %dma_wait3A_211 = tpu.memref_slice %arg2[%add3A_195, %dma_wait3A_210] : memref<32768x64xf32, #tpu.memory_space<hbm>> -> memref<256x64xf32, #tpu.memory_space<hbm>>
    tpu.wait_dma2 semaphore(%dma_wait3A_205 : memref<!tpu.dma_semaphore, #tpu.memory_space<semaphore_mem>>) src(%dma_wait3A_211 : memref<256x64xf32, #tpu.memory_space<hbm>>) dst(%dma_wait3A_209 : memref<256x64xf32, #tpu.memory_space<vmem>>)
    %dma_wait3A_212 = arith.constant 1 : i32
    %dma_wait3A_213 = arith.constant 1 : i32
    %dma_wait3A_214 = arith.constant 1 : i32
    %dma_wait3A_215 = arith.constant 0 : i32
    %dma_wait3A_216 = arith.constant 0 : i32
    %dma_wait3A_217 = tpu.memref_slice %arg9[%dma_wait3A_213, %dma_wait3A_215, %dma_wait3A_216] : memref<2x256x64xf32, #tpu.memory_space<vmem>> -> memref<1x256x64xf32, #tpu.memory_space<vmem>>
    %dma_wait3A_218 = tpu.memref_squeeze %dma_wait3A_217 : memref<1x256x64xf32, #tpu.memory_space<vmem>> -> memref<256x64xf32, #tpu.memory_space<vmem>>
    %dma_wait3A_219 = arith.constant 0 : i32
    %dma_wait3A_220 = tpu.memref_slice %arg7[%dma_wait3A_212, %dma_wait3A_219] : memref<4x256xi32, #tpu.memory_space<vmem>> -> memref<1x256xi32, #tpu.memory_space<vmem>>
    %dma_wait3A_221 = tpu.memref_squeeze %dma_wait3A_220 : memref<1x256xi32, #tpu.memory_space<vmem>> -> memref<256xi32, #tpu.memory_space<vmem>>
    %dma_wait3A_222 = arith.constant 0 : i32
    %dma_wait3A_223 = arith.constant 0 : i32
    %dma_wait3A_224 = tpu.memref_slice %arg4[%dma_wait3A_222, %dma_wait3A_223] : memref<8192x64xf32, #tpu.memory_space<hbm>> -> memref<8192x64xf32, #tpu.memory_space<hbm>>
    %dma_wait3A_225 = tpu.memref_slice %arg11[%dma_wait3A_214] : memref<2x!tpu.dma_semaphore, #tpu.memory_space<semaphore_mem>> -> memref<1x!tpu.dma_semaphore, #tpu.memory_space<semaphore_mem>>
    %dma_wait3A_226 = tpu.memref_squeeze %dma_wait3A_225 : memref<1x!tpu.dma_semaphore, #tpu.memory_space<semaphore_mem>> -> memref<!tpu.dma_semaphore, #tpu.memory_space<semaphore_mem>>
    tpu.wait_indirect_dma semaphore(%dma_wait3A_226 : memref<!tpu.dma_semaphore, #tpu.memory_space<semaphore_mem>>) src(%dma_wait3A_224 : memref<8192x64xf32, #tpu.memory_space<hbm>>) dst(%dma_wait3A_218 : memref<256x64xf32, #tpu.memory_space<vmem>>)
    %scan3A_227 = arith.constant 0 : i32
    %scan3A_228 = arith.constant 0 : i32
    %scan3A_229 = arith.constant 256 : i32
    %scan3A_230 = arith.addi %scan3A_228, %scan3A_229 : i32
    %scan3A_231 = arith.constant 1 : i32
    scf.for %scan3A_443 = %scan3A_228 to %scan3A_230 step %scan3A_231  : i32 {
      %get3A = arith.constant 1 : i32
      %get3A_444 = arith.index_cast %get3A : i32 to index
      %get3A_445 = arith.index_cast %scan3A_443 : i32 to index
      %get3A_446 = arith.constant 0 : index
      %get3A_447 = tpu.vector_load %arg8[%get3A_444, %get3A_445, %get3A_446] {strides = array<i32>} : memref<2x256x64xf32, #tpu.memory_space<vmem>>, vector<1x1x16xf32>,
      %get3A_448 = vector.shape_cast %get3A_447 : vector<1x1x16xf32> to vector<16xf32>
      %get3A_449 = arith.constant 1 : i32
      %get3A_450 = arith.index_cast %get3A_449 : i32 to index
      %get3A_451 = arith.index_cast %scan3A_443 : i32 to index
      %get3A_452 = arith.constant 0 : index
      %get3A_453 = tpu.vector_load %arg9[%get3A_450, %get3A_451, %get3A_452] {strides = array<i32>} : memref<2x256x64xf32, #tpu.memory_space<vmem>>, vector<1x1x16xf32>,
      %get3A_454 = vector.shape_cast %get3A_453 : vector<1x1x16xf32> to vector<16xf32>
      %add3A_455 = arith.addf %get3A_448, %get3A_454 : vector<16xf32>
      %swap3A = arith.constant 1 : i32
      %swap3A_456 = arith.index_cast %swap3A : i32 to index
      %swap3A_457 = arith.index_cast %scan3A_443 : i32 to index
      %swap3A_458 = arith.constant 0 : index
      %swap3A_459 = tpu.vector_load %arg8[%swap3A_456, %swap3A_457, %swap3A_458] {strides = array<i32>} : memref<2x256x64xf32, #tpu.memory_space<vmem>>, vector<1x1x16xf32>,
      %swap3A_460 = vector.shape_cast %swap3A_459 : vector<1x1x16xf32> to vector<16xf32>
      %swap3A_461 = vector.shape_cast %add3A_455 : vector<16xf32> to vector<1x1x16xf32>
      tpu.vector_store %arg8[%swap3A_456, %swap3A_457, %swap3A_458], %swap3A_461 {strides = array<i32>} : memref<2x256x64xf32, #tpu.memory_space<vmem>>, vector<1x1x16xf32>,
      %get3A_462 = arith.constant 1 : i32
      %get3A_463 = arith.index_cast %get3A_462 : i32 to index
      %get3A_464 = arith.index_cast %scan3A_443 : i32 to index
      %get3A_465 = arith.constant 16 : index
      %get3A_466 = tpu.vector_load %arg8[%get3A_463, %get3A_464, %get3A_465] {strides = array<i32>} : memref<2x256x64xf32, #tpu.memory_space<vmem>>, vector<1x1x16xf32>,
      %get3A_467 = vector.shape_cast %get3A_466 : vector<1x1x16xf32> to vector<16xf32>
      %get3A_468 = arith.constant 1 : i32
      %get3A_469 = arith.index_cast %get3A_468 : i32 to index
      %get3A_470 = arith.index_cast %scan3A_443 : i32 to index
      %get3A_471 = arith.constant 16 : index
      %get3A_472 = tpu.vector_load %arg9[%get3A_469, %get3A_470, %get3A_471] {strides = array<i32>} : memref<2x256x64xf32, #tpu.memory_space<vmem>>, vector<1x1x16xf32>,
      %get3A_473 = vector.shape_cast %get3A_472 : vector<1x1x16xf32> to vector<16xf32>
      %add3A_474 = arith.addf %get3A_467, %get3A_473 : vector<16xf32>
      %swap3A_475 = arith.constant 1 : i32
      %swap3A_476 = arith.index_cast %swap3A_475 : i32 to index
      %swap3A_477 = arith.index_cast %scan3A_443 : i32 to index
      %swap3A_478 = arith.constant 16 : index
      %swap3A_479 = tpu.vector_load %arg8[%swap3A_476, %swap3A_477, %swap3A_478] {strides = array<i32>} : memref<2x256x64xf32, #tpu.memory_space<vmem>>, vector<1x1x16xf32>,
      %swap3A_480 = vector.shape_cast %swap3A_479 : vector<1x1x16xf32> to vector<16xf32>
      %swap3A_481 = vector.shape_cast %add3A_474 : vector<16xf32> to vector<1x1x16xf32>
      tpu.vector_store %arg8[%swap3A_476, %swap3A_477, %swap3A_478], %swap3A_481 {strides = array<i32>} : memref<2x256x64xf32, #tpu.memory_space<vmem>>, vector<1x1x16xf32>,
      %get3A_482 = arith.constant 1 : i32
      %get3A_483 = arith.index_cast %get3A_482 : i32 to index
      %get3A_484 = arith.index_cast %scan3A_443 : i32 to index
      %get3A_485 = arith.constant 32 : index
      %get3A_486 = tpu.vector_load %arg8[%get3A_483, %get3A_484, %get3A_485] {strides = array<i32>} : memref<2x256x64xf32, #tpu.memory_space<vmem>>, vector<1x1x16xf32>,
      %get3A_487 = vector.shape_cast %get3A_486 : vector<1x1x16xf32> to vector<16xf32>
      %get3A_488 = arith.constant 1 : i32
      %get3A_489 = arith.index_cast %get3A_488 : i32 to index
      %get3A_490 = arith.index_cast %scan3A_443 : i32 to index
      %get3A_491 = arith.constant 32 : index
      %get3A_492 = tpu.vector_load %arg9[%get3A_489, %get3A_490, %get3A_491] {strides = array<i32>} : memref<2x256x64xf32, #tpu.memory_space<vmem>>, vector<1x1x16xf32>,
      %get3A_493 = vector.shape_cast %get3A_492 : vector<1x1x16xf32> to vector<16xf32>
      %add3A_494 = arith.addf %get3A_487, %get3A_493 : vector<16xf32>
      %swap3A_495 = arith.constant 1 : i32
      %swap3A_496 = arith.index_cast %swap3A_495 : i32 to index
      %swap3A_497 = arith.index_cast %scan3A_443 : i32 to index
      %swap3A_498 = arith.constant 32 : index
      %swap3A_499 = tpu.vector_load %arg8[%swap3A_496, %swap3A_497, %swap3A_498] {strides = array<i32>} : memref<2x256x64xf32, #tpu.memory_space<vmem>>, vector<1x1x16xf32>,
      %swap3A_500 = vector.shape_cast %swap3A_499 : vector<1x1x16xf32> to vector<16xf32>
      %swap3A_501 = vector.shape_cast %add3A_494 : vector<16xf32> to vector<1x1x16xf32>
      tpu.vector_store %arg8[%swap3A_496, %swap3A_497, %swap3A_498], %swap3A_501 {strides = array<i32>} : memref<2x256x64xf32, #tpu.memory_space<vmem>>, vector<1x1x16xf32>,
      %get3A_502 = arith.constant 1 : i32
      %get3A_503 = arith.index_cast %get3A_502 : i32 to index
      %get3A_504 = arith.index_cast %scan3A_443 : i32 to index
      %get3A_505 = arith.constant 48 : index
      %get3A_506 = tpu.vector_load %arg8[%get3A_503, %get3A_504, %get3A_505] {strides = array<i32>} : memref<2x256x64xf32, #tpu.memory_space<vmem>>, vector<1x1x16xf32>,
      %get3A_507 = vector.shape_cast %get3A_506 : vector<1x1x16xf32> to vector<16xf32>
      %get3A_508 = arith.constant 1 : i32
      %get3A_509 = arith.index_cast %get3A_508 : i32 to index
      %get3A_510 = arith.index_cast %scan3A_443 : i32 to index
      %get3A_511 = arith.constant 48 : index
      %get3A_512 = tpu.vector_load %arg9[%get3A_509, %get3A_510, %get3A_511] {strides = array<i32>} : memref<2x256x64xf32, #tpu.memory_space<vmem>>, vector<1x1x16xf32>,
      %get3A_513 = vector.shape_cast %get3A_512 : vector<1x1x16xf32> to vector<16xf32>
      %add3A_514 = arith.addf %get3A_507, %get3A_513 : vector<16xf32>
      %swap3A_515 = arith.constant 1 : i32
      %swap3A_516 = arith.index_cast %swap3A_515 : i32 to index
      %swap3A_517 = arith.index_cast %scan3A_443 : i32 to index
      %swap3A_518 = arith.constant 48 : index
      %swap3A_519 = tpu.vector_load %arg8[%swap3A_516, %swap3A_517, %swap3A_518] {strides = array<i32>} : memref<2x256x64xf32, #tpu.memory_space<vmem>>, vector<1x1x16xf32>,
      %swap3A_520 = vector.shape_cast %swap3A_519 : vector<1x1x16xf32> to vector<16xf32>
      %swap3A_521 = vector.shape_cast %add3A_514 : vector<16xf32> to vector<1x1x16xf32>
      tpu.vector_store %arg8[%swap3A_516, %swap3A_517, %swap3A_518], %swap3A_521 {strides = array<i32>} : memref<2x256x64xf32, #tpu.memory_space<vmem>>, vector<1x1x16xf32>,
    }
    %scan3A_232 = arith.constant 256 : i32
    %dma_start3A_233 = arith.constant 1 : i32
    %dma_start3A_234 = arith.constant 1 : i32
    %dma_start3A_235 = arith.constant 1 : i32
    %dma_start3A_236 = arith.constant 0 : i32
    %dma_start3A_237 = arith.constant 0 : i32
    %dma_start3A_238 = tpu.memref_slice %arg8[%dma_start3A_233, %dma_start3A_236, %dma_start3A_237] : memref<2x256x64xf32, #tpu.memory_space<vmem>> -> memref<1x256x64xf32, #tpu.memory_space<vmem>>
    %dma_start3A_239 = tpu.memref_squeeze %dma_start3A_238 : memref<1x256x64xf32, #tpu.memory_space<vmem>> -> memref<256x64xf32, #tpu.memory_space<vmem>>
    %dma_start3A_240 = arith.constant 0 : i32
    %dma_start3A_241 = tpu.memref_slice %arg6[%dma_start3A_234, %dma_start3A_240] : memref<4x256xi32, #tpu.memory_space<vmem>> -> memref<1x256xi32, #tpu.memory_space<vmem>>
    %dma_start3A_242 = tpu.memref_squeeze %dma_start3A_241 : memref<1x256xi32, #tpu.memory_space<vmem>> -> memref<256xi32, #tpu.memory_space<vmem>>
    %dma_start3A_243 = arith.constant 0 : i32
    %dma_start3A_244 = arith.constant 0 : i32
    %dma_start3A_245 = tpu.memref_slice %arg5[%dma_start3A_243, %dma_start3A_244] : memref<32768x64xf32, #tpu.memory_space<hbm>> -> memref<32768x64xf32, #tpu.memory_space<hbm>>
    %dma_start3A_246 = tpu.memref_slice %arg12[%dma_start3A_235] : memref<2x!tpu.dma_semaphore, #tpu.memory_space<semaphore_mem>> -> memref<1x!tpu.dma_semaphore, #tpu.memory_space<semaphore_mem>>
    %dma_start3A_247 = tpu.memref_squeeze %dma_start3A_246 : memref<1x!tpu.dma_semaphore, #tpu.memory_space<semaphore_mem>> -> memref<!tpu.dma_semaphore, #tpu.memory_space<semaphore_mem>>
    tpu.enqueue_indirect_dma source(%dma_start3A_239 : memref<256x64xf32, #tpu.memory_space<vmem>>) target(%dma_start3A_245 : memref<32768x64xf32, #tpu.memory_space<hbm>>) offsets(%dma_start3A_242 : memref<256xi32, #tpu.memory_space<vmem>>) semaphore(%dma_start3A_247 : memref<!tpu.dma_semaphore, #tpu.memory_space<semaphore_mem>>)
    %add3A_248 = arith.constant 768 : i32
    %add3A_249 = arith.addi %mul3A_2, %add3A_248 : i32
    %run_scoped3A_250 = arith.constant 3 : i32
    "tpu.region"() ({
      %run_scoped3A_443 = tpu.sem_alloc : memref<!tpu.dma_semaphore, #tpu.memory_space<semaphore_mem>>
      %dma_start3A_444 = arith.constant 0 : i32
      %dma_start3A_445 = tpu.memref_slice %arg6[%run_scoped3A_250, %dma_start3A_444] : memref<4x256xi32, #tpu.memory_space<vmem>> -> memref<1x256xi32, #tpu.memory_space<vmem>>
      %dma_start3A_446 = tpu.memref_squeeze %dma_start3A_445 : memref<1x256xi32, #tpu.memory_space<vmem>> -> memref<256xi32, #tpu.memory_space<vmem>>
      %dma_start3A_447 = tpu.memref_slice %arg3[%add3A_249] : memref<32768xi32, #tpu.memory_space<hbm>> -> memref<256xi32, #tpu.memory_space<hbm>>
      %dma_start3A_448 = arith.constant 0 : i32
      %dma_start3A_449 = tpu.memref_slice %arg6[%run_scoped3A_250, %dma_start3A_448] : memref<4x256xi32, #tpu.memory_space<vmem>> -> memref<1x256xi32, #tpu.memory_space<vmem>>
      %dma_start3A_450 = tpu.memref_squeeze %dma_start3A_449 : memref<1x256xi32, #tpu.memory_space<vmem>> -> memref<256xi32, #tpu.memory_space<vmem>>
      %dma_start3A_451 = tpu.memref_slice %arg3[%add3A_249] : memref<32768xi32, #tpu.memory_space<hbm>> -> memref<256xi32, #tpu.memory_space<hbm>>
      tpu.enqueue_dma source(%dma_start3A_451 : memref<256xi32, #tpu.memory_space<hbm>>) target(%dma_start3A_450 : memref<256xi32, #tpu.memory_space<vmem>>) target_semaphore(%run_scoped3A_443 : memref<!tpu.dma_semaphore, #tpu.memory_space<semaphore_mem>>)
      %dma_wait3A_452 = arith.constant 0 : i32
      %dma_wait3A_453 = tpu.memref_slice %arg6[%run_scoped3A_250, %dma_wait3A_452] : memref<4x256xi32, #tpu.memory_space<vmem>> -> memref<1x256xi32, #tpu.memory_space<vmem>>
      %dma_wait3A_454 = tpu.memref_squeeze %dma_wait3A_453 : memref<1x256xi32, #tpu.memory_space<vmem>> -> memref<256xi32, #tpu.memory_space<vmem>>
      %dma_wait3A_455 = tpu.memref_slice %arg3[%add3A_249] : memref<32768xi32, #tpu.memory_space<hbm>> -> memref<256xi32, #tpu.memory_space<hbm>>
      %dma_wait3A_456 = arith.constant 0 : i32
      %dma_wait3A_457 = tpu.memref_slice %arg6[%run_scoped3A_250, %dma_wait3A_456] : memref<4x256xi32, #tpu.memory_space<vmem>> -> memref<1x256xi32, #tpu.memory_space<vmem>>
      %dma_wait3A_458 = tpu.memref_squeeze %dma_wait3A_457 : memref<1x256xi32, #tpu.memory_space<vmem>> -> memref<256xi32, #tpu.memory_space<vmem>>
      %dma_wait3A_459 = tpu.memref_slice %arg3[%add3A_249] : memref<32768xi32, #tpu.memory_space<hbm>> -> memref<256xi32, #tpu.memory_space<hbm>>
      tpu.wait_dma2 semaphore(%run_scoped3A_443 : memref<!tpu.dma_semaphore, #tpu.memory_space<semaphore_mem>>) src(%dma_wait3A_459 : memref<256xi32, #tpu.memory_space<hbm>>) dst(%dma_wait3A_458 : memref<256xi32, #tpu.memory_space<vmem>>)
      tpu.yield
    }) : () -> ()
    %scan3A_251 = arith.constant 0 : i32
    %scan3A_252 = arith.constant 0 : i32
    %scan3A_253 = arith.constant 16 : i32
    %scan3A_254 = arith.addi %scan3A_252, %scan3A_253 : i32
    %scan3A_255 = arith.constant 1 : i32
    scf.for %scan3A_443 = %scan3A_252 to %scan3A_254 step %scan3A_255  : i32 {
      %mul3A_444 = arith.constant 16 : i32
      %mul3A_445 = arith.muli %scan3A_443, %mul3A_444 : i32
      %get3A = arith.constant 3 : i32
      %get3A_446 = arith.index_cast %get3A : i32 to index
      %get3A_447 = arith.index_cast %mul3A_445 : i32 to index
      %get3A_448 = tpu.vector_load %arg6[%get3A_446, %get3A_447] {strides = array<i32>} : memref<4x256xi32, #tpu.memory_space<vmem>>, vector<1x16xi32>,
      %get3A_449 = vector.shape_cast %get3A_448 : vector<1x16xi32> to vector<16xi32>
      %rem3A = arith.constant 8192 : i32
      %rem3A_450 = vector.broadcast %rem3A : i32 to vector<16xi32>
      %rem3A_451 = arith.remsi %get3A_449, %rem3A_450 : vector<16xi32>
      %swap3A = arith.constant 3 : i32
      %swap3A_452 = arith.index_cast %swap3A : i32 to index
      %swap3A_453 = arith.index_cast %mul3A_445 : i32 to index
      %swap3A_454 = tpu.vector_load %arg7[%swap3A_452, %swap3A_453] {strides = array<i32>} : memref<4x256xi32, #tpu.memory_space<vmem>>, vector<1x16xi32>,
      %swap3A_455 = vector.shape_cast %swap3A_454 : vector<1x16xi32> to vector<16xi32>
      %swap3A_456 = vector.shape_cast %rem3A_451 : vector<16xi32> to vector<1x16xi32>
      tpu.vector_store %arg7[%swap3A_452, %swap3A_453], %swap3A_456 {strides = array<i32>} : memref<4x256xi32, #tpu.memory_space<vmem>>, vector<1x16xi32>,
    }
    %scan3A_256 = arith.constant 16 : i32
    %dma_wait3A_257 = arith.constant 1 : i32
    %dma_wait3A_258 = arith.constant 1 : i32
    %dma_wait3A_259 = arith.constant 1 : i32
    %dma_wait3A_260 = arith.constant 0 : i32
    %dma_wait3A_261 = arith.constant 0 : i32
    %dma_wait3A_262 = tpu.memref_slice %arg8[%dma_wait3A_257, %dma_wait3A_260, %dma_wait3A_261] : memref<2x256x64xf32, #tpu.memory_space<vmem>> -> memref<1x256x64xf32, #tpu.memory_space<vmem>>
    %dma_wait3A_263 = tpu.memref_squeeze %dma_wait3A_262 : memref<1x256x64xf32, #tpu.memory_space<vmem>> -> memref<256x64xf32, #tpu.memory_space<vmem>>
    %dma_wait3A_264 = arith.constant 0 : i32
    %dma_wait3A_265 = tpu.memref_slice %arg6[%dma_wait3A_258, %dma_wait3A_264] : memref<4x256xi32, #tpu.memory_space<vmem>> -> memref<1x256xi32, #tpu.memory_space<vmem>>
    %dma_wait3A_266 = tpu.memref_squeeze %dma_wait3A_265 : memref<1x256xi32, #tpu.memory_space<vmem>> -> memref<256xi32, #tpu.memory_space<vmem>>
    %dma_wait3A_267 = arith.constant 0 : i32
    %dma_wait3A_268 = arith.constant 0 : i32
    %dma_wait3A_269 = tpu.memref_slice %arg5[%dma_wait3A_267, %dma_wait3A_268] : memref<32768x64xf32, #tpu.memory_space<hbm>> -> memref<32768x64xf32, #tpu.memory_space<hbm>>
    %dma_wait3A_270 = tpu.memref_slice %arg12[%dma_wait3A_259] : memref<2x!tpu.dma_semaphore, #tpu.memory_space<semaphore_mem>> -> memref<1x!tpu.dma_semaphore, #tpu.memory_space<semaphore_mem>>
    %dma_wait3A_271 = tpu.memref_squeeze %dma_wait3A_270 : memref<1x!tpu.dma_semaphore, #tpu.memory_space<semaphore_mem>> -> memref<!tpu.dma_semaphore, #tpu.memory_space<semaphore_mem>>
    tpu.wait_indirect_dma semaphore(%dma_wait3A_271 : memref<!tpu.dma_semaphore, #tpu.memory_space<semaphore_mem>>) src(%dma_wait3A_263 : memref<256x64xf32, #tpu.memory_space<vmem>>) dst(%dma_wait3A_269 : memref<32768x64xf32, #tpu.memory_space<hbm>>)
    %add3A_272 = arith.constant 768 : i32
    %add3A_273 = arith.addi %mul3A_2, %add3A_272 : i32
    %dma_start3A_274 = arith.constant 1 : i32
    %dma_start3A_275 = arith.constant 1 : i32
    %dma_start3A_276 = arith.constant 0 : i32
    %dma_start3A_277 = arith.constant 0 : i32
    %dma_start3A_278 = tpu.memref_slice %arg8[%dma_start3A_274, %dma_start3A_276, %dma_start3A_277] : memref<2x256x64xf32, #tpu.memory_space<vmem>> -> memref<1x256x64xf32, #tpu.memory_space<vmem>>
    %dma_start3A_279 = tpu.memref_squeeze %dma_start3A_278 : memref<1x256x64xf32, #tpu.memory_space<vmem>> -> memref<256x64xf32, #tpu.memory_space<vmem>>
    %dma_start3A_280 = arith.constant 0 : i32
    %dma_start3A_281 = tpu.memref_slice %arg2[%add3A_273, %dma_start3A_280] : memref<32768x64xf32, #tpu.memory_space<hbm>> -> memref<256x64xf32, #tpu.memory_space<hbm>>
    %dma_start3A_282 = tpu.memref_slice %arg10[%dma_start3A_275] : memref<2x!tpu.dma_semaphore, #tpu.memory_space<semaphore_mem>> -> memref<1x!tpu.dma_semaphore, #tpu.memory_space<semaphore_mem>>
    %dma_start3A_283 = tpu.memref_squeeze %dma_start3A_282 : memref<1x!tpu.dma_semaphore, #tpu.memory_space<semaphore_mem>> -> memref<!tpu.dma_semaphore, #tpu.memory_space<semaphore_mem>>
    %dma_start3A_284 = arith.constant 0 : i32
    %dma_start3A_285 = arith.constant 0 : i32
    %dma_start3A_286 = tpu.memref_slice %arg8[%dma_start3A_274, %dma_start3A_284, %dma_start3A_285] : memref<2x256x64xf32, #tpu.memory_space<vmem>> -> memref<1x256x64xf32, #tpu.memory_space<vmem>>
    %dma_start3A_287 = tpu.memref_squeeze %dma_start3A_286 : memref<1x256x64xf32, #tpu.memory_space<vmem>> -> memref<256x64xf32, #tpu.memory_space<vmem>>
    %dma_start3A_288 = arith.constant 0 : i32
    %dma_start3A_289 = tpu.memref_slice %arg2[%add3A_273, %dma_start3A_288] : memref<32768x64xf32, #tpu.memory_space<hbm>> -> memref<256x64xf32, #tpu.memory_space<hbm>>
    tpu.enqueue_dma source(%dma_start3A_289 : memref<256x64xf32, #tpu.memory_space<hbm>>) target(%dma_start3A_287 : memref<256x64xf32, #tpu.memory_space<vmem>>) target_semaphore(%dma_start3A_283 : memref<!tpu.dma_semaphore, #tpu.memory_space<semaphore_mem>>)
    %dma_start3A_290 = arith.constant 3 : i32
    %dma_start3A_291 = arith.constant 1 : i32
    %dma_start3A_292 = arith.constant 1 : i32
    %dma_start3A_293 = arith.constant 0 : i32
    %dma_start3A_294 = arith.constant 0 : i32
    %dma_start3A_295 = tpu.memref_slice %arg9[%dma_start3A_291, %dma_start3A_293, %dma_start3A_294] : memref<2x256x64xf32, #tpu.memory_space<vmem>> -> memref<1x256x64xf32, #tpu.memory_space<vmem>>
    %dma_start3A_296 = tpu.memref_squeeze %dma_start3A_295 : memref<1x256x64xf32, #tpu.memory_space<vmem>> -> memref<256x64xf32, #tpu.memory_space<vmem>>
    %dma_start3A_297 = arith.constant 0 : i32
    %dma_start3A_298 = tpu.memref_slice %arg7[%dma_start3A_290, %dma_start3A_297] : memref<4x256xi32, #tpu.memory_space<vmem>> -> memref<1x256xi32, #tpu.memory_space<vmem>>
    %dma_start3A_299 = tpu.memref_squeeze %dma_start3A_298 : memref<1x256xi32, #tpu.memory_space<vmem>> -> memref<256xi32, #tpu.memory_space<vmem>>
    %dma_start3A_300 = arith.constant 0 : i32
    %dma_start3A_301 = arith.constant 0 : i32
    %dma_start3A_302 = tpu.memref_slice %arg4[%dma_start3A_300, %dma_start3A_301] : memref<8192x64xf32, #tpu.memory_space<hbm>> -> memref<8192x64xf32, #tpu.memory_space<hbm>>
    %dma_start3A_303 = tpu.memref_slice %arg11[%dma_start3A_292] : memref<2x!tpu.dma_semaphore, #tpu.memory_space<semaphore_mem>> -> memref<1x!tpu.dma_semaphore, #tpu.memory_space<semaphore_mem>>
    %dma_start3A_304 = tpu.memref_squeeze %dma_start3A_303 : memref<1x!tpu.dma_semaphore, #tpu.memory_space<semaphore_mem>> -> memref<!tpu.dma_semaphore, #tpu.memory_space<semaphore_mem>>
    tpu.enqueue_indirect_dma source(%dma_start3A_302 : memref<8192x64xf32, #tpu.memory_space<hbm>>) target(%dma_start3A_296 : memref<256x64xf32, #tpu.memory_space<vmem>>) offsets(%dma_start3A_299 : memref<256xi32, #tpu.memory_space<vmem>>) semaphore(%dma_start3A_304 : memref<!tpu.dma_semaphore, #tpu.memory_space<semaphore_mem>>)
    %add3A_305 = arith.constant 512 : i32
    %add3A_306 = arith.addi %mul3A_2, %add3A_305 : i32
    %dma_wait3A_307 = arith.constant 0 : i32
    %dma_wait3A_308 = arith.constant 0 : i32
    %dma_wait3A_309 = arith.constant 0 : i32
    %dma_wait3A_310 = arith.constant 0 : i32
    %dma_wait3A_311 = tpu.memref_slice %arg8[%dma_wait3A_307, %dma_wait3A_309, %dma_wait3A_310] : memref<2x256x64xf32, #tpu.memory_space<vmem>> -> memref<1x256x64xf32, #tpu.memory_space<vmem>>
    %dma_wait3A_312 = tpu.memref_squeeze %dma_wait3A_311 : memref<1x256x64xf32, #tpu.memory_space<vmem>> -> memref<256x64xf32, #tpu.memory_space<vmem>>
    %dma_wait3A_313 = arith.constant 0 : i32
    %dma_wait3A_314 = tpu.memref_slice %arg2[%add3A_306, %dma_wait3A_313] : memref<32768x64xf32, #tpu.memory_space<hbm>> -> memref<256x64xf32, #tpu.memory_space<hbm>>
    %dma_wait3A_315 = tpu.memref_slice %arg10[%dma_wait3A_308] : memref<2x!tpu.dma_semaphore, #tpu.memory_space<semaphore_mem>> -> memref<1x!tpu.dma_semaphore, #tpu.memory_space<semaphore_mem>>
    %dma_wait3A_316 = tpu.memref_squeeze %dma_wait3A_315 : memref<1x!tpu.dma_semaphore, #tpu.memory_space<semaphore_mem>> -> memref<!tpu.dma_semaphore, #tpu.memory_space<semaphore_mem>>
    %dma_wait3A_317 = arith.constant 0 : i32
    %dma_wait3A_318 = arith.constant 0 : i32
    %dma_wait3A_319 = tpu.memref_slice %arg8[%dma_wait3A_307, %dma_wait3A_317, %dma_wait3A_318] : memref<2x256x64xf32, #tpu.memory_space<vmem>> -> memref<1x256x64xf32, #tpu.memory_space<vmem>>
    %dma_wait3A_320 = tpu.memref_squeeze %dma_wait3A_319 : memref<1x256x64xf32, #tpu.memory_space<vmem>> -> memref<256x64xf32, #tpu.memory_space<vmem>>
    %dma_wait3A_321 = arith.constant 0 : i32
    %dma_wait3A_322 = tpu.memref_slice %arg2[%add3A_306, %dma_wait3A_321] : memref<32768x64xf32, #tpu.memory_space<hbm>> -> memref<256x64xf32, #tpu.memory_space<hbm>>
    tpu.wait_dma2 semaphore(%dma_wait3A_316 : memref<!tpu.dma_semaphore, #tpu.memory_space<semaphore_mem>>) src(%dma_wait3A_322 : memref<256x64xf32, #tpu.memory_space<hbm>>) dst(%dma_wait3A_320 : memref<256x64xf32, #tpu.memory_space<vmem>>)
    %dma_wait3A_323 = arith.constant 2 : i32
    %dma_wait3A_324 = arith.constant 0 : i32
    %dma_wait3A_325 = arith.constant 0 : i32
    %dma_wait3A_326 = arith.constant 0 : i32
    %dma_wait3A_327 = arith.constant 0 : i32
    %dma_wait3A_328 = tpu.memref_slice %arg9[%dma_wait3A_324, %dma_wait3A_326, %dma_wait3A_327] : memref<2x256x64xf32, #tpu.memory_space<vmem>> -> memref<1x256x64xf32, #tpu.memory_space<vmem>>
    %dma_wait3A_329 = tpu.memref_squeeze %dma_wait3A_328 : memref<1x256x64xf32, #tpu.memory_space<vmem>> -> memref<256x64xf32, #tpu.memory_space<vmem>>
    %dma_wait3A_330 = arith.constant 0 : i32
    %dma_wait3A_331 = tpu.memref_slice %arg7[%dma_wait3A_323, %dma_wait3A_330] : memref<4x256xi32, #tpu.memory_space<vmem>> -> memref<1x256xi32, #tpu.memory_space<vmem>>
    %dma_wait3A_332 = tpu.memref_squeeze %dma_wait3A_331 : memref<1x256xi32, #tpu.memory_space<vmem>> -> memref<256xi32, #tpu.memory_space<vmem>>
    %dma_wait3A_333 = arith.constant 0 : i32
    %dma_wait3A_334 = arith.constant 0 : i32
    %dma_wait3A_335 = tpu.memref_slice %arg4[%dma_wait3A_333, %dma_wait3A_334] : memref<8192x64xf32, #tpu.memory_space<hbm>> -> memref<8192x64xf32, #tpu.memory_space<hbm>>
    %dma_wait3A_336 = tpu.memref_slice %arg11[%dma_wait3A_325] : memref<2x!tpu.dma_semaphore, #tpu.memory_space<semaphore_mem>> -> memref<1x!tpu.dma_semaphore, #tpu.memory_space<semaphore_mem>>
    %dma_wait3A_337 = tpu.memref_squeeze %dma_wait3A_336 : memref<1x!tpu.dma_semaphore, #tpu.memory_space<semaphore_mem>> -> memref<!tpu.dma_semaphore, #tpu.memory_space<semaphore_mem>>
    tpu.wait_indirect_dma semaphore(%dma_wait3A_337 : memref<!tpu.dma_semaphore, #tpu.memory_space<semaphore_mem>>) src(%dma_wait3A_335 : memref<8192x64xf32, #tpu.memory_space<hbm>>) dst(%dma_wait3A_329 : memref<256x64xf32, #tpu.memory_space<vmem>>)
    %scan3A_338 = arith.constant 0 : i32
    %scan3A_339 = arith.constant 0 : i32
    %scan3A_340 = arith.constant 256 : i32
    %scan3A_341 = arith.addi %scan3A_339, %scan3A_340 : i32
    %scan3A_342 = arith.constant 1 : i32
    scf.for %scan3A_443 = %scan3A_339 to %scan3A_341 step %scan3A_342  : i32 {
      %get3A = arith.constant 0 : i32
      %get3A_444 = arith.index_cast %get3A : i32 to index
      %get3A_445 = arith.index_cast %scan3A_443 : i32 to index
      %get3A_446 = arith.constant 0 : index
      %get3A_447 = tpu.vector_load %arg8[%get3A_444, %get3A_445, %get3A_446] {strides = array<i32>} : memref<2x256x64xf32, #tpu.memory_space<vmem>>, vector<1x1x16xf32>,
      %get3A_448 = vector.shape_cast %get3A_447 : vector<1x1x16xf32> to vector<16xf32>
      %get3A_449 = arith.constant 0 : i32
      %get3A_450 = arith.index_cast %get3A_449 : i32 to index
      %get3A_451 = arith.index_cast %scan3A_443 : i32 to index
      %get3A_452 = arith.constant 0 : index
      %get3A_453 = tpu.vector_load %arg9[%get3A_450, %get3A_451, %get3A_452] {strides = array<i32>} : memref<2x256x64xf32, #tpu.memory_space<vmem>>, vector<1x1x16xf32>,
      %get3A_454 = vector.shape_cast %get3A_453 : vector<1x1x16xf32> to vector<16xf32>
      %add3A_455 = arith.addf %get3A_448, %get3A_454 : vector<16xf32>
      %swap3A = arith.constant 0 : i32
      %swap3A_456 = arith.index_cast %swap3A : i32 to index
      %swap3A_457 = arith.index_cast %scan3A_443 : i32 to index
      %swap3A_458 = arith.constant 0 : index
      %swap3A_459 = tpu.vector_load %arg8[%swap3A_456, %swap3A_457, %swap3A_458] {strides = array<i32>} : memref<2x256x64xf32, #tpu.memory_space<vmem>>, vector<1x1x16xf32>,
      %swap3A_460 = vector.shape_cast %swap3A_459 : vector<1x1x16xf32> to vector<16xf32>
      %swap3A_461 = vector.shape_cast %add3A_455 : vector<16xf32> to vector<1x1x16xf32>
      tpu.vector_store %arg8[%swap3A_456, %swap3A_457, %swap3A_458], %swap3A_461 {strides = array<i32>} : memref<2x256x64xf32, #tpu.memory_space<vmem>>, vector<1x1x16xf32>,
      %get3A_462 = arith.constant 0 : i32
      %get3A_463 = arith.index_cast %get3A_462 : i32 to index
      %get3A_464 = arith.index_cast %scan3A_443 : i32 to index
      %get3A_465 = arith.constant 16 : index
      %get3A_466 = tpu.vector_load %arg8[%get3A_463, %get3A_464, %get3A_465] {strides = array<i32>} : memref<2x256x64xf32, #tpu.memory_space<vmem>>, vector<1x1x16xf32>,
      %get3A_467 = vector.shape_cast %get3A_466 : vector<1x1x16xf32> to vector<16xf32>
      %get3A_468 = arith.constant 0 : i32
      %get3A_469 = arith.index_cast %get3A_468 : i32 to index
      %get3A_470 = arith.index_cast %scan3A_443 : i32 to index
      %get3A_471 = arith.constant 16 : index
      %get3A_472 = tpu.vector_load %arg9[%get3A_469, %get3A_470, %get3A_471] {strides = array<i32>} : memref<2x256x64xf32, #tpu.memory_space<vmem>>, vector<1x1x16xf32>,
      %get3A_473 = vector.shape_cast %get3A_472 : vector<1x1x16xf32> to vector<16xf32>
      %add3A_474 = arith.addf %get3A_467, %get3A_473 : vector<16xf32>
      %swap3A_475 = arith.constant 0 : i32
      %swap3A_476 = arith.index_cast %swap3A_475 : i32 to index
      %swap3A_477 = arith.index_cast %scan3A_443 : i32 to index
      %swap3A_478 = arith.constant 16 : index
      %swap3A_479 = tpu.vector_load %arg8[%swap3A_476, %swap3A_477, %swap3A_478] {strides = array<i32>} : memref<2x256x64xf32, #tpu.memory_space<vmem>>, vector<1x1x16xf32>,
      %swap3A_480 = vector.shape_cast %swap3A_479 : vector<1x1x16xf32> to vector<16xf32>
      %swap3A_481 = vector.shape_cast %add3A_474 : vector<16xf32> to vector<1x1x16xf32>
      tpu.vector_store %arg8[%swap3A_476, %swap3A_477, %swap3A_478], %swap3A_481 {strides = array<i32>} : memref<2x256x64xf32, #tpu.memory_space<vmem>>, vector<1x1x16xf32>,
      %get3A_482 = arith.constant 0 : i32
      %get3A_483 = arith.index_cast %get3A_482 : i32 to index
      %get3A_484 = arith.index_cast %scan3A_443 : i32 to index
      %get3A_485 = arith.constant 32 : index
      %get3A_486 = tpu.vector_load %arg8[%get3A_483, %get3A_484, %get3A_485] {strides = array<i32>} : memref<2x256x64xf32, #tpu.memory_space<vmem>>, vector<1x1x16xf32>,
      %get3A_487 = vector.shape_cast %get3A_486 : vector<1x1x16xf32> to vector<16xf32>
      %get3A_488 = arith.constant 0 : i32
      %get3A_489 = arith.index_cast %get3A_488 : i32 to index
      %get3A_490 = arith.index_cast %scan3A_443 : i32 to index
      %get3A_491 = arith.constant 32 : index
      %get3A_492 = tpu.vector_load %arg9[%get3A_489, %get3A_490, %get3A_491] {strides = array<i32>} : memref<2x256x64xf32, #tpu.memory_space<vmem>>, vector<1x1x16xf32>,
      %get3A_493 = vector.shape_cast %get3A_492 : vector<1x1x16xf32> to vector<16xf32>
      %add3A_494 = arith.addf %get3A_487, %get3A_493 : vector<16xf32>
      %swap3A_495 = arith.constant 0 : i32
      %swap3A_496 = arith.index_cast %swap3A_495 : i32 to index
      %swap3A_497 = arith.index_cast %scan3A_443 : i32 to index
      %swap3A_498 = arith.constant 32 : index
      %swap3A_499 = tpu.vector_load %arg8[%swap3A_496, %swap3A_497, %swap3A_498] {strides = array<i32>} : memref<2x256x64xf32, #tpu.memory_space<vmem>>, vector<1x1x16xf32>,
      %swap3A_500 = vector.shape_cast %swap3A_499 : vector<1x1x16xf32> to vector<16xf32>
      %swap3A_501 = vector.shape_cast %add3A_494 : vector<16xf32> to vector<1x1x16xf32>
      tpu.vector_store %arg8[%swap3A_496, %swap3A_497, %swap3A_498], %swap3A_501 {strides = array<i32>} : memref<2x256x64xf32, #tpu.memory_space<vmem>>, vector<1x1x16xf32>,
      %get3A_502 = arith.constant 0 : i32
      %get3A_503 = arith.index_cast %get3A_502 : i32 to index
      %get3A_504 = arith.index_cast %scan3A_443 : i32 to index
      %get3A_505 = arith.constant 48 : index
      %get3A_506 = tpu.vector_load %arg8[%get3A_503, %get3A_504, %get3A_505] {strides = array<i32>} : memref<2x256x64xf32, #tpu.memory_space<vmem>>, vector<1x1x16xf32>,
      %get3A_507 = vector.shape_cast %get3A_506 : vector<1x1x16xf32> to vector<16xf32>
      %get3A_508 = arith.constant 0 : i32
      %get3A_509 = arith.index_cast %get3A_508 : i32 to index
      %get3A_510 = arith.index_cast %scan3A_443 : i32 to index
      %get3A_511 = arith.constant 48 : index
      %get3A_512 = tpu.vector_load %arg9[%get3A_509, %get3A_510, %get3A_511] {strides = array<i32>} : memref<2x256x64xf32, #tpu.memory_space<vmem>>, vector<1x1x16xf32>,
      %get3A_513 = vector.shape_cast %get3A_512 : vector<1x1x16xf32> to vector<16xf32>
      %add3A_514 = arith.addf %get3A_507, %get3A_513 : vector<16xf32>
      %swap3A_515 = arith.constant 0 : i32
      %swap3A_516 = arith.index_cast %swap3A_515 : i32 to index
      %swap3A_517 = arith.index_cast %scan3A_443 : i32 to index
      %swap3A_518 = arith.constant 48 : index
      %swap3A_519 = tpu.vector_load %arg8[%swap3A_516, %swap3A_517, %swap3A_518] {strides = array<i32>} : memref<2x256x64xf32, #tpu.memory_space<vmem>>, vector<1x1x16xf32>,
      %swap3A_520 = vector.shape_cast %swap3A_519 : vector<1x1x16xf32> to vector<16xf32>
      %swap3A_521 = vector.shape_cast %add3A_514 : vector<16xf32> to vector<1x1x16xf32>
      tpu.vector_store %arg8[%swap3A_516, %swap3A_517, %swap3A_518], %swap3A_521 {strides = array<i32>} : memref<2x256x64xf32, #tpu.memory_space<vmem>>, vector<1x1x16xf32>,
    }
    %scan3A_343 = arith.constant 256 : i32
    %dma_start3A_344 = arith.constant 0 : i32
    %dma_start3A_345 = arith.constant 2 : i32
    %dma_start3A_346 = arith.constant 0 : i32
    %dma_start3A_347 = arith.constant 0 : i32
    %dma_start3A_348 = arith.constant 0 : i32
    %dma_start3A_349 = tpu.memref_slice %arg8[%dma_start3A_344, %dma_start3A_347, %dma_start3A_348] : memref<2x256x64xf32, #tpu.memory_space<vmem>> -> memref<1x256x64xf32, #tpu.memory_space<vmem>>
    %dma_start3A_350 = tpu.memref_squeeze %dma_start3A_349 : memref<1x256x64xf32, #tpu.memory_space<vmem>> -> memref<256x64xf32, #tpu.memory_space<vmem>>
    %dma_start3A_351 = arith.constant 0 : i32
    %dma_start3A_352 = tpu.memref_slice %arg6[%dma_start3A_345, %dma_start3A_351] : memref<4x256xi32, #tpu.memory_space<vmem>> -> memref<1x256xi32, #tpu.memory_space<vmem>>
    %dma_start3A_353 = tpu.memref_squeeze %dma_start3A_352 : memref<1x256xi32, #tpu.memory_space<vmem>> -> memref<256xi32, #tpu.memory_space<vmem>>
    %dma_start3A_354 = arith.constant 0 : i32
    %dma_start3A_355 = arith.constant 0 : i32
    %dma_start3A_356 = tpu.memref_slice %arg5[%dma_start3A_354, %dma_start3A_355] : memref<32768x64xf32, #tpu.memory_space<hbm>> -> memref<32768x64xf32, #tpu.memory_space<hbm>>
    %dma_start3A_357 = tpu.memref_slice %arg12[%dma_start3A_346] : memref<2x!tpu.dma_semaphore, #tpu.memory_space<semaphore_mem>> -> memref<1x!tpu.dma_semaphore, #tpu.memory_space<semaphore_mem>>
    %dma_start3A_358 = tpu.memref_squeeze %dma_start3A_357 : memref<1x!tpu.dma_semaphore, #tpu.memory_space<semaphore_mem>> -> memref<!tpu.dma_semaphore, #tpu.memory_space<semaphore_mem>>
    tpu.enqueue_indirect_dma source(%dma_start3A_350 : memref<256x64xf32, #tpu.memory_space<vmem>>) target(%dma_start3A_356 : memref<32768x64xf32, #tpu.memory_space<hbm>>) offsets(%dma_start3A_353 : memref<256xi32, #tpu.memory_space<vmem>>) semaphore(%dma_start3A_358 : memref<!tpu.dma_semaphore, #tpu.memory_space<semaphore_mem>>)
    %add3A_359 = arith.constant 768 : i32
    %add3A_360 = arith.addi %mul3A_2, %add3A_359 : i32
    %dma_wait3A_361 = arith.constant 1 : i32
    %dma_wait3A_362 = arith.constant 1 : i32
    %dma_wait3A_363 = arith.constant 0 : i32
    %dma_wait3A_364 = arith.constant 0 : i32
    %dma_wait3A_365 = tpu.memref_slice %arg8[%dma_wait3A_361, %dma_wait3A_363, %dma_wait3A_364] : memref<2x256x64xf32, #tpu.memory_space<vmem>> -> memref<1x256x64xf32, #tpu.memory_space<vmem>>
    %dma_wait3A_366 = tpu.memref_squeeze %dma_wait3A_365 : memref<1x256x64xf32, #tpu.memory_space<vmem>> -> memref<256x64xf32, #tpu.memory_space<vmem>>
    %dma_wait3A_367 = arith.constant 0 : i32
    %dma_wait3A_368 = tpu.memref_slice %arg2[%add3A_360, %dma_wait3A_367] : memref<32768x64xf32, #tpu.memory_space<hbm>> -> memref<256x64xf32, #tpu.memory_space<hbm>>
    %dma_wait3A_369 = tpu.memref_slice %arg10[%dma_wait3A_362] : memref<2x!tpu.dma_semaphore, #tpu.memory_space<semaphore_mem>> -> memref<1x!tpu.dma_semaphore, #tpu.memory_space<semaphore_mem>>
    %dma_wait3A_370 = tpu.memref_squeeze %dma_wait3A_369 : memref<1x!tpu.dma_semaphore, #tpu.memory_space<semaphore_mem>> -> memref<!tpu.dma_semaphore, #tpu.memory_space<semaphore_mem>>
    %dma_wait3A_371 = arith.constant 0 : i32
    %dma_wait3A_372 = arith.constant 0 : i32
    %dma_wait3A_373 = tpu.memref_slice %arg8[%dma_wait3A_361, %dma_wait3A_371, %dma_wait3A_372] : memref<2x256x64xf32, #tpu.memory_space<vmem>> -> memref<1x256x64xf32, #tpu.memory_space<vmem>>
    %dma_wait3A_374 = tpu.memref_squeeze %dma_wait3A_373 : memref<1x256x64xf32, #tpu.memory_space<vmem>> -> memref<256x64xf32, #tpu.memory_space<vmem>>
    %dma_wait3A_375 = arith.constant 0 : i32
    %dma_wait3A_376 = tpu.memref_slice %arg2[%add3A_360, %dma_wait3A_375] : memref<32768x64xf32, #tpu.memory_space<hbm>> -> memref<256x64xf32, #tpu.memory_space<hbm>>
    tpu.wait_dma2 semaphore(%dma_wait3A_370 : memref<!tpu.dma_semaphore, #tpu.memory_space<semaphore_mem>>) src(%dma_wait3A_376 : memref<256x64xf32, #tpu.memory_space<hbm>>) dst(%dma_wait3A_374 : memref<256x64xf32, #tpu.memory_space<vmem>>)
    %dma_wait3A_377 = arith.constant 3 : i32
    %dma_wait3A_378 = arith.constant 1 : i32
    %dma_wait3A_379 = arith.constant 1 : i32
    %dma_wait3A_380 = arith.constant 0 : i32
    %dma_wait3A_381 = arith.constant 0 : i32
    %dma_wait3A_382 = tpu.memref_slice %arg9[%dma_wait3A_378, %dma_wait3A_380, %dma_wait3A_381] : memref<2x256x64xf32, #tpu.memory_space<vmem>> -> memref<1x256x64xf32, #tpu.memory_space<vmem>>
    %dma_wait3A_383 = tpu.memref_squeeze %dma_wait3A_382 : memref<1x256x64xf32, #tpu.memory_space<vmem>> -> memref<256x64xf32, #tpu.memory_space<vmem>>
    %dma_wait3A_384 = arith.constant 0 : i32
    %dma_wait3A_385 = tpu.memref_slice %arg7[%dma_wait3A_377, %dma_wait3A_384] : memref<4x256xi32, #tpu.memory_space<vmem>> -> memref<1x256xi32, #tpu.memory_space<vmem>>
    %dma_wait3A_386 = tpu.memref_squeeze %dma_wait3A_385 : memref<1x256xi32, #tpu.memory_space<vmem>> -> memref<256xi32, #tpu.memory_space<vmem>>
    %dma_wait3A_387 = arith.constant 0 : i32
    %dma_wait3A_388 = arith.constant 0 : i32
    %dma_wait3A_389 = tpu.memref_slice %arg4[%dma_wait3A_387, %dma_wait3A_388] : memref<8192x64xf32, #tpu.memory_space<hbm>> -> memref<8192x64xf32, #tpu.memory_space<hbm>>
    %dma_wait3A_390 = tpu.memref_slice %arg11[%dma_wait3A_379] : memref<2x!tpu.dma_semaphore, #tpu.memory_space<semaphore_mem>> -> memref<1x!tpu.dma_semaphore, #tpu.memory_space<semaphore_mem>>
    %dma_wait3A_391 = tpu.memref_squeeze %dma_wait3A_390 : memref<1x!tpu.dma_semaphore, #tpu.memory_space<semaphore_mem>> -> memref<!tpu.dma_semaphore, #tpu.memory_space<semaphore_mem>>
    tpu.wait_indirect_dma semaphore(%dma_wait3A_391 : memref<!tpu.dma_semaphore, #tpu.memory_space<semaphore_mem>>) src(%dma_wait3A_389 : memref<8192x64xf32, #tpu.memory_space<hbm>>) dst(%dma_wait3A_383 : memref<256x64xf32, #tpu.memory_space<vmem>>)
    %scan3A_392 = arith.constant 0 : i32
    %scan3A_393 = arith.constant 0 : i32
    %scan3A_394 = arith.constant 256 : i32
    %scan3A_395 = arith.addi %scan3A_393, %scan3A_394 : i32
    %scan3A_396 = arith.constant 1 : i32
    scf.for %scan3A_443 = %scan3A_393 to %scan3A_395 step %scan3A_396  : i32 {
      %get3A = arith.constant 1 : i32
      %get3A_444 = arith.index_cast %get3A : i32 to index
      %get3A_445 = arith.index_cast %scan3A_443 : i32 to index
      %get3A_446 = arith.constant 0 : index
      %get3A_447 = tpu.vector_load %arg8[%get3A_444, %get3A_445, %get3A_446] {strides = array<i32>} : memref<2x256x64xf32, #tpu.memory_space<vmem>>, vector<1x1x16xf32>,
      %get3A_448 = vector.shape_cast %get3A_447 : vector<1x1x16xf32> to vector<16xf32>
      %get3A_449 = arith.constant 1 : i32
      %get3A_450 = arith.index_cast %get3A_449 : i32 to index
      %get3A_451 = arith.index_cast %scan3A_443 : i32 to index
      %get3A_452 = arith.constant 0 : index
      %get3A_453 = tpu.vector_load %arg9[%get3A_450, %get3A_451, %get3A_452] {strides = array<i32>} : memref<2x256x64xf32, #tpu.memory_space<vmem>>, vector<1x1x16xf32>,
      %get3A_454 = vector.shape_cast %get3A_453 : vector<1x1x16xf32> to vector<16xf32>
      %add3A_455 = arith.addf %get3A_448, %get3A_454 : vector<16xf32>
      %swap3A = arith.constant 1 : i32
      %swap3A_456 = arith.index_cast %swap3A : i32 to index
      %swap3A_457 = arith.index_cast %scan3A_443 : i32 to index
      %swap3A_458 = arith.constant 0 : index
      %swap3A_459 = tpu.vector_load %arg8[%swap3A_456, %swap3A_457, %swap3A_458] {strides = array<i32>} : memref<2x256x64xf32, #tpu.memory_space<vmem>>, vector<1x1x16xf32>,
      %swap3A_460 = vector.shape_cast %swap3A_459 : vector<1x1x16xf32> to vector<16xf32>
      %swap3A_461 = vector.shape_cast %add3A_455 : vector<16xf32> to vector<1x1x16xf32>
      tpu.vector_store %arg8[%swap3A_456, %swap3A_457, %swap3A_458], %swap3A_461 {strides = array<i32>} : memref<2x256x64xf32, #tpu.memory_space<vmem>>, vector<1x1x16xf32>,
      %get3A_462 = arith.constant 1 : i32
      %get3A_463 = arith.index_cast %get3A_462 : i32 to index
      %get3A_464 = arith.index_cast %scan3A_443 : i32 to index
      %get3A_465 = arith.constant 16 : index
      %get3A_466 = tpu.vector_load %arg8[%get3A_463, %get3A_464, %get3A_465] {strides = array<i32>} : memref<2x256x64xf32, #tpu.memory_space<vmem>>, vector<1x1x16xf32>,
      %get3A_467 = vector.shape_cast %get3A_466 : vector<1x1x16xf32> to vector<16xf32>
      %get3A_468 = arith.constant 1 : i32
      %get3A_469 = arith.index_cast %get3A_468 : i32 to index
      %get3A_470 = arith.index_cast %scan3A_443 : i32 to index
      %get3A_471 = arith.constant 16 : index
      %get3A_472 = tpu.vector_load %arg9[%get3A_469, %get3A_470, %get3A_471] {strides = array<i32>} : memref<2x256x64xf32, #tpu.memory_space<vmem>>, vector<1x1x16xf32>,
      %get3A_473 = vector.shape_cast %get3A_472 : vector<1x1x16xf32> to vector<16xf32>
      %add3A_474 = arith.addf %get3A_467, %get3A_473 : vector<16xf32>
      %swap3A_475 = arith.constant 1 : i32
      %swap3A_476 = arith.index_cast %swap3A_475 : i32 to index
      %swap3A_477 = arith.index_cast %scan3A_443 : i32 to index
      %swap3A_478 = arith.constant 16 : index
      %swap3A_479 = tpu.vector_load %arg8[%swap3A_476, %swap3A_477, %swap3A_478] {strides = array<i32>} : memref<2x256x64xf32, #tpu.memory_space<vmem>>, vector<1x1x16xf32>,
      %swap3A_480 = vector.shape_cast %swap3A_479 : vector<1x1x16xf32> to vector<16xf32>
      %swap3A_481 = vector.shape_cast %add3A_474 : vector<16xf32> to vector<1x1x16xf32>
      tpu.vector_store %arg8[%swap3A_476, %swap3A_477, %swap3A_478], %swap3A_481 {strides = array<i32>} : memref<2x256x64xf32, #tpu.memory_space<vmem>>, vector<1x1x16xf32>,
      %get3A_482 = arith.constant 1 : i32
      %get3A_483 = arith.index_cast %get3A_482 : i32 to index
      %get3A_484 = arith.index_cast %scan3A_443 : i32 to index
      %get3A_485 = arith.constant 32 : index
      %get3A_486 = tpu.vector_load %arg8[%get3A_483, %get3A_484, %get3A_485] {strides = array<i32>} : memref<2x256x64xf32, #tpu.memory_space<vmem>>, vector<1x1x16xf32>,
      %get3A_487 = vector.shape_cast %get3A_486 : vector<1x1x16xf32> to vector<16xf32>
      %get3A_488 = arith.constant 1 : i32
      %get3A_489 = arith.index_cast %get3A_488 : i32 to index
      %get3A_490 = arith.index_cast %scan3A_443 : i32 to index
      %get3A_491 = arith.constant 32 : index
      %get3A_492 = tpu.vector_load %arg9[%get3A_489, %get3A_490, %get3A_491] {strides = array<i32>} : memref<2x256x64xf32, #tpu.memory_space<vmem>>, vector<1x1x16xf32>,
      %get3A_493 = vector.shape_cast %get3A_492 : vector<1x1x16xf32> to vector<16xf32>
      %add3A_494 = arith.addf %get3A_487, %get3A_493 : vector<16xf32>
      %swap3A_495 = arith.constant 1 : i32
      %swap3A_496 = arith.index_cast %swap3A_495 : i32 to index
      %swap3A_497 = arith.index_cast %scan3A_443 : i32 to index
      %swap3A_498 = arith.constant 32 : index
      %swap3A_499 = tpu.vector_load %arg8[%swap3A_496, %swap3A_497, %swap3A_498] {strides = array<i32>} : memref<2x256x64xf32, #tpu.memory_space<vmem>>, vector<1x1x16xf32>,
      %swap3A_500 = vector.shape_cast %swap3A_499 : vector<1x1x16xf32> to vector<16xf32>
      %swap3A_501 = vector.shape_cast %add3A_494 : vector<16xf32> to vector<1x1x16xf32>
      tpu.vector_store %arg8[%swap3A_496, %swap3A_497, %swap3A_498], %swap3A_501 {strides = array<i32>} : memref<2x256x64xf32, #tpu.memory_space<vmem>>, vector<1x1x16xf32>,
      %get3A_502 = arith.constant 1 : i32
      %get3A_503 = arith.index_cast %get3A_502 : i32 to index
      %get3A_504 = arith.index_cast %scan3A_443 : i32 to index
      %get3A_505 = arith.constant 48 : index
      %get3A_506 = tpu.vector_load %arg8[%get3A_503, %get3A_504, %get3A_505] {strides = array<i32>} : memref<2x256x64xf32, #tpu.memory_space<vmem>>, vector<1x1x16xf32>,
      %get3A_507 = vector.shape_cast %get3A_506 : vector<1x1x16xf32> to vector<16xf32>
      %get3A_508 = arith.constant 1 : i32
      %get3A_509 = arith.index_cast %get3A_508 : i32 to index
      %get3A_510 = arith.index_cast %scan3A_443 : i32 to index
      %get3A_511 = arith.constant 48 : index
      %get3A_512 = tpu.vector_load %arg9[%get3A_509, %get3A_510, %get3A_511] {strides = array<i32>} : memref<2x256x64xf32, #tpu.memory_space<vmem>>, vector<1x1x16xf32>,
      %get3A_513 = vector.shape_cast %get3A_512 : vector<1x1x16xf32> to vector<16xf32>
      %add3A_514 = arith.addf %get3A_507, %get3A_513 : vector<16xf32>
      %swap3A_515 = arith.constant 1 : i32
      %swap3A_516 = arith.index_cast %swap3A_515 : i32 to index
      %swap3A_517 = arith.index_cast %scan3A_443 : i32 to index
      %swap3A_518 = arith.constant 48 : index
      %swap3A_519 = tpu.vector_load %arg8[%swap3A_516, %swap3A_517, %swap3A_518] {strides = array<i32>} : memref<2x256x64xf32, #tpu.memory_space<vmem>>, vector<1x1x16xf32>,
      %swap3A_520 = vector.shape_cast %swap3A_519 : vector<1x1x16xf32> to vector<16xf32>
      %swap3A_521 = vector.shape_cast %add3A_514 : vector<16xf32> to vector<1x1x16xf32>
      tpu.vector_store %arg8[%swap3A_516, %swap3A_517, %swap3A_518], %swap3A_521 {strides = array<i32>} : memref<2x256x64xf32, #tpu.memory_space<vmem>>, vector<1x1x16xf32>,
    }
    %scan3A_397 = arith.constant 256 : i32
    %dma_start3A_398 = arith.constant 1 : i32
    %dma_start3A_399 = arith.constant 3 : i32
    %dma_start3A_400 = arith.constant 1 : i32
    %dma_start3A_401 = arith.constant 0 : i32
    %dma_start3A_402 = arith.constant 0 : i32
    %dma_start3A_403 = tpu.memref_slice %arg8[%dma_start3A_398, %dma_start3A_401, %dma_start3A_402] : memref<2x256x64xf32, #tpu.memory_space<vmem>> -> memref<1x256x64xf32, #tpu.memory_space<vmem>>
    %dma_start3A_404 = tpu.memref_squeeze %dma_start3A_403 : memref<1x256x64xf32, #tpu.memory_space<vmem>> -> memref<256x64xf32, #tpu.memory_space<vmem>>
    %dma_start3A_405 = arith.constant 0 : i32
    %dma_start3A_406 = tpu.memref_slice %arg6[%dma_start3A_399, %dma_start3A_405] : memref<4x256xi32, #tpu.memory_space<vmem>> -> memref<1x256xi32, #tpu.memory_space<vmem>>
    %dma_start3A_407 = tpu.memref_squeeze %dma_start3A_406 : memref<1x256xi32, #tpu.memory_space<vmem>> -> memref<256xi32, #tpu.memory_space<vmem>>
    %dma_start3A_408 = arith.constant 0 : i32
    %dma_start3A_409 = arith.constant 0 : i32
    %dma_start3A_410 = tpu.memref_slice %arg5[%dma_start3A_408, %dma_start3A_409] : memref<32768x64xf32, #tpu.memory_space<hbm>> -> memref<32768x64xf32, #tpu.memory_space<hbm>>
    %dma_start3A_411 = tpu.memref_slice %arg12[%dma_start3A_400] : memref<2x!tpu.dma_semaphore, #tpu.memory_space<semaphore_mem>> -> memref<1x!tpu.dma_semaphore, #tpu.memory_space<semaphore_mem>>
    %dma_start3A_412 = tpu.memref_squeeze %dma_start3A_411 : memref<1x!tpu.dma_semaphore, #tpu.memory_space<semaphore_mem>> -> memref<!tpu.dma_semaphore, #tpu.memory_space<semaphore_mem>>
    tpu.enqueue_indirect_dma source(%dma_start3A_404 : memref<256x64xf32, #tpu.memory_space<vmem>>) target(%dma_start3A_410 : memref<32768x64xf32, #tpu.memory_space<hbm>>) offsets(%dma_start3A_407 : memref<256xi32, #tpu.memory_space<vmem>>) semaphore(%dma_start3A_412 : memref<!tpu.dma_semaphore, #tpu.memory_space<semaphore_mem>>)
    %dma_wait3A_413 = arith.constant 0 : i32
    %dma_wait3A_414 = arith.constant 2 : i32
    %dma_wait3A_415 = arith.constant 0 : i32
    %dma_wait3A_416 = arith.constant 0 : i32
    %dma_wait3A_417 = arith.constant 0 : i32
    %dma_wait3A_418 = tpu.memref_slice %arg8[%dma_wait3A_413, %dma_wait3A_416, %dma_wait3A_417] : memref<2x256x64xf32, #tpu.memory_space<vmem>> -> memref<1x256x64xf32, #tpu.memory_space<vmem>>
    %dma_wait3A_419 = tpu.memref_squeeze %dma_wait3A_418 : memref<1x256x64xf32, #tpu.memory_space<vmem>> -> memref<256x64xf32, #tpu.memory_space<vmem>>
    %dma_wait3A_420 = arith.constant 0 : i32
    %dma_wait3A_421 = tpu.memref_slice %arg6[%dma_wait3A_414, %dma_wait3A_420] : memref<4x256xi32, #tpu.memory_space<vmem>> -> memref<1x256xi32, #tpu.memory_space<vmem>>
    %dma_wait3A_422 = tpu.memref_squeeze %dma_wait3A_421 : memref<1x256xi32, #tpu.memory_space<vmem>> -> memref<256xi32, #tpu.memory_space<vmem>>
    %dma_wait3A_423 = arith.constant 0 : i32
    %dma_wait3A_424 = arith.constant 0 : i32
    %dma_wait3A_425 = tpu.memref_slice %arg5[%dma_wait3A_423, %dma_wait3A_424] : memref<32768x64xf32, #tpu.memory_space<hbm>> -> memref<32768x64xf32, #tpu.memory_space<hbm>>
    %dma_wait3A_426 = tpu.memref_slice %arg12[%dma_wait3A_415] : memref<2x!tpu.dma_semaphore, #tpu.memory_space<semaphore_mem>> -> memref<1x!tpu.dma_semaphore, #tpu.memory_space<semaphore_mem>>
    %dma_wait3A_427 = tpu.memref_squeeze %dma_wait3A_426 : memref<1x!tpu.dma_semaphore, #tpu.memory_space<semaphore_mem>> -> memref<!tpu.dma_semaphore, #tpu.memory_space<semaphore_mem>>
    tpu.wait_indirect_dma semaphore(%dma_wait3A_427 : memref<!tpu.dma_semaphore, #tpu.memory_space<semaphore_mem>>) src(%dma_wait3A_419 : memref<256x64xf32, #tpu.memory_space<vmem>>) dst(%dma_wait3A_425 : memref<32768x64xf32, #tpu.memory_space<hbm>>)
    %dma_wait3A_428 = arith.constant 1 : i32
    %dma_wait3A_429 = arith.constant 3 : i32
    %dma_wait3A_430 = arith.constant 1 : i32
    %dma_wait3A_431 = arith.constant 0 : i32
    %dma_wait3A_432 = arith.constant 0 : i32
    %dma_wait3A_433 = tpu.memref_slice %arg8[%dma_wait3A_428, %dma_wait3A_431, %dma_wait3A_432] : memref<2x256x64xf32, #tpu.memory_space<vmem>> -> memref<1x256x64xf32, #tpu.memory_space<vmem>>
    %dma_wait3A_434 = tpu.memref_squeeze %dma_wait3A_433 : memref<1x256x64xf32, #tpu.memory_space<vmem>> -> memref<256x64xf32, #tpu.memory_space<vmem>>
    %dma_wait3A_435 = arith.constant 0 : i32
    %dma_wait3A_436 = tpu.memref_slice %arg6[%dma_wait3A_429, %dma_wait3A_435] : memref<4x256xi32, #tpu.memory_space<vmem>> -> memref<1x256xi32, #tpu.memory_space<vmem>>
    %dma_wait3A_437 = tpu.memref_squeeze %dma_wait3A_436 : memref<1x256xi32, #tpu.memory_space<vmem>> -> memref<256xi32, #tpu.memory_space<vmem>>
    %dma_wait3A_438 = arith.constant 0 : i32
    %dma_wait3A_439 = arith.constant 0 : i32
    %dma_wait3A_440 = tpu.memref_slice %arg5[%dma_wait3A_438, %dma_wait3A_439] : memref<32768x64xf32, #tpu.memory_space<hbm>> -> memref<32768x64xf32, #tpu.memory_space<hbm>>
    %dma_wait3A_441 = tpu.memref_slice %arg12[%dma_wait3A_430] : memref<2x!tpu.dma_semaphore, #tpu.memory_space<semaphore_mem>> -> memref<1x!tpu.dma_semaphore, #tpu.memory_space<semaphore_mem>>
    %dma_wait3A_442 = tpu.memref_squeeze %dma_wait3A_441 : memref<1x!tpu.dma_semaphore, #tpu.memory_space<semaphore_mem>> -> memref<!tpu.dma_semaphore, #tpu.memory_space<semaphore_mem>>
    tpu.wait_indirect_dma semaphore(%dma_wait3A_442 : memref<!tpu.dma_semaphore, #tpu.memory_space<semaphore_mem>>) src(%dma_wait3A_434 : memref<256x64xf32, #tpu.memory_space<vmem>>) dst(%dma_wait3A_440 : memref<32768x64xf32, #tpu.memory_space<hbm>>)
    return
  }
}

</mosaic_0001>

<sc_bundles>
// kernel: kernel.4.cloned.1.call-start
scs
__scs_entry_jumppad:
0x0: {  	(pc) =	sbr.rel $0x88, $3  }
0x1: {  	(tag) =	ssettag $0x0;
	lr =	simm.s32 $0x1  }
0x2: {  	[smem:$0x3F9E] =	sst lr;
	_ =	strace $0xD0000000  }
0x3: {  	_ = 	snop  }
0x4: {  	_ = 	snop  }
0x5: {  	_ = 	snop  }
0x6: {  	_ = 	snop  }
0x7: {  	_ = 	snop  }
__scs_overlays_trampoline_lowered:
0x8: {  	[smem:$0x3FAD] =	sst s0  }
0x9: {  	[smem:$0x3FAE] =	sst s1  }
0xa: {  	[smem:$0x3FAF] =	sst s2  }
0xb: {  	[smem:$0x3FB0] =	sst s3  }
0xc: {  	[smem:$0x3FB1] =	sst s4  }
0xd: {  	[smem:$0x3FB2] =	sst s5  }
0xe: {  	[smem:$0x3FB3] =	sst s6  }
0xf: {  	[smem:$0x3FB4] =	sst s7  }
0x10: {  	[smem:$0x3FB5] =	sst s8  }
0x11: {  	[smem:$0x3FB6] =	sst s9;
	s0 =	simm.s32 @!p0 $0x0  }
0x12: {  	s1 =	sld [smem:$0x3F9C];
	s0 =	simm.s32 @p0 $0x1  }
0x13: {  	[smem:$0x3FB7] =	sst s0;
	s0 =	simm.s32 @!p1 $0x0  }
0x14: {  	s2 =	sld [smem:$0x3F9B];
	s0 =	simm.s32 @p1 $0x1  }
0x15: {  	[smem:$0x3FB8] =	sst s0;
	s0 =	simm.s32 @!p2 $0x0  }
0x16: {  	s3 =	sld [smem:$0x3FDB];
	s0 =	simm.s32 @p2 $0x1  }
0x17: {  	s4 =	simm.s32 $0x1BF5;
	[smem:$0x3FBA] =	sst s0  }
0x18: {  	s0 =	sld [smem:$0x3F9D];
	_ =	swait.ge [sflag:s4], $0x0  }
0x19: {  	s7 =	sld [smem:$0x3F9E]  }
0x1a: {  	s8 =	sadd.s32 $0xFFFFE003, lr  }
0x1b: {  	s9 =	sadd.s32 $0xFFFFFEF7, lr;
	s5 =	simm.s32 $0xFFFFFFFF;
	p2 =	slt.u32 s8, $0xFFFFF086  }
0x1c: {  	p1 =	slt.u32 s9, $0xF7A;
	s5 =	simm.s32 @!p2 $0x0  }
0x1d: {  	s5 =	simm.s32 @p1 $0x1;
	p0 =	seq.s32 s7, s2  }
0x1e: {  	s7 =	smul.u32 @!p0 $0xF7A, s2;
	p2 =	seq.s32 @!p0 s5, $0x0  }
0x1f: {  	s9 =	smul.u32 $0xF7A, s1;
	s8 =	simm.s32 @!p0 $0x1BF5;
	p2 =	por !p2, p0  }
0x20: {  	[sflag:s8] =	ssyncset.s32 @!p0 $0xFFFFF086;
	s6 =	sadd.s32 @!p0 s3, s7;
	s7 =	simm.s32 @!p0 $0x108  }
0x21: {  	s3 =	sadd.s32 s3, s9;
	s6 =	sadd.s32 @!p0 $0x88, s6;
	s7 =	simm.s32 @p2 $0x1082  }
0x22: {  	[simem:s7], [sflag:s8] =	dma.local @!p0 [hbm:s6], $0xF7A  }
0x23: {  	s9 =	sor.u32 $0xD0000000, s2;
	s6 =	simm.s32 $0x108;
	_ =	swait.ge @!p0 [sflag:s8], $0x0  }
0x24: {  	s3 =	sadd.s32 $0x88, s3;
	s6 =	simm.s32 @!p1 $0x1082;
	[sflag:s4] =	ssyncset.s32 $0xFFFFF086  }
0x25: {  	[simem:s6], [sflag:s4] =	dma.local [hbm:s3], $0xF7A  }
0x26: {  	[smem:$0x3F9E] =	sst s1;
	(tag) =	ssettag s2;
	_ =	strace s9  }
0x27: {  	s1 =	sld [smem:$0x3FAE]  }
0x28: {  	s2 =	sld [smem:$0x3FAF]  }
0x29: {  	s4 =	sld [smem:$0x3FB1]  }
0x2a: {  	p0 =	seq.s32 s5, $0x0;
	s5 =	sld [smem:$0x3FB2]  }
0x2b: {  	s6 =	sld [smem:$0x3FB3]  }
0x2c: {  	s7 =	sld [smem:$0x3FB4]  }
0x2d: {  	s3 =	simm.s32 $0x108;
	s8 =	sld [smem:$0x3FB5]  }
0x2e: {  	s3 =	simm.s32 @!p0 $0x1082;
	s9 =	sld [smem:$0x3FB6]  }
0x2f: {  	lr =	sadd.s32 s0, s3;
	s0 =	sld [smem:$0x3FAD]  }
0x30: {  	s3 =	sld [smem:$0x3FB0]  }
0x31: {  	[smem:$0x3FB9] =	sst s10  }
0x32: {  	s10 =	sld [smem:$0x3FB7];
	_ =	sdelay $0x3  }
0x33: {  	p0 =	seq.s32 s10, $0x1;
	s10 =	sld [smem:$0x3FB9];
	_ =	sdelay $0x3  }
0x34: {  	[smem:$0x3FB9] =	sst s10  }
0x35: {  	s10 =	sld [smem:$0x3FB8];
	_ =	sdelay $0x3  }
0x36: {  	p1 =	seq.s32 s10, $0x1;
	s10 =	sld [smem:$0x3FB9];
	_ =	sdelay $0x3  }
0x37: {  	[smem:$0x3FB9] =	sst s10  }
0x38: {  	s10 =	sld [smem:$0x3FBA]  }
0x39: {  	_ = 	snop;
	(pc) =	sbr.ind lr, $3  }
0x3a: {  	_ = 	snop  }
0x3b: {  	_ = 	snop  }
0x3c: {  	p2 =	seq.s32 s10, $0x1;
	s10 =	sld [smem:$0x3FB9]  }
0x3d: {  	_ =	shalt  }
0x3e: {  	_ =	shalt  }
0x3f: {  	_ =	shalt  }
0x40: {  	_ =	shalt  }
0x41: {  	_ =	shalt  }
0x42: {  	_ =	shalt  }
0x43: {  	_ =	shalt  }
0x44: {  	_ =	shalt  }
0x45: {  	_ =	shalt  }
0x46: {  	_ =	shalt  }
0x47: {  	_ =	shalt  }
0x48: {  	_ =	shalt  }
0x49: {  	_ =	shalt  }
0x4a: {  	_ =	shalt  }
0x4b: {  	_ =	shalt  }
0x4c: {  	_ =	shalt  }
0x4d: {  	_ =	shalt  }
0x4e: {  	_ =	shalt  }
0x4f: {  	_ =	shalt  }
0x50: {  	_ =	shalt  }
0x51: {  	_ =	shalt  }
0x52: {  	_ =	shalt  }
0x53: {  	_ =	shalt  }
0x54: {  	_ =	shalt  }
0x55: {  	_ =	shalt  }
0x56: {  	_ =	shalt  }
0x57: {  	_ =	shalt  }
0x58: {  	_ =	shalt  }
0x59: {  	_ =	shalt  }
0x5a: {  	_ =	shalt  }
0x5b: {  	_ =	shalt  }
0x5c: {  	_ =	shalt  }
0x5d: {  	_ =	shalt  }
0x5e: {  	_ =	shalt  }
0x5f: {  	_ =	shalt  }
0x60: {  	_ =	shalt  }
0x61: {  	_ =	shalt  }
0x62: {  	_ =	shalt  }
0x63: {  	_ =	shalt  }
0x64: {  	_ =	shalt  }
0x65: {  	_ =	shalt  }
0x66: {  	_ =	shalt  }
0x67: {  	_ =	shalt  }
0x68: {  	_ =	shalt  }
0x69: {  	_ =	shalt  }
0x6a: {  	_ =	shalt  }
0x6b: {  	_ =	shalt  }
0x6c: {  	_ =	shalt  }
0x6d: {  	_ =	shalt  }
0x6e: {  	_ =	shalt  }
0x6f: {  	_ =	shalt  }
0x70: {  	_ =	shalt  }
0x71: {  	_ =	shalt  }
0x72: {  	_ =	shalt  }
0x73: {  	_ =	shalt  }
0x74: {  	_ =	shalt  }
0x75: {  	_ =	shalt  }
0x76: {  	_ =	shalt  }
0x77: {  	_ =	shalt  }
0x78: {  	_ =	shalt  }
0x79: {  	_ =	shalt  }
0x7a: {  	_ =	shalt  }
0x7b: {  	_ =	shalt  }
0x7c: {  	_ =	shalt  }
0x7d: {  	_ =	shalt  }
0x7e: {  	_ =	shalt  }
0x7f: {  	_ =	shalt  }
0x80: {  	_ =	shalt  }
0x81: {  	_ =	shalt  }
0x82: {  	_ =	shalt  }
0x83: {  	_ =	shalt  }
0x84: {  	_ =	shalt  }
0x85: {  	_ =	shalt  }
0x86: {  	_ =	shalt  }
0x87: {  	_ =	shalt  }
.Lfunc_end0:
.L_simem_size_0:
called_computation_lowered:
.L_overlay_start_0:
0x88: {  	s2 =	sld [smem:$0x3FD9]  }
0x89: {  	s3 =	sld [smem:$0x3FFE];
	_ =	sdelay $0x1  }
0x8a: {  	s1 =	srdreg.scid  }
0x8b: {  	s0 =	sand.u32 $0x1, s1  }
0x8c: {  	s17 =	sshll.u32 s0, $0xA;
	s2 =	sadd.s32 s3, s2  }
0x8d: {  	s2 =	sadd.s32 s2, s17  }
0x8e: {  	[smem:$0x3FC5] =	sst s2  }
0x8f: {  	_ = 	snop  }
0x90: {  	s2 =	sld [smem:$0x3FC8]  }
0x91: {  	s18 =	sld [smem:$0x3FD0];
	(tm) =	ssettm $0x1  }
0x92: {  	s4 =	sld [smem:$0x3FFB];
	_ =	sdelay $0x3  }
0x93: {  	_ =	strace s4  }
0x94: {  	s4 =	sld [smem:$0x3FFC];
	_ =	sdelay $0x3  }
0x95: {  	_ =	strace s4  }
0x96: {  	s4 =	sld [smem:$0x3FFD];
	_ =	sdelay $0x3  }
0x97: {  	_ =	strace s4  }
0x98: {  	_ =	strace $0x8FFFFFFF  }
0x99: {  	s19 =	sld [smem:$0x3FDB];
	_ =	sdelay $0x1  }
0x9a: {  	s5 =	simm.s32 $_scs_section_size  }
0x9b: {  	s6 =	simm.s32 $_size__tile_overlayer_lowered;
	s7 =	simm.s32 $_tile_overlayer_lowered  }
0x9c: {  	s22 =	simm.s32 $0x1BFF;
	s21 =	sshll.u32 s7, $0x1;
	s4 =	sadd.s32 s5, s19  }
0x9d: {  	s8 =	simm.s32 $0x0;
	s20 =	sshll.u32 s6, $0x1;
	s6 =	sadd.s32 s21, s4  }
0x9e: {  	[timem:s8], [sflag:s22] =	dma.local [hbm:s6], s20  }
0x9f: {  	_ =	swait.ge [sflag:s22], s20  }
0xa0: {  	s5 =	ssub.s32 $0x0, s20;
	[sflag:s22] =	ssyncset.done $0x0  }
0xa1: {  	[sflag:s22] =	ssyncadd.s32 s5;
	_ =	sdelay $0x1  }
0xa2: {  	s23 =	simm.s32 $0x1B8B  }
0xa3: {  	_ =	swait.ge [sflag:s23], $0x1  }
0xa4: {  	[sflag:s23] =	ssyncset.done $0x0  }
0xa5: {  	s25 =	simm.s32 $0x1B8E;
	s24 =	sld [smem:$0x3FFE];
	[sflag:s23] =	ssyncadd.s32 $0xFFFFFFFF  }
0xa6: {  	s26 =	simm.s32 $execute0_lowered;
	[smem:$0x3FD2] =	sst s25  }
0xa7: {  	s6 =	sshll.u32 s26, $0x1;
	_ =	strace $0x80000046;
	[dreg:$0x1] =	wrdreg $0xFFFFFFFF  }
0xa8: {  	s28 =	simm.s32 $_size_execute0_lowered;
	s4 =	sadd.s32 s4, s6;
	[dreg:$0x0] =	wrdreg $0x0  }
0xa9: {  	s6 =	sshll.u32 s28, $0x1;
	[dreg:$0x2] =	wrdreg s4  }
0xaa: {  	[dreg:$0x3] =	wrdreg s6  }
0xab: {  	[dreg:$0x4] =	wrdreg $0xC0  }
0xac: {  	_ =	task [dreg:s8], $0x5FFFF  }
0xad: {  	[dreg:$0x1] =	wrdreg $0xFFFFFFFF  }
0xae: {  	[dreg:$0x0] =	wrdreg $0x60  }
0xaf: {  	[dreg:$0x2] =	wrdreg s18  }
0xb0: {  	[dreg:$0x3] =	wrdreg s2  }
0xb1: {  	[dreg:$0x4] =	wrdreg s24  }
0xb2: {  	[dreg:$0x5] =	wrdreg $0x9  }
0xb3: {  	_ =	task.clear_ibuf [dreg:s8], $0x6FFFF;
	_ =	strace $0x90000046  }
0xb4: {  	s29 =	simm.s32 $0x9;
	_ =	strace $0x80000048  }
0xb5: {  	_ =	swait.ge [sflag:s29], $0x1  }
0xb6: {  	[sflag:s29] =	ssyncadd.s32 $0xFFFFFFFF  }
0xb7: {  	_ =	strace $0x90000048  }
0xb8: {  	_ =	sfence  }
0xb9: {  	s30 =	sld [smem:$0x0];
	_ =	sdelay $0x2  }
0xba: {  	s31 =	sshll.u32 s1, $0xD;
	s1 =	sshrl.u32 s1, $0x2  }
0xbb: {  	s3 =	sand.u32 $0x4000, s31;
	s1 =	sadd.s32 s1, s30  }
0xbc: {  	s0 =	sor.u32 s3, s0;
	s1 =	sshll.u32 s1, $0x11  }
0xbd: {  	s0 =	sor.u32 s1, s0  }
0xbe: {  	s0 =	sadd.s32 $0x8F2B, s0  }
0xbf: {  	[sflag:s0] =	ssyncadd.remote.s32 $0x1  }
0xc0: {  	_ =	sfence.sel $0xFFFF  }
0xc1: {  	[dreg:$0x0] =	wrdreg $0xFFFFFFFF;
	(pc) =	sbr.abs _section_cstart, $3  }
0xc2: {  	[dreg:$0x1] =	wrdreg $0xFFFFFFFF  }
0xc3: {  	_ =	task.clear_ibuf [dreg:s8], $0x2FFFF;
	_ =	strace $0x9FFFFFFF  }
0xc4: {  	(tm) =	ssettm $0x7FFFFFFF  }
0xc5: {  	_ =	shalt  }
tec
execute0_lowered:
.L_overlay_start_1:
0x0: {  	(tag) =	ssettag $0x1  }
0x1: {  	v0 =	vimm.s32 $0xB80;
	vm14 =	vcmask $0x300;
	vm13 =	vcmask $0x704  }
0x2: {  	vm12 =	vcmask $0xB08;
	vm11 =	vcmask $0xF0C;
	vm10 =	vcmask $0x1310  }
0x3: {  	vm9 =	vcmask $0x1714;
	vm8 =	vcmask $0x1B18;
	vm7 =	vcmask $0x1F1C  }
0x4: {  	vm6 =	vcmask $0x2320;
	vm5 =	vcmask $0x2724;
	vm4 =	vcmask $0x2B28  }
0x5: {  	vm3 =	vcmask $0x2F2C;
	vm2 =	vcmask $0x3330;
	vm1 =	vcmask $0x3734  }
0x6: {  	vm0 =	vcmask $0x3B38;
	v1 =	vimm.s32 $0x200;
	v3 =	vimm.s32 $0x1B80  }
0x7: {  	v4 =	vimm.s32 $0x2B80;
	v5 =	vimm.s32 $0x3B80;
	v0 =	vsel vm14, $0x0, v0  }
0x8: {  	v3 =	vsel vm14, $0x1000, v3;
	v4 =	vsel vm14, $0x2000, v4;
	v5 =	vsel vm14, $0x3000, v5  }
0x9: {  	v0 =	vsel vm13, $0x80, v0;
	v3 =	vsel vm13, $0x1080, v3;
	v4 =	vsel vm13, $0x2080, v4  }
0xa: {  	v5 =	vsel vm13, $0x3080, v5;
	v0 =	vsel vm12, $0x100, v0;
	v3 =	vsel vm12, $0x1100, v3  }
0xb: {  	v4 =	vsel vm12, $0x2100, v4;
	v5 =	vsel vm12, $0x3100, v5;
	v0 =	vsel vm11, $0x180, v0  }
0xc: {  	v3 =	vsel vm11, $0x1180, v3;
	v4 =	vsel vm11, $0x2180, v4;
	v5 =	vsel vm11, $0x3180, v5  }
0xd: {  	v0 =	vsel vm10, $0x200, v0;
	v3 =	vsel vm10, $0x1200, v3;
	v4 =	vsel vm10, $0x2200, v4  }
0xe: {  	s6 =	rddreg [dreg:$0x0];
	v5 =	vsel vm10, $0x3200, v5;
	v0 =	vsel vm9, $0x280, v0;
	v3 =	vsel vm9, $0x1280, v3  }
0xf: {  	s0 =	rddreg [dreg:$0x1];
	v4 =	vsel vm9, $0x2280, v4;
	v5 =	vsel vm9, $0x3280, v5;
	v0 =	vsel vm8, $0x300, v0  }
0x10: {  	s4 =	rddreg [dreg:$0x2];
	v3 =	vsel vm8, $0x1300, v3;
	v4 =	vsel vm8, $0x2300, v4;
	v5 =	vsel vm8, $0x3300, v5  }
0x11: {  	s1 =	rddreg [dreg:$0x3];
	s2 =	simm.s32 $0x0;
	v0 =	vsel vm7, $0x380, v0;
	v3 =	vsel vm7, $0x1380, v3;
	v4 =	vsel vm7, $0x2380, v4  }
0x12: {  	s5 =	srdreg.scid;
	s3 =	stileid.u32;
	s12 =	simm.s32 $0x800;
	v5 =	vsel vm7, $0x3380, v5;
	v0 =	vsel vm6, $0x800, v0;
	v3 =	vsel vm6, $0x1800, v3  }
0x13: {  	s13 =	simm.s32 $0x7A1400;
	s14 =	simm.s32 $0x14500;
	s15 =	simm.s32 $0x6;
	v4 =	vsel vm6, $0x2800, v4;
	v5 =	vsel vm6, $0x3800, v5;
	v0 =	vsel vm5, $0x880, v0  }
0x14: {  	s16 =	simm.s32 $0x0;
	[smem:$0x7FF] =	sst s2;
	s5 =	sand.u32 $0x1, s5;
	v3 =	vsel vm5, $0x1880, v3;
	v4 =	vsel vm5, $0x2880, v4;
	v5 =	vsel vm5, $0x3880, v5  }
0x15: {  	s7 =	sshll.u32 s3, $0x1;
	s8 =	sadd.s32 $0x1000, s4;
	s29 =	ssub.s32 $0x2, s5;
	v0 =	vsel vm4, $0x900, v0;
	v3 =	vsel vm4, $0x1900, v3;
	v4 =	vsel vm4, $0x2900, v4  }
0x16: {  	_ =	strace $0x80000047;
	s5 =	sor.u32 s5, s7;
	s30 =	sshrl.u32 s29, $0x1;
	v5 =	vsel vm4, $0x3900, v5;
	v0 =	vsel vm3, $0x980, v0;
	v3 =	vsel vm3, $0x1980, v3  }
0x17: {  	s9 =	sshll.u32 s5, $0xA;
	s10 =	sshll.u32 s5, $0x7;
	s5 =	sshll.u32 s5, $0xD;
	v4 =	vsel vm3, $0x2980, v4;
	v5 =	vsel vm3, $0x3980, v5;
	v0 =	vsel vm2, $0xA00, v0  }
0x18: {  	s11 =	ssub.s32 s29, s30;
	s4 =	sadd.s32 s6, s10;
	s31 =	sor.u32 $0x200, s9;
	v3 =	vsel vm2, $0x1A00, v3;
	v4 =	vsel vm2, $0x2A00, v4;
	v5 =	vsel vm2, $0x3A00, v5  }
0x19: {  	s5 =	sadd.s32 s8, s5;
	s9 =	sshrl.u32 s31, $0x3;
	s7 =	sshll.u32 s31, $0x3;
	v2 =	vsel vm1, $0xA80, v0;
	v0 =	vimm.s32 $0x1E8480;
	v3 =	vsel vm1, $0x1A80, v3  }
0x1a: {  	s10 =	simm.s32 $0x280;
	s6 =	sadd.s32 s6, s9;
	s7 =	sadd.s32 s8, s7;
	v4 =	vsel vm1, $0x2A80, v4;
	v5 =	vsel vm1, $0x3A80, v5;
	v2 =	vsel vm0, $0xB00, v2  }
0x1b: {  	s8 =	smax.u32 s11, $0x1;
	s9 =	simm.s32 $0x7;
	s11 =	simm.s32 $0x1;
	v3 =	vsel vm0, $0x1B00, v3;
	v4 =	vsel vm0, $0x2B00, v4;
	v5 =	vsel vm0, $0x3B00, v5  }
.LBB2_1:
0x1c: {  	[tilespmem:s2], [sflag:$0x7] =	stream.linear.gather [hbm4b:s4+s2], $0x200, $0x38;
	[tilespmem:$0x1C500] =	vst v63  }
0x1d: {  	_ =	swait.ge [sflag:s9], $0x200  }
0x1e: {  	[sflag:s9] =	ssyncset.done $0x0  }
0x1f: {  	[sflag:s9] =	ssyncadd.s32 $0xFFFFFE00  }
0x20: {  	v6 =	vld [tilespmem:$0x0];
	_ =	sdelay $0x4  }
0x21: {  	(v2sf) =	vpush v6, $0x0;
	_ =	sdelay $0x5  }
0x22: {  	[tilespmem:$0x200] =	vst v0  }
0x23: {  	v6 =	vld [tilespmem:s11+$0x0];
	_ =	sdelay $0x4  }
0x24: {  	(v2sf) =	vpush v6, $0x0;
	_ =	sdelay $0x2  }
0x25: {  	s17 =	spop (v2sf)  }
0x26: {  	s18 =	sand.u32 $0xFF, s17  }
0x27: {  	s19 =	sshra.s32 s17, $0x1F;
	p0 =	slt.s32 s17, $0x1;
	p1 =	sne.s32 s18, $0x0  }
0x28: {  	s29 =	sshrl.u32 s19, $0x18;
	p0 =	por !p0, !p1  }
0x29: {  	s18 =	simm.s32 $0x1;
	s17 =	sadd.s32 s29, s17;
	p0 =	por !p0, !p0  }
0x2a: {  	v6 =	vmov s2;
	s17 =	sshra.s32 s17, $0x8;
	s18 =	simm.s32 @!p0 $0x0  }
0x2b: {  	s18 =	ssub.s32 s17, s18  }
0x2c: {  	s17 =	sshll.u32 s18, $0xB  }
0x2d: {  	s17 =	sor.u32 s2, s17  }
0x2e: {  	v7 =	vmov s17  }
0x2f: {  	s17 =	simm.s32 $0x2;
	[tilespmem:v6+s10+$0x0] =	vst.idx.msk $0x1, v7  }
0x30: {  	v6 =	vld [tilespmem:s17+$0x0]  }
0x31: {  	s30 =	spop (v2sf)  }
0x32: {  	s20 =	sand.u32 $0xFF, s30  }
0x33: {  	s21 =	sshra.s32 s30, $0x1F;
	p5 =	slt.s32 s30, $0x1;
	p6 =	sne.s32 s20, $0x0  }
0x34: {  	s31 =	sshrl.u32 s21, $0x18;
	p0 =	por !p5, !p6  }
0x35: {  	s20 =	simm.s32 $0x1;
	s19 =	sadd.s32 s31, s30;
	p0 =	por !p0, !p0;
	(v2sf) =	vpush v6, $0x0  }
0x36: {  	s24 =	simm.s32 $0x1;
	s19 =	sshra.s32 s19, $0x8;
	s20 =	simm.s32 @!p0 $0x0  }
0x37: {  	s23 =	simm.s32 $0x2;
	s21 =	simm.s32 $0x3;
	s22 =	ssub.s32 s19, s20  }
0x38: {  	s20 =	simm.s32 $0x0;
	p0 =	sne.s32 s22, s18;
	s18 =	simm.s32 $0x0  }
0x39: {  	s19 =	smov.u32 s22;
	s24 =	simm.s32 @!p0 $0x0;
	s20 =	smov.u32 @p0 s11  }
.LBB2_2:
0x3a: {  	p0 =	sne.s32 s21, $0x200  }
0x3b: {  	s18 =	sadd.s32 s24, s18;
	s25 =	smov.u32 s21;
	s21 =	sadd.s32 $0x1, s21  }
0x3c: {  	v6 =	vmov s18;
	_ =	sdelay $0x1  }
0x3d: {  	s22 =	sshll.u32 s22, $0xB  }
0x3e: {  	s22 =	sor.u32 s20, s22  }
0x3f: {  	v7 =	vmov s22  }
0x40: {  	s17 =	sadd.s32 $0x1, s17;
	[tilespmem:v6+s10+$0x0] =	vst.idx.msk $0x1, v7  }
0x41: {  	v6 =	vld [tilespmem:s17+$0x0];
	_ =	sdelay $0x1  }
0x42: {  	s22 =	spop (v2sf)  }
0x43: {  	s24 =	sshra.s32 s22, $0x1F;
	s26 =	sand.u32 $0xFF, s22  }
0x44: {  	p1 =	slt.s32 s22, $0x1;
	s24 =	sshrl.u32 s24, $0x18;
	p2 =	sne.s32 s26, $0x0  }
0x45: {  	(v2sf) =	vpush v6, $0x0;
	s22 =	sadd.s32 s24, s22;
	p1 =	por !p1, !p2  }
.Ltmp0:
0x46: {  	s24 =	simm.s32 $0x1;
	p1 =	por !p1, !p1;
	(pc) =	sbr.rel @p0 .LBB2_2-.Ltmp0, $4  }
0x47: {  	s22 =	sshra.s32 s22, $0x8;
	s24 =	simm.s32 @!p1 $0x0  }
0x48: {  	s22 =	ssub.s32 s22, s24  }
0x49: {  	s24 =	simm.s32 $0x1;
	p1 =	sne.s32 s22, s19;
	s19 =	smov.u32 s22  }
0x4a: {  	s24 =	simm.s32 @!p1 $0x0;
	s20 =	smov.u32 @p1 s23;
	s23 =	smov.u32 s25  }
0x4b: {  	_ =	sdelay $0x8  }
0x4c: {  	s17 =	spop (v2sf)  }
0x4d: {  	s21 =	sand.u32 $0xFF, s17  }
0x4e: {  	s30 =	sshra.s32 s17, $0x1F;
	p1 =	slt.s32 s17, $0x1;
	p0 =	sne.s32 s21, $0x0  }
0x4f: {  	s21 =	sshrl.u32 s30, $0x18;
	p0 =	por !p1, !p0  }
0x50: {  	s17 =	sadd.s32 s21, s17;
	s21 =	simm.s32 $0x1;
	p0 =	por !p0, !p0  }
0x51: {  	s17 =	sshra.s32 s17, $0x8;
	s21 =	simm.s32 @!p0 $0x0  }
0x52: {  	s17 =	ssub.s32 s17, s21  }
0x53: {  	p0 =	sne.s32 s17, s19;
	s17 =	simm.s32 $0x1  }
0x54: {  	s18 =	sadd.s32 s24, s18;
	s17 =	simm.s32 @!p0 $0x0  }
0x55: {  	v6 =	vmov s18;
	s19 =	sadd.s32 s17, s18  }
0x56: {  	v7 =	vmov s19;
	s31 =	sadd.s32 $0x1, s19  }
0x57: {  	s22 =	sshll.u32 s22, $0xB;
	s23 =	sadd.s32 $0x2, s19;
	v8 =	vmov s31  }
0x58: {  	s20 =	sor.u32 s20, s22;
	s24 =	sadd.s32 $0x3, s19;
	v9 =	vmov s23  }
0x59: {  	v10 =	vmov s20;
	s25 =	sadd.s32 $0x4, s19;
	v11 =	vmov s24  }
0x5a: {  	[tilespmem:v6+s10+$0x0] =	vst.idx.msk $0x1, v10;
	v6 =	vmov s25  }
0x5b: {  	[tilespmem:v7+s10+$0x0] =	vst.idx.msk $0x1, v1  }
0x5c: {  	[tilespmem:v8+s10+$0x0] =	vst.idx.msk $0x1, v1  }
0x5d: {  	[tilespmem:v9+s10+$0x0] =	vst.idx.msk $0x1, v1  }
0x5e: {  	[tilespmem:v11+s10+$0x0] =	vst.idx.msk $0x1, v1  }
0x5f: {  	s26 =	simm.s32 $0x0;
	[tilespmem:v6+s10+$0x0] =	vst.idx.msk $0x1, v1  }
0x60: {  	v6 =	vld [tilespmem:s26+$0x280];
	_ =	sdelay $0x4  }
0x61: {  	(v2sf) =	vpush v6, $0x0;
	_ =	sdelay $0xe  }
0x62: {  	s28 =	spop (v2sf)  }
0x63: {  	s29 =	sand.u32 $0x7FF, s28  }
0x64: {  	s23 =	sshra.s32 s28, $0x1F;
	p5 =	slt.s32 s28, $0x1;
	p6 =	sne.s32 s29, $0x0  }
0x65: {  	s30 =	sshrl.u32 s23, $0x15;
	p0 =	por !p5, !p6  }
0x66: {  	s22 =	simm.s32 $0x1;
	s21 =	sadd.s32 s30, s28;
	p0 =	por !p0, !p0  }
0x67: {  	s21 =	sshra.s32 s21, $0xB;
	s22 =	simm.s32 @!p0 $0x0  }
0x68: {  	s21 =	ssub.s32 s21, s22  }
0x69: {  	s21 =	sshll.u32 s21, $0x8  }
0x6a: {  	p0 =	slt.s32 s21, $0xF4180  }
0x6b: {  	s21 =	simm.s32 @!p0 $0xF4180  }
0x6c: {  	s20 =	simm.s32 $0x500;
	s31 =	simm.s32 $0x1;
	s21 =	sadd.s32 s0, s21  }
0x6d: {  	[tilespmem:s20], [sflag:s31] =	stream.strided.gather [hbm4b:s21+s12], $0x4000, s13, s12, $0x38;
	[tilespmem:$0x1C500] =	vst v63  }
0x6e: {  	s21 =	simm.s32 $0x1  }
0x6f: {  	s22 =	simm.s32 $0x8;
	v6 =	vld [tilespmem:s21+$0x280]  }
.LBB2_4:
0x70: {  	p0 =	seq.s32 s22, $0xC;
	_ =	sdelay $0x3  }
0x71: {  	(v2sf) =	vpush v6, $0x0;
	_ =	sdelay $0xe  }
0x72: {  	s23 =	spop (v2sf)  }
0x73: {  	s24 =	sand.u32 $0x7FF, s23  }
0x74: {  	s25 =	sshra.s32 s23, $0x1F;
	p1 =	slt.s32 s23, $0x1;
	p2 =	sne.s32 s24, $0x0  }
0x75: {  	s24 =	sshrl.u32 s25, $0x15;
	p1 =	por !p1, !p2  }
0x76: {  	s23 =	sadd.s32 s24, s23;
	s24 =	simm.s32 $0x1;
	p1 =	por !p1, !p1  }
0x77: {  	s23 =	sshra.s32 s23, $0xB;
	s24 =	simm.s32 @!p1 $0x0  }
0x78: {  	s23 =	ssub.s32 s23, s24  }
0x79: {  	s23 =	sshll.u32 s23, $0x8  }
.Ltmp1:
0x7a: {  	p1 =	slt.s32 s23, $0xF4180;
	(pc) =	sbr.rel @!p0 .LBB2_4-.Ltmp1, $4  }
0x7b: {  	s20 =	sadd.s32 $0x4000, s20;
	s23 =	simm.s32 @!p1 $0xF4180  }
0x7c: {  	s24 =	sadd.s32 $0x1, s21;
	s21 =	sshra.s32 s22, $0x2;
	s23 =	sadd.s32 s0, s23  }
0x7d: {  	[tilespmem:s20], [sflag:s24] =	stream.strided.gather [hbm4b:s23+s12], $0x4000, s13, s12, $0x38;
	[tilespmem:$0x1C500] =	vst v63  }
0x7e: {  	s22 =	sadd.s32 $0x4, s22;
	v6 =	vld [tilespmem:s21+$0x280]  }
0x7f: {  	_ =	sdelay $0x3  }
0x80: {  	(v2sf) =	vpush v6, $0x0;
	_ =	sdelay $0xe  }
0x81: {  	s22 =	spop (v2sf)  }
0x82: {  	s23 =	sand.u32 $0x7FF, s22  }
0x83: {  	s24 =	sshra.s32 s22, $0x1F;
	p0 =	slt.s32 s22, $0x1;
	p1 =	sne.s32 s23, $0x0  }
0x84: {  	s31 =	sshrl.u32 s24, $0x15;
	p0 =	por !p0, !p1  }
0x85: {  	s23 =	simm.s32 $0x1;
	s22 =	sadd.s32 s31, s22;
	p0 =	por !p0, !p0  }
0x86: {  	s22 =	sshra.s32 s22, $0xB;
	s23 =	simm.s32 @!p0 $0x0  }
0x87: {  	s22 =	ssub.s32 s22, s23  }
0x88: {  	s22 =	sshll.u32 s22, $0x8  }
0x89: {  	p0 =	slt.s32 s22, $0xF4180  }
0x8a: {  	s22 =	simm.s32 @!p0 $0xF4180;
	p0 =	sgt.s32 s19, $0x0  }
.Ltmp2:
0x8b: {  	_ = 	snop;
	(pc) =	sbr.rel @p0 .LBB2_6-.Ltmp2, $4  }
0x8c: {  	_ = 	snop  }
0x8d: {  	s20 =	sadd.s32 $0x4000, s20;
	s21 =	sadd.s32 $0x1, s21;
	s22 =	sadd.s32 s0, s22  }
0x8e: {  	[tilespmem:s20], [sflag:s21] =	stream.strided.gather [hbm4b:s22+s12], $0x4000, s13, s12, $0x38;
	[tilespmem:$0x1C500] =	vst v63  }
0x8f: {  	s20 =	simm.s32 $0x0  }
.LBB2_11:
0x90: {  	s18 =	sadd.s32 s17, s18  }
0x91: {  	s17 =	sadd.s32 $0x0, s18  }
0x92: {  	s19 =	smulhi.u32 $0x66666667, s17;
	s20 =	sshra.s32 s17, $0x1F  }
0x93: {  	s20 =	smul.u32 $0x66666667, s20;
	_ =	sdelay $0x1  }
0x94: {  	s19 =	sadd.s32 s20, s19  }
0x95: {  	s20 =	sshrl.u32 s19, $0x1F;
	s19 =	sshra.s32 s19, $0x1  }
0x96: {  	s20 =	sadd.s32 s20, s19  }
0x97: {  	s19 =	sadd.s32 $0x1, s18;
	s21 =	smul.u32 $0x5, s20  }
0x98: {  	s22 =	smulhi.u32 $0x66666667, s19;
	s23 =	sshra.s32 s19, $0x1F;
	s20 =	simm.s32 $0x2  }
.LBB2_12:
0x99: {  	p0 =	sne.s32 s20, $0x3;
	s23 =	smul.u32 $0x66666667, s23;
	s17 =	ssub.s32 s17, s21  }
0x9a: {  	s21 =	sadd.s32 $0x1, s17;
	s17 =	smov.u32 s19  }
.Ltmp3:
0x9b: {  	s19 =	sadd.s32 s23, s22;
	_ =	swait.ge [sflag:s21], $0x4000;
	(pc) =	sbr.rel @p0 .LBB2_12-.Ltmp3, $4  }
0x9c: {  	s22 =	sshrl.u32 s19, $0x1F;
	s19 =	sshra.s32 s19, $0x1;
	[sflag:s21] =	ssyncset.done $0x0  }
0x9d: {  	s22 =	sadd.s32 s22, s19;
	[sflag:s21] =	ssyncadd.s32 $0xFFFFC000  }
0x9e: {  	s19 =	sadd.s32 s20, s18;
	s21 =	smul.u32 $0x5, s22  }
0x9f: {  	s20 =	sadd.s32 $0x1, s20;
	s22 =	smulhi.u32 $0x66666667, s19;
	s23 =	sshra.s32 s19, $0x1F  }
0xa0: {  	s18 =	smul.u32 $0x66666667, s23;
	_ =	sdelay $0x1  }
0xa1: {  	s18 =	sadd.s32 s18, s22  }
0xa2: {  	s20 =	sshrl.u32 s18, $0x1F;
	s18 =	sshra.s32 s18, $0x1  }
0xa3: {  	s17 =	ssub.s32 s17, s21;
	s18 =	sadd.s32 s20, s18  }
0xa4: {  	s17 =	sadd.s32 $0x1, s17;
	s18 =	smul.u32 $0x5, s18  }
0xa5: {  	_ =	swait.ge [sflag:s17], $0x4000  }
0xa6: {  	[sflag:s17] =	ssyncset.done $0x0;
	s18 =	ssub.s32 s19, s18  }
0xa7: {  	[sflag:s17] =	ssyncadd.s32 $0xFFFFC000;
	s30 =	sadd.s32 $0x1, s18  }
0xa8: {  	_ =	swait.ge [sflag:s30], $0x4000  }
0xa9: {  	[sflag:s30] =	ssyncset.done $0x0  }
0xaa: {  	s18 =	simm.s32 $0x0;
	[sflag:s30] =	ssyncadd.s32 $0xFFFFC000  }
0xab: {  	[hbm4b:s5+s18] =	stream.linear.scatter [tilespmem:s14], [sflag:$0x6], $0x8000, $0x38;
	[tilespmem:$0x1C500] =	vst v63  }
0xac: {  	_ = 	snop  }
0xad: {  	[tilespmem:s18], [sflag:$0x7] =	stream.linear.gather [hbm4b:s6+s18], $0x200, $0x38;
	[tilespmem:$0x1C500] =	vst v63  }
0xae: {  	_ =	swait.ge [sflag:s9], $0x200  }
0xaf: {  	[sflag:s9] =	ssyncset.done $0x0  }
0xb0: {  	[sflag:s9] =	ssyncadd.s32 $0xFFFFFE00  }
0xb1: {  	v6 =	vld [tilespmem:$0x0];
	_ =	sdelay $0x4  }
0xb2: {  	(v2sf) =	vpush v6, $0x0;
	_ =	sdelay $0x5  }
0xb3: {  	s19 =	simm.s32 $0x1;
	[tilespmem:$0x200] =	vst v0  }
0xb4: {  	v6 =	vld [tilespmem:s19+$0x0];
	_ =	sdelay $0x4  }
0xb5: {  	(v2sf) =	vpush v6, $0x0;
	_ =	sdelay $0x2  }
0xb6: {  	s31 =	spop (v2sf)  }
0xb7: {  	s22 =	sand.u32 $0xFF, s31  }
0xb8: {  	s23 =	sshra.s32 s31, $0x1F;
	p0 =	slt.s32 s31, $0x1;
	p1 =	sne.s32 s22, $0x0  }
0xb9: {  	s24 =	sshrl.u32 s23, $0x18;
	p0 =	por !p0, !p1  }
0xba: {  	s20 =	simm.s32 $0x1;
	s17 =	sadd.s32 s24, s31;
	p0 =	por !p0, !p0  }
0xbb: {  	v6 =	vmov s18;
	s17 =	sshra.s32 s17, $0x8;
	s20 =	simm.s32 @!p0 $0x0  }
0xbc: {  	s20 =	ssub.s32 s17, s20  }
0xbd: {  	s17 =	sshll.u32 s20, $0xB  }
0xbe: {  	s25 =	sor.u32 s18, s17  }
0xbf: {  	v7 =	vmov s25  }
0xc0: {  	s17 =	simm.s32 $0x2;
	[tilespmem:v6+s10+$0x0] =	vst.idx.msk $0x1, v7  }
0xc1: {  	v6 =	vld [tilespmem:s17+$0x0]  }
0xc2: {  	s26 =	spop (v2sf)  }
0xc3: {  	s28 =	sand.u32 $0xFF, s26  }
0xc4: {  	s29 =	sshra.s32 s26, $0x1F;
	p5 =	slt.s32 s26, $0x1;
	p6 =	sne.s32 s28, $0x0  }
0xc5: {  	s30 =	sshrl.u32 s29, $0x18;
	p0 =	por !p5, !p6  }
0xc6: {  	s22 =	simm.s32 $0x1;
	s21 =	sadd.s32 s30, s26;
	p0 =	por !p0, !p0;
	(v2sf) =	vpush v6, $0x0  }
0xc7: {  	s31 =	sshra.s32 s21, $0x8;
	s22 =	simm.s32 @!p0 $0x0  }
0xc8: {  	s23 =	simm.s32 $0x2;
	s24 =	simm.s32 $0x1;
	s22 =	ssub.s32 s31, s22  }
0xc9: {  	s21 =	simm.s32 $0x3;
	p0 =	sne.s32 s22, s20;
	s20 =	simm.s32 $0x0  }
0xca: {  	s24 =	simm.s32 @!p0 $0x0;
	s20 =	smov.u32 @p0 s19;
	s19 =	smov.u32 s22  }
.LBB2_14:
0xcb: {  	p0 =	sne.s32 s21, $0x200  }
0xcc: {  	s18 =	sadd.s32 s24, s18;
	s25 =	smov.u32 s21;
	s21 =	sadd.s32 $0x1, s21  }
0xcd: {  	v6 =	vmov s18;
	_ =	sdelay $0x1  }
0xce: {  	s22 =	sshll.u32 s22, $0xB  }
0xcf: {  	s22 =	sor.u32 s20, s22  }
0xd0: {  	v7 =	vmov s22  }
0xd1: {  	s17 =	sadd.s32 $0x1, s17;
	[tilespmem:v6+s10+$0x0] =	vst.idx.msk $0x1, v7  }
0xd2: {  	v6 =	vld [tilespmem:s17+$0x0];
	_ =	sdelay $0x1  }
0xd3: {  	s22 =	spop (v2sf)  }
0xd4: {  	s24 =	sshra.s32 s22, $0x1F;
	s26 =	sand.u32 $0xFF, s22  }
0xd5: {  	p1 =	slt.s32 s22, $0x1;
	s24 =	sshrl.u32 s24, $0x18;
	p2 =	sne.s32 s26, $0x0  }
0xd6: {  	(v2sf) =	vpush v6, $0x0;
	s22 =	sadd.s32 s24, s22;
	p1 =	por !p1, !p2  }
.Ltmp4:
0xd7: {  	s24 =	simm.s32 $0x1;
	p1 =	por !p1, !p1;
	(pc) =	sbr.rel @p0 .LBB2_14-.Ltmp4, $4  }
0xd8: {  	s22 =	sshra.s32 s22, $0x8;
	s24 =	simm.s32 @!p1 $0x0  }
0xd9: {  	s22 =	ssub.s32 s22, s24  }
0xda: {  	s24 =	simm.s32 $0x1;
	p1 =	sne.s32 s22, s19;
	s19 =	smov.u32 s22  }
0xdb: {  	s24 =	simm.s32 @!p1 $0x0;
	s20 =	smov.u32 @p1 s23;
	s23 =	smov.u32 s25  }
0xdc: {  	_ =	sdelay $0x8  }
0xdd: {  	s17 =	spop (v2sf)  }
0xde: {  	s21 =	sand.u32 $0xFF, s17  }
0xdf: {  	s30 =	sshra.s32 s17, $0x1F;
	p1 =	slt.s32 s17, $0x1;
	p0 =	sne.s32 s21, $0x0  }
0xe0: {  	s21 =	sshrl.u32 s30, $0x18;
	p0 =	por !p1, !p0  }
0xe1: {  	s17 =	sadd.s32 s21, s17;
	s21 =	simm.s32 $0x1;
	p0 =	por !p0, !p0  }
0xe2: {  	s17 =	sshra.s32 s17, $0x8;
	s21 =	simm.s32 @!p0 $0x0  }
0xe3: {  	s17 =	ssub.s32 s17, s21  }
0xe4: {  	p0 =	sne.s32 s17, s19;
	s17 =	simm.s32 $0x1  }
0xe5: {  	s18 =	sadd.s32 s24, s18;
	s17 =	simm.s32 @!p0 $0x0  }
0xe6: {  	v6 =	vmov s18;
	s19 =	sadd.s32 s17, s18  }
0xe7: {  	v7 =	vmov s19;
	s31 =	sadd.s32 $0x1, s19  }
0xe8: {  	s22 =	sshll.u32 s22, $0xB;
	s23 =	sadd.s32 $0x2, s19;
	v8 =	vmov s31  }
0xe9: {  	s20 =	sor.u32 s20, s22;
	s24 =	sadd.s32 $0x3, s19;
	v9 =	vmov s23  }
0xea: {  	v10 =	vmov s20;
	s25 =	sadd.s32 $0x4, s19;
	v11 =	vmov s24  }
0xeb: {  	[tilespmem:v6+s10+$0x0] =	vst.idx.msk $0x1, v10;
	v6 =	vmov s25  }
0xec: {  	[tilespmem:v7+s10+$0x0] =	vst.idx.msk $0x1, v1  }
0xed: {  	[tilespmem:v8+s10+$0x0] =	vst.idx.msk $0x1, v1  }
0xee: {  	[tilespmem:v9+s10+$0x0] =	vst.idx.msk $0x1, v1  }
0xef: {  	[tilespmem:v11+s10+$0x0] =	vst.idx.msk $0x1, v1  }
0xf0: {  	[tilespmem:v6+s10+$0x0] =	vst.idx.msk $0x1, v1  }
0xf1: {  	_ =	swait.ge [sflag:s15], $0x8000  }
0xf2: {  	[sflag:s15] =	ssyncset.done $0x0  }
0xf3: {  	s26 =	simm.s32 $0x0;
	[sflag:s15] =	ssyncadd.s32 $0xFFFF8000  }
0xf4: {  	v6 =	vld [tilespmem:s26+$0x280];
	_ =	sdelay $0x4  }
0xf5: {  	(v2sf) =	vpush v6, $0x0;
	_ =	sdelay $0xe  }
0xf6: {  	s28 =	spop (v2sf)  }
0xf7: {  	s29 =	sand.u32 $0x7FF, s28  }
0xf8: {  	s23 =	sshra.s32 s28, $0x1F;
	p5 =	slt.s32 s28, $0x1;
	p6 =	sne.s32 s29, $0x0  }
0xf9: {  	s30 =	sshrl.u32 s23, $0x15;
	p0 =	por !p5, !p6  }
0xfa: {  	s22 =	simm.s32 $0x1;
	s21 =	sadd.s32 s30, s28;
	p0 =	por !p0, !p0  }
0xfb: {  	s21 =	sshra.s32 s21, $0xB;
	s22 =	simm.s32 @!p0 $0x0  }
0xfc: {  	s21 =	ssub.s32 s21, s22  }
0xfd: {  	s21 =	sshll.u32 s21, $0x8  }
0xfe: {  	p0 =	slt.s32 s21, $0xF4180  }
0xff: {  	s21 =	simm.s32 @!p0 $0xF4180  }
0x100: {  	s20 =	simm.s32 $0x500;
	s31 =	simm.s32 $0x1;
	s21 =	sadd.s32 s0, s21  }
0x101: {  	[tilespmem:s20], [sflag:s31] =	stream.strided.gather [hbm4b:s21+s12], $0x4000, s13, s12, $0x38;
	[tilespmem:$0x1C500] =	vst v63  }
0x102: {  	s21 =	simm.s32 $0x1  }
0x103: {  	s22 =	simm.s32 $0x8;
	v6 =	vld [tilespmem:s21+$0x280]  }
.LBB2_16:
0x104: {  	p0 =	seq.s32 s22, $0xC;
	_ =	sdelay $0x3  }
0x105: {  	(v2sf) =	vpush v6, $0x0;
	_ =	sdelay $0xe  }
0x106: {  	s23 =	spop (v2sf)  }
0x107: {  	s24 =	sand.u32 $0x7FF, s23  }
0x108: {  	s25 =	sshra.s32 s23, $0x1F;
	p1 =	slt.s32 s23, $0x1;
	p2 =	sne.s32 s24, $0x0  }
0x109: {  	s24 =	sshrl.u32 s25, $0x15;
	p1 =	por !p1, !p2  }
0x10a: {  	s23 =	sadd.s32 s24, s23;
	s24 =	simm.s32 $0x1;
	p1 =	por !p1, !p1  }
0x10b: {  	s23 =	sshra.s32 s23, $0xB;
	s24 =	simm.s32 @!p1 $0x0  }
0x10c: {  	s23 =	ssub.s32 s23, s24  }
0x10d: {  	s23 =	sshll.u32 s23, $0x8  }
.Ltmp5:
0x10e: {  	p1 =	slt.s32 s23, $0xF4180;
	(pc) =	sbr.rel @!p0 .LBB2_16-.Ltmp5, $4  }
0x10f: {  	s20 =	sadd.s32 $0x4000, s20;
	s23 =	simm.s32 @!p1 $0xF4180  }
0x110: {  	s24 =	sadd.s32 $0x1, s21;
	s21 =	sshra.s32 s22, $0x2;
	s23 =	sadd.s32 s0, s23  }
0x111: {  	[tilespmem:s20], [sflag:s24] =	stream.strided.gather [hbm4b:s23+s12], $0x4000, s13, s12, $0x38;
	[tilespmem:$0x1C500] =	vst v63  }
0x112: {  	s22 =	sadd.s32 $0x4, s22;
	v6 =	vld [tilespmem:s21+$0x280]  }
0x113: {  	_ =	sdelay $0x3  }
0x114: {  	(v2sf) =	vpush v6, $0x0;
	_ =	sdelay $0xe  }
0x115: {  	s22 =	spop (v2sf)  }
0x116: {  	s23 =	sand.u32 $0x7FF, s22  }
0x117: {  	s24 =	sshra.s32 s22, $0x1F;
	p0 =	slt.s32 s22, $0x1;
	p1 =	sne.s32 s23, $0x0  }
0x118: {  	s31 =	sshrl.u32 s24, $0x15;
	p0 =	por !p0, !p1  }
0x119: {  	s23 =	simm.s32 $0x1;
	s22 =	sadd.s32 s31, s22;
	p0 =	por !p0, !p0  }
0x11a: {  	s22 =	sshra.s32 s22, $0xB;
	s23 =	simm.s32 @!p0 $0x0  }
0x11b: {  	s22 =	ssub.s32 s22, s23  }
0x11c: {  	s22 =	sshll.u32 s22, $0x8  }
0x11d: {  	p0 =	slt.s32 s22, $0xF4180  }
0x11e: {  	s22 =	simm.s32 @!p0 $0xF4180;
	p0 =	sgt.s32 s19, $0x0  }
.Ltmp6:
0x11f: {  	_ = 	snop;
	(pc) =	sbr.rel @p0 .LBB2_18-.Ltmp6, $4  }
0x120: {  	_ = 	snop  }
0x121: {  	s20 =	sadd.s32 $0x4000, s20;
	s21 =	sadd.s32 $0x1, s21;
	s22 =	sadd.s32 s0, s22  }
0x122: {  	[tilespmem:s20], [sflag:s21] =	stream.strided.gather [hbm4b:s22+s12], $0x4000, s13, s12, $0x38;
	[tilespmem:$0x1C500] =	vst v63  }
0x123: {  	s20 =	simm.s32 $0x0  }
.LBB2_23:
0x124: {  	s18 =	sadd.s32 s17, s18  }
0x125: {  	s17 =	sadd.s32 $0x0, s18  }
0x126: {  	s19 =	smulhi.u32 $0x66666667, s17;
	s20 =	sshra.s32 s17, $0x1F  }
0x127: {  	s20 =	smul.u32 $0x66666667, s20;
	_ =	sdelay $0x1  }
0x128: {  	s19 =	sadd.s32 s20, s19  }
0x129: {  	s20 =	sshrl.u32 s19, $0x1F;
	s19 =	sshra.s32 s19, $0x1  }
0x12a: {  	s20 =	sadd.s32 s20, s19  }
0x12b: {  	s19 =	sadd.s32 $0x1, s18;
	s21 =	smul.u32 $0x5, s20  }
0x12c: {  	s22 =	smulhi.u32 $0x66666667, s19;
	s23 =	sshra.s32 s19, $0x1F;
	s20 =	simm.s32 $0x2  }
.LBB2_24:
0x12d: {  	p0 =	sne.s32 s20, $0x3;
	s23 =	smul.u32 $0x66666667, s23;
	s17 =	ssub.s32 s17, s21  }
0x12e: {  	s21 =	sadd.s32 $0x1, s17;
	s17 =	smov.u32 s19  }
.Ltmp7:
0x12f: {  	s19 =	sadd.s32 s23, s22;
	_ =	swait.ge [sflag:s21], $0x4000;
	(pc) =	sbr.rel @p0 .LBB2_24-.Ltmp7, $4  }
0x130: {  	s22 =	sshrl.u32 s19, $0x1F;
	s19 =	sshra.s32 s19, $0x1;
	[sflag:s21] =	ssyncset.done $0x0  }
0x131: {  	s22 =	sadd.s32 s22, s19;
	[sflag:s21] =	ssyncadd.s32 $0xFFFFC000  }
0x132: {  	s19 =	sadd.s32 s20, s18;
	s21 =	smul.u32 $0x5, s22  }
0x133: {  	s20 =	sadd.s32 $0x1, s20;
	s22 =	smulhi.u32 $0x66666667, s19;
	s23 =	sshra.s32 s19, $0x1F  }
0x134: {  	s18 =	smul.u32 $0x66666667, s23;
	_ =	sdelay $0x1  }
0x135: {  	s18 =	sadd.s32 s18, s22  }
0x136: {  	s20 =	sshrl.u32 s18, $0x1F;
	s18 =	sshra.s32 s18, $0x1  }
0x137: {  	s17 =	ssub.s32 s17, s21;
	s18 =	sadd.s32 s20, s18  }
0x138: {  	s17 =	sadd.s32 $0x1, s17;
	s18 =	smul.u32 $0x5, s18  }
0x139: {  	_ =	swait.ge [sflag:s17], $0x4000  }
0x13a: {  	[sflag:s17] =	ssyncset.done $0x0;
	s18 =	ssub.s32 s19, s18  }
0x13b: {  	[sflag:s17] =	ssyncadd.s32 $0xFFFFC000;
	s31 =	sadd.s32 $0x1, s18  }
0x13c: {  	_ =	swait.ge [sflag:s31], $0x4000  }
0x13d: {  	s16 =	sadd.s32 $0x1, s16;
	[sflag:s31] =	ssyncset.done $0x0  }
0x13e: {  	p0 =	sne.s32 s16, s8;
	[sflag:s31] =	ssyncadd.s32 $0xFFFFC000  }
0x13f: {  	[hbm4b:s7+s2] =	stream.linear.scatter [tilespmem:s14], [sflag:$0x6], $0x8000, $0x38;
	[tilespmem:$0x1C500] =	vst v63  }
.Ltmp8:
0x140: {  	_ = 	snop;
	(pc) =	sbr.rel @p0 .LBB2_1-.Ltmp8, $4  }
.Ltmp9:
0x141: {  	_ = 	snop;
	(pc) =	sbr.rel @!p0 .LBB2_26-.Ltmp9, $4  }
0x142: {  	_ =	swait.ge [sflag:s15], $0x8000  }
0x143: {  	[sflag:s15] =	ssyncset.done $0x0  }
0x144: {  	[sflag:s15] =	ssyncadd.s32 $0xFFFF8000  }
0x145: {  	_ = 	snop  }
.LBB2_9:
0x146: {  	[tilespmem:s25+$0x10] =	vst v6  }
.LBB2_10:
0x147: {  	s20 =	sadd.s32 $0x1, s20  }
0x148: {  	p0 =	sne.s32 s20, s19  }
.Ltmp10:
0x149: {  	_ = 	snop;
	(pc) =	sbr.rel @!p0 .LBB2_11-.Ltmp10, $1  }
0x14a: {  	_ =	sdelay $0x3  }
.LBB2_6:
0x14b: {  	v6 =	vld [tilespmem:s20+$0x280];
	_ =	sdelay $0x1  }
0x14c: {  	v7 =	vld [tilespmem:s20+$0x284];
	_ =	sdelay $0x2  }
0x14d: {  	(v2sf) =	vpush v6, $0x1;
	_ =	sdelay $0x1  }
0x14e: {  	(v2sf) =	vpush v7, $0x0;
	_ =	sdelay $0x1  }
0x14f: {  	s22 =	sadd.s32 $0x4, s20  }
0x150: {  	s23 =	smulhi.u32 $0x66666667, s22;
	s24 =	sshra.s32 s22, $0x1F  }
0x151: {  	s24 =	smul.u32 $0x66666667, s24  }
0x152: {  	(v2sf) =	vpush v6, $0x0  }
0x153: {  	s23 =	sadd.s32 s24, s23  }
0x154: {  	s24 =	sshrl.u32 s23, $0x1F;
	s23 =	sshra.s32 s23, $0x1  }
0x155: {  	s23 =	sadd.s32 s24, s23  }
0x156: {  	s23 =	smul.u32 $0x5, s23;
	_ =	sdelay $0x1  }
0x157: {  	s22 =	ssub.s32 s22, s23  }
0x158: {  	s24 =	simm.s32 $0x1;
	s30 =	sshll.u32 s22, $0x10  }
0x159: {  	s22 =	sadd.s32 $0x1, s22;
	s23 =	sshra.s32 s30, $0x2;
	s21 =	spop (v2sf)  }
0x15a: {  	s23 =	sor.u32 $0x500, s23;
	s25 =	sshra.s32 s21, $0x1F;
	s26 =	sand.u32 $0x7FF, s21  }
0x15b: {  	p0 =	slt.s32 s21, $0x1;
	s31 =	spop (v2sf);
	p1 =	sne.s32 s26, $0x0  }
0x15c: {  	s25 =	sshrl.u32 s25, $0x15;
	s29 =	sshra.s32 s31, $0x1F;
	p0 =	por !p0, !p1  }
0x15d: {  	p3 =	slt.s32 s31, $0x1;
	s25 =	sadd.s32 s25, s21;
	p0 =	por !p0, !p0  }
0x15e: {  	s26 =	simm.s32 $0x1;
	s25 =	sshrl.u32 s25, $0xB;
	s24 =	simm.s32 @!p0 $0x0  }
0x15f: {  	s28 =	ssub.s32 s24, s25;
	s25 =	sand.u32 $0x7FF, s31;
	s24 =	sshrl.u32 s29, $0x15  }
0x160: {  	p4 =	sne.s32 s25, $0x0;
	s24 =	sadd.s32 s24, s31;
	s25 =	spop (v2sf)  }
0x161: {  	p0 =	por !p3, !p4;
	s24 =	sshra.s32 s24, $0xB;
	s30 =	sand.u32 $0x7FF, s25  }
0x162: {  	p5 =	slt.s32 s25, $0x1;
	p0 =	por !p0, !p0;
	p6 =	sne.s32 s30, $0x0  }
0x163: {  	s31 =	sshra.s32 s25, $0x1F;
	s26 =	simm.s32 @!p0 $0x0;
	p0 =	por !p5, !p6  }
0x164: {  	s30 =	simm.s32 $0x1;
	s24 =	ssub.s32 s24, s26;
	p0 =	por !p0, !p0  }
0x165: {  	s29 =	sshll.u32 s24, $0x8;
	s24 =	sshrl.u32 s31, $0x15;
	s31 =	smulhi.u32 $0xCCCCCCCD, s20  }
0x166: {  	s30 =	simm.s32 @!p0 $0x0;
	p1 =	slt.s32 s29, $0xF4180;
	s24 =	sadd.s32 s24, s25  }
0x167: {  	s26 =	sshrl.u32 s31, $0x2;
	s24 =	sshra.s32 s24, $0xB;
	s29 =	simm.s32 @!p1 $0xF4180  }
0x168: {  	s31 =	smul.u32 $0x5, s26;
	s26 =	ssub.s32 s24, s30;
	s29 =	sadd.s32 s0, s29  }
0x169: {  	[tilespmem:s23], [sflag:s22] =	stream.strided.gather [hbm4b:s29+s12], $0x4000, s13, s12, $0x38;
	[tilespmem:$0x1C500] =	vst v63  }
0x16a: {  	s23 =	sshll.u32 s28, $0xB;
	s30 =	sshll.u32 s26, $0xB  }
0x16b: {  	s21 =	sadd.s32 s21, s23;
	s28 =	ssub.s32 s25, s30  }
0x16c: {  	p0 =	sge.s32 s28, s21  }
.Ltmp11:
0x16d: {  	s24 =	ssub.s32 s20, s31;
	(pc) =	sbr.rel @p0 .LBB2_10-.Ltmp11, $4  }
0x16e: {  	s31 =	sadd.s32 $0x1, s24  }
0x16f: {  	_ =	swait.ge [sflag:s31], $0x4000  }
0x170: {  	[sflag:s31] =	ssyncset.done $0x0  }
0x171: {  	[sflag:s31] =	ssyncadd.s32 $0xFFFFC000  }
0x172: {  	s22 =	sshll.u32 s25, $0x2;
	s23 =	sshll.u32 s26, $0xD  }
0x173: {  	s22 =	ssub.s32 s22, s23  }
0x174: {  	s22 =	sshra.s32 s22, $0x2  }
0x175: {  	v6 =	vld [tilespmem:s22+$0x0];
	_ =	sdelay $0x4  }
0x176: {  	(v2sf) =	vpush v6, $0x0;
	_ =	sdelay $0xc  }
0x177: {  	s23 =	sshll.u32 s26, $0x8  }
0x178: {  	p0 =	slt.s32 s23, $0xF4180  }
0x179: {  	s23 =	simm.s32 @!p0 $0xF4180;
	s29 =	spop (v2sf)  }
0x17a: {  	s29 =	ssub.s32 s29, s23  }
0x17b: {  	v6 =	vmov s29  }
0x17c: {  	v7 =	vshll.u32 v6, $0x3  }
0x17d: {  	v6 =	vand.u32 $0x7F, v6;
	v7 =	vand.u32 $0xFFFFFC00, v7  }
0x17e: {  	v6 =	vor.u32 v6, v7  }
0x17f: {  	v7 =	vadd.s32 v2, v6;
	_ =	sdelay $0x2  }
0x180: {  	s24 =	sshll.u32 s24, $0xE  }
0x181: {  	s24 =	sor.u32 $0x500, s24  }
0x182: {  	v7 =	vld.idx.msk [tilespmem:v7+s24+$0x0], $0xffff  }
0x183: {  	s30 =	sshll.u32 s25, $0x8;
	s31 =	sshll.u32 s26, $0x13;
	v8 =	vadd.s32 v3, v6  }
0x184: {  	s25 =	ssub.s32 s30, s31  }
0x185: {  	s25 =	sshra.s32 s25, $0x2  }
0x186: {  	s25 =	sadd.s32 $0x14520, s25  }
0x187: {  	[tilespmem:s25+$0xFFFFFFE0] =	vst v7  }
0x188: {  	v7 =	vld.idx.msk [tilespmem:v8+s24+$0x0], $0xffff  }
0x189: {  	v8 =	vadd.s32 v4, v6;
	_ =	sdelay $0x3  }
0x18a: {  	[tilespmem:s25+$0xFFFFFFF0] =	vst v7  }
0x18b: {  	v7 =	vld.idx.msk [tilespmem:v8+s24+$0x0], $0xffff  }
0x18c: {  	v6 =	vadd.s32 v5, v6;
	_ =	sdelay $0x2  }
0x18d: {  	s26 =	sadd.s32 $0x1, s28  }
0x18e: {  	p0 =	slt.s32 s26, s21;
	[tilespmem:s25+$0x0] =	vst v7  }
.Ltmp12:
0x18f: {  	v6 =	vld.idx.msk [tilespmem:v6+s24+$0x0], $0xffff;
	(pc) =	sbr.rel @!p0 .LBB2_9-.Ltmp12, $1  }
0x190: {  	_ =	sdelay $0x3  }
.LBB2_8:
0x191: {  	s26 =	sadd.s32 $0x1, s26;
	[tilespmem:s25+$0x10] =	vst v6;
	s22 =	sadd.s32 $0x1, s22;
	s25 =	sadd.s32 $0x40, s25  }
0x192: {  	v6 =	vld [tilespmem:s22+$0x0];
	p0 =	slt.s32 s26, s21;
	_ =	sdelay $0x4  }
0x193: {  	(v2sf) =	vpush v6, $0x0;
	_ =	sdelay $0xe  }
0x194: {  	s28 =	spop (v2sf)  }
0x195: {  	s28 =	ssub.s32 s28, s23  }
0x196: {  	v6 =	vmov s28  }
0x197: {  	v7 =	vshll.u32 v6, $0x3  }
0x198: {  	v6 =	vand.u32 $0x7F, v6;
	v7 =	vand.u32 $0xFFFFFC00, v7  }
0x199: {  	v6 =	vor.u32 v6, v7  }
0x19a: {  	v7 =	vadd.s32 v2, v6;
	_ =	sdelay $0x4  }
0x19b: {  	v7 =	vld.idx.msk [tilespmem:v7+s24+$0x0], $0xffff;
	_ =	sdelay $0x1  }
0x19c: {  	v8 =	vadd.s32 v3, v6;
	_ =	sdelay $0x3  }
0x19d: {  	[tilespmem:s25+$0xFFFFFFE0] =	vst v7  }
0x19e: {  	v7 =	vld.idx.msk [tilespmem:v8+s24+$0x0], $0xffff;
	_ =	sdelay $0x1  }
0x19f: {  	v8 =	vadd.s32 v4, v6;
	_ =	sdelay $0x3  }
0x1a0: {  	[tilespmem:s25+$0xFFFFFFF0] =	vst v7  }
0x1a1: {  	v7 =	vld.idx.msk [tilespmem:v8+s24+$0x0], $0xffff;
	_ =	sdelay $0x1  }
0x1a2: {  	v6 =	vadd.s32 v5, v6  }
.Ltmp13:
0x1a3: {  	(pc) =	sbr.rel @p0 .LBB2_8-.Ltmp13, $3  }
0x1a4: {  	_ =	sdelay $0x1  }
0x1a5: {  	[tilespmem:s25+$0x0] =	vst v7  }
0x1a6: {  	v6 =	vld.idx.msk [tilespmem:v6+s24+$0x0], $0xffff  }
.Ltmp14:
0x1a7: {  	_ = 	snop;
	(pc) =	sbr.rel .LBB2_9-.Ltmp14, $1  }
0x1a8: {  	_ =	sdelay $0x3  }
.LBB2_21:
0x1a9: {  	[tilespmem:s25+$0x10] =	vst v6  }
.LBB2_22:
0x1aa: {  	s20 =	sadd.s32 $0x1, s20  }
0x1ab: {  	p0 =	sne.s32 s20, s19  }
.Ltmp15:
0x1ac: {  	_ = 	snop;
	(pc) =	sbr.rel @!p0 .LBB2_23-.Ltmp15, $1  }
0x1ad: {  	_ =	sdelay $0x3  }
.LBB2_18:
0x1ae: {  	v6 =	vld [tilespmem:s20+$0x280];
	_ =	sdelay $0x1  }
0x1af: {  	v7 =	vld [tilespmem:s20+$0x284];
	_ =	sdelay $0x2  }
0x1b0: {  	(v2sf) =	vpush v6, $0x1;
	_ =	sdelay $0x1  }
0x1b1: {  	(v2sf) =	vpush v7, $0x0;
	_ =	sdelay $0x1  }
0x1b2: {  	s22 =	sadd.s32 $0x4, s20  }
0x1b3: {  	s23 =	smulhi.u32 $0x66666667, s22;
	s24 =	sshra.s32 s22, $0x1F  }
0x1b4: {  	s24 =	smul.u32 $0x66666667, s24  }
0x1b5: {  	(v2sf) =	vpush v6, $0x0  }
0x1b6: {  	s23 =	sadd.s32 s24, s23  }
0x1b7: {  	s24 =	sshrl.u32 s23, $0x1F;
	s23 =	sshra.s32 s23, $0x1  }
0x1b8: {  	s23 =	sadd.s32 s24, s23  }
0x1b9: {  	s23 =	smul.u32 $0x5, s23;
	_ =	sdelay $0x1  }
0x1ba: {  	s22 =	ssub.s32 s22, s23  }
0x1bb: {  	s24 =	simm.s32 $0x1;
	s30 =	sshll.u32 s22, $0x10  }
0x1bc: {  	s22 =	sadd.s32 $0x1, s22;
	s23 =	sshra.s32 s30, $0x2;
	s21 =	spop (v2sf)  }
0x1bd: {  	s23 =	sor.u32 $0x500, s23;
	s25 =	sshra.s32 s21, $0x1F;
	s26 =	sand.u32 $0x7FF, s21  }
0x1be: {  	p0 =	slt.s32 s21, $0x1;
	s31 =	spop (v2sf);
	p1 =	sne.s32 s26, $0x0  }
0x1bf: {  	s25 =	sshrl.u32 s25, $0x15;
	s29 =	sshra.s32 s31, $0x1F;
	p0 =	por !p0, !p1  }
0x1c0: {  	p3 =	slt.s32 s31, $0x1;
	s25 =	sadd.s32 s25, s21;
	p0 =	por !p0, !p0  }
0x1c1: {  	s26 =	simm.s32 $0x1;
	s25 =	sshrl.u32 s25, $0xB;
	s24 =	simm.s32 @!p0 $0x0  }
0x1c2: {  	s28 =	ssub.s32 s24, s25;
	s25 =	sand.u32 $0x7FF, s31;
	s24 =	sshrl.u32 s29, $0x15  }
0x1c3: {  	p4 =	sne.s32 s25, $0x0;
	s24 =	sadd.s32 s24, s31;
	s25 =	spop (v2sf)  }
0x1c4: {  	p0 =	por !p3, !p4;
	s24 =	sshra.s32 s24, $0xB;
	s30 =	sand.u32 $0x7FF, s25  }
0x1c5: {  	p5 =	slt.s32 s25, $0x1;
	p0 =	por !p0, !p0;
	p6 =	sne.s32 s30, $0x0  }
0x1c6: {  	s31 =	sshra.s32 s25, $0x1F;
	s26 =	simm.s32 @!p0 $0x0;
	p0 =	por !p5, !p6  }
0x1c7: {  	s30 =	simm.s32 $0x1;
	s24 =	ssub.s32 s24, s26;
	p0 =	por !p0, !p0  }
0x1c8: {  	s29 =	sshll.u32 s24, $0x8;
	s24 =	sshrl.u32 s31, $0x15;
	s31 =	smulhi.u32 $0xCCCCCCCD, s20  }
0x1c9: {  	s30 =	simm.s32 @!p0 $0x0;
	p1 =	slt.s32 s29, $0xF4180;
	s24 =	sadd.s32 s24, s25  }
0x1ca: {  	s26 =	sshrl.u32 s31, $0x2;
	s24 =	sshra.s32 s24, $0xB;
	s29 =	simm.s32 @!p1 $0xF4180  }
0x1cb: {  	s31 =	smul.u32 $0x5, s26;
	s26 =	ssub.s32 s24, s30;
	s29 =	sadd.s32 s0, s29  }
0x1cc: {  	[tilespmem:s23], [sflag:s22] =	stream.strided.gather [hbm4b:s29+s12], $0x4000, s13, s12, $0x38;
	[tilespmem:$0x1C500] =	vst v63  }
0x1cd: {  	s23 =	sshll.u32 s28, $0xB;
	s30 =	sshll.u32 s26, $0xB  }
0x1ce: {  	s21 =	sadd.s32 s21, s23;
	s28 =	ssub.s32 s25, s30  }
0x1cf: {  	p0 =	sge.s32 s28, s21  }
.Ltmp16:
0x1d0: {  	s24 =	ssub.s32 s20, s31;
	(pc) =	sbr.rel @p0 .LBB2_22-.Ltmp16, $4  }
0x1d1: {  	s31 =	sadd.s32 $0x1, s24  }
0x1d2: {  	_ =	swait.ge [sflag:s31], $0x4000  }
0x1d3: {  	[sflag:s31] =	ssyncset.done $0x0  }
0x1d4: {  	[sflag:s31] =	ssyncadd.s32 $0xFFFFC000  }
0x1d5: {  	s22 =	sshll.u32 s25, $0x2;
	s23 =	sshll.u32 s26, $0xD  }
0x1d6: {  	s22 =	ssub.s32 s22, s23  }
0x1d7: {  	s22 =	sshra.s32 s22, $0x2  }
0x1d8: {  	v6 =	vld [tilespmem:s22+$0x0];
	_ =	sdelay $0x4  }
0x1d9: {  	(v2sf) =	vpush v6, $0x0;
	_ =	sdelay $0xc  }
0x1da: {  	s23 =	sshll.u32 s26, $0x8  }
0x1db: {  	p0 =	slt.s32 s23, $0xF4180  }
0x1dc: {  	s23 =	simm.s32 @!p0 $0xF4180;
	s29 =	spop (v2sf)  }
0x1dd: {  	s29 =	ssub.s32 s29, s23  }
0x1de: {  	v6 =	vmov s29  }
0x1df: {  	v7 =	vshll.u32 v6, $0x3  }
0x1e0: {  	v6 =	vand.u32 $0x7F, v6;
	v7 =	vand.u32 $0xFFFFFC00, v7  }
0x1e1: {  	v6 =	vor.u32 v6, v7  }
0x1e2: {  	v7 =	vadd.s32 v2, v6;
	_ =	sdelay $0x2  }
0x1e3: {  	s24 =	sshll.u32 s24, $0xE  }
0x1e4: {  	s24 =	sor.u32 $0x500, s24  }
0x1e5: {  	v7 =	vld.idx.msk [tilespmem:v7+s24+$0x0], $0xffff  }
0x1e6: {  	s30 =	sshll.u32 s25, $0x8;
	s31 =	sshll.u32 s26, $0x13;
	v8 =	vadd.s32 v3, v6  }
0x1e7: {  	s25 =	ssub.s32 s30, s31  }
0x1e8: {  	s25 =	sshra.s32 s25, $0x2  }
0x1e9: {  	s25 =	sadd.s32 $0x14520, s25  }
0x1ea: {  	[tilespmem:s25+$0xFFFFFFE0] =	vst v7  }
0x1eb: {  	v7 =	vld.idx.msk [tilespmem:v8+s24+$0x0], $0xffff  }
0x1ec: {  	v8 =	vadd.s32 v4, v6;
	_ =	sdelay $0x3  }
0x1ed: {  	[tilespmem:s25+$0xFFFFFFF0] =	vst v7  }
0x1ee: {  	v7 =	vld.idx.msk [tilespmem:v8+s24+$0x0], $0xffff  }
0x1ef: {  	v6 =	vadd.s32 v5, v6;
	_ =	sdelay $0x2  }
0x1f0: {  	s26 =	sadd.s32 $0x1, s28  }
0x1f1: {  	p0 =	slt.s32 s26, s21;
	[tilespmem:s25+$0x0] =	vst v7  }
.Ltmp17:
0x1f2: {  	v6 =	vld.idx.msk [tilespmem:v6+s24+$0x0], $0xffff;
	(pc) =	sbr.rel @!p0 .LBB2_21-.Ltmp17, $1  }
0x1f3: {  	_ =	sdelay $0x3  }
.LBB2_20:
0x1f4: {  	s26 =	sadd.s32 $0x1, s26;
	[tilespmem:s25+$0x10] =	vst v6;
	s22 =	sadd.s32 $0x1, s22;
	s25 =	sadd.s32 $0x40, s25  }
0x1f5: {  	v6 =	vld [tilespmem:s22+$0x0];
	p0 =	slt.s32 s26, s21;
	_ =	sdelay $0x4  }
0x1f6: {  	(v2sf) =	vpush v6, $0x0;
	_ =	sdelay $0xe  }
0x1f7: {  	s28 =	spop (v2sf)  }
0x1f8: {  	s28 =	ssub.s32 s28, s23  }
0x1f9: {  	v6 =	vmov s28  }
0x1fa: {  	v7 =	vshll.u32 v6, $0x3  }
0x1fb: {  	v6 =	vand.u32 $0x7F, v6;
	v7 =	vand.u32 $0xFFFFFC00, v7  }
0x1fc: {  	v6 =	vor.u32 v6, v7  }
0x1fd: {  	v7 =	vadd.s32 v2, v6;
	_ =	sdelay $0x4  }
0x1fe: {  	v7 =	vld.idx.msk [tilespmem:v7+s24+$0x0], $0xffff;
	_ =	sdelay $0x1  }
0x1ff: {  	v8 =	vadd.s32 v3, v6;
	_ =	sdelay $0x3  }
0x200: {  	[tilespmem:s25+$0xFFFFFFE0] =	vst v7  }
0x201: {  	v7 =	vld.idx.msk [tilespmem:v8+s24+$0x0], $0xffff;
	_ =	sdelay $0x1  }
0x202: {  	v8 =	vadd.s32 v4, v6;
	_ =	sdelay $0x3  }
0x203: {  	[tilespmem:s25+$0xFFFFFFF0] =	vst v7  }
0x204: {  	v7 =	vld.idx.msk [tilespmem:v8+s24+$0x0], $0xffff;
	_ =	sdelay $0x1  }
0x205: {  	v6 =	vadd.s32 v5, v6  }
.Ltmp18:
0x206: {  	(pc) =	sbr.rel @p0 .LBB2_20-.Ltmp18, $3  }
0x207: {  	_ =	sdelay $0x1  }
0x208: {  	[tilespmem:s25+$0x0] =	vst v7  }
0x209: {  	v6 =	vld.idx.msk [tilespmem:v6+s24+$0x0], $0xffff  }
.Ltmp19:
0x20a: {  	_ = 	snop;
	(pc) =	sbr.rel .LBB2_21-.Ltmp19, $1  }
0x20b: {  	_ =	sdelay $0x3  }
.LBB2_26:
0x20c: {  	_ =	sfence.sel $0x180000  }
0x20d: {  	[bflag:$0x0] =	sbarrier.arrive $0xFFFF  }
0x20e: {  	p0 =	sne.s32 s3, $0x0;
	_ =	strace $0x90000047  }
0x20f: {  	s0 =	sadd.s32 @!p0 $0x100000, s1;
	[bflag:$0x2] =	sbarrier.arrive $0xFFFF  }
0x210: {  	[sflag:s0] =	ssyncadd.tile.s32 @!p0 $0x1;
	_ =	shalt  }
.Lfunc_end2:
_tile_overlayer_lowered:
.L_overlay_start_2:
0x211: {  	(tag) =	ssettag $0x2  }
0x212: {  	s0 =	rddreg [dreg:$0x0];
	s2 =	stileid.u32  }
0x213: {  	s1 =	rddreg [dreg:$0x1];
	p0 =	sne.s32 s2, $0x0  }
0x214: {  	s3 =	rddreg [dreg:$0x2];
	[bflag:$0x3] =	sbarrier.arrive $0xFFFF;
	s2 =	simm.s32 @!p0 $0x1C07  }
0x215: {  	[timem:s3], [sflag:s2] =	dma.local @!p0 [hbm:s0], s1  }
0x216: {  	s0 =	simm.s32 @!p0 $0x7  }
0x217: {  	_ =	swait.ge @!p0 [sflag:s0], s1  }
0x218: {  	s1 =	ssub.s32 @!p0 $0x0, s1;
	[sflag:s0] =	ssyncset.done @!p0 $0x0  }
0x219: {  	[sflag:s0] =	ssyncadd.s32 @!p0 s1  }
0x21a: {  	[bflag:$0x3] =	sbarrier.arrive $0xFFFF  }
0x21b: {  	_ =	shalt  }

// kernel: kernel.7.cloned.1.call-start
scs
__scs_entry_jumppad:
0x0: {  	(pc) =	sbr.rel $0x88, $3  }
0x1: {  	(tag) =	ssettag $0x0;
	lr =	simm.s32 $0x1  }
0x2: {  	[smem:$0x3F9E] =	sst lr;
	_ =	strace $0xD0000000  }
0x3: {  	_ = 	snop  }
0x4: {  	_ = 	snop  }
0x5: {  	_ = 	snop  }
0x6: {  	_ = 	snop  }
0x7: {  	_ = 	snop  }
__scs_overlays_trampoline_lowered:
0x8: {  	[smem:$0x3FAD] =	sst s0  }
0x9: {  	[smem:$0x3FAE] =	sst s1  }
0xa: {  	[smem:$0x3FAF] =	sst s2  }
0xb: {  	[smem:$0x3FB0] =	sst s3  }
0xc: {  	[smem:$0x3FB1] =	sst s4  }
0xd: {  	[smem:$0x3FB2] =	sst s5  }
0xe: {  	[smem:$0x3FB3] =	sst s6  }
0xf: {  	[smem:$0x3FB4] =	sst s7  }
0x10: {  	[smem:$0x3FB5] =	sst s8  }
0x11: {  	[smem:$0x3FB6] =	sst s9;
	s0 =	simm.s32 @!p0 $0x0  }
0x12: {  	s1 =	sld [smem:$0x3F9C];
	s0 =	simm.s32 @p0 $0x1  }
0x13: {  	[smem:$0x3FB7] =	sst s0;
	s0 =	simm.s32 @!p1 $0x0  }
0x14: {  	s2 =	sld [smem:$0x3F9B];
	s0 =	simm.s32 @p1 $0x1  }
0x15: {  	[smem:$0x3FB8] =	sst s0;
	s0 =	simm.s32 @!p2 $0x0  }
0x16: {  	s3 =	sld [smem:$0x3FDB];
	s0 =	simm.s32 @p2 $0x1  }
0x17: {  	s4 =	simm.s32 $0x1BF5;
	[smem:$0x3FBA] =	sst s0  }
0x18: {  	s0 =	sld [smem:$0x3F9D];
	_ =	swait.ge [sflag:s4], $0x0  }
0x19: {  	s7 =	sld [smem:$0x3F9E]  }
0x1a: {  	s8 =	sadd.s32 $0xFFFFE003, lr  }
0x1b: {  	s9 =	sadd.s32 $0xFFFFFEF7, lr;
	s5 =	simm.s32 $0xFFFFFFFF;
	p2 =	slt.u32 s8, $0xFFFFF086  }
0x1c: {  	p1 =	slt.u32 s9, $0xF7A;
	s5 =	simm.s32 @!p2 $0x0  }
0x1d: {  	s5 =	simm.s32 @p1 $0x1;
	p0 =	seq.s32 s7, s2  }
0x1e: {  	s7 =	smul.u32 @!p0 $0xF7A, s2;
	p2 =	seq.s32 @!p0 s5, $0x0  }
0x1f: {  	s9 =	smul.u32 $0xF7A, s1;
	s8 =	simm.s32 @!p0 $0x1BF5;
	p2 =	por !p2, p0  }
0x20: {  	[sflag:s8] =	ssyncset.s32 @!p0 $0xFFFFF086;
	s6 =	sadd.s32 @!p0 s3, s7;
	s7 =	simm.s32 @!p0 $0x108  }
0x21: {  	s3 =	sadd.s32 s3, s9;
	s6 =	sadd.s32 @!p0 $0x88, s6;
	s7 =	simm.s32 @p2 $0x1082  }
0x22: {  	[simem:s7], [sflag:s8] =	dma.local @!p0 [hbm:s6], $0xF7A  }
0x23: {  	s9 =	sor.u32 $0xD0000000, s2;
	s6 =	simm.s32 $0x108;
	_ =	swait.ge @!p0 [sflag:s8], $0x0  }
0x24: {  	s3 =	sadd.s32 $0x88, s3;
	s6 =	simm.s32 @!p1 $0x1082;
	[sflag:s4] =	ssyncset.s32 $0xFFFFF086  }
0x25: {  	[simem:s6], [sflag:s4] =	dma.local [hbm:s3], $0xF7A  }
0x26: {  	[smem:$0x3F9E] =	sst s1;
	(tag) =	ssettag s2;
	_ =	strace s9  }
0x27: {  	s1 =	sld [smem:$0x3FAE]  }
0x28: {  	s2 =	sld [smem:$0x3FAF]  }
0x29: {  	s4 =	sld [smem:$0x3FB1]  }
0x2a: {  	p0 =	seq.s32 s5, $0x0;
	s5 =	sld [smem:$0x3FB2]  }
0x2b: {  	s6 =	sld [smem:$0x3FB3]  }
0x2c: {  	s7 =	sld [smem:$0x3FB4]  }
0x2d: {  	s3 =	simm.s32 $0x108;
	s8 =	sld [smem:$0x3FB5]  }
0x2e: {  	s3 =	simm.s32 @!p0 $0x1082;
	s9 =	sld [smem:$0x3FB6]  }
0x2f: {  	lr =	sadd.s32 s0, s3;
	s0 =	sld [smem:$0x3FAD]  }
0x30: {  	s3 =	sld [smem:$0x3FB0]  }
0x31: {  	[smem:$0x3FB9] =	sst s10  }
0x32: {  	s10 =	sld [smem:$0x3FB7];
	_ =	sdelay $0x3  }
0x33: {  	p0 =	seq.s32 s10, $0x1;
	s10 =	sld [smem:$0x3FB9];
	_ =	sdelay $0x3  }
0x34: {  	[smem:$0x3FB9] =	sst s10  }
0x35: {  	s10 =	sld [smem:$0x3FB8];
	_ =	sdelay $0x3  }
0x36: {  	p1 =	seq.s32 s10, $0x1;
	s10 =	sld [smem:$0x3FB9];
	_ =	sdelay $0x3  }
0x37: {  	[smem:$0x3FB9] =	sst s10  }
0x38: {  	s10 =	sld [smem:$0x3FBA]  }
0x39: {  	_ = 	snop;
	(pc) =	sbr.ind lr, $3  }
0x3a: {  	_ = 	snop  }
0x3b: {  	_ = 	snop  }
0x3c: {  	p2 =	seq.s32 s10, $0x1;
	s10 =	sld [smem:$0x3FB9]  }
0x3d: {  	_ =	shalt  }
0x3e: {  	_ =	shalt  }
0x3f: {  	_ =	shalt  }
0x40: {  	_ =	shalt  }
0x41: {  	_ =	shalt  }
0x42: {  	_ =	shalt  }
0x43: {  	_ =	shalt  }
0x44: {  	_ =	shalt  }
0x45: {  	_ =	shalt  }
0x46: {  	_ =	shalt  }
0x47: {  	_ =	shalt  }
0x48: {  	_ =	shalt  }
0x49: {  	_ =	shalt  }
0x4a: {  	_ =	shalt  }
0x4b: {  	_ =	shalt  }
0x4c: {  	_ =	shalt  }
0x4d: {  	_ =	shalt  }
0x4e: {  	_ =	shalt  }
0x4f: {  	_ =	shalt  }
0x50: {  	_ =	shalt  }
0x51: {  	_ =	shalt  }
0x52: {  	_ =	shalt  }
0x53: {  	_ =	shalt  }
0x54: {  	_ =	shalt  }
0x55: {  	_ =	shalt  }
0x56: {  	_ =	shalt  }
0x57: {  	_ =	shalt  }
0x58: {  	_ =	shalt  }
0x59: {  	_ =	shalt  }
0x5a: {  	_ =	shalt  }
0x5b: {  	_ =	shalt  }
0x5c: {  	_ =	shalt  }
0x5d: {  	_ =	shalt  }
0x5e: {  	_ =	shalt  }
0x5f: {  	_ =	shalt  }
0x60: {  	_ =	shalt  }
0x61: {  	_ =	shalt  }
0x62: {  	_ =	shalt  }
0x63: {  	_ =	shalt  }
0x64: {  	_ =	shalt  }
0x65: {  	_ =	shalt  }
0x66: {  	_ =	shalt  }
0x67: {  	_ =	shalt  }
0x68: {  	_ =	shalt  }
0x69: {  	_ =	shalt  }
0x6a: {  	_ =	shalt  }
0x6b: {  	_ =	shalt  }
0x6c: {  	_ =	shalt  }
0x6d: {  	_ =	shalt  }
0x6e: {  	_ =	shalt  }
0x6f: {  	_ =	shalt  }
0x70: {  	_ =	shalt  }
0x71: {  	_ =	shalt  }
0x72: {  	_ =	shalt  }
0x73: {  	_ =	shalt  }
0x74: {  	_ =	shalt  }
0x75: {  	_ =	shalt  }
0x76: {  	_ =	shalt  }
0x77: {  	_ =	shalt  }
0x78: {  	_ =	shalt  }
0x79: {  	_ =	shalt  }
0x7a: {  	_ =	shalt  }
0x7b: {  	_ =	shalt  }
0x7c: {  	_ =	shalt  }
0x7d: {  	_ =	shalt  }
0x7e: {  	_ =	shalt  }
0x7f: {  	_ =	shalt  }
0x80: {  	_ =	shalt  }
0x81: {  	_ =	shalt  }
0x82: {  	_ =	shalt  }
0x83: {  	_ =	shalt  }
0x84: {  	_ =	shalt  }
0x85: {  	_ =	shalt  }
0x86: {  	_ =	shalt  }
0x87: {  	_ =	shalt  }
.Lfunc_end0:
.L_simem_size_0:
called_computation.1_lowered:
.L_overlay_start_0:
0x88: {  	s2 =	sld [smem:$0x3FD9]  }
0x89: {  	s3 =	sld [smem:$0x3FFE];
	_ =	sdelay $0x1  }
0x8a: {  	s1 =	srdreg.scid  }
0x8b: {  	s0 =	sand.u32 $0x1, s1  }
0x8c: {  	s17 =	sshll.u32 s0, $0xA;
	s2 =	sadd.s32 s3, s2  }
0x8d: {  	s2 =	sadd.s32 s2, s17  }
0x8e: {  	[smem:$0x3FC5] =	sst s2  }
0x8f: {  	_ = 	snop  }
0x90: {  	s2 =	sld [smem:$0x3FD0];
	(tm) =	ssettm $0x1  }
0x91: {  	s18 =	sld [smem:$0x3FFB];
	_ =	sdelay $0x3  }
0x92: {  	_ =	strace s18  }
0x93: {  	s3 =	sld [smem:$0x3FFC];
	_ =	sdelay $0x3  }
0x94: {  	_ =	strace s3  }
0x95: {  	s3 =	sld [smem:$0x3FFD];
	_ =	sdelay $0x3  }
0x96: {  	_ =	strace s3  }
0x97: {  	_ =	strace $0x8FFFFFFF  }
0x98: {  	s19 =	sld [smem:$0x3FDB];
	_ =	sdelay $0x1  }
0x99: {  	s4 =	simm.s32 $_scs_section_size  }
0x9a: {  	s5 =	simm.s32 $_size__tile_overlayer_lowered;
	s6 =	simm.s32 $_tile_overlayer_lowered  }
0x9b: {  	s22 =	simm.s32 $0x1BFF;
	s21 =	sshll.u32 s6, $0x1;
	s3 =	sadd.s32 s4, s19  }
0x9c: {  	s7 =	simm.s32 $0x0;
	s20 =	sshll.u32 s5, $0x1;
	s5 =	sadd.s32 s21, s3  }
0x9d: {  	[timem:s7], [sflag:s22] =	dma.local [hbm:s5], s20  }
0x9e: {  	_ =	swait.ge [sflag:s22], s20  }
0x9f: {  	s4 =	ssub.s32 $0x0, s20;
	[sflag:s22] =	ssyncset.done $0x0  }
0xa0: {  	[sflag:s22] =	ssyncadd.s32 s4;
	_ =	sdelay $0x1  }
0xa1: {  	s23 =	simm.s32 $0x1B8B  }
0xa2: {  	_ =	swait.ge [sflag:s23], $0x1  }
0xa3: {  	[sflag:s23] =	ssyncset.done $0x0  }
0xa4: {  	s25 =	simm.s32 $0x1B8E;
	s24 =	sld [smem:$0x3FFE];
	[sflag:s23] =	ssyncadd.s32 $0xFFFFFFFF  }
0xa5: {  	s26 =	simm.s32 $execute0_lowered;
	[smem:$0x3FD2] =	sst s25  }
0xa6: {  	s5 =	sshll.u32 s26, $0x1;
	_ =	strace $0x80000049;
	[dreg:$0x1] =	wrdreg $0xFFFFFFFF  }
0xa7: {  	s28 =	simm.s32 $_size_execute0_lowered;
	s3 =	sadd.s32 s3, s5;
	[dreg:$0x0] =	wrdreg $0x0  }
0xa8: {  	s5 =	sshll.u32 s28, $0x1;
	[dreg:$0x2] =	wrdreg s3  }
0xa9: {  	[dreg:$0x3] =	wrdreg s5  }
0xaa: {  	[dreg:$0x4] =	wrdreg $0xC0  }
0xab: {  	_ =	task [dreg:s7], $0x5FFFF  }
0xac: {  	[dreg:$0x1] =	wrdreg $0xFFFFFFFF  }
0xad: {  	[dreg:$0x0] =	wrdreg $0x60  }
0xae: {  	[dreg:$0x2] =	wrdreg s24  }
0xaf: {  	[dreg:$0x3] =	wrdreg s2  }
0xb0: {  	[dreg:$0x4] =	wrdreg $0x9  }
0xb1: {  	_ =	task.clear_ibuf [dreg:s7], $0x5FFFF;
	_ =	strace $0x90000049  }
0xb2: {  	s29 =	simm.s32 $0x9;
	_ =	strace $0x8000004B  }
0xb3: {  	_ =	swait.ge [sflag:s29], $0x1  }
0xb4: {  	[sflag:s29] =	ssyncadd.s32 $0xFFFFFFFF  }
0xb5: {  	_ =	strace $0x9000004B  }
0xb6: {  	_ =	sfence  }
0xb7: {  	s30 =	sld [smem:$0x0];
	_ =	sdelay $0x2  }
0xb8: {  	s31 =	sshll.u32 s1, $0xD;
	s1 =	sshrl.u32 s1, $0x2  }
0xb9: {  	s3 =	sand.u32 $0x4000, s31;
	s1 =	sadd.s32 s1, s30  }
0xba: {  	s0 =	sor.u32 s3, s0;
	s1 =	sshll.u32 s1, $0x11  }
0xbb: {  	s0 =	sor.u32 s1, s0  }
0xbc: {  	s0 =	sadd.s32 $0x8F2B, s0  }
0xbd: {  	[sflag:s0] =	ssyncadd.remote.s32 $0x1  }
0xbe: {  	_ =	sfence.sel $0xFFFF  }
0xbf: {  	[dreg:$0x0] =	wrdreg $0xFFFFFFFF;
	(pc) =	sbr.abs _section_cstart, $3  }
0xc0: {  	[dreg:$0x1] =	wrdreg $0xFFFFFFFF  }
0xc1: {  	_ =	task.clear_ibuf [dreg:s7], $0x2FFFF;
	_ =	strace $0x9FFFFFFF  }
0xc2: {  	(tm) =	ssettm $0x7FFFFFFF  }
0xc3: {  	_ =	shalt  }
tec
execute0_lowered:
.L_overlay_start_1:
0x0: {  	(tag) =	ssettag $0x1  }
0x1: {  	s0 =	rddreg [dreg:$0x0]  }
0x2: {  	s1 =	rddreg [dreg:$0x1]  }
0x3: {  	s2 =	simm.s32 $0x0;
	s22 =	srdreg.scid;
	s4 =	stileid.u32  }
0x4: {  	s14 =	simm.s32 $0x7;
	s15 =	simm.s32 $0x800;
	s16 =	simm.s32 $0x100  }
0x5: {  	s18 =	simm.s32 $0x8800;
	s19 =	simm.s32 $0x4800;
	s21 =	simm.s32 $0xC800  }
0x6: {  	s28 =	simm.s32 $0x2;
	s29 =	simm.s32 $0x4;
	s30 =	simm.s32 $0x300  }
0x7: {  	s31 =	simm.s32 $0x6;
	[smem:$0x7FF] =	sst s2;
	s2 =	sand.u32 $0x1, s22  }
0x8: {  	s3 =	sadd.s32 $0x1000, s0;
	s7 =	sshll.u32 s4, $0xB;
	s4 =	sadd.s32 $0x41000, s0  }
0x9: {  	s22 =	simm.s32 $0x1;
	s5 =	ssub.s32 $0x2, s2;
	s2 =	sshll.u32 s2, $0xA  }
0xa: {  	_ =	strace $0x8000004A;
	s6 =	sshrl.u32 s5, $0x1;
	s2 =	sor.u32 s2, s7  }
0xb: {  	s13 =	ssub.s32 s5, s6;
	s23 =	sshrl.u32 s2, $0x3;
	s24 =	sshll.u32 s2, $0x3  }
0xc: {  	s8 =	sor.u32 $0x100, s2;
	s10 =	sor.u32 $0x200, s2;
	s2 =	sor.u32 $0x300, s2  }
0xd: {  	s5 =	sadd.s32 s0, s23;
	s6 =	sadd.s32 s3, s24;
	s25 =	sshrl.u32 s8, $0x3  }
0xe: {  	s8 =	sshll.u32 s8, $0x3;
	s9 =	sshrl.u32 s10, $0x3;
	s10 =	sshll.u32 s10, $0x3  }
0xf: {  	s11 =	sshrl.u32 s2, $0x3;
	s26 =	sshll.u32 s2, $0x3;
	s13 =	smax.u32 s13, $0x1  }
0x10: {  	s23 =	simm.s32 $0x3;
	s24 =	simm.s32 $0x200;
	s7 =	sadd.s32 s0, s25  }
0x11: {  	s8 =	sadd.s32 s3, s8;
	s9 =	sadd.s32 s0, s9;
	s10 =	sadd.s32 s3, s10  }
0x12: {  	s11 =	sadd.s32 s0, s11;
	s12 =	sadd.s32 s3, s26;
	s25 =	simm.s32 $0x5  }
0x13: {  	s26 =	simm.s32 $0x600;
	s0 =	simm.s32 $0x700;
	s3 =	simm.s32 $0x0  }
.LBB2_1:
0x14: {  	s2 =	simm.s32 $0x0  }
0x15: {  	[tilespmem:s2], [sflag:$0x7] =	stream.linear.gather [hbm4b:s5+s2], $0x100, $0x38;
	[tilespmem:$0x10800] =	vst v63  }
0x16: {  	_ =	swait.ge [sflag:s14], $0x100  }
0x17: {  	[sflag:s14] =	ssyncset.done $0x0  }
0x18: {  	s2 =	simm.s32 $0x0;
	[sflag:s14] =	ssyncadd.s32 $0xFFFFFF00  }
0x19: {  	v0 =	vld [tilespmem:s2+$0x0];
	_ =	sdelay $0x3  }
0x1a: {  	s17 =	simm.s32 $0x40  }
.LBB2_2:
0x1b: {  	s20 =	sshra.s32 s17, $0x2;
	p0 =	sne.s32 s17, $0x3C0;
	s17 =	sadd.s32 $0x40, s17;
	v1 =	vshra.s32 v0, $0x1F;
	v2 =	vmov v0  }
.Ltmp0:
0x1c: {  	v0 =	vld [tilespmem:s20+$0x0];
	v1 =	vshrl.u32 v1, $0x13;
	(pc) =	sbr.rel @p0 .LBB2_2-.Ltmp0, $4  }
0x1d: {  	v1 =	vadd.s32 v1, v2  }
0x1e: {  	v1 =	vand.u32 $0xFFFFE000, v1  }
0x1f: {  	v1 =	vsub.s32 v2, v1  }
0x20: {  	[tilespmem:s2+$0x400] =	vst v1;
	s2 =	smov.u32 s20  }
0x21: {  	v1 =	vshra.s32 v0, $0x1F  }
0x22: {  	v1 =	vshrl.u32 v1, $0x13  }
0x23: {  	v1 =	vadd.s32 v1, v0  }
0x24: {  	v1 =	vand.u32 $0xFFFFE000, v1  }
0x25: {  	v0 =	vsub.s32 v0, v1  }
0x26: {  	s20 =	simm.s32 $0x0;
	[tilespmem:s2+$0x400] =	vst v0  }
0x27: {  	[tilespmem:s15], [sflag:$0x1] =	stream.linear.gather [hbm4b:s6+s20], $0x4000, $0x38;
	[tilespmem:$0x10800] =	vst v63  }
0x28: {  	s17 =	simm.s32 $0x400  }
0x29: {  	[tilespmem:s18], [sflag:$0x3] =	stream.indirect.gather [hbm4b:s4+s16], $0x40, s17, s16, $0xb8;
	[tilespmem:$0x10800] =	vst v63  }
0x2a: {  	_ = 	snop  }
0x2b: {  	[tilespmem:s16], [sflag:$0x7] =	stream.linear.gather [hbm4b:s7+s20], $0x100, $0x38;
	[tilespmem:$0x10800] =	vst v63  }
0x2c: {  	_ =	swait.ge [sflag:s14], $0x100  }
0x2d: {  	[sflag:s14] =	ssyncset.done $0x0  }
0x2e: {  	s2 =	simm.s32 $0x0;
	[sflag:s14] =	ssyncadd.s32 $0xFFFFFF00  }
0x2f: {  	v0 =	vld [tilespmem:s2+$0x100];
	_ =	sdelay $0x3  }
0x30: {  	s17 =	simm.s32 $0x40  }
.LBB2_4:
0x31: {  	s20 =	sshra.s32 s17, $0x2;
	p0 =	sne.s32 s17, $0x3C0;
	s17 =	sadd.s32 $0x40, s17;
	v1 =	vshra.s32 v0, $0x1F;
	v2 =	vmov v0  }
.Ltmp1:
0x32: {  	v0 =	vld [tilespmem:s20+$0x100];
	v1 =	vshrl.u32 v1, $0x13;
	(pc) =	sbr.rel @p0 .LBB2_4-.Ltmp1, $4  }
0x33: {  	v1 =	vadd.s32 v1, v2  }
0x34: {  	v1 =	vand.u32 $0xFFFFE000, v1  }
0x35: {  	v1 =	vsub.s32 v2, v1  }
0x36: {  	[tilespmem:s2+$0x500] =	vst v1;
	s2 =	smov.u32 s20  }
0x37: {  	v1 =	vshra.s32 v0, $0x1F  }
0x38: {  	v1 =	vshrl.u32 v1, $0x13  }
0x39: {  	v1 =	vadd.s32 v1, v0  }
0x3a: {  	v1 =	vand.u32 $0xFFFFE000, v1  }
0x3b: {  	v0 =	vsub.s32 v0, v1  }
0x3c: {  	s17 =	simm.s32 $0x0;
	[tilespmem:s2+$0x500] =	vst v0  }
0x3d: {  	[tilespmem:s19], [sflag:$0x2] =	stream.linear.gather [hbm4b:s8+s17], $0x4000, $0x38;
	[tilespmem:$0x10800] =	vst v63  }
0x3e: {  	s20 =	simm.s32 $0x500  }
0x3f: {  	[tilespmem:s21], [sflag:$0x4] =	stream.indirect.gather [hbm4b:s4+s16], $0x40, s20, s16, $0xb8;
	[tilespmem:$0x10800] =	vst v63  }
0x40: {  	_ =	swait.ge [sflag:s22], $0x4000  }
0x41: {  	[sflag:s22] =	ssyncset.done $0x0  }
0x42: {  	[sflag:s22] =	ssyncadd.s32 $0xFFFFC000  }
0x43: {  	_ =	swait.ge [sflag:s23], $0x4000  }
0x44: {  	[sflag:s23] =	ssyncset.done $0x0  }
0x45: {  	s2 =	simm.s32 $0x0;
	[sflag:s23] =	ssyncadd.s32 $0xFFFFC000  }
0x46: {  	v5 =	vld [tilespmem:s2+$0x8800]  }
0x47: {  	v6 =	vld [tilespmem:s2+$0x8810]  }
0x48: {  	v1 =	vld [tilespmem:s2+$0x8820]  }
0x49: {  	v0 =	vld [tilespmem:s2+$0x8830]  }
0x4a: {  	v2 =	vld [tilespmem:s2+$0x800]  }
0x4b: {  	v4 =	vld [tilespmem:s2+$0x810]  }
0x4c: {  	s17 =	simm.s32 $0x100;
	v3 =	vld [tilespmem:s2+$0x820]  }
.LBB2_6:
0x4d: {  	s20 =	sshra.s32 s17, $0x2;
	p0 =	sne.s32 s17, $0xFF00;
	v7 =	vld [tilespmem:s2+$0x830];
	v8 =	vmov v1  }
0x4e: {  	v9 =	vld [tilespmem:s20+$0x8800];
	v10 =	vmov v0  }
0x4f: {  	v11 =	vld [tilespmem:s20+$0x8810];
	v2 =	vadd.f32 v5, v2  }
.Ltmp2:
0x50: {  	v1 =	vld [tilespmem:s20+$0x8820];
	v4 =	vadd.f32 v6, v4;
	(pc) =	sbr.rel @p0 .LBB2_6-.Ltmp2, $4  }
0x51: {  	v0 =	vld [tilespmem:s20+$0x8830];
	[tilespmem:s2+$0x800] =	vst v2;
	v3 =	vadd.f32 v8, v3  }
0x52: {  	v2 =	vld [tilespmem:s20+$0x800];
	[tilespmem:s2+$0x810] =	vst v4;
	v7 =	vadd.f32 v10, v7  }
0x53: {  	v4 =	vld [tilespmem:s20+$0x810];
	[tilespmem:s2+$0x820] =	vst v3;
	v5 =	vmov v9  }
0x54: {  	s17 =	sadd.s32 $0x100, s17;
	v3 =	vld [tilespmem:s20+$0x820];
	[tilespmem:s2+$0x830] =	vst v7;
	v6 =	vmov v11;
	s2 =	smov.u32 s20  }
0x55: {  	v7 =	vld [tilespmem:s2+$0x830];
	_ =	sdelay $0x1  }
0x56: {  	v2 =	vadd.f32 v5, v2  }
0x57: {  	v4 =	vadd.f32 v6, v4  }
0x58: {  	[tilespmem:s2+$0x800] =	vst v2;
	v1 =	vadd.f32 v1, v3  }
0x59: {  	[tilespmem:s2+$0x810] =	vst v4;
	v0 =	vadd.f32 v0, v7  }
0x5a: {  	[tilespmem:s2+$0x820] =	vst v1  }
0x5b: {  	s20 =	simm.s32 $0x0;
	[tilespmem:s2+$0x830] =	vst v0  }
0x5c: {  	[hbm4b:s1+s16] =	stream.indirect.scatter [tilespmem:s15], [sflag:$0x5], $0x40, s20, s16, $0xb8;
	[tilespmem:$0x10800] =	vst v63  }
0x5d: {  	_ = 	snop  }
0x5e: {  	[tilespmem:s24], [sflag:$0x7] =	stream.linear.gather [hbm4b:s9+s20], $0x100, $0x38;
	[tilespmem:$0x10800] =	vst v63  }
0x5f: {  	_ =	swait.ge [sflag:s14], $0x100  }
0x60: {  	[sflag:s14] =	ssyncset.done $0x0  }
0x61: {  	s2 =	simm.s32 $0x0;
	[sflag:s14] =	ssyncadd.s32 $0xFFFFFF00  }
0x62: {  	v0 =	vld [tilespmem:s2+$0x200];
	_ =	sdelay $0x3  }
0x63: {  	s17 =	simm.s32 $0x40  }
.LBB2_8:
0x64: {  	s20 =	sshra.s32 s17, $0x2;
	p0 =	sne.s32 s17, $0x3C0;
	s17 =	sadd.s32 $0x40, s17;
	v1 =	vshra.s32 v0, $0x1F;
	v2 =	vmov v0  }
.Ltmp3:
0x65: {  	v0 =	vld [tilespmem:s20+$0x200];
	v1 =	vshrl.u32 v1, $0x13;
	(pc) =	sbr.rel @p0 .LBB2_8-.Ltmp3, $4  }
0x66: {  	v1 =	vadd.s32 v1, v2  }
0x67: {  	v1 =	vand.u32 $0xFFFFE000, v1  }
0x68: {  	v1 =	vsub.s32 v2, v1  }
0x69: {  	[tilespmem:s2+$0x600] =	vst v1;
	s2 =	smov.u32 s20  }
0x6a: {  	v1 =	vshra.s32 v0, $0x1F  }
0x6b: {  	v1 =	vshrl.u32 v1, $0x13  }
0x6c: {  	v1 =	vadd.s32 v1, v0  }
0x6d: {  	v1 =	vand.u32 $0xFFFFE000, v1  }
0x6e: {  	v0 =	vsub.s32 v0, v1  }
0x6f: {  	[tilespmem:s2+$0x600] =	vst v0  }
0x70: {  	_ =	swait.ge [sflag:s25], $0x4000  }
0x71: {  	[sflag:s25] =	ssyncset.done $0x0  }
0x72: {  	s20 =	simm.s32 $0x0;
	[sflag:s25] =	ssyncadd.s32 $0xFFFFC000  }
0x73: {  	[tilespmem:s15], [sflag:$0x1] =	stream.linear.gather [hbm4b:s10+s20], $0x4000, $0x38;
	[tilespmem:$0x10800] =	vst v63  }
0x74: {  	_ = 	snop  }
0x75: {  	[tilespmem:s18], [sflag:$0x3] =	stream.indirect.gather [hbm4b:s4+s16], $0x40, s26, s16, $0xb8;
	[tilespmem:$0x10800] =	vst v63  }
0x76: {  	_ =	swait.ge [sflag:s28], $0x4000  }
0x77: {  	[sflag:s28] =	ssyncset.done $0x0  }
0x78: {  	[sflag:s28] =	ssyncadd.s32 $0xFFFFC000  }
0x79: {  	_ =	swait.ge [sflag:s29], $0x4000  }
0x7a: {  	[sflag:s29] =	ssyncset.done $0x0  }
0x7b: {  	s2 =	simm.s32 $0x0;
	[sflag:s29] =	ssyncadd.s32 $0xFFFFC000  }
0x7c: {  	v5 =	vld [tilespmem:s2+$0xC800]  }
0x7d: {  	v6 =	vld [tilespmem:s2+$0xC810]  }
0x7e: {  	v1 =	vld [tilespmem:s2+$0xC820]  }
0x7f: {  	v0 =	vld [tilespmem:s2+$0xC830]  }
0x80: {  	v2 =	vld [tilespmem:s2+$0x4800]  }
0x81: {  	v4 =	vld [tilespmem:s2+$0x4810]  }
0x82: {  	s17 =	simm.s32 $0x100;
	v3 =	vld [tilespmem:s2+$0x4820]  }
.LBB2_10:
0x83: {  	s20 =	sshra.s32 s17, $0x2;
	p0 =	sne.s32 s17, $0xFF00;
	v7 =	vld [tilespmem:s2+$0x4830];
	v8 =	vmov v1  }
0x84: {  	v9 =	vld [tilespmem:s20+$0xC800];
	v10 =	vmov v0  }
0x85: {  	v11 =	vld [tilespmem:s20+$0xC810];
	v2 =	vadd.f32 v5, v2  }
.Ltmp4:
0x86: {  	v1 =	vld [tilespmem:s20+$0xC820];
	v4 =	vadd.f32 v6, v4;
	(pc) =	sbr.rel @p0 .LBB2_10-.Ltmp4, $4  }
0x87: {  	v0 =	vld [tilespmem:s20+$0xC830];
	[tilespmem:s2+$0x4800] =	vst v2;
	v3 =	vadd.f32 v8, v3  }
0x88: {  	v2 =	vld [tilespmem:s20+$0x4800];
	[tilespmem:s2+$0x4810] =	vst v4;
	v7 =	vadd.f32 v10, v7  }
0x89: {  	v4 =	vld [tilespmem:s20+$0x4810];
	[tilespmem:s2+$0x4820] =	vst v3;
	v5 =	vmov v9  }
0x8a: {  	s17 =	sadd.s32 $0x100, s17;
	v3 =	vld [tilespmem:s20+$0x4820];
	[tilespmem:s2+$0x4830] =	vst v7;
	v6 =	vmov v11;
	s2 =	smov.u32 s20  }
0x8b: {  	v7 =	vld [tilespmem:s2+$0x4830];
	_ =	sdelay $0x1  }
0x8c: {  	v2 =	vadd.f32 v5, v2  }
0x8d: {  	v4 =	vadd.f32 v6, v4  }
0x8e: {  	[tilespmem:s2+$0x4800] =	vst v2;
	v1 =	vadd.f32 v1, v3  }
0x8f: {  	[tilespmem:s2+$0x4810] =	vst v4;
	v0 =	vadd.f32 v0, v7  }
0x90: {  	[tilespmem:s2+$0x4820] =	vst v1  }
0x91: {  	[tilespmem:s2+$0x4830] =	vst v0  }
0x92: {  	[hbm4b:s1+s16] =	stream.indirect.scatter [tilespmem:s19], [sflag:$0x6], $0x40, s16, s16, $0xb8;
	[tilespmem:$0x10800] =	vst v63  }
0x93: {  	s20 =	simm.s32 $0x0  }
0x94: {  	[tilespmem:s30], [sflag:$0x7] =	stream.linear.gather [hbm4b:s11+s20], $0x100, $0x38;
	[tilespmem:$0x10800] =	vst v63  }
0x95: {  	_ =	swait.ge [sflag:s14], $0x100  }
0x96: {  	[sflag:s14] =	ssyncset.done $0x0  }
0x97: {  	s2 =	simm.s32 $0x0;
	[sflag:s14] =	ssyncadd.s32 $0xFFFFFF00  }
0x98: {  	v0 =	vld [tilespmem:s2+$0x300];
	_ =	sdelay $0x3  }
0x99: {  	s17 =	simm.s32 $0x40  }
.LBB2_12:
0x9a: {  	s20 =	sshra.s32 s17, $0x2;
	p0 =	sne.s32 s17, $0x3C0;
	s17 =	sadd.s32 $0x40, s17;
	v1 =	vshra.s32 v0, $0x1F;
	v2 =	vmov v0  }
.Ltmp5:
0x9b: {  	v0 =	vld [tilespmem:s20+$0x300];
	v1 =	vshrl.u32 v1, $0x13;
	(pc) =	sbr.rel @p0 .LBB2_12-.Ltmp5, $4  }
0x9c: {  	v1 =	vadd.s32 v1, v2  }
0x9d: {  	v1 =	vand.u32 $0xFFFFE000, v1  }
0x9e: {  	v1 =	vsub.s32 v2, v1  }
0x9f: {  	[tilespmem:s2+$0x700] =	vst v1;
	s2 =	smov.u32 s20  }
0xa0: {  	v1 =	vshra.s32 v0, $0x1F  }
0xa1: {  	v1 =	vshrl.u32 v1, $0x13  }
0xa2: {  	v1 =	vadd.s32 v1, v0  }
0xa3: {  	v1 =	vand.u32 $0xFFFFE000, v1  }
0xa4: {  	v0 =	vsub.s32 v0, v1  }
0xa5: {  	[tilespmem:s2+$0x700] =	vst v0  }
0xa6: {  	_ =	swait.ge [sflag:s31], $0x4000  }
0xa7: {  	[sflag:s31] =	ssyncset.done $0x0  }
0xa8: {  	s20 =	simm.s32 $0x0;
	[sflag:s31] =	ssyncadd.s32 $0xFFFFC000  }
0xa9: {  	[tilespmem:s19], [sflag:$0x2] =	stream.linear.gather [hbm4b:s12+s20], $0x4000, $0x38;
	[tilespmem:$0x10800] =	vst v63  }
0xaa: {  	_ = 	snop  }
0xab: {  	[tilespmem:s21], [sflag:$0x4] =	stream.indirect.gather [hbm4b:s4+s16], $0x40, s0, s16, $0xb8;
	[tilespmem:$0x10800] =	vst v63  }
0xac: {  	_ =	swait.ge [sflag:s22], $0x4000  }
0xad: {  	[sflag:s22] =	ssyncset.done $0x0  }
0xae: {  	[sflag:s22] =	ssyncadd.s32 $0xFFFFC000  }
0xaf: {  	_ =	swait.ge [sflag:s23], $0x4000  }
0xb0: {  	[sflag:s23] =	ssyncset.done $0x0  }
0xb1: {  	s2 =	simm.s32 $0x0;
	[sflag:s23] =	ssyncadd.s32 $0xFFFFC000  }
0xb2: {  	v5 =	vld [tilespmem:s2+$0x8800]  }
0xb3: {  	v6 =	vld [tilespmem:s2+$0x8810]  }
0xb4: {  	v1 =	vld [tilespmem:s2+$0x8820]  }
0xb5: {  	v0 =	vld [tilespmem:s2+$0x8830]  }
0xb6: {  	v2 =	vld [tilespmem:s2+$0x800]  }
0xb7: {  	v4 =	vld [tilespmem:s2+$0x810]  }
0xb8: {  	s17 =	simm.s32 $0x100;
	v3 =	vld [tilespmem:s2+$0x820]  }
.LBB2_14:
0xb9: {  	s20 =	sshra.s32 s17, $0x2;
	p0 =	sne.s32 s17, $0xFF00;
	v7 =	vld [tilespmem:s2+$0x830];
	v8 =	vmov v1  }
0xba: {  	v9 =	vld [tilespmem:s20+$0x8800];
	v10 =	vmov v0  }
0xbb: {  	v11 =	vld [tilespmem:s20+$0x8810];
	v2 =	vadd.f32 v5, v2  }
.Ltmp6:
0xbc: {  	v1 =	vld [tilespmem:s20+$0x8820];
	v4 =	vadd.f32 v6, v4;
	(pc) =	sbr.rel @p0 .LBB2_14-.Ltmp6, $4  }
0xbd: {  	v0 =	vld [tilespmem:s20+$0x8830];
	[tilespmem:s2+$0x800] =	vst v2;
	v3 =	vadd.f32 v8, v3  }
0xbe: {  	v2 =	vld [tilespmem:s20+$0x800];
	[tilespmem:s2+$0x810] =	vst v4;
	v7 =	vadd.f32 v10, v7  }
0xbf: {  	v4 =	vld [tilespmem:s20+$0x810];
	[tilespmem:s2+$0x820] =	vst v3;
	v5 =	vmov v9  }
0xc0: {  	s17 =	sadd.s32 $0x100, s17;
	v3 =	vld [tilespmem:s20+$0x820];
	[tilespmem:s2+$0x830] =	vst v7;
	v6 =	vmov v11;
	s2 =	smov.u32 s20  }
0xc1: {  	v7 =	vld [tilespmem:s2+$0x830];
	_ =	sdelay $0x1  }
0xc2: {  	v2 =	vadd.f32 v5, v2  }
0xc3: {  	v4 =	vadd.f32 v6, v4  }
0xc4: {  	[tilespmem:s2+$0x800] =	vst v2;
	v1 =	vadd.f32 v1, v3  }
0xc5: {  	[tilespmem:s2+$0x810] =	vst v4;
	v0 =	vadd.f32 v0, v7  }
0xc6: {  	[tilespmem:s2+$0x820] =	vst v1  }
0xc7: {  	[tilespmem:s2+$0x830] =	vst v0  }
0xc8: {  	[hbm4b:s1+s16] =	stream.indirect.scatter [tilespmem:s15], [sflag:$0x5], $0x40, s24, s16, $0xb8;
	[tilespmem:$0x10800] =	vst v63  }
0xc9: {  	_ =	swait.ge [sflag:s28], $0x4000  }
0xca: {  	[sflag:s28] =	ssyncset.done $0x0  }
0xcb: {  	[sflag:s28] =	ssyncadd.s32 $0xFFFFC000  }
0xcc: {  	_ =	swait.ge [sflag:s29], $0x4000  }
0xcd: {  	[sflag:s29] =	ssyncset.done $0x0  }
0xce: {  	s2 =	simm.s32 $0x0;
	[sflag:s29] =	ssyncadd.s32 $0xFFFFC000  }
0xcf: {  	v5 =	vld [tilespmem:s2+$0xC800]  }
0xd0: {  	v6 =	vld [tilespmem:s2+$0xC810]  }
0xd1: {  	v1 =	vld [tilespmem:s2+$0xC820]  }
0xd2: {  	v0 =	vld [tilespmem:s2+$0xC830]  }
0xd3: {  	v2 =	vld [tilespmem:s2+$0x4800]  }
0xd4: {  	v4 =	vld [tilespmem:s2+$0x4810]  }
0xd5: {  	s17 =	simm.s32 $0x100;
	v3 =	vld [tilespmem:s2+$0x4820]  }
.LBB2_16:
0xd6: {  	s20 =	sshra.s32 s17, $0x2;
	p0 =	sne.s32 s17, $0xFF00;
	v7 =	vld [tilespmem:s2+$0x4830];
	v8 =	vmov v1  }
0xd7: {  	v9 =	vld [tilespmem:s20+$0xC800];
	v10 =	vmov v0  }
0xd8: {  	v11 =	vld [tilespmem:s20+$0xC810];
	v2 =	vadd.f32 v5, v2  }
.Ltmp7:
0xd9: {  	v1 =	vld [tilespmem:s20+$0xC820];
	v4 =	vadd.f32 v6, v4;
	(pc) =	sbr.rel @p0 .LBB2_16-.Ltmp7, $4  }
0xda: {  	v0 =	vld [tilespmem:s20+$0xC830];
	[tilespmem:s2+$0x4800] =	vst v2;
	v3 =	vadd.f32 v8, v3  }
0xdb: {  	v2 =	vld [tilespmem:s20+$0x4800];
	[tilespmem:s2+$0x4810] =	vst v4;
	v7 =	vadd.f32 v10, v7  }
0xdc: {  	v4 =	vld [tilespmem:s20+$0x4810];
	[tilespmem:s2+$0x4820] =	vst v3;
	v5 =	vmov v9  }
0xdd: {  	s17 =	sadd.s32 $0x100, s17;
	v3 =	vld [tilespmem:s20+$0x4820];
	[tilespmem:s2+$0x4830] =	vst v7;
	v6 =	vmov v11;
	s2 =	smov.u32 s20  }
0xde: {  	v7 =	vld [tilespmem:s2+$0x4830];
	_ =	sdelay $0x1  }
0xdf: {  	v2 =	vadd.f32 v5, v2  }
0xe0: {  	v4 =	vadd.f32 v6, v4  }
0xe1: {  	[tilespmem:s2+$0x4800] =	vst v2;
	v1 =	vadd.f32 v1, v3  }
0xe2: {  	[tilespmem:s2+$0x4810] =	vst v4;
	v0 =	vadd.f32 v0, v7  }
0xe3: {  	[tilespmem:s2+$0x4820] =	vst v1  }
0xe4: {  	s3 =	sadd.s32 $0x1, s3;
	[tilespmem:s2+$0x4830] =	vst v0  }
0xe5: {  	[hbm4b:s1+s16] =	stream.indirect.scatter [tilespmem:s19], [sflag:$0x6], $0x40, s30, s16, $0xb8;
	[tilespmem:$0x10800] =	vst v63  }
0xe6: {  	p0 =	sne.s32 s3, s13;
	_ =	swait.ge [sflag:s25], $0x4000  }
.Ltmp8:
0xe7: {  	[sflag:s25] =	ssyncset.done $0x0;
	(pc) =	sbr.rel @p0 .LBB2_1-.Ltmp8, $4  }
0xe8: {  	[sflag:s25] =	ssyncadd.s32 $0xFFFFC000  }
0xe9: {  	_ =	swait.ge [sflag:s31], $0x4000  }
0xea: {  	[sflag:s31] =	ssyncset.done $0x0  }
0xeb: {  	[sflag:s31] =	ssyncadd.s32 $0xFFFFC000  }
0xec: {  	_ =	sfence.sel $0x180000  }
0xed: {  	[bflag:$0x0] =	sbarrier.arrive $0xFFFF  }
0xee: {  	_ =	strace $0x9000004A  }
0xef: {  	s0 =	stileid.u32;
	[bflag:$0x2] =	sbarrier.arrive $0xFFFF  }
0xf0: {  	p0 =	sne.s32 s0, $0x0;
	s0 =	rddreg [dreg:$0x2]  }
0xf1: {  	s0 =	sadd.s32 @!p0 $0x100000, s0  }
0xf2: {  	[sflag:s0] =	ssyncadd.tile.s32 @!p0 $0x1;
	_ =	shalt  }
.Lfunc_end2:
_tile_overlayer_lowered:
.L_overlay_start_2:
0xf3: {  	(tag) =	ssettag $0x2  }
0xf4: {  	s0 =	rddreg [dreg:$0x0];
	s2 =	stileid.u32  }
0xf5: {  	s1 =	rddreg [dreg:$0x1];
	p0 =	sne.s32 s2, $0x0  }
0xf6: {  	s3 =	rddreg [dreg:$0x2];
	[bflag:$0x3] =	sbarrier.arrive $0xFFFF;
	s2 =	simm.s32 @!p0 $0x1C07  }
0xf7: {  	[timem:s3], [sflag:s2] =	dma.local @!p0 [hbm:s0], s1  }
0xf8: {  	s0 =	simm.s32 @!p0 $0x7  }
0xf9: {  	_ =	swait.ge @!p0 [sflag:s0], s1  }
0xfa: {  	s1 =	ssub.s32 @!p0 $0x0, s1;
	[sflag:s0] =	ssyncset.done @!p0 $0x0  }
0xfb: {  	[sflag:s0] =	ssyncadd.s32 @!p0 s1  }
0xfc: {  	[bflag:$0x3] =	sbarrier.arrive $0xFFFF  }
0xfd: {  	_ =	shalt  }

</sc_bundles>
